<compile_context>
chip_gen: v7x
topology: tpu7x:2x2x1
jax: 0.10.2.dev20260603
libtpu: 0.0.44.dev20260713+nightly
codegen_flags: <defaults>
</compile_context>

<pallas_src>
import functools
from math import ceil

import jax
import jax.numpy as jnp
from jax import lax
from jax.experimental import pallas as pl
from jax.experimental.pallas import tpu as pltpu, tpu_sc as plsc

ALPHA = 0.9
K_SEL = 40
N_ROWS = 128
V = 100000
K_BIG = int(ceil((1.0 - ALPHA) * V))

NC, NS, L = 2, 16, 16
NW = NC * NS
ROWS_PER_W = N_ROWS // NW

NVEC = V // L
U = 5
NGRP = NVEC // U
HBITS = 11
NBINS1 = 1 << HBITS
SHIFT1 = 32 - HBITS
NBINS2 = 2048
NBINS3 = 1024
CAP40 = 512

_MIN32 = -0x80000000
_M31 = 0x7FFFFFFF


def _ordmap_f(v):
    b = lax.bitcast_convert_type(v, jnp.int32)
    return b ^ ((b >> 31) & _M31)


def _unmap_f(s):
    i = s ^ ((s >> 31) & _M31)
    return lax.bitcast_convert_type(i, jnp.float32)


def _ub(s):
    return s ^ _MIN32


def _scalar(splat):
    iota = lax.iota(jnp.int32, L)
    return jnp.sum(jnp.where(iota == 0, splat, 0))


def _poly_ln(x):
    b = lax.bitcast_convert_type(x, jnp.int32)
    e = ((b >> 23) & jnp.int32(0xFF)) - jnp.int32(127)
    m = lax.bitcast_convert_type((b & jnp.int32(0x7FFFFF)) | jnp.int32(0x3F800000),
                                 jnp.float32)
    big = m > jnp.float32(1.4142135381698608)
    m = jnp.where(big, m * jnp.float32(0.5), m)
    e = e + big.astype(jnp.int32)
    s = (m - jnp.float32(1.0)) / (m + jnp.float32(1.0))
    s2 = s * s
    t = jnp.float32(1.0 / 7.0) + s2 * jnp.float32(1.0 / 9.0)
    t = jnp.float32(1.0 / 5.0) + s2 * t
    t = jnp.float32(1.0 / 3.0) + s2 * t
    t = jnp.float32(1.0) + s2 * t
    t = jnp.float32(2.0) * s * t
    return e.astype(jnp.float32) * jnp.float32(0.6931471805599453) + t


def _zero_i32(ref, n):
    z = jnp.zeros((L,), jnp.int32)

    @plsc.parallel_loop(0, n // L, unroll=8)
    def body(i):
        ref[pl.ds(i * L, L)] = z


def _zero_f32(ref, n):
    z = jnp.zeros((L,), jnp.float32)

    @plsc.parallel_loop(0, n // L, unroll=8)
    def body(i):
        ref[pl.ds(i * L, L)] = z


def _scan_hist(hist_ref, nbins, k):
    iota = lax.iota(jnp.int32, L)
    nv = nbins // L

    def pha(i, carry):
        acc, jstar, astar, found = carry
        j = nv - 1 - i
        h = hist_ref[pl.ds(j * L, L)]
        tot = jnp.sum(h)
        acc2 = acc + tot
        upd = (acc2 >= k) & (found == 0)
        jstar = jnp.where(upd, j, jstar)
        astar = jnp.where(upd, acc, astar)
        found = jnp.where(upd, 1, found)
        return acc2, jstar, astar, found

    _, jstar, astar, _ = lax.fori_loop(
        0, nv, pha,
        (jnp.int32(0), jnp.int32(0), jnp.int32(0), jnp.int32(0)))

    h = hist_ref[pl.ds(jstar * L, L)]
    hr = lax.rev(h, (0,))
    cs = plsc.cumsum(hr)
    tot = astar + cs
    hit = tot >= k
    ffs = plsc.all_reduce_ffs(hit)
    sel = iota == ffs
    cs_at = jnp.sum(jnp.where(sel, cs, 0))
    h_at = jnp.sum(jnp.where(sel, hr, 0))
    B = jstar * L + 15 - _scalar(ffs)
    gt = astar + cs_at - h_at
    return B, gt


def _count_ge_arr(src_ref, n, thr_s):
    iota = lax.iota(jnp.int32, L)
    nv = (n + L - 1) // L

    def body(i, cnt):
        s = src_ref[pl.ds(i * L, L)]
        valid = (i * L + iota) < n
        m = valid & (s >= thr_s)
        return cnt + plsc.all_reduce_population_count(m)

    cnt = lax.fori_loop(0, nv, body, jnp.zeros((L,), jnp.int32))
    return _scalar(cnt)


def _kth_largest_arr(src_ref, n, k):
    cnt0 = _count_ge_arr(src_ref, n, jnp.int32(0))
    T = jnp.where(cnt0 >= k, jnp.int32(0), _MIN32)

    def body(it, T):
        cand = T | (jnp.int32(1) << (30 - it))
        cnt = _count_ge_arr(src_ref, n, cand)
        return jnp.where(cnt >= k, cand, T)

    return lax.fori_loop(0, 31, body, T)


def _p1_hist(row_v, h1_v, ones):
    _zero_i32(h1_v, NBINS1)

    @plsc.parallel_loop(0, NVEC, unroll=10)
    def p1(i):
        v = row_v[pl.ds(i * L, L)]
        s = _ordmap_f(v)
        b = lax.shift_right_logical(_ub(s), SHIFT1)
        plsc.addupdate_scatter(h1_v, [b], ones)


def _exp_corr(cnt, t_edge, tlo):
    iota = lax.iota(jnp.int32, L)
    corr = jnp.sum(jnp.where(iota == 0,
                             jnp.exp(jnp.full((L,), t_edge - tlo, jnp.float32)),
                             jnp.float32(0.0)))
    return cnt.astype(jnp.float32) * corr


def _process_exp(row_v, h1_v, h2_v, e2_v, c40v_v, c40i_v):
    iota = lax.iota(jnp.int32, L)
    ones = jnp.ones((L,), jnp.int32)

    _p1_hist(row_v, h1_v, ones)
    B1, gt1 = _scan_hist(h1_v, NBINS1, jnp.int32(K_BIG))
    B140, _ = _scan_hist(h1_v, NBINS1, jnp.int32(K_SEL))
    tlo = _unmap_f(lax.shift_left(B1, SHIFT1) ^ _MIN32)

    _zero_i32(h2_v, NBINS2)
    _zero_f32(e2_v, NBINS2)
    p2_carry = (jnp.zeros((L,), jnp.int32), jnp.zeros((L,), jnp.float32))

    @plsc.parallel_loop(0, NGRP, unroll=2, carry=p2_carry)
    def p2(g, carry):
        b40, acc = carry
        ss, m40s = [], []
        for t in range(U):
            i = g * U + t
            v = row_v[pl.ds(i * L, L)]
            s = _ordmap_f(v)
            b = lax.shift_right_logical(_ub(s), SHIFT1)
            e = jnp.exp(v - tlo)
            acc = acc + jnp.where(b > B1, e, jnp.float32(0.0))
            b2 = lax.shift_right_logical(_ub(s), 10) & jnp.int32(NBINS2 - 1)
            inb = b == B1
            plsc.addupdate_scatter(h2_v, [b2], ones, mask=inb)
            plsc.addupdate_scatter(e2_v, [b2], e, mask=inb)
            ss.append(s)
            m40s.append(b >= B140)
        anym = m40s[0]
        for t in range(1, U):
            anym = anym | m40s[t]
        hit = _scalar(plsc.all_reduce_population_count(anym)) > 0

        def collect(bb):
            for t in range(U):
                m = m40s[t]
                offs = bb + plsc.cumsum(m.astype(jnp.int32)) - 1
                ok = m & (offs < CAP40)
                plsc.store_scatter(c40v_v, [offs], ss[t], mask=ok)
                plsc.store_scatter(c40i_v, [offs],
                                   (g * U + t) * L + iota, mask=ok)
                bb = bb + plsc.all_reduce_population_count(m)
            return bb

        b40 = lax.cond(hit, collect, lambda bb: bb, b40)
        return b40, acc

    b40, acc = p2
    acc_hi = jnp.sum(acc)

    k2 = jnp.int32(K_BIG) - gt1
    B2, _ = _scan_hist(h2_v, NBINS2, k2)

    def tailp(i, carry):
        csum, zsum = carry
        h2 = h2_v[pl.ds(i * L, L)]
        e2 = e2_v[pl.ds(i * L, L)]
        m = (i * L + iota) >= B2
        csum = csum + jnp.where(m, h2, 0)
        zsum = zsum + jnp.where(m, e2, jnp.float32(0.0))
        return csum, zsum

    csum, zsum = lax.fori_loop(
        0, NBINS2 // L, tailp,
        (jnp.zeros((L,), jnp.int32), jnp.zeros((L,), jnp.float32)))

    cnt_incl = gt1 + jnp.sum(csum)
    t2lo = _unmap_f((lax.shift_left(B1, SHIFT1) | lax.shift_left(B2, 10))
                    ^ _MIN32)
    z = acc_hi + jnp.sum(zsum) \
        - _exp_corr(cnt_incl - jnp.int32(K_BIG), t2lo, tlo)

    n40 = jnp.minimum(_scalar(b40), CAP40)
    return tlo, z, n40


def _process_ama(row_v, h1_v, h2_v, h3_v, e3_v):
    iota = lax.iota(jnp.int32, L)
    ones = jnp.ones((L,), jnp.int32)

    _p1_hist(row_v, h1_v, ones)
    B1, gt1 = _scan_hist(h1_v, NBINS1, jnp.int32(K_BIG))
    tlo = _unmap_f(lax.shift_left(B1, SHIFT1) ^ _MIN32)

    _zero_i32(h2_v, NBINS2)

    @plsc.parallel_loop(0, NVEC, unroll=5,
                        carry=jnp.zeros((L,), jnp.float32))
    def p2(i, acc):
        v = row_v[pl.ds(i * L, L)]
        s = _ordmap_f(v)
        b = lax.shift_right_logical(_ub(s), SHIFT1)
        e = jnp.exp(v - tlo)
        acc = acc + jnp.where(b > B1, e, jnp.float32(0.0))
        b2 = lax.shift_right_logical(_ub(s), 10) & jnp.int32(NBINS2 - 1)
        plsc.addupdate_scatter(h2_v, [b2], ones, mask=b == B1)
        return acc

    acc_hi = jnp.sum(p2)

    k2 = jnp.int32(K_BIG) - gt1
    B2, gt2 = _scan_hist(h2_v, NBINS2, k2)

    _zero_i32(h3_v, NBINS3)
    _zero_f32(e3_v, NBINS3)

    @plsc.parallel_loop(0, NVEC, unroll=5, carry=jnp.zeros((L,), jnp.float32))
    def p3(i, zmid):
        v = row_v[pl.ds(i * L, L)]
        s = _ordmap_f(v)
        b1 = lax.shift_right_logical(_ub(s), SHIFT1)
        b2 = lax.shift_right_logical(_ub(s), 10) & jnp.int32(NBINS2 - 1)
        inb1 = b1 == B1
        e = jnp.exp(v - tlo)
        zmid = zmid + jnp.where(inb1 & (b2 > B2), e, jnp.float32(0.0))
        m = inb1 & (b2 == B2)
        b3 = _ub(s) & jnp.int32(NBINS3 - 1)
        plsc.addupdate_scatter(h3_v, [b3], ones, mask=m)
        plsc.addupdate_scatter(e3_v, [b3], e, mask=m)
        return zmid

    zmid = p3

    k3 = k2 - gt2
    B3, _ = _scan_hist(h3_v, NBINS3, k3)

    def tailp(i, carry):
        csum, zsum = carry
        h3 = h3_v[pl.ds(i * L, L)]
        e3 = e3_v[pl.ds(i * L, L)]
        m = (i * L + iota) >= B3
        csum = csum + jnp.where(m, h3, 0)
        zsum = zsum + jnp.where(m, e3, jnp.float32(0.0))
        return csum, zsum

    csum, zsum = lax.fori_loop(
        0, NBINS3 // L, tailp,
        (jnp.zeros((L,), jnp.int32), jnp.zeros((L,), jnp.float32)))

    t_ub = lax.shift_left(B1, SHIFT1) | lax.shift_left(B2, 10) | B3
    t_s = t_ub ^ _MIN32
    t_f = _unmap_f(t_s)
    cge = gt1 + gt2 + jnp.sum(csum)
    z = acc_hi + jnp.sum(zmid) + jnp.sum(zsum) \
        - _exp_corr(cge - jnp.int32(K_BIG), t_f, tlo)
    return t_s, tlo, z


def _sc_body(exp_hbm, ama_hbm, out_hbm, row_v, h1_v, h2_v, h3_v, e3_v,
             e2_v, c40v_v, c40i_v, sel_s_v, sel_i_v, score_v):
    iota = lax.iota(jnp.int32, L)

    def row_body(r, carry):
        wid = lax.axis_index("s") * NC + lax.axis_index("c")
        row = wid * ROWS_PER_W + r

        pltpu.sync_copy(exp_hbm.at[row], row_v)
        tlo_e, z_e, n40 = _process_exp(row_v, h1_v, h2_v, e2_v,
                                       c40v_v, c40i_v)

        T40 = _kth_largest_arr(c40v_v, n40, jnp.int32(K_SEL))
        cnt_gt = _count_ge_arr(c40v_v, n40, T40 + 1)
        need = jnp.int32(K_SEL) - cnt_gt
        nv40 = (n40 + L - 1) // L

        for j in range(3):
            sel_s_v[pl.ds(j * L, L)] = jnp.zeros((L,), jnp.int32)
            sel_i_v[pl.ds(j * L, L)] = jnp.zeros((L,), jnp.int32)

        def selbody(i, carry):
            kb, tb = carry
            s = c40v_v[pl.ds(i * L, L)]
            ix = c40i_v[pl.ds(i * L, L)]
            valid = (i * L + iota) < n40
            mgt = valid & (s > T40)
            mtie = valid & (s == T40)
            trank = tb + plsc.cumsum(mtie.astype(jnp.int32)) - 1
            keep = mgt | (mtie & (trank < need))
            offs = kb + plsc.cumsum(keep.astype(jnp.int32)) - 1
            okm = keep & (offs < jnp.int32(3 * L))
            plsc.store_scatter(sel_s_v, [offs], s, mask=okm)
            plsc.store_scatter(sel_i_v, [offs], ix, mask=okm)
            kb = kb + plsc.all_reduce_population_count(keep)
            tb = tb + plsc.all_reduce_population_count(mtie)
            return kb, tb

        z0 = jnp.zeros((L,), jnp.int32)
        lax.fori_loop(0, nv40, selbody, (z0, z0))

        pltpu.sync_copy(ama_hbm.at[row], row_v)
        ta_s, tlo_a, z_a = _process_ama(row_v, h1_v, h2_v, h3_v, e3_v)

        for j in range(3):
            s40 = sel_s_v[pl.ds(j * L, L)]
            i40 = sel_i_v[pl.ds(j * L, L)]
            v40 = _unmap_f(s40)
            pe = jnp.exp(v40 - tlo_e) / z_e
            la = plsc.load_gather(row_v, [i40])
            sa = _ordmap_f(la)
            pa = jnp.where(sa >= ta_s, jnp.exp(la - tlo_a),
                           jnp.float32(0.0)) / z_a
            ratio = pe / (pa + jnp.float32(1e-8))
            score_v[pl.ds(j * L, L)] = _poly_ln(ratio)

        ninf = jnp.full((L,), -jnp.inf, jnp.float32)

        @plsc.parallel_loop(0, NVEC, unroll=10)
        def memset(i):
            row_v[pl.ds(i * L, L)] = ninf
        for j in range(3):
            i40 = sel_i_v[pl.ds(j * L, L)]
            sc = score_v[pl.ds(j * L, L)]
            slot = j * L + iota
            plsc.store_scatter(row_v, [i40], sc, mask=slot < jnp.int32(K_SEL))
        pltpu.sync_copy(row_v, out_hbm.at[row])
        return carry

    lax.fori_loop(0, ROWS_PER_W, row_body, 0)


def _make_sc_kernel():
    mesh = plsc.VectorSubcoreMesh(core_axis_name="c", subcore_axis_name="s")
    return pl.kernel(
        _sc_body,
        out_type=[jax.ShapeDtypeStruct((N_ROWS, V), jnp.float32)],
        mesh=mesh,
        scratch_types=[
            pltpu.VMEM((V,), jnp.float32),
            pltpu.VMEM((NBINS1,), jnp.int32),
            pltpu.VMEM((NBINS2,), jnp.int32),
            pltpu.VMEM((NBINS3,), jnp.int32),
            pltpu.VMEM((NBINS3,), jnp.float32),
            pltpu.VMEM((NBINS2,), jnp.float32),
            pltpu.VMEM((CAP40,), jnp.int32),
            pltpu.VMEM((CAP40,), jnp.int32),
            pltpu.VMEM((3 * L,), jnp.int32),
            pltpu.VMEM((3 * L,), jnp.int32),
            pltpu.VMEM((3 * L,), jnp.float32),
        ],
        compiler_params=pltpu.CompilerParams(needs_layout_passes=False),
    )


def kernel(logits_exp, logits_ama):
    (out,) = _make_sc_kernel()(logits_exp, logits_ama)
    return out

# --- scband reference (transcript-rebuilt; emitter-appended) ---
"""Pipeline reference for scband-contrastive-top-k-86569360818416 (READ-ONLY COPY).

The authoritative reference and input builder live on the scoring server;
editing this copy changes nothing except your own understanding.
"""

import jax, jax.numpy as jnp
import numpy as np
from math import ceil

ALPHA = 0.9
K_SEL = 40


def setup_inputs(seed: int = 0) -> dict:
    key = jax.random.key(seed)
    k1, k2 = jax.random.split(key)
    logits_exp = jax.random.normal(k1, (128, 100000), dtype=jnp.float32)
    logits_ama = jax.random.normal(k2, (128, 100000), dtype=jnp.float32)
    return {"logits_exp": logits_exp, "logits_ama": logits_ama}


def _top_k_mask(logits, alpha):
    # k = ceil((1 - alpha) * vocab); keep top-k logits, set rest to -inf
    k = int(ceil((1.0 - alpha) * logits.shape[-1]))
    val, ind = jax.lax.top_k(logits, k)
    rows = jnp.arange(logits.shape[0])[:, None]
    probs = jnp.full_like(logits, -jnp.inf)
    probs = probs.at[rows, ind].set(val)
    return probs


def reference(logits_exp, logits_ama):
    alpha = ALPHA
    k_sel = K_SEL
    logits_exp_topk = _top_k_mask(logits_exp, alpha)
    logits_ama_topk = _top_k_mask(logits_ama, alpha)
    p_exp = jax.nn.softmax(logits_exp_topk, axis=-1)
    p_ama = jax.nn.softmax(logits_ama_topk, axis=-1)
    # select top-k probs of expert distribution; keep those whose prob >= alpha * (k-th largest prob)
    vals, ind = jax.lax.top_k(p_exp, k_sel)
    rows = jnp.arange(p_exp.shape[0])[:, None]
    cond = (vals >= alpha * vals[:, -1:]).astype(p_exp.dtype)
    mask = jnp.zeros_like(p_exp)
    mask = mask.at[rows, ind].set(cond)
    mask_b = mask > 0
    ratio = p_exp / (p_ama + 1e-08)
    safe_ratio = jnp.where(mask_b, ratio, 1.0)
    scores = jnp.where(mask_b, jnp.log(safe_ratio), -jnp.inf)
    return scores

if __name__ == "__main__":
    import jax
    _d = setup_inputs()
    print(jax.jit(kernel)(*tuple(_d.values())))

</pallas_src>

<mosaic_0001>
#map = affine_map<(d0, d1) -> (0, 0)>
module attributes {stable_mosaic.version = 14 : i64} {
  func.func @_sc_body(%arg0: i32, %arg1: i32, %arg2: memref<128x100000xf32, #tpu.memory_space<hbm>>, %arg3: memref<128x100000xf32, #tpu.memory_space<hbm>>, %arg4: memref<128x100000xf32, #tpu.memory_space<hbm>>, %arg5: memref<100000xf32, #tpu.memory_space<vmem>>, %arg6: memref<2048xi32, #tpu.memory_space<vmem>>, %arg7: memref<2048xi32, #tpu.memory_space<vmem>>, %arg8: memref<1024xi32, #tpu.memory_space<vmem>>, %arg9: memref<1024xf32, #tpu.memory_space<vmem>>, %arg10: memref<2048xf32, #tpu.memory_space<vmem>>, %arg11: memref<512xi32, #tpu.memory_space<vmem>>, %arg12: memref<512xi32, #tpu.memory_space<vmem>>, %arg13: memref<48xi32, #tpu.memory_space<vmem>>, %arg14: memref<48xi32, #tpu.memory_space<vmem>>, %arg15: memref<48xf32, #tpu.memory_space<vmem>>) attributes {dimension_semantics = [#tpu.dimension_semantics<core_parallel>, #tpu.dimension_semantics<subcore_parallel>], iteration_bounds = array<i64: 2, 16>, scalar_prefetch = 0 : i64, scratch_operands = 11 : i64, tpu.core_type = #tpu.core_type<sc_vector_subcore>, window_params = [{transform_indices = #map}, {transform_indices = #map}, {transform_indices = #map}]} {
    %iota3A = tpu.iota {dimensions = array<i32: 0>} : vector<16xi32>
    %scan3A = arith.constant 0 : i32
    %scan3A_0 = arith.constant 0 : i32
    %scan3A_1 = arith.constant 4 : i32
    %scan3A_2 = arith.addi %scan3A_0, %scan3A_1 : i32
    %scan3A_3 = arith.constant 1 : i32
    scf.for %scan3A_5 = %scan3A_0 to %scan3A_2 step %scan3A_3  : i32 {
      %mul3A = arith.constant 2 : i32
      %mul3A_6 = arith.muli %arg1, %mul3A : i32
      %add3A = arith.addi %mul3A_6, %arg0 : i32
      %mul3A_7 = arith.constant 4 : i32
      %mul3A_8 = arith.muli %add3A, %mul3A_7 : i32
      %add3A_9 = arith.addi %mul3A_8, %scan3A_5 : i32
      "tpu.region"() ({
        %run_scoped3A = tpu.sem_alloc : memref<!tpu.dma_semaphore, #tpu.memory_space<semaphore_mem>>
        %dma_start3A = arith.constant 0 : i32
        %dma_start3A_1108 = tpu.memref_slice %arg2[%add3A_9, %dma_start3A] : memref<128x100000xf32, #tpu.memory_space<hbm>> -> memref<1x100000xf32, #tpu.memory_space<hbm>>
        %dma_start3A_1109 = tpu.memref_squeeze %dma_start3A_1108 : memref<1x100000xf32, #tpu.memory_space<hbm>> -> memref<100000xf32, #tpu.memory_space<hbm>>
        %dma_start3A_1110 = arith.constant 0 : i32
        %dma_start3A_1111 = tpu.memref_slice %arg2[%add3A_9, %dma_start3A_1110] : memref<128x100000xf32, #tpu.memory_space<hbm>> -> memref<1x100000xf32, #tpu.memory_space<hbm>>
        %dma_start3A_1112 = tpu.memref_squeeze %dma_start3A_1111 : memref<1x100000xf32, #tpu.memory_space<hbm>> -> memref<100000xf32, #tpu.memory_space<hbm>>
        tpu.enqueue_dma source(%dma_start3A_1112 : memref<100000xf32, #tpu.memory_space<hbm>>) target(%arg5 : memref<100000xf32, #tpu.memory_space<vmem>>) target_semaphore(%run_scoped3A : memref<!tpu.dma_semaphore, #tpu.memory_space<semaphore_mem>>)
        %dma_wait3A = arith.constant 0 : i32
        %dma_wait3A_1113 = tpu.memref_slice %arg2[%add3A_9, %dma_wait3A] : memref<128x100000xf32, #tpu.memory_space<hbm>> -> memref<1x100000xf32, #tpu.memory_space<hbm>>
        %dma_wait3A_1114 = tpu.memref_squeeze %dma_wait3A_1113 : memref<1x100000xf32, #tpu.memory_space<hbm>> -> memref<100000xf32, #tpu.memory_space<hbm>>
        %dma_wait3A_1115 = arith.constant 0 : i32
        %dma_wait3A_1116 = tpu.memref_slice %arg2[%add3A_9, %dma_wait3A_1115] : memref<128x100000xf32, #tpu.memory_space<hbm>> -> memref<1x100000xf32, #tpu.memory_space<hbm>>
        %dma_wait3A_1117 = tpu.memref_squeeze %dma_wait3A_1116 : memref<1x100000xf32, #tpu.memory_space<hbm>> -> memref<100000xf32, #tpu.memory_space<hbm>>
        tpu.wait_dma2 semaphore(%run_scoped3A : memref<!tpu.dma_semaphore, #tpu.memory_space<semaphore_mem>>) src(%dma_wait3A_1117 : memref<100000xf32, #tpu.memory_space<hbm>>) dst(%arg5 : memref<100000xf32, #tpu.memory_space<vmem>>)
        tpu.yield
      }) : () -> ()
      %iota3A_10 = tpu.iota {dimensions = array<i32: 0>} : vector<16xi32>
      %broadcast_in_dim3A = arith.constant 1 : i32
      %broadcast_in_dim3A_11 = vector.broadcast %broadcast_in_dim3A : i32 to vector<16xi32>
      %broadcast_in_dim3A_12 = arith.constant 0 : i32
      %broadcast_in_dim3A_13 = vector.broadcast %broadcast_in_dim3A_12 : i32 to vector<16xi32>
      %parallel_loop3A = arith.constant 0 : i32
      %parallel_loop3A_14 = arith.constant 128 : i32
      %parallel_loop3A_15 = arith.constant 1 : i32
      scf.for %parallel_loop3A_1108 = %parallel_loop3A to %parallel_loop3A_14 step %parallel_loop3A_15  : i32 {
        %parallel_loop3A_1109 = arith.constant 16 : i32
        %parallel_loop3A_1110 = arith.muli %parallel_loop3A_1108, %parallel_loop3A_1109 : i32
        %parallel_loop3A_1111 = arith.index_cast %parallel_loop3A_1110 : i32 to index
        %parallel_loop3A_1112 = tpu.vector_load %arg6[%parallel_loop3A_1111] {strides = array<i32>} : memref<2048xi32, #tpu.memory_space<vmem>>, vector<16xi32>,
        tpu.vector_store %arg6[%parallel_loop3A_1111], %broadcast_in_dim3A_13 {strides = array<i32>} : memref<2048xi32, #tpu.memory_space<vmem>>, vector<16xi32>,
      } {sc.loop_unroll_factor = 8 : i64, sc.parallel_access}
      %parallel_loop3A_16 = arith.constant 0 : i32
      %parallel_loop3A_17 = arith.constant 6250 : i32
      %parallel_loop3A_18 = arith.constant 1 : i32
      scf.for %parallel_loop3A_1108 = %parallel_loop3A_16 to %parallel_loop3A_17 step %parallel_loop3A_18  : i32 {
        %parallel_loop3A_1109 = arith.constant 16 : i32
        %parallel_loop3A_1110 = arith.muli %parallel_loop3A_1108, %parallel_loop3A_1109 : i32
        %parallel_loop3A_1111 = arith.index_cast %parallel_loop3A_1110 : i32 to index
        %parallel_loop3A_1112 = tpu.vector_load %arg5[%parallel_loop3A_1111] {strides = array<i32>} : memref<100000xf32, #tpu.memory_space<vmem>>, vector<16xf32>,
        %parallel_loop3A_1113 = tpu.bitcast %parallel_loop3A_1112 : vector<16xf32> -> vector<16xi32>
        %parallel_loop3A_1114 = arith.constant 31 : i32
        %parallel_loop3A_1115 = vector.broadcast %parallel_loop3A_1114 : i32 to vector<16xi32>
        %parallel_loop3A_1116 = arith.shrsi %parallel_loop3A_1113, %parallel_loop3A_1115 : vector<16xi32>
        %parallel_loop3A_1117 = arith.constant 2147483647 : i32
        %parallel_loop3A_1118 = vector.broadcast %parallel_loop3A_1117 : i32 to vector<16xi32>
        %parallel_loop3A_1119 = arith.andi %parallel_loop3A_1116, %parallel_loop3A_1118 : vector<16xi32>
        %parallel_loop3A_1120 = arith.xori %parallel_loop3A_1113, %parallel_loop3A_1119 : vector<16xi32>
        %parallel_loop3A_1121 = arith.constant -2147483648 : i32
        %parallel_loop3A_1122 = vector.broadcast %parallel_loop3A_1121 : i32 to vector<16xi32>
        %parallel_loop3A_1123 = arith.xori %parallel_loop3A_1120, %parallel_loop3A_1122 : vector<16xi32>
        %parallel_loop3A_1124 = arith.constant 21 : i32
        %parallel_loop3A_1125 = vector.broadcast %parallel_loop3A_1124 : i32 to vector<16xi32>
        %parallel_loop3A_1126 = arith.shrui %parallel_loop3A_1123, %parallel_loop3A_1125 : vector<16xi32>
        tpu.vector_store_idx %arg6[%parallel_loop3A_1126], %broadcast_in_dim3A_11 {add = true} : memref<2048xi32, #tpu.memory_space<vmem>>[vector<16xi32>], vector<16xi32>,
      } {sc.loop_unroll_factor = 10 : i64, sc.parallel_access}
      %iota3A_19 = tpu.iota {dimensions = array<i32: 0>} : vector<16xi32>
      %scan3A_20 = arith.constant 10000 : i32
      %scan3A_21 = arith.constant 0 : i32
      %scan3A_22 = arith.constant 0 : i32
      %scan3A_23 = arith.constant 0 : i32
      %scan3A_24 = arith.constant 0 : i32
      %scan3A_25 = arith.constant 0 : i32
      %scan3A_26 = arith.constant 128 : i32
      %scan3A_27 = arith.addi %scan3A_25, %scan3A_26 : i32
      %scan3A_28 = arith.constant 1 : i32
      %scan3A_29:4 = scf.for %scan3A_1108 = %scan3A_25 to %scan3A_27 step %scan3A_28 iter_args(%scan3A_1109 = %scan3A_21, %scan3A_1110 = %scan3A_22, %scan3A_1111 = %scan3A_23, %scan3A_1112 = %scan3A_24) -> (i32, i32, i32, i32)  : i32 {
        %sub3A_1113 = arith.constant 127 : i32
        %sub3A_1114 = arith.subi %sub3A_1113, %scan3A_1108 : i32
        %mul3A_1115 = arith.constant 16 : i32
        %mul3A_1116 = arith.muli %sub3A_1114, %mul3A_1115 : i32
        %get3A_1117 = arith.index_cast %mul3A_1116 : i32 to index
        %get3A_1118 = tpu.vector_load %arg6[%get3A_1117] {strides = array<i32>} : memref<2048xi32, #tpu.memory_space<vmem>>, vector<16xi32>,
        %reduce_sum3A_1119 = arith.constant true
        %reduce_sum3A_1120 = vector.broadcast %reduce_sum3A_1119 : i1 to vector<16xi1>
        %reduce_sum3A_1121 = tpu.scan <sum>, %get3A_1118 masked %reduce_sum3A_1120 : vector<16xi32>, vector<16xi1> -> vector<16xi32>
        %reduce_sum3A_1122 = vector.extract %reduce_sum3A_1121[15] : i32 from vector<16xi32>
        %add3A_1123 = arith.addi %scan3A_1109, %reduce_sum3A_1122 : i32
        %ge3A_1124 = arith.cmpi sge, %add3A_1123, %scan3A_20 : i32
        %eq3A_1125 = arith.constant 0 : i32
        %eq3A_1126 = arith.cmpi eq, %scan3A_1112, %eq3A_1125 : i32
        %and3A_1127 = arith.andi %ge3A_1124, %eq3A_1126 : i1
        %select_n3A_1128 = arith.select %and3A_1127, %sub3A_1114, %scan3A_1110 : i32
        %select_n3A_1129 = arith.select %and3A_1127, %scan3A_1109, %scan3A_1111 : i32
        %jit3A_1130 = arith.constant 1 : i32
        %select_n3A_1131 = arith.select %and3A_1127, %jit3A_1130, %scan3A_1112 : i32
        scf.yield %add3A_1123, %select_n3A_1128, %select_n3A_1129, %select_n3A_1131 : i32, i32, i32, i32
      }
      %scan3A_30 = arith.constant 128 : i32
      %mul3A_31 = arith.constant 16 : i32
      %mul3A_32 = arith.muli %scan3A_29#1, %mul3A_31 : i32
      %get3A = arith.index_cast %mul3A_32 : i32 to index
      %get3A_33 = tpu.vector_load %arg6[%get3A] {strides = array<i32>} : memref<2048xi32, #tpu.memory_space<vmem>>, vector<16xi32>,
      %rev3A = arith.constant 15 : i32
      %rev3A_34 = vector.broadcast %rev3A : i32 to vector<16xi32>
      %rev3A_35 = tpu.iota {dimensions = array<i32: 0>} : vector<16xi32>
      %rev3A_36 = arith.subi %rev3A_34, %rev3A_35 : vector<16xi32>
      %rev3A_37 = tpu.dynamic_gather %get3A_33[%rev3A_36] in [0] : vector<16xi32>, vector<16xi32> -> vector<16xi32>
      %broadcast_in_dim3A_38 = arith.constant true
      %broadcast_in_dim3A_39 = vector.broadcast %broadcast_in_dim3A_38 : i1 to vector<16xi1>
      %masked_cumsum3A = tpu.scan <sum>, %rev3A_37 masked %broadcast_in_dim3A_39 : vector<16xi32>, vector<16xi1> -> vector<16xi32>
      %add3A_40 = vector.broadcast %scan3A_29#2 : i32 to vector<16xi32>
      %add3A_41 = arith.addi %add3A_40, %masked_cumsum3A : vector<16xi32>
      %ge3A = arith.constant 10000 : i32
      %ge3A_42 = vector.broadcast %ge3A : i32 to vector<16xi32>
      %ge3A_43 = arith.cmpi sge, %add3A_41, %ge3A_42 : vector<16xi32>
      %all_reduce_ffs3A = tpu.all_reduce %ge3A_43 {dim = 0 : i64, kind = #tpu.reduction_kind<find_first_set>} : vector<16xi1> -> vector<16xi32>
      %eq3A = arith.cmpi eq, %iota3A_19, %all_reduce_ffs3A : vector<16xi32>
      %jit3A = arith.constant 0 : i32
      %broadcast_in_dim3A_44 = vector.broadcast %jit3A : i32 to vector<16xi32>
      %select_n3A = arith.select %eq3A, %masked_cumsum3A, %broadcast_in_dim3A_44 : vector<16xi1>, vector<16xi32>
      %reduce_sum3A = arith.constant true
      %reduce_sum3A_45 = vector.broadcast %reduce_sum3A : i1 to vector<16xi1>
      %reduce_sum3A_46 = tpu.scan <sum>, %select_n3A masked %reduce_sum3A_45 : vector<16xi32>, vector<16xi1> -> vector<16xi32>
      %reduce_sum3A_47 = vector.extract %reduce_sum3A_46[15] : i32 from vector<16xi32>
      %jit3A_48 = arith.constant 0 : i32
      %broadcast_in_dim3A_49 = vector.broadcast %jit3A_48 : i32 to vector<16xi32>
      %select_n3A_50 = arith.select %eq3A, %rev3A_37, %broadcast_in_dim3A_49 : vector<16xi1>, vector<16xi32>
      %reduce_sum3A_51 = arith.constant true
      %reduce_sum3A_52 = vector.broadcast %reduce_sum3A_51 : i1 to vector<16xi1>
      %reduce_sum3A_53 = tpu.scan <sum>, %select_n3A_50 masked %reduce_sum3A_52 : vector<16xi32>, vector<16xi1> -> vector<16xi32>
      %reduce_sum3A_54 = vector.extract %reduce_sum3A_53[15] : i32 from vector<16xi32>
      %mul3A_55 = arith.constant 16 : i32
      %mul3A_56 = arith.muli %scan3A_29#1, %mul3A_55 : i32
      %add3A_57 = arith.constant 15 : i32
      %add3A_58 = arith.addi %mul3A_56, %add3A_57 : i32
      %iota3A_59 = tpu.iota {dimensions = array<i32: 0>} : vector<16xi32>
      %eq3A_60 = arith.constant 0 : i32
      %eq3A_61 = vector.broadcast %eq3A_60 : i32 to vector<16xi32>
      %eq3A_62 = arith.cmpi eq, %iota3A_59, %eq3A_61 : vector<16xi32>
      %jit3A_63 = arith.constant 0 : i32
      %broadcast_in_dim3A_64 = vector.broadcast %jit3A_63 : i32 to vector<16xi32>
      %select_n3A_65 = arith.select %eq3A_62, %all_reduce_ffs3A, %broadcast_in_dim3A_64 : vector<16xi1>, vector<16xi32>
      %reduce_sum3A_66 = arith.constant true
      %reduce_sum3A_67 = vector.broadcast %reduce_sum3A_66 : i1 to vector<16xi1>
      %reduce_sum3A_68 = tpu.scan <sum>, %select_n3A_65 masked %reduce_sum3A_67 : vector<16xi32>, vector<16xi1> -> vector<16xi32>
      %reduce_sum3A_69 = vector.extract %reduce_sum3A_68[15] : i32 from vector<16xi32>
      %sub3A = arith.subi %add3A_58, %reduce_sum3A_69 : i32
      %add3A_70 = arith.addi %scan3A_29#2, %reduce_sum3A_47 : i32
      %sub3A_71 = arith.subi %add3A_70, %reduce_sum3A_54 : i32
      %iota3A_72 = tpu.iota {dimensions = array<i32: 0>} : vector<16xi32>
      %scan3A_73 = arith.constant 40 : i32
      %scan3A_74 = arith.constant 0 : i32
      %scan3A_75 = arith.constant 0 : i32
      %scan3A_76 = arith.constant 0 : i32
      %scan3A_77 = arith.constant 0 : i32
      %scan3A_78 = arith.constant 0 : i32
      %scan3A_79 = arith.constant 128 : i32
      %scan3A_80 = arith.addi %scan3A_78, %scan3A_79 : i32
      %scan3A_81 = arith.constant 1 : i32
      %scan3A_82:4 = scf.for %scan3A_1108 = %scan3A_78 to %scan3A_80 step %scan3A_81 iter_args(%scan3A_1109 = %scan3A_74, %scan3A_1110 = %scan3A_75, %scan3A_1111 = %scan3A_76, %scan3A_1112 = %scan3A_77) -> (i32, i32, i32, i32)  : i32 {
        %sub3A_1113 = arith.constant 127 : i32
        %sub3A_1114 = arith.subi %sub3A_1113, %scan3A_1108 : i32
        %mul3A_1115 = arith.constant 16 : i32
        %mul3A_1116 = arith.muli %sub3A_1114, %mul3A_1115 : i32
        %get3A_1117 = arith.index_cast %mul3A_1116 : i32 to index
        %get3A_1118 = tpu.vector_load %arg6[%get3A_1117] {strides = array<i32>} : memref<2048xi32, #tpu.memory_space<vmem>>, vector<16xi32>,
        %reduce_sum3A_1119 = arith.constant true
        %reduce_sum3A_1120 = vector.broadcast %reduce_sum3A_1119 : i1 to vector<16xi1>
        %reduce_sum3A_1121 = tpu.scan <sum>, %get3A_1118 masked %reduce_sum3A_1120 : vector<16xi32>, vector<16xi1> -> vector<16xi32>
        %reduce_sum3A_1122 = vector.extract %reduce_sum3A_1121[15] : i32 from vector<16xi32>
        %add3A_1123 = arith.addi %scan3A_1109, %reduce_sum3A_1122 : i32
        %ge3A_1124 = arith.cmpi sge, %add3A_1123, %scan3A_73 : i32
        %eq3A_1125 = arith.constant 0 : i32
        %eq3A_1126 = arith.cmpi eq, %scan3A_1112, %eq3A_1125 : i32
        %and3A_1127 = arith.andi %ge3A_1124, %eq3A_1126 : i1
        %select_n3A_1128 = arith.select %and3A_1127, %sub3A_1114, %scan3A_1110 : i32
        %select_n3A_1129 = arith.select %and3A_1127, %scan3A_1109, %scan3A_1111 : i32
        %jit3A_1130 = arith.constant 1 : i32
        %select_n3A_1131 = arith.select %and3A_1127, %jit3A_1130, %scan3A_1112 : i32
        scf.yield %add3A_1123, %select_n3A_1128, %select_n3A_1129, %select_n3A_1131 : i32, i32, i32, i32
      }
      %scan3A_83 = arith.constant 128 : i32
      %mul3A_84 = arith.constant 16 : i32
      %mul3A_85 = arith.muli %scan3A_82#1, %mul3A_84 : i32
      %get3A_86 = arith.index_cast %mul3A_85 : i32 to index
      %get3A_87 = tpu.vector_load %arg6[%get3A_86] {strides = array<i32>} : memref<2048xi32, #tpu.memory_space<vmem>>, vector<16xi32>,
      %rev3A_88 = arith.constant 15 : i32
      %rev3A_89 = vector.broadcast %rev3A_88 : i32 to vector<16xi32>
      %rev3A_90 = tpu.iota {dimensions = array<i32: 0>} : vector<16xi32>
      %rev3A_91 = arith.subi %rev3A_89, %rev3A_90 : vector<16xi32>
      %rev3A_92 = tpu.dynamic_gather %get3A_87[%rev3A_91] in [0] : vector<16xi32>, vector<16xi32> -> vector<16xi32>
      %broadcast_in_dim3A_93 = arith.constant true
      %broadcast_in_dim3A_94 = vector.broadcast %broadcast_in_dim3A_93 : i1 to vector<16xi1>
      %masked_cumsum3A_95 = tpu.scan <sum>, %rev3A_92 masked %broadcast_in_dim3A_94 : vector<16xi32>, vector<16xi1> -> vector<16xi32>
      %add3A_96 = vector.broadcast %scan3A_82#2 : i32 to vector<16xi32>
      %add3A_97 = arith.addi %add3A_96, %masked_cumsum3A_95 : vector<16xi32>
      %ge3A_98 = arith.constant 40 : i32
      %ge3A_99 = vector.broadcast %ge3A_98 : i32 to vector<16xi32>
      %ge3A_100 = arith.cmpi sge, %add3A_97, %ge3A_99 : vector<16xi32>
      %all_reduce_ffs3A_101 = tpu.all_reduce %ge3A_100 {dim = 0 : i64, kind = #tpu.reduction_kind<find_first_set>} : vector<16xi1> -> vector<16xi32>
      %eq3A_102 = arith.cmpi eq, %iota3A_72, %all_reduce_ffs3A_101 : vector<16xi32>
      %jit3A_103 = arith.constant 0 : i32
      %broadcast_in_dim3A_104 = vector.broadcast %jit3A_103 : i32 to vector<16xi32>
      %select_n3A_105 = arith.select %eq3A_102, %masked_cumsum3A_95, %broadcast_in_dim3A_104 : vector<16xi1>, vector<16xi32>
      %reduce_sum3A_106 = arith.constant true
      %reduce_sum3A_107 = vector.broadcast %reduce_sum3A_106 : i1 to vector<16xi1>
      %reduce_sum3A_108 = tpu.scan <sum>, %select_n3A_105 masked %reduce_sum3A_107 : vector<16xi32>, vector<16xi1> -> vector<16xi32>
      %reduce_sum3A_109 = vector.extract %reduce_sum3A_108[15] : i32 from vector<16xi32>
      %jit3A_110 = arith.constant 0 : i32
      %broadcast_in_dim3A_111 = vector.broadcast %jit3A_110 : i32 to vector<16xi32>
      %select_n3A_112 = arith.select %eq3A_102, %rev3A_92, %broadcast_in_dim3A_111 : vector<16xi1>, vector<16xi32>
      %reduce_sum3A_113 = arith.constant true
      %reduce_sum3A_114 = vector.broadcast %reduce_sum3A_113 : i1 to vector<16xi1>
      %reduce_sum3A_115 = tpu.scan <sum>, %select_n3A_112 masked %reduce_sum3A_114 : vector<16xi32>, vector<16xi1> -> vector<16xi32>
      %reduce_sum3A_116 = vector.extract %reduce_sum3A_115[15] : i32 from vector<16xi32>
      %mul3A_117 = arith.constant 16 : i32
      %mul3A_118 = arith.muli %scan3A_82#1, %mul3A_117 : i32
      %add3A_119 = arith.constant 15 : i32
      %add3A_120 = arith.addi %mul3A_118, %add3A_119 : i32
      %iota3A_121 = tpu.iota {dimensions = array<i32: 0>} : vector<16xi32>
      %eq3A_122 = arith.constant 0 : i32
      %eq3A_123 = vector.broadcast %eq3A_122 : i32 to vector<16xi32>
      %eq3A_124 = arith.cmpi eq, %iota3A_121, %eq3A_123 : vector<16xi32>
      %jit3A_125 = arith.constant 0 : i32
      %broadcast_in_dim3A_126 = vector.broadcast %jit3A_125 : i32 to vector<16xi32>
      %select_n3A_127 = arith.select %eq3A_124, %all_reduce_ffs3A_101, %broadcast_in_dim3A_126 : vector<16xi1>, vector<16xi32>
      %reduce_sum3A_128 = arith.constant true
      %reduce_sum3A_129 = vector.broadcast %reduce_sum3A_128 : i1 to vector<16xi1>
      %reduce_sum3A_130 = tpu.scan <sum>, %select_n3A_127 masked %reduce_sum3A_129 : vector<16xi32>, vector<16xi1> -> vector<16xi32>
      %reduce_sum3A_131 = vector.extract %reduce_sum3A_130[15] : i32 from vector<16xi32>
      %sub3A_132 = arith.subi %add3A_120, %reduce_sum3A_131 : i32
      %add3A_133 = arith.addi %scan3A_82#2, %reduce_sum3A_109 : i32
      %sub3A_134 = arith.subi %add3A_133, %reduce_sum3A_116 : i32
      %shift_left3A = arith.constant 21 : i32
      %shift_left3A_135 = arith.shli %sub3A, %shift_left3A : i32
      %xor3A = arith.constant -2147483648 : i32
      %xor3A_136 = arith.xori %shift_left3A_135, %xor3A : i32
      %shift_right_arithmetic3A = arith.constant 31 : i32
      %shift_right_arithmetic3A_137 = arith.shrsi %xor3A_136, %shift_right_arithmetic3A : i32
      %and3A = arith.constant 2147483647 : i32
      %and3A_138 = arith.andi %shift_right_arithmetic3A_137, %and3A : i32
      %xor3A_139 = arith.xori %xor3A_136, %and3A_138 : i32
      %bitcast_convert_type3A = arith.bitcast %xor3A_139 : i32 to f32
      %broadcast_in_dim3A_140 = arith.constant 0 : i32
      %broadcast_in_dim3A_141 = vector.broadcast %broadcast_in_dim3A_140 : i32 to vector<16xi32>
      %parallel_loop3A_142 = arith.constant 0 : i32
      %parallel_loop3A_143 = arith.constant 128 : i32
      %parallel_loop3A_144 = arith.constant 1 : i32
      scf.for %parallel_loop3A_1108 = %parallel_loop3A_142 to %parallel_loop3A_143 step %parallel_loop3A_144  : i32 {
        %parallel_loop3A_1109 = arith.constant 16 : i32
        %parallel_loop3A_1110 = arith.muli %parallel_loop3A_1108, %parallel_loop3A_1109 : i32
        %parallel_loop3A_1111 = arith.index_cast %parallel_loop3A_1110 : i32 to index
        %parallel_loop3A_1112 = tpu.vector_load %arg7[%parallel_loop3A_1111] {strides = array<i32>} : memref<2048xi32, #tpu.memory_space<vmem>>, vector<16xi32>,
        tpu.vector_store %arg7[%parallel_loop3A_1111], %broadcast_in_dim3A_141 {strides = array<i32>} : memref<2048xi32, #tpu.memory_space<vmem>>, vector<16xi32>,
      } {sc.loop_unroll_factor = 8 : i64, sc.parallel_access}
      %broadcast_in_dim3A_145 = arith.constant 0.000000e+00 : f32
      %broadcast_in_dim3A_146 = vector.broadcast %broadcast_in_dim3A_145 : f32 to vector<16xf32>
      %parallel_loop3A_147 = arith.constant 0 : i32
      %parallel_loop3A_148 = arith.constant 128 : i32
      %parallel_loop3A_149 = arith.constant 1 : i32
      scf.for %parallel_loop3A_1108 = %parallel_loop3A_147 to %parallel_loop3A_148 step %parallel_loop3A_149  : i32 {
        %parallel_loop3A_1109 = arith.constant 16 : i32
        %parallel_loop3A_1110 = arith.muli %parallel_loop3A_1108, %parallel_loop3A_1109 : i32
        %parallel_loop3A_1111 = arith.index_cast %parallel_loop3A_1110 : i32 to index
        %parallel_loop3A_1112 = tpu.vector_load %arg10[%parallel_loop3A_1111] {strides = array<i32>} : memref<2048xf32, #tpu.memory_space<vmem>>, vector<16xf32>,
        tpu.vector_store %arg10[%parallel_loop3A_1111], %broadcast_in_dim3A_146 {strides = array<i32>} : memref<2048xf32, #tpu.memory_space<vmem>>, vector<16xf32>,
      } {sc.loop_unroll_factor = 8 : i64, sc.parallel_access}
      %broadcast_in_dim3A_150 = arith.constant 0 : i32
      %broadcast_in_dim3A_151 = vector.broadcast %broadcast_in_dim3A_150 : i32 to vector<16xi32>
      %broadcast_in_dim3A_152 = arith.constant 0.000000e+00 : f32
      %broadcast_in_dim3A_153 = vector.broadcast %broadcast_in_dim3A_152 : f32 to vector<16xf32>
      %parallel_loop3A_154 = arith.constant 0 : i32
      %parallel_loop3A_155 = arith.constant 1250 : i32
      %parallel_loop3A_156 = arith.constant 1 : i32
      %parallel_loop3A_157:2 = scf.for %parallel_loop3A_1108 = %parallel_loop3A_154 to %parallel_loop3A_155 step %parallel_loop3A_156 iter_args(%parallel_loop3A_1109 = %broadcast_in_dim3A_151, %parallel_loop3A_1110 = %broadcast_in_dim3A_153) -> (vector<16xi32>, vector<16xf32>)  : i32 {
        %parallel_loop3A_1111 = arith.constant 5 : i32
        %parallel_loop3A_1112 = arith.muli %parallel_loop3A_1108, %parallel_loop3A_1111 : i32
        %parallel_loop3A_1113 = arith.constant 0 : i32
        %parallel_loop3A_1114 = arith.addi %parallel_loop3A_1112, %parallel_loop3A_1113 : i32
        %parallel_loop3A_1115 = arith.constant 16 : i32
        %parallel_loop3A_1116 = arith.muli %parallel_loop3A_1114, %parallel_loop3A_1115 : i32
        %parallel_loop3A_1117 = arith.index_cast %parallel_loop3A_1116 : i32 to index
        %parallel_loop3A_1118 = tpu.vector_load %arg5[%parallel_loop3A_1117] {strides = array<i32>} : memref<100000xf32, #tpu.memory_space<vmem>>, vector<16xf32>,
        %parallel_loop3A_1119 = tpu.bitcast %parallel_loop3A_1118 : vector<16xf32> -> vector<16xi32>
        %parallel_loop3A_1120 = arith.constant 31 : i32
        %parallel_loop3A_1121 = vector.broadcast %parallel_loop3A_1120 : i32 to vector<16xi32>
        %parallel_loop3A_1122 = arith.shrsi %parallel_loop3A_1119, %parallel_loop3A_1121 : vector<16xi32>
        %parallel_loop3A_1123 = arith.constant 2147483647 : i32
        %parallel_loop3A_1124 = vector.broadcast %parallel_loop3A_1123 : i32 to vector<16xi32>
        %parallel_loop3A_1125 = arith.andi %parallel_loop3A_1122, %parallel_loop3A_1124 : vector<16xi32>
        %parallel_loop3A_1126 = arith.xori %parallel_loop3A_1119, %parallel_loop3A_1125 : vector<16xi32>
        %parallel_loop3A_1127 = arith.constant -2147483648 : i32
        %parallel_loop3A_1128 = vector.broadcast %parallel_loop3A_1127 : i32 to vector<16xi32>
        %parallel_loop3A_1129 = arith.xori %parallel_loop3A_1126, %parallel_loop3A_1128 : vector<16xi32>
        %parallel_loop3A_1130 = arith.constant 21 : i32
        %parallel_loop3A_1131 = vector.broadcast %parallel_loop3A_1130 : i32 to vector<16xi32>
        %parallel_loop3A_1132 = arith.shrui %parallel_loop3A_1129, %parallel_loop3A_1131 : vector<16xi32>
        %parallel_loop3A_1133 = vector.broadcast %bitcast_convert_type3A : f32 to vector<16xf32>
        %parallel_loop3A_1134 = arith.subf %parallel_loop3A_1118, %parallel_loop3A_1133 : vector<16xf32>
        %parallel_loop3A_1135 = math.exp %parallel_loop3A_1134 : vector<16xf32>
        %parallel_loop3A_1136 = vector.broadcast %sub3A : i32 to vector<16xi32>
        %parallel_loop3A_1137 = arith.cmpi sgt, %parallel_loop3A_1132, %parallel_loop3A_1136 : vector<16xi32>
        %parallel_loop3A_1138 = arith.constant 0.000000e+00 : f32
        %parallel_loop3A_1139 = vector.broadcast %parallel_loop3A_1138 : f32 to vector<16xf32>
        %parallel_loop3A_1140 = arith.select %parallel_loop3A_1137, %parallel_loop3A_1135, %parallel_loop3A_1139 : vector<16xi1>, vector<16xf32>
        %parallel_loop3A_1141 = arith.addf %parallel_loop3A_1110, %parallel_loop3A_1140 : vector<16xf32>
        %parallel_loop3A_1142 = arith.constant -2147483648 : i32
        %parallel_loop3A_1143 = vector.broadcast %parallel_loop3A_1142 : i32 to vector<16xi32>
        %parallel_loop3A_1144 = arith.xori %parallel_loop3A_1126, %parallel_loop3A_1143 : vector<16xi32>
        %parallel_loop3A_1145 = arith.constant 10 : i32
        %parallel_loop3A_1146 = vector.broadcast %parallel_loop3A_1145 : i32 to vector<16xi32>
        %parallel_loop3A_1147 = arith.shrui %parallel_loop3A_1144, %parallel_loop3A_1146 : vector<16xi32>
        %parallel_loop3A_1148 = arith.constant 2047 : i32
        %parallel_loop3A_1149 = vector.broadcast %parallel_loop3A_1148 : i32 to vector<16xi32>
        %parallel_loop3A_1150 = arith.andi %parallel_loop3A_1147, %parallel_loop3A_1149 : vector<16xi32>
        %parallel_loop3A_1151 = vector.broadcast %sub3A : i32 to vector<16xi32>
        %parallel_loop3A_1152 = arith.cmpi eq, %parallel_loop3A_1132, %parallel_loop3A_1151 : vector<16xi32>
        tpu.vector_store_idx %arg7[%parallel_loop3A_1150], %broadcast_in_dim3A_11 masked %parallel_loop3A_1152 {add = true} : memref<2048xi32, #tpu.memory_space<vmem>>[vector<16xi32>], vector<16xi32>, vector<16xi1>
        tpu.vector_store_idx %arg10[%parallel_loop3A_1150], %parallel_loop3A_1135 masked %parallel_loop3A_1152 {add = true} : memref<2048xf32, #tpu.memory_space<vmem>>[vector<16xi32>], vector<16xf32>, vector<16xi1>
        %parallel_loop3A_1153 = vector.broadcast %sub3A_132 : i32 to vector<16xi32>
        %parallel_loop3A_1154 = arith.cmpi sge, %parallel_loop3A_1132, %parallel_loop3A_1153 : vector<16xi32>
        %parallel_loop3A_1155 = arith.constant 5 : i32
        %parallel_loop3A_1156 = arith.muli %parallel_loop3A_1108, %parallel_loop3A_1155 : i32
        %parallel_loop3A_1157 = arith.constant 1 : i32
        %parallel_loop3A_1158 = arith.addi %parallel_loop3A_1156, %parallel_loop3A_1157 : i32
        %parallel_loop3A_1159 = arith.constant 16 : i32
        %parallel_loop3A_1160 = arith.muli %parallel_loop3A_1158, %parallel_loop3A_1159 : i32
        %parallel_loop3A_1161 = arith.index_cast %parallel_loop3A_1160 : i32 to index
        %parallel_loop3A_1162 = tpu.vector_load %arg5[%parallel_loop3A_1161] {strides = array<i32>} : memref<100000xf32, #tpu.memory_space<vmem>>, vector<16xf32>,
        %parallel_loop3A_1163 = tpu.bitcast %parallel_loop3A_1162 : vector<16xf32> -> vector<16xi32>
        %parallel_loop3A_1164 = arith.constant 31 : i32
        %parallel_loop3A_1165 = vector.broadcast %parallel_loop3A_1164 : i32 to vector<16xi32>
        %parallel_loop3A_1166 = arith.shrsi %parallel_loop3A_1163, %parallel_loop3A_1165 : vector<16xi32>
        %parallel_loop3A_1167 = arith.constant 2147483647 : i32
        %parallel_loop3A_1168 = vector.broadcast %parallel_loop3A_1167 : i32 to vector<16xi32>
        %parallel_loop3A_1169 = arith.andi %parallel_loop3A_1166, %parallel_loop3A_1168 : vector<16xi32>
        %parallel_loop3A_1170 = arith.xori %parallel_loop3A_1163, %parallel_loop3A_1169 : vector<16xi32>
        %parallel_loop3A_1171 = arith.constant -2147483648 : i32
        %parallel_loop3A_1172 = vector.broadcast %parallel_loop3A_1171 : i32 to vector<16xi32>
        %parallel_loop3A_1173 = arith.xori %parallel_loop3A_1170, %parallel_loop3A_1172 : vector<16xi32>
        %parallel_loop3A_1174 = arith.constant 21 : i32
        %parallel_loop3A_1175 = vector.broadcast %parallel_loop3A_1174 : i32 to vector<16xi32>
        %parallel_loop3A_1176 = arith.shrui %parallel_loop3A_1173, %parallel_loop3A_1175 : vector<16xi32>
        %parallel_loop3A_1177 = vector.broadcast %bitcast_convert_type3A : f32 to vector<16xf32>
        %parallel_loop3A_1178 = arith.subf %parallel_loop3A_1162, %parallel_loop3A_1177 : vector<16xf32>
        %parallel_loop3A_1179 = math.exp %parallel_loop3A_1178 : vector<16xf32>
        %parallel_loop3A_1180 = vector.broadcast %sub3A : i32 to vector<16xi32>
        %parallel_loop3A_1181 = arith.cmpi sgt, %parallel_loop3A_1176, %parallel_loop3A_1180 : vector<16xi32>
        %parallel_loop3A_1182 = arith.constant 0.000000e+00 : f32
        %parallel_loop3A_1183 = vector.broadcast %parallel_loop3A_1182 : f32 to vector<16xf32>
        %parallel_loop3A_1184 = arith.select %parallel_loop3A_1181, %parallel_loop3A_1179, %parallel_loop3A_1183 : vector<16xi1>, vector<16xf32>
        %parallel_loop3A_1185 = arith.addf %parallel_loop3A_1141, %parallel_loop3A_1184 : vector<16xf32>
        %parallel_loop3A_1186 = arith.constant -2147483648 : i32
        %parallel_loop3A_1187 = vector.broadcast %parallel_loop3A_1186 : i32 to vector<16xi32>
        %parallel_loop3A_1188 = arith.xori %parallel_loop3A_1170, %parallel_loop3A_1187 : vector<16xi32>
        %parallel_loop3A_1189 = arith.constant 10 : i32
        %parallel_loop3A_1190 = vector.broadcast %parallel_loop3A_1189 : i32 to vector<16xi32>
        %parallel_loop3A_1191 = arith.shrui %parallel_loop3A_1188, %parallel_loop3A_1190 : vector<16xi32>
        %parallel_loop3A_1192 = arith.constant 2047 : i32
        %parallel_loop3A_1193 = vector.broadcast %parallel_loop3A_1192 : i32 to vector<16xi32>
        %parallel_loop3A_1194 = arith.andi %parallel_loop3A_1191, %parallel_loop3A_1193 : vector<16xi32>
        %parallel_loop3A_1195 = vector.broadcast %sub3A : i32 to vector<16xi32>
        %parallel_loop3A_1196 = arith.cmpi eq, %parallel_loop3A_1176, %parallel_loop3A_1195 : vector<16xi32>
        tpu.vector_store_idx %arg7[%parallel_loop3A_1194], %broadcast_in_dim3A_11 masked %parallel_loop3A_1196 {add = true} : memref<2048xi32, #tpu.memory_space<vmem>>[vector<16xi32>], vector<16xi32>, vector<16xi1>
        tpu.vector_store_idx %arg10[%parallel_loop3A_1194], %parallel_loop3A_1179 masked %parallel_loop3A_1196 {add = true} : memref<2048xf32, #tpu.memory_space<vmem>>[vector<16xi32>], vector<16xf32>, vector<16xi1>
        %parallel_loop3A_1197 = vector.broadcast %sub3A_132 : i32 to vector<16xi32>
        %parallel_loop3A_1198 = arith.cmpi sge, %parallel_loop3A_1176, %parallel_loop3A_1197 : vector<16xi32>
        %parallel_loop3A_1199 = arith.constant 5 : i32
        %parallel_loop3A_1200 = arith.muli %parallel_loop3A_1108, %parallel_loop3A_1199 : i32
        %parallel_loop3A_1201 = arith.constant 2 : i32
        %parallel_loop3A_1202 = arith.addi %parallel_loop3A_1200, %parallel_loop3A_1201 : i32
        %parallel_loop3A_1203 = arith.constant 16 : i32
        %parallel_loop3A_1204 = arith.muli %parallel_loop3A_1202, %parallel_loop3A_1203 : i32
        %parallel_loop3A_1205 = arith.index_cast %parallel_loop3A_1204 : i32 to index
        %parallel_loop3A_1206 = tpu.vector_load %arg5[%parallel_loop3A_1205] {strides = array<i32>} : memref<100000xf32, #tpu.memory_space<vmem>>, vector<16xf32>,
        %parallel_loop3A_1207 = tpu.bitcast %parallel_loop3A_1206 : vector<16xf32> -> vector<16xi32>
        %parallel_loop3A_1208 = arith.constant 31 : i32
        %parallel_loop3A_1209 = vector.broadcast %parallel_loop3A_1208 : i32 to vector<16xi32>
        %parallel_loop3A_1210 = arith.shrsi %parallel_loop3A_1207, %parallel_loop3A_1209 : vector<16xi32>
        %parallel_loop3A_1211 = arith.constant 2147483647 : i32
        %parallel_loop3A_1212 = vector.broadcast %parallel_loop3A_1211 : i32 to vector<16xi32>
        %parallel_loop3A_1213 = arith.andi %parallel_loop3A_1210, %parallel_loop3A_1212 : vector<16xi32>
        %parallel_loop3A_1214 = arith.xori %parallel_loop3A_1207, %parallel_loop3A_1213 : vector<16xi32>
        %parallel_loop3A_1215 = arith.constant -2147483648 : i32
        %parallel_loop3A_1216 = vector.broadcast %parallel_loop3A_1215 : i32 to vector<16xi32>
        %parallel_loop3A_1217 = arith.xori %parallel_loop3A_1214, %parallel_loop3A_1216 : vector<16xi32>
        %parallel_loop3A_1218 = arith.constant 21 : i32
        %parallel_loop3A_1219 = vector.broadcast %parallel_loop3A_1218 : i32 to vector<16xi32>
        %parallel_loop3A_1220 = arith.shrui %parallel_loop3A_1217, %parallel_loop3A_1219 : vector<16xi32>
        %parallel_loop3A_1221 = vector.broadcast %bitcast_convert_type3A : f32 to vector<16xf32>
        %parallel_loop3A_1222 = arith.subf %parallel_loop3A_1206, %parallel_loop3A_1221 : vector<16xf32>
        %parallel_loop3A_1223 = math.exp %parallel_loop3A_1222 : vector<16xf32>
        %parallel_loop3A_1224 = vector.broadcast %sub3A : i32 to vector<16xi32>
        %parallel_loop3A_1225 = arith.cmpi sgt, %parallel_loop3A_1220, %parallel_loop3A_1224 : vector<16xi32>
        %parallel_loop3A_1226 = arith.constant 0.000000e+00 : f32
        %parallel_loop3A_1227 = vector.broadcast %parallel_loop3A_1226 : f32 to vector<16xf32>
        %parallel_loop3A_1228 = arith.select %parallel_loop3A_1225, %parallel_loop3A_1223, %parallel_loop3A_1227 : vector<16xi1>, vector<16xf32>
        %parallel_loop3A_1229 = arith.addf %parallel_loop3A_1185, %parallel_loop3A_1228 : vector<16xf32>
        %parallel_loop3A_1230 = arith.constant -2147483648 : i32
        %parallel_loop3A_1231 = vector.broadcast %parallel_loop3A_1230 : i32 to vector<16xi32>
        %parallel_loop3A_1232 = arith.xori %parallel_loop3A_1214, %parallel_loop3A_1231 : vector<16xi32>
        %parallel_loop3A_1233 = arith.constant 10 : i32
        %parallel_loop3A_1234 = vector.broadcast %parallel_loop3A_1233 : i32 to vector<16xi32>
        %parallel_loop3A_1235 = arith.shrui %parallel_loop3A_1232, %parallel_loop3A_1234 : vector<16xi32>
        %parallel_loop3A_1236 = arith.constant 2047 : i32
        %parallel_loop3A_1237 = vector.broadcast %parallel_loop3A_1236 : i32 to vector<16xi32>
        %parallel_loop3A_1238 = arith.andi %parallel_loop3A_1235, %parallel_loop3A_1237 : vector<16xi32>
        %parallel_loop3A_1239 = vector.broadcast %sub3A : i32 to vector<16xi32>
        %parallel_loop3A_1240 = arith.cmpi eq, %parallel_loop3A_1220, %parallel_loop3A_1239 : vector<16xi32>
        tpu.vector_store_idx %arg7[%parallel_loop3A_1238], %broadcast_in_dim3A_11 masked %parallel_loop3A_1240 {add = true} : memref<2048xi32, #tpu.memory_space<vmem>>[vector<16xi32>], vector<16xi32>, vector<16xi1>
        tpu.vector_store_idx %arg10[%parallel_loop3A_1238], %parallel_loop3A_1223 masked %parallel_loop3A_1240 {add = true} : memref<2048xf32, #tpu.memory_space<vmem>>[vector<16xi32>], vector<16xf32>, vector<16xi1>
        %parallel_loop3A_1241 = vector.broadcast %sub3A_132 : i32 to vector<16xi32>
        %parallel_loop3A_1242 = arith.cmpi sge, %parallel_loop3A_1220, %parallel_loop3A_1241 : vector<16xi32>
        %parallel_loop3A_1243 = arith.constant 5 : i32
        %parallel_loop3A_1244 = arith.muli %parallel_loop3A_1108, %parallel_loop3A_1243 : i32
        %parallel_loop3A_1245 = arith.constant 3 : i32
        %parallel_loop3A_1246 = arith.addi %parallel_loop3A_1244, %parallel_loop3A_1245 : i32
        %parallel_loop3A_1247 = arith.constant 16 : i32
        %parallel_loop3A_1248 = arith.muli %parallel_loop3A_1246, %parallel_loop3A_1247 : i32
        %parallel_loop3A_1249 = arith.index_cast %parallel_loop3A_1248 : i32 to index
        %parallel_loop3A_1250 = tpu.vector_load %arg5[%parallel_loop3A_1249] {strides = array<i32>} : memref<100000xf32, #tpu.memory_space<vmem>>, vector<16xf32>,
        %parallel_loop3A_1251 = tpu.bitcast %parallel_loop3A_1250 : vector<16xf32> -> vector<16xi32>
        %parallel_loop3A_1252 = arith.constant 31 : i32
        %parallel_loop3A_1253 = vector.broadcast %parallel_loop3A_1252 : i32 to vector<16xi32>
        %parallel_loop3A_1254 = arith.shrsi %parallel_loop3A_1251, %parallel_loop3A_1253 : vector<16xi32>
        %parallel_loop3A_1255 = arith.constant 2147483647 : i32
        %parallel_loop3A_1256 = vector.broadcast %parallel_loop3A_1255 : i32 to vector<16xi32>
        %parallel_loop3A_1257 = arith.andi %parallel_loop3A_1254, %parallel_loop3A_1256 : vector<16xi32>
        %parallel_loop3A_1258 = arith.xori %parallel_loop3A_1251, %parallel_loop3A_1257 : vector<16xi32>
        %parallel_loop3A_1259 = arith.constant -2147483648 : i32
        %parallel_loop3A_1260 = vector.broadcast %parallel_loop3A_1259 : i32 to vector<16xi32>
        %parallel_loop3A_1261 = arith.xori %parallel_loop3A_1258, %parallel_loop3A_1260 : vector<16xi32>
        %parallel_loop3A_1262 = arith.constant 21 : i32
        %parallel_loop3A_1263 = vector.broadcast %parallel_loop3A_1262 : i32 to vector<16xi32>
        %parallel_loop3A_1264 = arith.shrui %parallel_loop3A_1261, %parallel_loop3A_1263 : vector<16xi32>
        %parallel_loop3A_1265 = vector.broadcast %bitcast_convert_type3A : f32 to vector<16xf32>
        %parallel_loop3A_1266 = arith.subf %parallel_loop3A_1250, %parallel_loop3A_1265 : vector<16xf32>
        %parallel_loop3A_1267 = math.exp %parallel_loop3A_1266 : vector<16xf32>
        %parallel_loop3A_1268 = vector.broadcast %sub3A : i32 to vector<16xi32>
        %parallel_loop3A_1269 = arith.cmpi sgt, %parallel_loop3A_1264, %parallel_loop3A_1268 : vector<16xi32>
        %parallel_loop3A_1270 = arith.constant 0.000000e+00 : f32
        %parallel_loop3A_1271 = vector.broadcast %parallel_loop3A_1270 : f32 to vector<16xf32>
        %parallel_loop3A_1272 = arith.select %parallel_loop3A_1269, %parallel_loop3A_1267, %parallel_loop3A_1271 : vector<16xi1>, vector<16xf32>
        %parallel_loop3A_1273 = arith.addf %parallel_loop3A_1229, %parallel_loop3A_1272 : vector<16xf32>
        %parallel_loop3A_1274 = arith.constant -2147483648 : i32
        %parallel_loop3A_1275 = vector.broadcast %parallel_loop3A_1274 : i32 to vector<16xi32>
        %parallel_loop3A_1276 = arith.xori %parallel_loop3A_1258, %parallel_loop3A_1275 : vector<16xi32>
        %parallel_loop3A_1277 = arith.constant 10 : i32
        %parallel_loop3A_1278 = vector.broadcast %parallel_loop3A_1277 : i32 to vector<16xi32>
        %parallel_loop3A_1279 = arith.shrui %parallel_loop3A_1276, %parallel_loop3A_1278 : vector<16xi32>
        %parallel_loop3A_1280 = arith.constant 2047 : i32
        %parallel_loop3A_1281 = vector.broadcast %parallel_loop3A_1280 : i32 to vector<16xi32>
        %parallel_loop3A_1282 = arith.andi %parallel_loop3A_1279, %parallel_loop3A_1281 : vector<16xi32>
        %parallel_loop3A_1283 = vector.broadcast %sub3A : i32 to vector<16xi32>
        %parallel_loop3A_1284 = arith.cmpi eq, %parallel_loop3A_1264, %parallel_loop3A_1283 : vector<16xi32>
        tpu.vector_store_idx %arg7[%parallel_loop3A_1282], %broadcast_in_dim3A_11 masked %parallel_loop3A_1284 {add = true} : memref<2048xi32, #tpu.memory_space<vmem>>[vector<16xi32>], vector<16xi32>, vector<16xi1>
        tpu.vector_store_idx %arg10[%parallel_loop3A_1282], %parallel_loop3A_1267 masked %parallel_loop3A_1284 {add = true} : memref<2048xf32, #tpu.memory_space<vmem>>[vector<16xi32>], vector<16xf32>, vector<16xi1>
        %parallel_loop3A_1285 = vector.broadcast %sub3A_132 : i32 to vector<16xi32>
        %parallel_loop3A_1286 = arith.cmpi sge, %parallel_loop3A_1264, %parallel_loop3A_1285 : vector<16xi32>
        %parallel_loop3A_1287 = arith.constant 5 : i32
        %parallel_loop3A_1288 = arith.muli %parallel_loop3A_1108, %parallel_loop3A_1287 : i32
        %parallel_loop3A_1289 = arith.constant 4 : i32
        %parallel_loop3A_1290 = arith.addi %parallel_loop3A_1288, %parallel_loop3A_1289 : i32
        %parallel_loop3A_1291 = arith.constant 16 : i32
        %parallel_loop3A_1292 = arith.muli %parallel_loop3A_1290, %parallel_loop3A_1291 : i32
        %parallel_loop3A_1293 = arith.index_cast %parallel_loop3A_1292 : i32 to index
        %parallel_loop3A_1294 = tpu.vector_load %arg5[%parallel_loop3A_1293] {strides = array<i32>} : memref<100000xf32, #tpu.memory_space<vmem>>, vector<16xf32>,
        %parallel_loop3A_1295 = tpu.bitcast %parallel_loop3A_1294 : vector<16xf32> -> vector<16xi32>
        %parallel_loop3A_1296 = arith.constant 31 : i32
        %parallel_loop3A_1297 = vector.broadcast %parallel_loop3A_1296 : i32 to vector<16xi32>
        %parallel_loop3A_1298 = arith.shrsi %parallel_loop3A_1295, %parallel_loop3A_1297 : vector<16xi32>
        %parallel_loop3A_1299 = arith.constant 2147483647 : i32
        %parallel_loop3A_1300 = vector.broadcast %parallel_loop3A_1299 : i32 to vector<16xi32>
        %parallel_loop3A_1301 = arith.andi %parallel_loop3A_1298, %parallel_loop3A_1300 : vector<16xi32>
        %parallel_loop3A_1302 = arith.xori %parallel_loop3A_1295, %parallel_loop3A_1301 : vector<16xi32>
        %parallel_loop3A_1303 = arith.constant -2147483648 : i32
        %parallel_loop3A_1304 = vector.broadcast %parallel_loop3A_1303 : i32 to vector<16xi32>
        %parallel_loop3A_1305 = arith.xori %parallel_loop3A_1302, %parallel_loop3A_1304 : vector<16xi32>
        %parallel_loop3A_1306 = arith.constant 21 : i32
        %parallel_loop3A_1307 = vector.broadcast %parallel_loop3A_1306 : i32 to vector<16xi32>
        %parallel_loop3A_1308 = arith.shrui %parallel_loop3A_1305, %parallel_loop3A_1307 : vector<16xi32>
        %parallel_loop3A_1309 = vector.broadcast %bitcast_convert_type3A : f32 to vector<16xf32>
        %parallel_loop3A_1310 = arith.subf %parallel_loop3A_1294, %parallel_loop3A_1309 : vector<16xf32>
        %parallel_loop3A_1311 = math.exp %parallel_loop3A_1310 : vector<16xf32>
        %parallel_loop3A_1312 = vector.broadcast %sub3A : i32 to vector<16xi32>
        %parallel_loop3A_1313 = arith.cmpi sgt, %parallel_loop3A_1308, %parallel_loop3A_1312 : vector<16xi32>
        %parallel_loop3A_1314 = arith.constant 0.000000e+00 : f32
        %parallel_loop3A_1315 = vector.broadcast %parallel_loop3A_1314 : f32 to vector<16xf32>
        %parallel_loop3A_1316 = arith.select %parallel_loop3A_1313, %parallel_loop3A_1311, %parallel_loop3A_1315 : vector<16xi1>, vector<16xf32>
        %parallel_loop3A_1317 = arith.addf %parallel_loop3A_1273, %parallel_loop3A_1316 : vector<16xf32>
        %parallel_loop3A_1318 = arith.constant -2147483648 : i32
        %parallel_loop3A_1319 = vector.broadcast %parallel_loop3A_1318 : i32 to vector<16xi32>
        %parallel_loop3A_1320 = arith.xori %parallel_loop3A_1302, %parallel_loop3A_1319 : vector<16xi32>
        %parallel_loop3A_1321 = arith.constant 10 : i32
        %parallel_loop3A_1322 = vector.broadcast %parallel_loop3A_1321 : i32 to vector<16xi32>
        %parallel_loop3A_1323 = arith.shrui %parallel_loop3A_1320, %parallel_loop3A_1322 : vector<16xi32>
        %parallel_loop3A_1324 = arith.constant 2047 : i32
        %parallel_loop3A_1325 = vector.broadcast %parallel_loop3A_1324 : i32 to vector<16xi32>
        %parallel_loop3A_1326 = arith.andi %parallel_loop3A_1323, %parallel_loop3A_1325 : vector<16xi32>
        %parallel_loop3A_1327 = vector.broadcast %sub3A : i32 to vector<16xi32>
        %parallel_loop3A_1328 = arith.cmpi eq, %parallel_loop3A_1308, %parallel_loop3A_1327 : vector<16xi32>
        tpu.vector_store_idx %arg7[%parallel_loop3A_1326], %broadcast_in_dim3A_11 masked %parallel_loop3A_1328 {add = true} : memref<2048xi32, #tpu.memory_space<vmem>>[vector<16xi32>], vector<16xi32>, vector<16xi1>
        tpu.vector_store_idx %arg10[%parallel_loop3A_1326], %parallel_loop3A_1311 masked %parallel_loop3A_1328 {add = true} : memref<2048xf32, #tpu.memory_space<vmem>>[vector<16xi32>], vector<16xf32>, vector<16xi1>
        %parallel_loop3A_1329 = vector.broadcast %sub3A_132 : i32 to vector<16xi32>
        %parallel_loop3A_1330 = arith.cmpi sge, %parallel_loop3A_1308, %parallel_loop3A_1329 : vector<16xi32>
        %parallel_loop3A_1331 = arith.ori %parallel_loop3A_1154, %parallel_loop3A_1198 : vector<16xi1>
        %parallel_loop3A_1332 = arith.ori %parallel_loop3A_1331, %parallel_loop3A_1242 : vector<16xi1>
        %parallel_loop3A_1333 = arith.ori %parallel_loop3A_1332, %parallel_loop3A_1286 : vector<16xi1>
        %parallel_loop3A_1334 = arith.ori %parallel_loop3A_1333, %parallel_loop3A_1330 : vector<16xi1>
        %parallel_loop3A_1335 = tpu.all_reduce %parallel_loop3A_1334 {dim = 0 : i64, kind = #tpu.reduction_kind<sum>} : vector<16xi1> -> vector<16xi32>
        %parallel_loop3A_1336 = tpu.iota {dimensions = array<i32: 0>} : vector<16xi32>
        %parallel_loop3A_1337 = arith.constant 0 : i32
        %parallel_loop3A_1338 = vector.broadcast %parallel_loop3A_1337 : i32 to vector<16xi32>
        %parallel_loop3A_1339 = arith.cmpi eq, %parallel_loop3A_1336, %parallel_loop3A_1338 : vector<16xi32>
        %parallel_loop3A_1340 = arith.constant 0 : i32
        %parallel_loop3A_1341 = vector.broadcast %parallel_loop3A_1340 : i32 to vector<16xi32>
        %parallel_loop3A_1342 = arith.select %parallel_loop3A_1339, %parallel_loop3A_1335, %parallel_loop3A_1341 : vector<16xi1>, vector<16xi32>
        %parallel_loop3A_1343 = arith.constant true
        %parallel_loop3A_1344 = vector.broadcast %parallel_loop3A_1343 : i1 to vector<16xi1>
        %parallel_loop3A_1345 = tpu.scan <sum>, %parallel_loop3A_1342 masked %parallel_loop3A_1344 : vector<16xi32>, vector<16xi1> -> vector<16xi32>
        %parallel_loop3A_1346 = vector.extract %parallel_loop3A_1345[15] : i32 from vector<16xi32>
        %parallel_loop3A_1347 = arith.constant 0 : i32
        %parallel_loop3A_1348 = arith.cmpi sgt, %parallel_loop3A_1346, %parallel_loop3A_1347 : i32
        %parallel_loop3A_1349 = arith.extui %parallel_loop3A_1348 : i1 to i32
        %parallel_loop3A_1350 = arith.constant 0 : i32
        %parallel_loop3A_1351 = arith.cmpi ne, %parallel_loop3A_1349, %parallel_loop3A_1350 : i32
        %parallel_loop3A_1352 = scf.if %parallel_loop3A_1351 -> (vector<16xi32>) {
          %parallel_loop3A_1353 = arith.extui %parallel_loop3A_1154 : vector<16xi1> to vector<16xi32>
          %parallel_loop3A_1354 = arith.constant true
          %parallel_loop3A_1355 = vector.broadcast %parallel_loop3A_1354 : i1 to vector<16xi1>
          %parallel_loop3A_1356 = tpu.scan <sum>, %parallel_loop3A_1353 masked %parallel_loop3A_1355 : vector<16xi32>, vector<16xi1> -> vector<16xi32>
          %parallel_loop3A_1357 = arith.addi %parallel_loop3A_1109, %parallel_loop3A_1356 : vector<16xi32>
          %parallel_loop3A_1358 = arith.constant 1 : i32
          %parallel_loop3A_1359 = vector.broadcast %parallel_loop3A_1358 : i32 to vector<16xi32>
          %parallel_loop3A_1360 = arith.subi %parallel_loop3A_1357, %parallel_loop3A_1359 : vector<16xi32>
          %parallel_loop3A_1361 = arith.constant 512 : i32
          %parallel_loop3A_1362 = vector.broadcast %parallel_loop3A_1361 : i32 to vector<16xi32>
          %parallel_loop3A_1363 = arith.cmpi slt, %parallel_loop3A_1360, %parallel_loop3A_1362 : vector<16xi32>
          %parallel_loop3A_1364 = arith.andi %parallel_loop3A_1154, %parallel_loop3A_1363 : vector<16xi1>
          tpu.vector_store_idx %arg11[%parallel_loop3A_1360], %parallel_loop3A_1126 masked %parallel_loop3A_1364 : memref<512xi32, #tpu.memory_space<vmem>>[vector<16xi32>], vector<16xi32>, vector<16xi1>
          %parallel_loop3A_1365 = arith.constant 5 : i32
          %parallel_loop3A_1366 = arith.muli %parallel_loop3A_1108, %parallel_loop3A_1365 : i32
          %parallel_loop3A_1367 = arith.constant 0 : i32
          %parallel_loop3A_1368 = arith.addi %parallel_loop3A_1366, %parallel_loop3A_1367 : i32
          %parallel_loop3A_1369 = arith.constant 16 : i32
          %parallel_loop3A_1370 = arith.muli %parallel_loop3A_1368, %parallel_loop3A_1369 : i32
          %parallel_loop3A_1371 = vector.broadcast %parallel_loop3A_1370 : i32 to vector<16xi32>
          %parallel_loop3A_1372 = arith.addi %parallel_loop3A_1371, %iota3A_10 : vector<16xi32>
          tpu.vector_store_idx %arg12[%parallel_loop3A_1360], %parallel_loop3A_1372 masked %parallel_loop3A_1364 : memref<512xi32, #tpu.memory_space<vmem>>[vector<16xi32>], vector<16xi32>, vector<16xi1>
          %parallel_loop3A_1373 = tpu.all_reduce %parallel_loop3A_1154 {dim = 0 : i64, kind = #tpu.reduction_kind<sum>} : vector<16xi1> -> vector<16xi32>
          %parallel_loop3A_1374 = arith.addi %parallel_loop3A_1109, %parallel_loop3A_1373 : vector<16xi32>
          %parallel_loop3A_1375 = arith.extui %parallel_loop3A_1198 : vector<16xi1> to vector<16xi32>
          %parallel_loop3A_1376 = arith.constant true
          %parallel_loop3A_1377 = vector.broadcast %parallel_loop3A_1376 : i1 to vector<16xi1>
          %parallel_loop3A_1378 = tpu.scan <sum>, %parallel_loop3A_1375 masked %parallel_loop3A_1377 : vector<16xi32>, vector<16xi1> -> vector<16xi32>
          %parallel_loop3A_1379 = arith.addi %parallel_loop3A_1374, %parallel_loop3A_1378 : vector<16xi32>
          %parallel_loop3A_1380 = arith.constant 1 : i32
          %parallel_loop3A_1381 = vector.broadcast %parallel_loop3A_1380 : i32 to vector<16xi32>
          %parallel_loop3A_1382 = arith.subi %parallel_loop3A_1379, %parallel_loop3A_1381 : vector<16xi32>
          %parallel_loop3A_1383 = arith.constant 512 : i32
          %parallel_loop3A_1384 = vector.broadcast %parallel_loop3A_1383 : i32 to vector<16xi32>
          %parallel_loop3A_1385 = arith.cmpi slt, %parallel_loop3A_1382, %parallel_loop3A_1384 : vector<16xi32>
          %parallel_loop3A_1386 = arith.andi %parallel_loop3A_1198, %parallel_loop3A_1385 : vector<16xi1>
          tpu.vector_store_idx %arg11[%parallel_loop3A_1382], %parallel_loop3A_1170 masked %parallel_loop3A_1386 : memref<512xi32, #tpu.memory_space<vmem>>[vector<16xi32>], vector<16xi32>, vector<16xi1>
          %parallel_loop3A_1387 = arith.constant 5 : i32
          %parallel_loop3A_1388 = arith.muli %parallel_loop3A_1108, %parallel_loop3A_1387 : i32
          %parallel_loop3A_1389 = arith.constant 1 : i32
          %parallel_loop3A_1390 = arith.addi %parallel_loop3A_1388, %parallel_loop3A_1389 : i32
          %parallel_loop3A_1391 = arith.constant 16 : i32
          %parallel_loop3A_1392 = arith.muli %parallel_loop3A_1390, %parallel_loop3A_1391 : i32
          %parallel_loop3A_1393 = vector.broadcast %parallel_loop3A_1392 : i32 to vector<16xi32>
          %parallel_loop3A_1394 = arith.addi %parallel_loop3A_1393, %iota3A_10 : vector<16xi32>
          tpu.vector_store_idx %arg12[%parallel_loop3A_1382], %parallel_loop3A_1394 masked %parallel_loop3A_1386 : memref<512xi32, #tpu.memory_space<vmem>>[vector<16xi32>], vector<16xi32>, vector<16xi1>
          %parallel_loop3A_1395 = tpu.all_reduce %parallel_loop3A_1198 {dim = 0 : i64, kind = #tpu.reduction_kind<sum>} : vector<16xi1> -> vector<16xi32>
          %parallel_loop3A_1396 = arith.addi %parallel_loop3A_1374, %parallel_loop3A_1395 : vector<16xi32>
          %parallel_loop3A_1397 = arith.extui %parallel_loop3A_1242 : vector<16xi1> to vector<16xi32>
          %parallel_loop3A_1398 = arith.constant true
          %parallel_loop3A_1399 = vector.broadcast %parallel_loop3A_1398 : i1 to vector<16xi1>
          %parallel_loop3A_1400 = tpu.scan <sum>, %parallel_loop3A_1397 masked %parallel_loop3A_1399 : vector<16xi32>, vector<16xi1> -> vector<16xi32>
          %parallel_loop3A_1401 = arith.addi %parallel_loop3A_1396, %parallel_loop3A_1400 : vector<16xi32>
          %parallel_loop3A_1402 = arith.constant 1 : i32
          %parallel_loop3A_1403 = vector.broadcast %parallel_loop3A_1402 : i32 to vector<16xi32>
          %parallel_loop3A_1404 = arith.subi %parallel_loop3A_1401, %parallel_loop3A_1403 : vector<16xi32>
          %parallel_loop3A_1405 = arith.constant 512 : i32
          %parallel_loop3A_1406 = vector.broadcast %parallel_loop3A_1405 : i32 to vector<16xi32>
          %parallel_loop3A_1407 = arith.cmpi slt, %parallel_loop3A_1404, %parallel_loop3A_1406 : vector<16xi32>
          %parallel_loop3A_1408 = arith.andi %parallel_loop3A_1242, %parallel_loop3A_1407 : vector<16xi1>
          tpu.vector_store_idx %arg11[%parallel_loop3A_1404], %parallel_loop3A_1214 masked %parallel_loop3A_1408 : memref<512xi32, #tpu.memory_space<vmem>>[vector<16xi32>], vector<16xi32>, vector<16xi1>
          %parallel_loop3A_1409 = arith.constant 5 : i32
          %parallel_loop3A_1410 = arith.muli %parallel_loop3A_1108, %parallel_loop3A_1409 : i32
          %parallel_loop3A_1411 = arith.constant 2 : i32
          %parallel_loop3A_1412 = arith.addi %parallel_loop3A_1410, %parallel_loop3A_1411 : i32
          %parallel_loop3A_1413 = arith.constant 16 : i32
          %parallel_loop3A_1414 = arith.muli %parallel_loop3A_1412, %parallel_loop3A_1413 : i32
          %parallel_loop3A_1415 = vector.broadcast %parallel_loop3A_1414 : i32 to vector<16xi32>
          %parallel_loop3A_1416 = arith.addi %parallel_loop3A_1415, %iota3A_10 : vector<16xi32>
          tpu.vector_store_idx %arg12[%parallel_loop3A_1404], %parallel_loop3A_1416 masked %parallel_loop3A_1408 : memref<512xi32, #tpu.memory_space<vmem>>[vector<16xi32>], vector<16xi32>, vector<16xi1>
          %parallel_loop3A_1417 = tpu.all_reduce %parallel_loop3A_1242 {dim = 0 : i64, kind = #tpu.reduction_kind<sum>} : vector<16xi1> -> vector<16xi32>
          %parallel_loop3A_1418 = arith.addi %parallel_loop3A_1396, %parallel_loop3A_1417 : vector<16xi32>
          %parallel_loop3A_1419 = arith.extui %parallel_loop3A_1286 : vector<16xi1> to vector<16xi32>
          %parallel_loop3A_1420 = arith.constant true
          %parallel_loop3A_1421 = vector.broadcast %parallel_loop3A_1420 : i1 to vector<16xi1>
          %parallel_loop3A_1422 = tpu.scan <sum>, %parallel_loop3A_1419 masked %parallel_loop3A_1421 : vector<16xi32>, vector<16xi1> -> vector<16xi32>
          %parallel_loop3A_1423 = arith.addi %parallel_loop3A_1418, %parallel_loop3A_1422 : vector<16xi32>
          %parallel_loop3A_1424 = arith.constant 1 : i32
          %parallel_loop3A_1425 = vector.broadcast %parallel_loop3A_1424 : i32 to vector<16xi32>
          %parallel_loop3A_1426 = arith.subi %parallel_loop3A_1423, %parallel_loop3A_1425 : vector<16xi32>
          %parallel_loop3A_1427 = arith.constant 512 : i32
          %parallel_loop3A_1428 = vector.broadcast %parallel_loop3A_1427 : i32 to vector<16xi32>
          %parallel_loop3A_1429 = arith.cmpi slt, %parallel_loop3A_1426, %parallel_loop3A_1428 : vector<16xi32>
          %parallel_loop3A_1430 = arith.andi %parallel_loop3A_1286, %parallel_loop3A_1429 : vector<16xi1>
          tpu.vector_store_idx %arg11[%parallel_loop3A_1426], %parallel_loop3A_1258 masked %parallel_loop3A_1430 : memref<512xi32, #tpu.memory_space<vmem>>[vector<16xi32>], vector<16xi32>, vector<16xi1>
          %parallel_loop3A_1431 = arith.constant 5 : i32
          %parallel_loop3A_1432 = arith.muli %parallel_loop3A_1108, %parallel_loop3A_1431 : i32
          %parallel_loop3A_1433 = arith.constant 3 : i32
          %parallel_loop3A_1434 = arith.addi %parallel_loop3A_1432, %parallel_loop3A_1433 : i32
          %parallel_loop3A_1435 = arith.constant 16 : i32
          %parallel_loop3A_1436 = arith.muli %parallel_loop3A_1434, %parallel_loop3A_1435 : i32
          %parallel_loop3A_1437 = vector.broadcast %parallel_loop3A_1436 : i32 to vector<16xi32>
          %parallel_loop3A_1438 = arith.addi %parallel_loop3A_1437, %iota3A_10 : vector<16xi32>
          tpu.vector_store_idx %arg12[%parallel_loop3A_1426], %parallel_loop3A_1438 masked %parallel_loop3A_1430 : memref<512xi32, #tpu.memory_space<vmem>>[vector<16xi32>], vector<16xi32>, vector<16xi1>
          %parallel_loop3A_1439 = tpu.all_reduce %parallel_loop3A_1286 {dim = 0 : i64, kind = #tpu.reduction_kind<sum>} : vector<16xi1> -> vector<16xi32>
          %parallel_loop3A_1440 = arith.addi %parallel_loop3A_1418, %parallel_loop3A_1439 : vector<16xi32>
          %parallel_loop3A_1441 = arith.extui %parallel_loop3A_1330 : vector<16xi1> to vector<16xi32>
          %parallel_loop3A_1442 = arith.constant true
          %parallel_loop3A_1443 = vector.broadcast %parallel_loop3A_1442 : i1 to vector<16xi1>
          %parallel_loop3A_1444 = tpu.scan <sum>, %parallel_loop3A_1441 masked %parallel_loop3A_1443 : vector<16xi32>, vector<16xi1> -> vector<16xi32>
          %parallel_loop3A_1445 = arith.addi %parallel_loop3A_1440, %parallel_loop3A_1444 : vector<16xi32>
          %parallel_loop3A_1446 = arith.constant 1 : i32
          %parallel_loop3A_1447 = vector.broadcast %parallel_loop3A_1446 : i32 to vector<16xi32>
          %parallel_loop3A_1448 = arith.subi %parallel_loop3A_1445, %parallel_loop3A_1447 : vector<16xi32>
          %parallel_loop3A_1449 = arith.constant 512 : i32
          %parallel_loop3A_1450 = vector.broadcast %parallel_loop3A_1449 : i32 to vector<16xi32>
          %parallel_loop3A_1451 = arith.cmpi slt, %parallel_loop3A_1448, %parallel_loop3A_1450 : vector<16xi32>
          %parallel_loop3A_1452 = arith.andi %parallel_loop3A_1330, %parallel_loop3A_1451 : vector<16xi1>
          tpu.vector_store_idx %arg11[%parallel_loop3A_1448], %parallel_loop3A_1302 masked %parallel_loop3A_1452 : memref<512xi32, #tpu.memory_space<vmem>>[vector<16xi32>], vector<16xi32>, vector<16xi1>
          %parallel_loop3A_1453 = arith.constant 5 : i32
          %parallel_loop3A_1454 = arith.muli %parallel_loop3A_1108, %parallel_loop3A_1453 : i32
          %parallel_loop3A_1455 = arith.constant 4 : i32
          %parallel_loop3A_1456 = arith.addi %parallel_loop3A_1454, %parallel_loop3A_1455 : i32
          %parallel_loop3A_1457 = arith.constant 16 : i32
          %parallel_loop3A_1458 = arith.muli %parallel_loop3A_1456, %parallel_loop3A_1457 : i32
          %parallel_loop3A_1459 = vector.broadcast %parallel_loop3A_1458 : i32 to vector<16xi32>
          %parallel_loop3A_1460 = arith.addi %parallel_loop3A_1459, %iota3A_10 : vector<16xi32>
          tpu.vector_store_idx %arg12[%parallel_loop3A_1448], %parallel_loop3A_1460 masked %parallel_loop3A_1452 : memref<512xi32, #tpu.memory_space<vmem>>[vector<16xi32>], vector<16xi32>, vector<16xi1>
          %parallel_loop3A_1461 = tpu.all_reduce %parallel_loop3A_1330 {dim = 0 : i64, kind = #tpu.reduction_kind<sum>} : vector<16xi1> -> vector<16xi32>
          %parallel_loop3A_1462 = arith.addi %parallel_loop3A_1440, %parallel_loop3A_1461 : vector<16xi32>
          scf.yield %parallel_loop3A_1462 : vector<16xi32>
        } else {
          scf.yield %parallel_loop3A_1109 : vector<16xi32>
        }
        scf.yield %parallel_loop3A_1352, %parallel_loop3A_1317 : vector<16xi32>, vector<16xf32>
      } {sc.loop_unroll_factor = 2 : i64, sc.parallel_access}
      %reduce_sum3A_158 = arith.constant true
      %reduce_sum3A_159 = vector.broadcast %reduce_sum3A_158 : i1 to vector<16xi1>
      %reduce_sum3A_160 = tpu.scan <sum>, %parallel_loop3A_157#1 masked %reduce_sum3A_159 : vector<16xf32>, vector<16xi1> -> vector<16xf32>
      %reduce_sum3A_161 = vector.extract %reduce_sum3A_160[15] : f32 from vector<16xf32>
      %sub3A_162 = arith.constant 10000 : i32
      %sub3A_163 = arith.subi %sub3A_162, %sub3A_71 : i32
      %iota3A_164 = tpu.iota {dimensions = array<i32: 0>} : vector<16xi32>
      %scan3A_165 = arith.constant 0 : i32
      %scan3A_166 = arith.constant 0 : i32
      %scan3A_167 = arith.constant 0 : i32
      %scan3A_168 = arith.constant 0 : i32
      %scan3A_169 = arith.constant 0 : i32
      %scan3A_170 = arith.constant 128 : i32
      %scan3A_171 = arith.addi %scan3A_169, %scan3A_170 : i32
      %scan3A_172 = arith.constant 1 : i32
      %scan3A_173:4 = scf.for %scan3A_1108 = %scan3A_169 to %scan3A_171 step %scan3A_172 iter_args(%scan3A_1109 = %scan3A_165, %scan3A_1110 = %scan3A_166, %scan3A_1111 = %scan3A_167, %scan3A_1112 = %scan3A_168) -> (i32, i32, i32, i32)  : i32 {
        %sub3A_1113 = arith.constant 127 : i32
        %sub3A_1114 = arith.subi %sub3A_1113, %scan3A_1108 : i32
        %mul3A_1115 = arith.constant 16 : i32
        %mul3A_1116 = arith.muli %sub3A_1114, %mul3A_1115 : i32
        %get3A_1117 = arith.index_cast %mul3A_1116 : i32 to index
        %get3A_1118 = tpu.vector_load %arg7[%get3A_1117] {strides = array<i32>} : memref<2048xi32, #tpu.memory_space<vmem>>, vector<16xi32>,
        %reduce_sum3A_1119 = arith.constant true
        %reduce_sum3A_1120 = vector.broadcast %reduce_sum3A_1119 : i1 to vector<16xi1>
        %reduce_sum3A_1121 = tpu.scan <sum>, %get3A_1118 masked %reduce_sum3A_1120 : vector<16xi32>, vector<16xi1> -> vector<16xi32>
        %reduce_sum3A_1122 = vector.extract %reduce_sum3A_1121[15] : i32 from vector<16xi32>
        %add3A_1123 = arith.addi %scan3A_1109, %reduce_sum3A_1122 : i32
        %ge3A_1124 = arith.cmpi sge, %add3A_1123, %sub3A_163 : i32
        %eq3A_1125 = arith.constant 0 : i32
        %eq3A_1126 = arith.cmpi eq, %scan3A_1112, %eq3A_1125 : i32
        %and3A_1127 = arith.andi %ge3A_1124, %eq3A_1126 : i1
        %select_n3A_1128 = arith.select %and3A_1127, %sub3A_1114, %scan3A_1110 : i32
        %select_n3A_1129 = arith.select %and3A_1127, %scan3A_1109, %scan3A_1111 : i32
        %jit3A_1130 = arith.constant 1 : i32
        %select_n3A_1131 = arith.select %and3A_1127, %jit3A_1130, %scan3A_1112 : i32
        scf.yield %add3A_1123, %select_n3A_1128, %select_n3A_1129, %select_n3A_1131 : i32, i32, i32, i32
      }
      %scan3A_174 = arith.constant 128 : i32
      %mul3A_175 = arith.constant 16 : i32
      %mul3A_176 = arith.muli %scan3A_173#1, %mul3A_175 : i32
      %get3A_177 = arith.index_cast %mul3A_176 : i32 to index
      %get3A_178 = tpu.vector_load %arg7[%get3A_177] {strides = array<i32>} : memref<2048xi32, #tpu.memory_space<vmem>>, vector<16xi32>,
      %rev3A_179 = arith.constant 15 : i32
      %rev3A_180 = vector.broadcast %rev3A_179 : i32 to vector<16xi32>
      %rev3A_181 = tpu.iota {dimensions = array<i32: 0>} : vector<16xi32>
      %rev3A_182 = arith.subi %rev3A_180, %rev3A_181 : vector<16xi32>
      %rev3A_183 = tpu.dynamic_gather %get3A_178[%rev3A_182] in [0] : vector<16xi32>, vector<16xi32> -> vector<16xi32>
      %broadcast_in_dim3A_184 = arith.constant true
      %broadcast_in_dim3A_185 = vector.broadcast %broadcast_in_dim3A_184 : i1 to vector<16xi1>
      %masked_cumsum3A_186 = tpu.scan <sum>, %rev3A_183 masked %broadcast_in_dim3A_185 : vector<16xi32>, vector<16xi1> -> vector<16xi32>
      %add3A_187 = vector.broadcast %scan3A_173#2 : i32 to vector<16xi32>
      %add3A_188 = arith.addi %add3A_187, %masked_cumsum3A_186 : vector<16xi32>
      %ge3A_189 = vector.broadcast %sub3A_163 : i32 to vector<16xi32>
      %ge3A_190 = arith.cmpi sge, %add3A_188, %ge3A_189 : vector<16xi32>
      %all_reduce_ffs3A_191 = tpu.all_reduce %ge3A_190 {dim = 0 : i64, kind = #tpu.reduction_kind<find_first_set>} : vector<16xi1> -> vector<16xi32>
      %eq3A_192 = arith.cmpi eq, %iota3A_164, %all_reduce_ffs3A_191 : vector<16xi32>
      %jit3A_193 = arith.constant 0 : i32
      %broadcast_in_dim3A_194 = vector.broadcast %jit3A_193 : i32 to vector<16xi32>
      %select_n3A_195 = arith.select %eq3A_192, %masked_cumsum3A_186, %broadcast_in_dim3A_194 : vector<16xi1>, vector<16xi32>
      %reduce_sum3A_196 = arith.constant true
      %reduce_sum3A_197 = vector.broadcast %reduce_sum3A_196 : i1 to vector<16xi1>
      %reduce_sum3A_198 = tpu.scan <sum>, %select_n3A_195 masked %reduce_sum3A_197 : vector<16xi32>, vector<16xi1> -> vector<16xi32>
      %reduce_sum3A_199 = vector.extract %reduce_sum3A_198[15] : i32 from vector<16xi32>
      %jit3A_200 = arith.constant 0 : i32
      %broadcast_in_dim3A_201 = vector.broadcast %jit3A_200 : i32 to vector<16xi32>
      %select_n3A_202 = arith.select %eq3A_192, %rev3A_183, %broadcast_in_dim3A_201 : vector<16xi1>, vector<16xi32>
      %reduce_sum3A_203 = arith.constant true
      %reduce_sum3A_204 = vector.broadcast %reduce_sum3A_203 : i1 to vector<16xi1>
      %reduce_sum3A_205 = tpu.scan <sum>, %select_n3A_202 masked %reduce_sum3A_204 : vector<16xi32>, vector<16xi1> -> vector<16xi32>
      %reduce_sum3A_206 = vector.extract %reduce_sum3A_205[15] : i32 from vector<16xi32>
      %mul3A_207 = arith.constant 16 : i32
      %mul3A_208 = arith.muli %scan3A_173#1, %mul3A_207 : i32
      %add3A_209 = arith.constant 15 : i32
      %add3A_210 = arith.addi %mul3A_208, %add3A_209 : i32
      %iota3A_211 = tpu.iota {dimensions = array<i32: 0>} : vector<16xi32>
      %eq3A_212 = arith.constant 0 : i32
      %eq3A_213 = vector.broadcast %eq3A_212 : i32 to vector<16xi32>
      %eq3A_214 = arith.cmpi eq, %iota3A_211, %eq3A_213 : vector<16xi32>
      %jit3A_215 = arith.constant 0 : i32
      %broadcast_in_dim3A_216 = vector.broadcast %jit3A_215 : i32 to vector<16xi32>
      %select_n3A_217 = arith.select %eq3A_214, %all_reduce_ffs3A_191, %broadcast_in_dim3A_216 : vector<16xi1>, vector<16xi32>
      %reduce_sum3A_218 = arith.constant true
      %reduce_sum3A_219 = vector.broadcast %reduce_sum3A_218 : i1 to vector<16xi1>
      %reduce_sum3A_220 = tpu.scan <sum>, %select_n3A_217 masked %reduce_sum3A_219 : vector<16xi32>, vector<16xi1> -> vector<16xi32>
      %reduce_sum3A_221 = vector.extract %reduce_sum3A_220[15] : i32 from vector<16xi32>
      %sub3A_222 = arith.subi %add3A_210, %reduce_sum3A_221 : i32
      %add3A_223 = arith.addi %scan3A_173#2, %reduce_sum3A_199 : i32
      %sub3A_224 = arith.subi %add3A_223, %reduce_sum3A_206 : i32
      %broadcast_in_dim3A_225 = arith.constant 0 : i32
      %broadcast_in_dim3A_226 = vector.broadcast %broadcast_in_dim3A_225 : i32 to vector<16xi32>
      %broadcast_in_dim3A_227 = arith.constant 0.000000e+00 : f32
      %broadcast_in_dim3A_228 = vector.broadcast %broadcast_in_dim3A_227 : f32 to vector<16xf32>
      %scan3A_229 = arith.constant 0 : i32
      %scan3A_230 = arith.constant 128 : i32
      %scan3A_231 = arith.addi %scan3A_229, %scan3A_230 : i32
      %scan3A_232 = arith.constant 1 : i32
      %scan3A_233:2 = scf.for %scan3A_1108 = %scan3A_229 to %scan3A_231 step %scan3A_232 iter_args(%scan3A_1109 = %broadcast_in_dim3A_226, %scan3A_1110 = %broadcast_in_dim3A_228) -> (vector<16xi32>, vector<16xf32>)  : i32 {
        %mul3A_1111 = arith.constant 16 : i32
        %mul3A_1112 = arith.muli %scan3A_1108, %mul3A_1111 : i32
        %get3A_1113 = arith.index_cast %mul3A_1112 : i32 to index
        %get3A_1114 = tpu.vector_load %arg7[%get3A_1113] {strides = array<i32>} : memref<2048xi32, #tpu.memory_space<vmem>>, vector<16xi32>,
        %mul3A_1115 = arith.constant 16 : i32
        %mul3A_1116 = arith.muli %scan3A_1108, %mul3A_1115 : i32
        %get3A_1117 = arith.index_cast %mul3A_1116 : i32 to index
        %get3A_1118 = tpu.vector_load %arg10[%get3A_1117] {strides = array<i32>} : memref<2048xf32, #tpu.memory_space<vmem>>, vector<16xf32>,
        %mul3A_1119 = arith.constant 16 : i32
        %mul3A_1120 = arith.muli %scan3A_1108, %mul3A_1119 : i32
        %add3A_1121 = vector.broadcast %mul3A_1120 : i32 to vector<16xi32>
        %add3A_1122 = arith.addi %add3A_1121, %iota3A_10 : vector<16xi32>
        %ge3A_1123 = vector.broadcast %sub3A_222 : i32 to vector<16xi32>
        %ge3A_1124 = arith.cmpi sge, %add3A_1122, %ge3A_1123 : vector<16xi32>
        %jit3A_1125 = arith.constant 0 : i32
        %broadcast_in_dim3A_1126 = vector.broadcast %jit3A_1125 : i32 to vector<16xi32>
        %select_n3A_1127 = arith.select %ge3A_1124, %get3A_1114, %broadcast_in_dim3A_1126 : vector<16xi1>, vector<16xi32>
        %add3A_1128 = arith.addi %scan3A_1109, %select_n3A_1127 : vector<16xi32>
        %jit3A_1129 = arith.constant 0.000000e+00 : f32
        %broadcast_in_dim3A_1130 = vector.broadcast %jit3A_1129 : f32 to vector<16xf32>
        %select_n3A_1131 = arith.select %ge3A_1124, %get3A_1118, %broadcast_in_dim3A_1130 : vector<16xi1>, vector<16xf32>
        %add3A_1132 = arith.addf %scan3A_1110, %select_n3A_1131 : vector<16xf32>
        scf.yield %add3A_1128, %add3A_1132 : vector<16xi32>, vector<16xf32>
      }
      %scan3A_234 = arith.constant 128 : i32
      %reduce_sum3A_235 = arith.constant true
      %reduce_sum3A_236 = vector.broadcast %reduce_sum3A_235 : i1 to vector<16xi1>
      %reduce_sum3A_237 = tpu.scan <sum>, %scan3A_233#0 masked %reduce_sum3A_236 : vector<16xi32>, vector<16xi1> -> vector<16xi32>
      %reduce_sum3A_238 = vector.extract %reduce_sum3A_237[15] : i32 from vector<16xi32>
      %add3A_239 = arith.addi %sub3A_71, %reduce_sum3A_238 : i32
      %shift_left3A_240 = arith.constant 21 : i32
      %shift_left3A_241 = arith.shli %sub3A, %shift_left3A_240 : i32
      %shift_left3A_242 = arith.constant 10 : i32
      %shift_left3A_243 = arith.shli %sub3A_222, %shift_left3A_242 : i32
      %or3A = arith.ori %shift_left3A_241, %shift_left3A_243 : i32
      %xor3A_244 = arith.constant -2147483648 : i32
      %xor3A_245 = arith.xori %or3A, %xor3A_244 : i32
      %shift_right_arithmetic3A_246 = arith.constant 31 : i32
      %shift_right_arithmetic3A_247 = arith.shrsi %xor3A_245, %shift_right_arithmetic3A_246 : i32
      %and3A_248 = arith.constant 2147483647 : i32
      %and3A_249 = arith.andi %shift_right_arithmetic3A_247, %and3A_248 : i32
      %xor3A_250 = arith.xori %xor3A_245, %and3A_249 : i32
      %bitcast_convert_type3A_251 = arith.bitcast %xor3A_250 : i32 to f32
      %reduce_sum3A_252 = arith.constant true
      %reduce_sum3A_253 = vector.broadcast %reduce_sum3A_252 : i1 to vector<16xi1>
      %reduce_sum3A_254 = tpu.scan <sum>, %scan3A_233#1 masked %reduce_sum3A_253 : vector<16xf32>, vector<16xi1> -> vector<16xf32>
      %reduce_sum3A_255 = vector.extract %reduce_sum3A_254[15] : f32 from vector<16xf32>
      %add3A_256 = arith.addf %reduce_sum3A_161, %reduce_sum3A_255 : f32
      %sub3A_257 = arith.constant 10000 : i32
      %sub3A_258 = arith.subi %add3A_239, %sub3A_257 : i32
      %iota3A_259 = tpu.iota {dimensions = array<i32: 0>} : vector<16xi32>
      %eq3A_260 = arith.constant 0 : i32
      %eq3A_261 = vector.broadcast %eq3A_260 : i32 to vector<16xi32>
      %eq3A_262 = arith.cmpi eq, %iota3A_259, %eq3A_261 : vector<16xi32>
      %sub3A_263 = arith.subf %bitcast_convert_type3A_251, %bitcast_convert_type3A : f32
      %broadcast_in_dim3A_264 = vector.broadcast %sub3A_263 : f32 to vector<16xf32>
      %exp3A = math.exp %broadcast_in_dim3A_264 : vector<16xf32>
      %jit3A_265 = arith.constant 0.000000e+00 : f32
      %broadcast_in_dim3A_266 = vector.broadcast %jit3A_265 : f32 to vector<16xf32>
      %select_n3A_267 = arith.select %eq3A_262, %exp3A, %broadcast_in_dim3A_266 : vector<16xi1>, vector<16xf32>
      %reduce_sum3A_268 = arith.constant true
      %reduce_sum3A_269 = vector.broadcast %reduce_sum3A_268 : i1 to vector<16xi1>
      %reduce_sum3A_270 = tpu.scan <sum>, %select_n3A_267 masked %reduce_sum3A_269 : vector<16xf32>, vector<16xi1> -> vector<16xf32>
      %reduce_sum3A_271 = vector.extract %reduce_sum3A_270[15] : f32 from vector<16xf32>
      %convert_element_type3A = arith.sitofp %sub3A_258 : i32 to f32
      %mul3A_272 = arith.mulf %convert_element_type3A, %reduce_sum3A_271 : f32
      %sub3A_273 = arith.subf %add3A_256, %mul3A_272 : f32
      %iota3A_274 = tpu.iota {dimensions = array<i32: 0>} : vector<16xi32>
      %eq3A_275 = arith.constant 0 : i32
      %eq3A_276 = vector.broadcast %eq3A_275 : i32 to vector<16xi32>
      %eq3A_277 = arith.cmpi eq, %iota3A_274, %eq3A_276 : vector<16xi32>
      %jit3A_278 = arith.constant 0 : i32
      %broadcast_in_dim3A_279 = vector.broadcast %jit3A_278 : i32 to vector<16xi32>
      %select_n3A_280 = arith.select %eq3A_277, %parallel_loop3A_157#0, %broadcast_in_dim3A_279 : vector<16xi1>, vector<16xi32>
      %reduce_sum3A_281 = arith.constant true
      %reduce_sum3A_282 = vector.broadcast %reduce_sum3A_281 : i1 to vector<16xi1>
      %reduce_sum3A_283 = tpu.scan <sum>, %select_n3A_280 masked %reduce_sum3A_282 : vector<16xi32>, vector<16xi1> -> vector<16xi32>
      %reduce_sum3A_284 = vector.extract %reduce_sum3A_283[15] : i32 from vector<16xi32>
      %min3A = arith.constant 512 : i32
      %min3A_285 = arith.minsi %reduce_sum3A_284, %min3A : i32
      %iota3A_286 = tpu.iota {dimensions = array<i32: 0>} : vector<16xi32>
      %add3A_287 = arith.constant 16 : i32
      %add3A_288 = arith.addi %min3A_285, %add3A_287 : i32
      %sub3A_289 = arith.constant 1 : i32
      %sub3A_290 = arith.subi %add3A_288, %sub3A_289 : i32
      %jit3A_291 = arith.constant 16 : i32
      %div3A = arith.divsi %sub3A_290, %jit3A_291 : i32
      %sign3A = arith.constant 0 : i32
      %sign3A_292 = arith.cmpi sgt, %sub3A_290, %sign3A : i32
      %sign3A_293 = arith.extui %sign3A_292 : i1 to i32
      %sign3A_294 = arith.constant 0 : i32
      %sign3A_295 = arith.cmpi slt, %sub3A_290, %sign3A_294 : i32
      %sign3A_296 = arith.extui %sign3A_295 : i1 to i32
      %sign3A_297 = arith.subi %sign3A_293, %sign3A_296 : i32
      %sign3A_298 = arith.constant 0 : i32
      %sign3A_299 = arith.cmpi sgt, %jit3A_291, %sign3A_298 : i32
      %sign3A_300 = arith.extui %sign3A_299 : i1 to i32
      %sign3A_301 = arith.constant 0 : i32
      %sign3A_302 = arith.cmpi slt, %jit3A_291, %sign3A_301 : i32
      %sign3A_303 = arith.extui %sign3A_302 : i1 to i32
      %sign3A_304 = arith.subi %sign3A_300, %sign3A_303 : i32
      %ne3A = arith.cmpi ne, %sign3A_297, %sign3A_304 : i32
      %rem3A = arith.remsi %sub3A_290, %jit3A_291 : i32
      %ne3A_305 = arith.constant 0 : i32
      %ne3A_306 = arith.cmpi ne, %rem3A, %ne3A_305 : i32
      %and3A_307 = arith.andi %ne3A, %ne3A_306 : i1
      %sub3A_308 = arith.constant 1 : i32
      %sub3A_309 = arith.subi %div3A, %sub3A_308 : i32
      %select_n3A_310 = arith.select %and3A_307, %sub3A_309, %div3A : i32
      %broadcast_in_dim3A_311 = arith.constant 0 : i32
      %broadcast_in_dim3A_312 = vector.broadcast %broadcast_in_dim3A_311 : i32 to vector<16xi32>
      %while3A = arith.constant 0 : i32
      %while3A_313 = arith.constant 0 : i32
      %while3A_314 = arith.subi %select_n3A_310, %while3A_313 : i32
      %while3A_315 = arith.addi %while3A_313, %while3A_314 : i32
      %while3A_316 = arith.constant 1 : i32
      %while3A_317 = arith.divsi %while3A_314, %while3A_316 : i32
      %while3A_318 = arith.muli %while3A_317, %while3A_316 : i32
      %while3A_319 = arith.addi %while3A_313, %while3A_318 : i32
      %while3A_320 = arith.constant 1 : i32
      %while3A_321 = scf.for %while3A_1108 = %while3A_313 to %while3A_319 step %while3A_320 iter_args(%while3A_1109 = %broadcast_in_dim3A_312) -> (vector<16xi32>)  : i32 {
        %mul3A_1110 = arith.constant 16 : i32
        %mul3A_1111 = arith.muli %while3A_1108, %mul3A_1110 : i32
        %get3A_1112 = arith.index_cast %mul3A_1111 : i32 to index
        %get3A_1113 = tpu.vector_load %arg11[%get3A_1112] {strides = array<i32>} : memref<512xi32, #tpu.memory_space<vmem>>, vector<16xi32>,
        %mul3A_1114 = arith.constant 16 : i32
        %mul3A_1115 = arith.muli %while3A_1108, %mul3A_1114 : i32
        %add3A_1116 = vector.broadcast %mul3A_1115 : i32 to vector<16xi32>
        %add3A_1117 = arith.addi %add3A_1116, %iota3A_286 : vector<16xi32>
        %lt3A_1118 = vector.broadcast %min3A_285 : i32 to vector<16xi32>
        %lt3A_1119 = arith.cmpi slt, %add3A_1117, %lt3A_1118 : vector<16xi32>
        %ge3A_1120 = vector.broadcast %while3A : i32 to vector<16xi32>
        %ge3A_1121 = arith.cmpi sge, %get3A_1113, %ge3A_1120 : vector<16xi32>
        %and3A_1122 = arith.andi %lt3A_1119, %ge3A_1121 : vector<16xi1>
        %all_reduce_population_count3A = tpu.all_reduce %and3A_1122 {dim = 0 : i64, kind = #tpu.reduction_kind<sum>} : vector<16xi1> -> vector<16xi32>
        %add3A_1123 = arith.addi %while3A_1109, %all_reduce_population_count3A : vector<16xi32>
        scf.yield %add3A_1123 : vector<16xi32>
      }
      %while3A_322 = arith.constant 1 : i32
      %while3A_323 = scf.for %while3A_1108 = %while3A_319 to %while3A_315 step %while3A_322 iter_args(%while3A_1109 = %while3A_321) -> (vector<16xi32>)  : i32 {
        %mul3A_1110 = arith.constant 16 : i32
        %mul3A_1111 = arith.muli %while3A_1108, %mul3A_1110 : i32
        %get3A_1112 = arith.index_cast %mul3A_1111 : i32 to index
        %get3A_1113 = tpu.vector_load %arg11[%get3A_1112] {strides = array<i32>} : memref<512xi32, #tpu.memory_space<vmem>>, vector<16xi32>,
        %mul3A_1114 = arith.constant 16 : i32
        %mul3A_1115 = arith.muli %while3A_1108, %mul3A_1114 : i32
        %add3A_1116 = vector.broadcast %mul3A_1115 : i32 to vector<16xi32>
        %add3A_1117 = arith.addi %add3A_1116, %iota3A_286 : vector<16xi32>
        %lt3A_1118 = vector.broadcast %min3A_285 : i32 to vector<16xi32>
        %lt3A_1119 = arith.cmpi slt, %add3A_1117, %lt3A_1118 : vector<16xi32>
        %ge3A_1120 = vector.broadcast %while3A : i32 to vector<16xi32>
        %ge3A_1121 = arith.cmpi sge, %get3A_1113, %ge3A_1120 : vector<16xi32>
        %and3A_1122 = arith.andi %lt3A_1119, %ge3A_1121 : vector<16xi1>
        %all_reduce_population_count3A = tpu.all_reduce %and3A_1122 {dim = 0 : i64, kind = #tpu.reduction_kind<sum>} : vector<16xi1> -> vector<16xi32>
        %add3A_1123 = arith.addi %while3A_1109, %all_reduce_population_count3A : vector<16xi32>
        scf.yield %add3A_1123 : vector<16xi32>
      }
      %iota3A_324 = tpu.iota {dimensions = array<i32: 0>} : vector<16xi32>
      %eq3A_325 = arith.constant 0 : i32
      %eq3A_326 = vector.broadcast %eq3A_325 : i32 to vector<16xi32>
      %eq3A_327 = arith.cmpi eq, %iota3A_324, %eq3A_326 : vector<16xi32>
      %jit3A_328 = arith.constant 0 : i32
      %broadcast_in_dim3A_329 = vector.broadcast %jit3A_328 : i32 to vector<16xi32>
      %select_n3A_330 = arith.select %eq3A_327, %while3A_323, %broadcast_in_dim3A_329 : vector<16xi1>, vector<16xi32>
      %reduce_sum3A_331 = arith.constant true
      %reduce_sum3A_332 = vector.broadcast %reduce_sum3A_331 : i1 to vector<16xi1>
      %reduce_sum3A_333 = tpu.scan <sum>, %select_n3A_330 masked %reduce_sum3A_332 : vector<16xi32>, vector<16xi1> -> vector<16xi32>
      %reduce_sum3A_334 = vector.extract %reduce_sum3A_333[15] : i32 from vector<16xi32>
      %ge3A_335 = arith.constant 40 : i32
      %ge3A_336 = arith.cmpi sge, %reduce_sum3A_334, %ge3A_335 : i32
      %jit3A_337 = arith.constant 0 : i32
      %jit3A_338 = arith.constant -2147483648 : i32
      %select_n3A_339 = arith.select %ge3A_336, %jit3A_337, %jit3A_338 : i32
      %scan3A_340 = arith.constant 40 : i32
      %scan3A_341 = arith.constant 0 : i32
      %scan3A_342 = arith.constant 31 : i32
      %scan3A_343 = arith.addi %scan3A_341, %scan3A_342 : i32
      %scan3A_344 = arith.constant 1 : i32
      %scan3A_345 = scf.for %scan3A_1108 = %scan3A_341 to %scan3A_343 step %scan3A_344 iter_args(%scan3A_1109 = %select_n3A_339) -> (i32)  : i32 {
        %sub3A_1110 = arith.constant 30 : i32
        %sub3A_1111 = arith.subi %sub3A_1110, %scan3A_1108 : i32
        %shift_left3A_1112 = arith.constant 1 : i32
        %shift_left3A_1113 = arith.shli %shift_left3A_1112, %sub3A_1111 : i32
        %or3A_1114 = arith.ori %scan3A_1109, %shift_left3A_1113 : i32
        %iota3A_1115 = tpu.iota {dimensions = array<i32: 0>} : vector<16xi32>
        %add3A_1116 = arith.constant 16 : i32
        %add3A_1117 = arith.addi %min3A_285, %add3A_1116 : i32
        %sub3A_1118 = arith.constant 1 : i32
        %sub3A_1119 = arith.subi %add3A_1117, %sub3A_1118 : i32
        %jit3A_1120 = arith.constant 16 : i32
        %div3A_1121 = arith.divsi %sub3A_1119, %jit3A_1120 : i32
        %sign3A_1122 = arith.constant 0 : i32
        %sign3A_1123 = arith.cmpi sgt, %sub3A_1119, %sign3A_1122 : i32
        %sign3A_1124 = arith.extui %sign3A_1123 : i1 to i32
        %sign3A_1125 = arith.constant 0 : i32
        %sign3A_1126 = arith.cmpi slt, %sub3A_1119, %sign3A_1125 : i32
        %sign3A_1127 = arith.extui %sign3A_1126 : i1 to i32
        %sign3A_1128 = arith.subi %sign3A_1124, %sign3A_1127 : i32
        %sign3A_1129 = arith.constant 0 : i32
        %sign3A_1130 = arith.cmpi sgt, %jit3A_1120, %sign3A_1129 : i32
        %sign3A_1131 = arith.extui %sign3A_1130 : i1 to i32
        %sign3A_1132 = arith.constant 0 : i32
        %sign3A_1133 = arith.cmpi slt, %jit3A_1120, %sign3A_1132 : i32
        %sign3A_1134 = arith.extui %sign3A_1133 : i1 to i32
        %sign3A_1135 = arith.subi %sign3A_1131, %sign3A_1134 : i32
        %ne3A_1136 = arith.cmpi ne, %sign3A_1128, %sign3A_1135 : i32
        %rem3A_1137 = arith.remsi %sub3A_1119, %jit3A_1120 : i32
        %ne3A_1138 = arith.constant 0 : i32
        %ne3A_1139 = arith.cmpi ne, %rem3A_1137, %ne3A_1138 : i32
        %and3A_1140 = arith.andi %ne3A_1136, %ne3A_1139 : i1
        %sub3A_1141 = arith.constant 1 : i32
        %sub3A_1142 = arith.subi %div3A_1121, %sub3A_1141 : i32
        %select_n3A_1143 = arith.select %and3A_1140, %sub3A_1142, %div3A_1121 : i32
        %broadcast_in_dim3A_1144 = arith.constant 0 : i32
        %broadcast_in_dim3A_1145 = vector.broadcast %broadcast_in_dim3A_1144 : i32 to vector<16xi32>
        %while3A_1146 = arith.constant 0 : i32
        %while3A_1147 = arith.subi %select_n3A_1143, %while3A_1146 : i32
        %while3A_1148 = arith.addi %while3A_1146, %while3A_1147 : i32
        %while3A_1149 = arith.constant 1 : i32
        %while3A_1150 = arith.divsi %while3A_1147, %while3A_1149 : i32
        %while3A_1151 = arith.muli %while3A_1150, %while3A_1149 : i32
        %while3A_1152 = arith.addi %while3A_1146, %while3A_1151 : i32
        %while3A_1153 = arith.constant 1 : i32
        %while3A_1154 = scf.for %while3A_1170 = %while3A_1146 to %while3A_1152 step %while3A_1153 iter_args(%while3A_1171 = %broadcast_in_dim3A_1145) -> (vector<16xi32>)  : i32 {
          %mul3A_1172 = arith.constant 16 : i32
          %mul3A_1173 = arith.muli %while3A_1170, %mul3A_1172 : i32
          %get3A_1174 = arith.index_cast %mul3A_1173 : i32 to index
          %get3A_1175 = tpu.vector_load %arg11[%get3A_1174] {strides = array<i32>} : memref<512xi32, #tpu.memory_space<vmem>>, vector<16xi32>,
          %mul3A_1176 = arith.constant 16 : i32
          %mul3A_1177 = arith.muli %while3A_1170, %mul3A_1176 : i32
          %add3A_1178 = vector.broadcast %mul3A_1177 : i32 to vector<16xi32>
          %add3A_1179 = arith.addi %add3A_1178, %iota3A_1115 : vector<16xi32>
          %lt3A_1180 = vector.broadcast %min3A_285 : i32 to vector<16xi32>
          %lt3A_1181 = arith.cmpi slt, %add3A_1179, %lt3A_1180 : vector<16xi32>
          %ge3A_1182 = vector.broadcast %or3A_1114 : i32 to vector<16xi32>
          %ge3A_1183 = arith.cmpi sge, %get3A_1175, %ge3A_1182 : vector<16xi32>
          %and3A_1184 = arith.andi %lt3A_1181, %ge3A_1183 : vector<16xi1>
          %all_reduce_population_count3A = tpu.all_reduce %and3A_1184 {dim = 0 : i64, kind = #tpu.reduction_kind<sum>} : vector<16xi1> -> vector<16xi32>
          %add3A_1185 = arith.addi %while3A_1171, %all_reduce_population_count3A : vector<16xi32>
          scf.yield %add3A_1185 : vector<16xi32>
        }
        %while3A_1155 = arith.constant 1 : i32
        %while3A_1156 = scf.for %while3A_1170 = %while3A_1152 to %while3A_1148 step %while3A_1155 iter_args(%while3A_1171 = %while3A_1154) -> (vector<16xi32>)  : i32 {
          %mul3A_1172 = arith.constant 16 : i32
          %mul3A_1173 = arith.muli %while3A_1170, %mul3A_1172 : i32
          %get3A_1174 = arith.index_cast %mul3A_1173 : i32 to index
          %get3A_1175 = tpu.vector_load %arg11[%get3A_1174] {strides = array<i32>} : memref<512xi32, #tpu.memory_space<vmem>>, vector<16xi32>,
          %mul3A_1176 = arith.constant 16 : i32
          %mul3A_1177 = arith.muli %while3A_1170, %mul3A_1176 : i32
          %add3A_1178 = vector.broadcast %mul3A_1177 : i32 to vector<16xi32>
          %add3A_1179 = arith.addi %add3A_1178, %iota3A_1115 : vector<16xi32>
          %lt3A_1180 = vector.broadcast %min3A_285 : i32 to vector<16xi32>
          %lt3A_1181 = arith.cmpi slt, %add3A_1179, %lt3A_1180 : vector<16xi32>
          %ge3A_1182 = vector.broadcast %or3A_1114 : i32 to vector<16xi32>
          %ge3A_1183 = arith.cmpi sge, %get3A_1175, %ge3A_1182 : vector<16xi32>
          %and3A_1184 = arith.andi %lt3A_1181, %ge3A_1183 : vector<16xi1>
          %all_reduce_population_count3A = tpu.all_reduce %and3A_1184 {dim = 0 : i64, kind = #tpu.reduction_kind<sum>} : vector<16xi1> -> vector<16xi32>
          %add3A_1185 = arith.addi %while3A_1171, %all_reduce_population_count3A : vector<16xi32>
          scf.yield %add3A_1185 : vector<16xi32>
        }
        %iota3A_1157 = tpu.iota {dimensions = array<i32: 0>} : vector<16xi32>
        %eq3A_1158 = arith.constant 0 : i32
        %eq3A_1159 = vector.broadcast %eq3A_1158 : i32 to vector<16xi32>
        %eq3A_1160 = arith.cmpi eq, %iota3A_1157, %eq3A_1159 : vector<16xi32>
        %jit3A_1161 = arith.constant 0 : i32
        %broadcast_in_dim3A_1162 = vector.broadcast %jit3A_1161 : i32 to vector<16xi32>
        %select_n3A_1163 = arith.select %eq3A_1160, %while3A_1156, %broadcast_in_dim3A_1162 : vector<16xi1>, vector<16xi32>
        %reduce_sum3A_1164 = arith.constant true
        %reduce_sum3A_1165 = vector.broadcast %reduce_sum3A_1164 : i1 to vector<16xi1>
        %reduce_sum3A_1166 = tpu.scan <sum>, %select_n3A_1163 masked %reduce_sum3A_1165 : vector<16xi32>, vector<16xi1> -> vector<16xi32>
        %reduce_sum3A_1167 = vector.extract %reduce_sum3A_1166[15] : i32 from vector<16xi32>
        %ge3A_1168 = arith.cmpi sge, %reduce_sum3A_1167, %scan3A_340 : i32
        %select_n3A_1169 = arith.select %ge3A_1168, %or3A_1114, %scan3A_1109 : i32
        scf.yield %select_n3A_1169 : i32
      }
      %scan3A_346 = arith.constant 31 : i32
      %add3A_347 = arith.constant 1 : i32
      %add3A_348 = arith.addi %scan3A_345, %add3A_347 : i32
      %iota3A_349 = tpu.iota {dimensions = array<i32: 0>} : vector<16xi32>
      %add3A_350 = arith.constant 16 : i32
      %add3A_351 = arith.addi %min3A_285, %add3A_350 : i32
      %sub3A_352 = arith.constant 1 : i32
      %sub3A_353 = arith.subi %add3A_351, %sub3A_352 : i32
      %jit3A_354 = arith.constant 16 : i32
      %div3A_355 = arith.divsi %sub3A_353, %jit3A_354 : i32
      %sign3A_356 = arith.constant 0 : i32
      %sign3A_357 = arith.cmpi sgt, %sub3A_353, %sign3A_356 : i32
      %sign3A_358 = arith.extui %sign3A_357 : i1 to i32
      %sign3A_359 = arith.constant 0 : i32
      %sign3A_360 = arith.cmpi slt, %sub3A_353, %sign3A_359 : i32
      %sign3A_361 = arith.extui %sign3A_360 : i1 to i32
      %sign3A_362 = arith.subi %sign3A_358, %sign3A_361 : i32
      %sign3A_363 = arith.constant 0 : i32
      %sign3A_364 = arith.cmpi sgt, %jit3A_354, %sign3A_363 : i32
      %sign3A_365 = arith.extui %sign3A_364 : i1 to i32
      %sign3A_366 = arith.constant 0 : i32
      %sign3A_367 = arith.cmpi slt, %jit3A_354, %sign3A_366 : i32
      %sign3A_368 = arith.extui %sign3A_367 : i1 to i32
      %sign3A_369 = arith.subi %sign3A_365, %sign3A_368 : i32
      %ne3A_370 = arith.cmpi ne, %sign3A_362, %sign3A_369 : i32
      %rem3A_371 = arith.remsi %sub3A_353, %jit3A_354 : i32
      %ne3A_372 = arith.constant 0 : i32
      %ne3A_373 = arith.cmpi ne, %rem3A_371, %ne3A_372 : i32
      %and3A_374 = arith.andi %ne3A_370, %ne3A_373 : i1
      %sub3A_375 = arith.constant 1 : i32
      %sub3A_376 = arith.subi %div3A_355, %sub3A_375 : i32
      %select_n3A_377 = arith.select %and3A_374, %sub3A_376, %div3A_355 : i32
      %broadcast_in_dim3A_378 = arith.constant 0 : i32
      %broadcast_in_dim3A_379 = vector.broadcast %broadcast_in_dim3A_378 : i32 to vector<16xi32>
      %while3A_380 = arith.constant 0 : i32
      %while3A_381 = arith.subi %select_n3A_377, %while3A_380 : i32
      %while3A_382 = arith.addi %while3A_380, %while3A_381 : i32
      %while3A_383 = arith.constant 1 : i32
      %while3A_384 = arith.divsi %while3A_381, %while3A_383 : i32
      %while3A_385 = arith.muli %while3A_384, %while3A_383 : i32
      %while3A_386 = arith.addi %while3A_380, %while3A_385 : i32
      %while3A_387 = arith.constant 1 : i32
      %while3A_388 = scf.for %while3A_1108 = %while3A_380 to %while3A_386 step %while3A_387 iter_args(%while3A_1109 = %broadcast_in_dim3A_379) -> (vector<16xi32>)  : i32 {
        %mul3A_1110 = arith.constant 16 : i32
        %mul3A_1111 = arith.muli %while3A_1108, %mul3A_1110 : i32
        %get3A_1112 = arith.index_cast %mul3A_1111 : i32 to index
        %get3A_1113 = tpu.vector_load %arg11[%get3A_1112] {strides = array<i32>} : memref<512xi32, #tpu.memory_space<vmem>>, vector<16xi32>,
        %mul3A_1114 = arith.constant 16 : i32
        %mul3A_1115 = arith.muli %while3A_1108, %mul3A_1114 : i32
        %add3A_1116 = vector.broadcast %mul3A_1115 : i32 to vector<16xi32>
        %add3A_1117 = arith.addi %add3A_1116, %iota3A_349 : vector<16xi32>
        %lt3A_1118 = vector.broadcast %min3A_285 : i32 to vector<16xi32>
        %lt3A_1119 = arith.cmpi slt, %add3A_1117, %lt3A_1118 : vector<16xi32>
        %ge3A_1120 = vector.broadcast %add3A_348 : i32 to vector<16xi32>
        %ge3A_1121 = arith.cmpi sge, %get3A_1113, %ge3A_1120 : vector<16xi32>
        %and3A_1122 = arith.andi %lt3A_1119, %ge3A_1121 : vector<16xi1>
        %all_reduce_population_count3A = tpu.all_reduce %and3A_1122 {dim = 0 : i64, kind = #tpu.reduction_kind<sum>} : vector<16xi1> -> vector<16xi32>
        %add3A_1123 = arith.addi %while3A_1109, %all_reduce_population_count3A : vector<16xi32>
        scf.yield %add3A_1123 : vector<16xi32>
      }
      %while3A_389 = arith.constant 1 : i32
      %while3A_390 = scf.for %while3A_1108 = %while3A_386 to %while3A_382 step %while3A_389 iter_args(%while3A_1109 = %while3A_388) -> (vector<16xi32>)  : i32 {
        %mul3A_1110 = arith.constant 16 : i32
        %mul3A_1111 = arith.muli %while3A_1108, %mul3A_1110 : i32
        %get3A_1112 = arith.index_cast %mul3A_1111 : i32 to index
        %get3A_1113 = tpu.vector_load %arg11[%get3A_1112] {strides = array<i32>} : memref<512xi32, #tpu.memory_space<vmem>>, vector<16xi32>,
        %mul3A_1114 = arith.constant 16 : i32
        %mul3A_1115 = arith.muli %while3A_1108, %mul3A_1114 : i32
        %add3A_1116 = vector.broadcast %mul3A_1115 : i32 to vector<16xi32>
        %add3A_1117 = arith.addi %add3A_1116, %iota3A_349 : vector<16xi32>
        %lt3A_1118 = vector.broadcast %min3A_285 : i32 to vector<16xi32>
        %lt3A_1119 = arith.cmpi slt, %add3A_1117, %lt3A_1118 : vector<16xi32>
        %ge3A_1120 = vector.broadcast %add3A_348 : i32 to vector<16xi32>
        %ge3A_1121 = arith.cmpi sge, %get3A_1113, %ge3A_1120 : vector<16xi32>
        %and3A_1122 = arith.andi %lt3A_1119, %ge3A_1121 : vector<16xi1>
        %all_reduce_population_count3A = tpu.all_reduce %and3A_1122 {dim = 0 : i64, kind = #tpu.reduction_kind<sum>} : vector<16xi1> -> vector<16xi32>
        %add3A_1123 = arith.addi %while3A_1109, %all_reduce_population_count3A : vector<16xi32>
        scf.yield %add3A_1123 : vector<16xi32>
      }
      %iota3A_391 = tpu.iota {dimensions = array<i32: 0>} : vector<16xi32>
      %eq3A_392 = arith.constant 0 : i32
      %eq3A_393 = vector.broadcast %eq3A_392 : i32 to vector<16xi32>
      %eq3A_394 = arith.cmpi eq, %iota3A_391, %eq3A_393 : vector<16xi32>
      %jit3A_395 = arith.constant 0 : i32
      %broadcast_in_dim3A_396 = vector.broadcast %jit3A_395 : i32 to vector<16xi32>
      %select_n3A_397 = arith.select %eq3A_394, %while3A_390, %broadcast_in_dim3A_396 : vector<16xi1>, vector<16xi32>
      %reduce_sum3A_398 = arith.constant true
      %reduce_sum3A_399 = vector.broadcast %reduce_sum3A_398 : i1 to vector<16xi1>
      %reduce_sum3A_400 = tpu.scan <sum>, %select_n3A_397 masked %reduce_sum3A_399 : vector<16xi32>, vector<16xi1> -> vector<16xi32>
      %reduce_sum3A_401 = vector.extract %reduce_sum3A_400[15] : i32 from vector<16xi32>
      %sub3A_402 = arith.constant 40 : i32
      %sub3A_403 = arith.subi %sub3A_402, %reduce_sum3A_401 : i32
      %add3A_404 = arith.constant 16 : i32
      %add3A_405 = arith.addi %min3A_285, %add3A_404 : i32
      %sub3A_406 = arith.constant 1 : i32
      %sub3A_407 = arith.subi %add3A_405, %sub3A_406 : i32
      %jit3A_408 = arith.constant 16 : i32
      %div3A_409 = arith.divsi %sub3A_407, %jit3A_408 : i32
      %sign3A_410 = arith.constant 0 : i32
      %sign3A_411 = arith.cmpi sgt, %sub3A_407, %sign3A_410 : i32
      %sign3A_412 = arith.extui %sign3A_411 : i1 to i32
      %sign3A_413 = arith.constant 0 : i32
      %sign3A_414 = arith.cmpi slt, %sub3A_407, %sign3A_413 : i32
      %sign3A_415 = arith.extui %sign3A_414 : i1 to i32
      %sign3A_416 = arith.subi %sign3A_412, %sign3A_415 : i32
      %sign3A_417 = arith.constant 0 : i32
      %sign3A_418 = arith.cmpi sgt, %jit3A_408, %sign3A_417 : i32
      %sign3A_419 = arith.extui %sign3A_418 : i1 to i32
      %sign3A_420 = arith.constant 0 : i32
      %sign3A_421 = arith.cmpi slt, %jit3A_408, %sign3A_420 : i32
      %sign3A_422 = arith.extui %sign3A_421 : i1 to i32
      %sign3A_423 = arith.subi %sign3A_419, %sign3A_422 : i32
      %ne3A_424 = arith.cmpi ne, %sign3A_416, %sign3A_423 : i32
      %rem3A_425 = arith.remsi %sub3A_407, %jit3A_408 : i32
      %ne3A_426 = arith.constant 0 : i32
      %ne3A_427 = arith.cmpi ne, %rem3A_425, %ne3A_426 : i32
      %and3A_428 = arith.andi %ne3A_424, %ne3A_427 : i1
      %sub3A_429 = arith.constant 1 : i32
      %sub3A_430 = arith.subi %div3A_409, %sub3A_429 : i32
      %select_n3A_431 = arith.select %and3A_428, %sub3A_430, %div3A_409 : i32
      %broadcast_in_dim3A_432 = arith.constant 0 : i32
      %broadcast_in_dim3A_433 = vector.broadcast %broadcast_in_dim3A_432 : i32 to vector<16xi32>
      %swap3A = arith.constant 0 : index
      %swap3A_434 = tpu.vector_load %arg13[%swap3A] {strides = array<i32>} : memref<48xi32, #tpu.memory_space<vmem>>, vector<16xi32>,
      tpu.vector_store %arg13[%swap3A], %broadcast_in_dim3A_433 {strides = array<i32>} : memref<48xi32, #tpu.memory_space<vmem>>, vector<16xi32>,
      %broadcast_in_dim3A_435 = arith.constant 0 : i32
      %broadcast_in_dim3A_436 = vector.broadcast %broadcast_in_dim3A_435 : i32 to vector<16xi32>
      %swap3A_437 = arith.constant 0 : index
      %swap3A_438 = tpu.vector_load %arg14[%swap3A_437] {strides = array<i32>} : memref<48xi32, #tpu.memory_space<vmem>>, vector<16xi32>,
      tpu.vector_store %arg14[%swap3A_437], %broadcast_in_dim3A_436 {strides = array<i32>} : memref<48xi32, #tpu.memory_space<vmem>>, vector<16xi32>,
      %broadcast_in_dim3A_439 = arith.constant 0 : i32
      %broadcast_in_dim3A_440 = vector.broadcast %broadcast_in_dim3A_439 : i32 to vector<16xi32>
      %swap3A_441 = arith.constant 16 : index
      %swap3A_442 = tpu.vector_load %arg13[%swap3A_441] {strides = array<i32>} : memref<48xi32, #tpu.memory_space<vmem>>, vector<16xi32>,
      tpu.vector_store %arg13[%swap3A_441], %broadcast_in_dim3A_440 {strides = array<i32>} : memref<48xi32, #tpu.memory_space<vmem>>, vector<16xi32>,
      %broadcast_in_dim3A_443 = arith.constant 0 : i32
      %broadcast_in_dim3A_444 = vector.broadcast %broadcast_in_dim3A_443 : i32 to vector<16xi32>
      %swap3A_445 = arith.constant 16 : index
      %swap3A_446 = tpu.vector_load %arg14[%swap3A_445] {strides = array<i32>} : memref<48xi32, #tpu.memory_space<vmem>>, vector<16xi32>,
      tpu.vector_store %arg14[%swap3A_445], %broadcast_in_dim3A_444 {strides = array<i32>} : memref<48xi32, #tpu.memory_space<vmem>>, vector<16xi32>,
      %broadcast_in_dim3A_447 = arith.constant 0 : i32
      %broadcast_in_dim3A_448 = vector.broadcast %broadcast_in_dim3A_447 : i32 to vector<16xi32>
      %swap3A_449 = arith.constant 32 : index
      %swap3A_450 = tpu.vector_load %arg13[%swap3A_449] {strides = array<i32>} : memref<48xi32, #tpu.memory_space<vmem>>, vector<16xi32>,
      tpu.vector_store %arg13[%swap3A_449], %broadcast_in_dim3A_448 {strides = array<i32>} : memref<48xi32, #tpu.memory_space<vmem>>, vector<16xi32>,
      %broadcast_in_dim3A_451 = arith.constant 0 : i32
      %broadcast_in_dim3A_452 = vector.broadcast %broadcast_in_dim3A_451 : i32 to vector<16xi32>
      %swap3A_453 = arith.constant 32 : index
      %swap3A_454 = tpu.vector_load %arg14[%swap3A_453] {strides = array<i32>} : memref<48xi32, #tpu.memory_space<vmem>>, vector<16xi32>,
      tpu.vector_store %arg14[%swap3A_453], %broadcast_in_dim3A_452 {strides = array<i32>} : memref<48xi32, #tpu.memory_space<vmem>>, vector<16xi32>,
      %broadcast_in_dim3A_455 = arith.constant 0 : i32
      %broadcast_in_dim3A_456 = vector.broadcast %broadcast_in_dim3A_455 : i32 to vector<16xi32>
      %while3A_457 = arith.constant 0 : i32
      %while3A_458 = arith.subi %select_n3A_431, %while3A_457 : i32
      %while3A_459 = arith.addi %while3A_457, %while3A_458 : i32
      %while3A_460 = arith.constant 1 : i32
      %while3A_461 = arith.divsi %while3A_458, %while3A_460 : i32
      %while3A_462 = arith.muli %while3A_461, %while3A_460 : i32
      %while3A_463 = arith.addi %while3A_457, %while3A_462 : i32
      %while3A_464 = arith.constant 1 : i32
      %while3A_465:2 = scf.for %while3A_1108 = %while3A_457 to %while3A_463 step %while3A_464 iter_args(%while3A_1109 = %broadcast_in_dim3A_456, %while3A_1110 = %broadcast_in_dim3A_456) -> (vector<16xi32>, vector<16xi32>)  : i32 {
        %mul3A_1111 = arith.constant 16 : i32
        %mul3A_1112 = arith.muli %while3A_1108, %mul3A_1111 : i32
        %get3A_1113 = arith.index_cast %mul3A_1112 : i32 to index
        %get3A_1114 = tpu.vector_load %arg11[%get3A_1113] {strides = array<i32>} : memref<512xi32, #tpu.memory_space<vmem>>, vector<16xi32>,
        %mul3A_1115 = arith.constant 16 : i32
        %mul3A_1116 = arith.muli %while3A_1108, %mul3A_1115 : i32
        %get3A_1117 = arith.index_cast %mul3A_1116 : i32 to index
        %get3A_1118 = tpu.vector_load %arg12[%get3A_1117] {strides = array<i32>} : memref<512xi32, #tpu.memory_space<vmem>>, vector<16xi32>,
        %mul3A_1119 = arith.constant 16 : i32
        %mul3A_1120 = arith.muli %while3A_1108, %mul3A_1119 : i32
        %add3A_1121 = vector.broadcast %mul3A_1120 : i32 to vector<16xi32>
        %add3A_1122 = arith.addi %add3A_1121, %iota3A : vector<16xi32>
        %lt3A_1123 = vector.broadcast %min3A_285 : i32 to vector<16xi32>
        %lt3A_1124 = arith.cmpi slt, %add3A_1122, %lt3A_1123 : vector<16xi32>
        %gt3A_1125 = vector.broadcast %scan3A_345 : i32 to vector<16xi32>
        %gt3A_1126 = arith.cmpi sgt, %get3A_1114, %gt3A_1125 : vector<16xi32>
        %and3A_1127 = arith.andi %lt3A_1124, %gt3A_1126 : vector<16xi1>
        %eq3A_1128 = vector.broadcast %scan3A_345 : i32 to vector<16xi32>
        %eq3A_1129 = arith.cmpi eq, %get3A_1114, %eq3A_1128 : vector<16xi32>
        %and3A_1130 = arith.andi %lt3A_1124, %eq3A_1129 : vector<16xi1>
        %convert_element_type3A_1131 = arith.extui %and3A_1130 : vector<16xi1> to vector<16xi32>
        %broadcast_in_dim3A_1132 = arith.constant true
        %broadcast_in_dim3A_1133 = vector.broadcast %broadcast_in_dim3A_1132 : i1 to vector<16xi1>
        %masked_cumsum3A_1134 = tpu.scan <sum>, %convert_element_type3A_1131 masked %broadcast_in_dim3A_1133 : vector<16xi32>, vector<16xi1> -> vector<16xi32>
        %add3A_1135 = arith.addi %while3A_1110, %masked_cumsum3A_1134 : vector<16xi32>
        %sub3A_1136 = arith.constant 1 : i32
        %sub3A_1137 = vector.broadcast %sub3A_1136 : i32 to vector<16xi32>
        %sub3A_1138 = arith.subi %add3A_1135, %sub3A_1137 : vector<16xi32>
        %lt3A_1139 = vector.broadcast %sub3A_403 : i32 to vector<16xi32>
        %lt3A_1140 = arith.cmpi slt, %sub3A_1138, %lt3A_1139 : vector<16xi32>
        %and3A_1141 = arith.andi %and3A_1130, %lt3A_1140 : vector<16xi1>
        %or3A_1142 = arith.ori %and3A_1127, %and3A_1141 : vector<16xi1>
        %convert_element_type3A_1143 = arith.extui %or3A_1142 : vector<16xi1> to vector<16xi32>
        %broadcast_in_dim3A_1144 = arith.constant true
        %broadcast_in_dim3A_1145 = vector.broadcast %broadcast_in_dim3A_1144 : i1 to vector<16xi1>
        %masked_cumsum3A_1146 = tpu.scan <sum>, %convert_element_type3A_1143 masked %broadcast_in_dim3A_1145 : vector<16xi32>, vector<16xi1> -> vector<16xi32>
        %add3A_1147 = arith.addi %while3A_1109, %masked_cumsum3A_1146 : vector<16xi32>
        %sub3A_1148 = arith.constant 1 : i32
        %sub3A_1149 = vector.broadcast %sub3A_1148 : i32 to vector<16xi32>
        %sub3A_1150 = arith.subi %add3A_1147, %sub3A_1149 : vector<16xi32>
        %lt3A_1151 = arith.constant 48 : i32
        %lt3A_1152 = vector.broadcast %lt3A_1151 : i32 to vector<16xi32>
        %lt3A_1153 = arith.cmpi slt, %sub3A_1150, %lt3A_1152 : vector<16xi32>
        %and3A_1154 = arith.andi %or3A_1142, %lt3A_1153 : vector<16xi1>
        tpu.vector_store_idx %arg13[%sub3A_1150], %get3A_1114 masked %and3A_1154 : memref<48xi32, #tpu.memory_space<vmem>>[vector<16xi32>], vector<16xi32>, vector<16xi1>
        tpu.vector_store_idx %arg14[%sub3A_1150], %get3A_1118 masked %and3A_1154 : memref<48xi32, #tpu.memory_space<vmem>>[vector<16xi32>], vector<16xi32>, vector<16xi1>
        %all_reduce_population_count3A = tpu.all_reduce %or3A_1142 {dim = 0 : i64, kind = #tpu.reduction_kind<sum>} : vector<16xi1> -> vector<16xi32>
        %add3A_1155 = arith.addi %while3A_1109, %all_reduce_population_count3A : vector<16xi32>
        %all_reduce_population_count3A_1156 = tpu.all_reduce %and3A_1130 {dim = 0 : i64, kind = #tpu.reduction_kind<sum>} : vector<16xi1> -> vector<16xi32>
        %add3A_1157 = arith.addi %while3A_1110, %all_reduce_population_count3A_1156 : vector<16xi32>
        scf.yield %add3A_1155, %add3A_1157 : vector<16xi32>, vector<16xi32>
      }
      %while3A_466 = arith.constant 1 : i32
      %while3A_467:2 = scf.for %while3A_1108 = %while3A_463 to %while3A_459 step %while3A_466 iter_args(%while3A_1109 = %while3A_465#0, %while3A_1110 = %while3A_465#1) -> (vector<16xi32>, vector<16xi32>)  : i32 {
        %mul3A_1111 = arith.constant 16 : i32
        %mul3A_1112 = arith.muli %while3A_1108, %mul3A_1111 : i32
        %get3A_1113 = arith.index_cast %mul3A_1112 : i32 to index
        %get3A_1114 = tpu.vector_load %arg11[%get3A_1113] {strides = array<i32>} : memref<512xi32, #tpu.memory_space<vmem>>, vector<16xi32>,
        %mul3A_1115 = arith.constant 16 : i32
        %mul3A_1116 = arith.muli %while3A_1108, %mul3A_1115 : i32
        %get3A_1117 = arith.index_cast %mul3A_1116 : i32 to index
        %get3A_1118 = tpu.vector_load %arg12[%get3A_1117] {strides = array<i32>} : memref<512xi32, #tpu.memory_space<vmem>>, vector<16xi32>,
        %mul3A_1119 = arith.constant 16 : i32
        %mul3A_1120 = arith.muli %while3A_1108, %mul3A_1119 : i32
        %add3A_1121 = vector.broadcast %mul3A_1120 : i32 to vector<16xi32>
        %add3A_1122 = arith.addi %add3A_1121, %iota3A : vector<16xi32>
        %lt3A_1123 = vector.broadcast %min3A_285 : i32 to vector<16xi32>
        %lt3A_1124 = arith.cmpi slt, %add3A_1122, %lt3A_1123 : vector<16xi32>
        %gt3A_1125 = vector.broadcast %scan3A_345 : i32 to vector<16xi32>
        %gt3A_1126 = arith.cmpi sgt, %get3A_1114, %gt3A_1125 : vector<16xi32>
        %and3A_1127 = arith.andi %lt3A_1124, %gt3A_1126 : vector<16xi1>
        %eq3A_1128 = vector.broadcast %scan3A_345 : i32 to vector<16xi32>
        %eq3A_1129 = arith.cmpi eq, %get3A_1114, %eq3A_1128 : vector<16xi32>
        %and3A_1130 = arith.andi %lt3A_1124, %eq3A_1129 : vector<16xi1>
        %convert_element_type3A_1131 = arith.extui %and3A_1130 : vector<16xi1> to vector<16xi32>
        %broadcast_in_dim3A_1132 = arith.constant true
        %broadcast_in_dim3A_1133 = vector.broadcast %broadcast_in_dim3A_1132 : i1 to vector<16xi1>
        %masked_cumsum3A_1134 = tpu.scan <sum>, %convert_element_type3A_1131 masked %broadcast_in_dim3A_1133 : vector<16xi32>, vector<16xi1> -> vector<16xi32>
        %add3A_1135 = arith.addi %while3A_1110, %masked_cumsum3A_1134 : vector<16xi32>
        %sub3A_1136 = arith.constant 1 : i32
        %sub3A_1137 = vector.broadcast %sub3A_1136 : i32 to vector<16xi32>
        %sub3A_1138 = arith.subi %add3A_1135, %sub3A_1137 : vector<16xi32>
        %lt3A_1139 = vector.broadcast %sub3A_403 : i32 to vector<16xi32>
        %lt3A_1140 = arith.cmpi slt, %sub3A_1138, %lt3A_1139 : vector<16xi32>
        %and3A_1141 = arith.andi %and3A_1130, %lt3A_1140 : vector<16xi1>
        %or3A_1142 = arith.ori %and3A_1127, %and3A_1141 : vector<16xi1>
        %convert_element_type3A_1143 = arith.extui %or3A_1142 : vector<16xi1> to vector<16xi32>
        %broadcast_in_dim3A_1144 = arith.constant true
        %broadcast_in_dim3A_1145 = vector.broadcast %broadcast_in_dim3A_1144 : i1 to vector<16xi1>
        %masked_cumsum3A_1146 = tpu.scan <sum>, %convert_element_type3A_1143 masked %broadcast_in_dim3A_1145 : vector<16xi32>, vector<16xi1> -> vector<16xi32>
        %add3A_1147 = arith.addi %while3A_1109, %masked_cumsum3A_1146 : vector<16xi32>
        %sub3A_1148 = arith.constant 1 : i32
        %sub3A_1149 = vector.broadcast %sub3A_1148 : i32 to vector<16xi32>
        %sub3A_1150 = arith.subi %add3A_1147, %sub3A_1149 : vector<16xi32>
        %lt3A_1151 = arith.constant 48 : i32
        %lt3A_1152 = vector.broadcast %lt3A_1151 : i32 to vector<16xi32>
        %lt3A_1153 = arith.cmpi slt, %sub3A_1150, %lt3A_1152 : vector<16xi32>
        %and3A_1154 = arith.andi %or3A_1142, %lt3A_1153 : vector<16xi1>
        tpu.vector_store_idx %arg13[%sub3A_1150], %get3A_1114 masked %and3A_1154 : memref<48xi32, #tpu.memory_space<vmem>>[vector<16xi32>], vector<16xi32>, vector<16xi1>
        tpu.vector_store_idx %arg14[%sub3A_1150], %get3A_1118 masked %and3A_1154 : memref<48xi32, #tpu.memory_space<vmem>>[vector<16xi32>], vector<16xi32>, vector<16xi1>
        %all_reduce_population_count3A = tpu.all_reduce %or3A_1142 {dim = 0 : i64, kind = #tpu.reduction_kind<sum>} : vector<16xi1> -> vector<16xi32>
        %add3A_1155 = arith.addi %while3A_1109, %all_reduce_population_count3A : vector<16xi32>
        %all_reduce_population_count3A_1156 = tpu.all_reduce %and3A_1130 {dim = 0 : i64, kind = #tpu.reduction_kind<sum>} : vector<16xi1> -> vector<16xi32>
        %add3A_1157 = arith.addi %while3A_1110, %all_reduce_population_count3A_1156 : vector<16xi32>
        scf.yield %add3A_1155, %add3A_1157 : vector<16xi32>, vector<16xi32>
      }
      "tpu.region"() ({
        %run_scoped3A = tpu.sem_alloc : memref<!tpu.dma_semaphore, #tpu.memory_space<semaphore_mem>>
        %dma_start3A = arith.constant 0 : i32
        %dma_start3A_1108 = tpu.memref_slice %arg3[%add3A_9, %dma_start3A] : memref<128x100000xf32, #tpu.memory_space<hbm>> -> memref<1x100000xf32, #tpu.memory_space<hbm>>
        %dma_start3A_1109 = tpu.memref_squeeze %dma_start3A_1108 : memref<1x100000xf32, #tpu.memory_space<hbm>> -> memref<100000xf32, #tpu.memory_space<hbm>>
        %dma_start3A_1110 = arith.constant 0 : i32
        %dma_start3A_1111 = tpu.memref_slice %arg3[%add3A_9, %dma_start3A_1110] : memref<128x100000xf32, #tpu.memory_space<hbm>> -> memref<1x100000xf32, #tpu.memory_space<hbm>>
        %dma_start3A_1112 = tpu.memref_squeeze %dma_start3A_1111 : memref<1x100000xf32, #tpu.memory_space<hbm>> -> memref<100000xf32, #tpu.memory_space<hbm>>
        tpu.enqueue_dma source(%dma_start3A_1112 : memref<100000xf32, #tpu.memory_space<hbm>>) target(%arg5 : memref<100000xf32, #tpu.memory_space<vmem>>) target_semaphore(%run_scoped3A : memref<!tpu.dma_semaphore, #tpu.memory_space<semaphore_mem>>)
        %dma_wait3A = arith.constant 0 : i32
        %dma_wait3A_1113 = tpu.memref_slice %arg3[%add3A_9, %dma_wait3A] : memref<128x100000xf32, #tpu.memory_space<hbm>> -> memref<1x100000xf32, #tpu.memory_space<hbm>>
        %dma_wait3A_1114 = tpu.memref_squeeze %dma_wait3A_1113 : memref<1x100000xf32, #tpu.memory_space<hbm>> -> memref<100000xf32, #tpu.memory_space<hbm>>
        %dma_wait3A_1115 = arith.constant 0 : i32
        %dma_wait3A_1116 = tpu.memref_slice %arg3[%add3A_9, %dma_wait3A_1115] : memref<128x100000xf32, #tpu.memory_space<hbm>> -> memref<1x100000xf32, #tpu.memory_space<hbm>>
        %dma_wait3A_1117 = tpu.memref_squeeze %dma_wait3A_1116 : memref<1x100000xf32, #tpu.memory_space<hbm>> -> memref<100000xf32, #tpu.memory_space<hbm>>
        tpu.wait_dma2 semaphore(%run_scoped3A : memref<!tpu.dma_semaphore, #tpu.memory_space<semaphore_mem>>) src(%dma_wait3A_1117 : memref<100000xf32, #tpu.memory_space<hbm>>) dst(%arg5 : memref<100000xf32, #tpu.memory_space<vmem>>)
        tpu.yield
      }) : () -> ()
      %iota3A_468 = tpu.iota {dimensions = array<i32: 0>} : vector<16xi32>
      %broadcast_in_dim3A_469 = arith.constant 1 : i32
      %broadcast_in_dim3A_470 = vector.broadcast %broadcast_in_dim3A_469 : i32 to vector<16xi32>
      %broadcast_in_dim3A_471 = arith.constant 0 : i32
      %broadcast_in_dim3A_472 = vector.broadcast %broadcast_in_dim3A_471 : i32 to vector<16xi32>
      %parallel_loop3A_473 = arith.constant 0 : i32
      %parallel_loop3A_474 = arith.constant 128 : i32
      %parallel_loop3A_475 = arith.constant 1 : i32
      scf.for %parallel_loop3A_1108 = %parallel_loop3A_473 to %parallel_loop3A_474 step %parallel_loop3A_475  : i32 {
        %parallel_loop3A_1109 = arith.constant 16 : i32
        %parallel_loop3A_1110 = arith.muli %parallel_loop3A_1108, %parallel_loop3A_1109 : i32
        %parallel_loop3A_1111 = arith.index_cast %parallel_loop3A_1110 : i32 to index
        %parallel_loop3A_1112 = tpu.vector_load %arg6[%parallel_loop3A_1111] {strides = array<i32>} : memref<2048xi32, #tpu.memory_space<vmem>>, vector<16xi32>,
        tpu.vector_store %arg6[%parallel_loop3A_1111], %broadcast_in_dim3A_472 {strides = array<i32>} : memref<2048xi32, #tpu.memory_space<vmem>>, vector<16xi32>,
      } {sc.loop_unroll_factor = 8 : i64, sc.parallel_access}
      %parallel_loop3A_476 = arith.constant 0 : i32
      %parallel_loop3A_477 = arith.constant 6250 : i32
      %parallel_loop3A_478 = arith.constant 1 : i32
      scf.for %parallel_loop3A_1108 = %parallel_loop3A_476 to %parallel_loop3A_477 step %parallel_loop3A_478  : i32 {
        %parallel_loop3A_1109 = arith.constant 16 : i32
        %parallel_loop3A_1110 = arith.muli %parallel_loop3A_1108, %parallel_loop3A_1109 : i32
        %parallel_loop3A_1111 = arith.index_cast %parallel_loop3A_1110 : i32 to index
        %parallel_loop3A_1112 = tpu.vector_load %arg5[%parallel_loop3A_1111] {strides = array<i32>} : memref<100000xf32, #tpu.memory_space<vmem>>, vector<16xf32>,
        %parallel_loop3A_1113 = tpu.bitcast %parallel_loop3A_1112 : vector<16xf32> -> vector<16xi32>
        %parallel_loop3A_1114 = arith.constant 31 : i32
        %parallel_loop3A_1115 = vector.broadcast %parallel_loop3A_1114 : i32 to vector<16xi32>
        %parallel_loop3A_1116 = arith.shrsi %parallel_loop3A_1113, %parallel_loop3A_1115 : vector<16xi32>
        %parallel_loop3A_1117 = arith.constant 2147483647 : i32
        %parallel_loop3A_1118 = vector.broadcast %parallel_loop3A_1117 : i32 to vector<16xi32>
        %parallel_loop3A_1119 = arith.andi %parallel_loop3A_1116, %parallel_loop3A_1118 : vector<16xi32>
        %parallel_loop3A_1120 = arith.xori %parallel_loop3A_1113, %parallel_loop3A_1119 : vector<16xi32>
        %parallel_loop3A_1121 = arith.constant -2147483648 : i32
        %parallel_loop3A_1122 = vector.broadcast %parallel_loop3A_1121 : i32 to vector<16xi32>
        %parallel_loop3A_1123 = arith.xori %parallel_loop3A_1120, %parallel_loop3A_1122 : vector<16xi32>
        %parallel_loop3A_1124 = arith.constant 21 : i32
        %parallel_loop3A_1125 = vector.broadcast %parallel_loop3A_1124 : i32 to vector<16xi32>
        %parallel_loop3A_1126 = arith.shrui %parallel_loop3A_1123, %parallel_loop3A_1125 : vector<16xi32>
        tpu.vector_store_idx %arg6[%parallel_loop3A_1126], %broadcast_in_dim3A_470 {add = true} : memref<2048xi32, #tpu.memory_space<vmem>>[vector<16xi32>], vector<16xi32>,
      } {sc.loop_unroll_factor = 10 : i64, sc.parallel_access}
      %iota3A_479 = tpu.iota {dimensions = array<i32: 0>} : vector<16xi32>
      %scan3A_480 = arith.constant 10000 : i32
      %scan3A_481 = arith.constant 0 : i32
      %scan3A_482 = arith.constant 0 : i32
      %scan3A_483 = arith.constant 0 : i32
      %scan3A_484 = arith.constant 0 : i32
      %scan3A_485 = arith.constant 0 : i32
      %scan3A_486 = arith.constant 128 : i32
      %scan3A_487 = arith.addi %scan3A_485, %scan3A_486 : i32
      %scan3A_488 = arith.constant 1 : i32
      %scan3A_489:4 = scf.for %scan3A_1108 = %scan3A_485 to %scan3A_487 step %scan3A_488 iter_args(%scan3A_1109 = %scan3A_481, %scan3A_1110 = %scan3A_482, %scan3A_1111 = %scan3A_483, %scan3A_1112 = %scan3A_484) -> (i32, i32, i32, i32)  : i32 {
        %sub3A_1113 = arith.constant 127 : i32
        %sub3A_1114 = arith.subi %sub3A_1113, %scan3A_1108 : i32
        %mul3A_1115 = arith.constant 16 : i32
        %mul3A_1116 = arith.muli %sub3A_1114, %mul3A_1115 : i32
        %get3A_1117 = arith.index_cast %mul3A_1116 : i32 to index
        %get3A_1118 = tpu.vector_load %arg6[%get3A_1117] {strides = array<i32>} : memref<2048xi32, #tpu.memory_space<vmem>>, vector<16xi32>,
        %reduce_sum3A_1119 = arith.constant true
        %reduce_sum3A_1120 = vector.broadcast %reduce_sum3A_1119 : i1 to vector<16xi1>
        %reduce_sum3A_1121 = tpu.scan <sum>, %get3A_1118 masked %reduce_sum3A_1120 : vector<16xi32>, vector<16xi1> -> vector<16xi32>
        %reduce_sum3A_1122 = vector.extract %reduce_sum3A_1121[15] : i32 from vector<16xi32>
        %add3A_1123 = arith.addi %scan3A_1109, %reduce_sum3A_1122 : i32
        %ge3A_1124 = arith.cmpi sge, %add3A_1123, %scan3A_480 : i32
        %eq3A_1125 = arith.constant 0 : i32
        %eq3A_1126 = arith.cmpi eq, %scan3A_1112, %eq3A_1125 : i32
        %and3A_1127 = arith.andi %ge3A_1124, %eq3A_1126 : i1
        %select_n3A_1128 = arith.select %and3A_1127, %sub3A_1114, %scan3A_1110 : i32
        %select_n3A_1129 = arith.select %and3A_1127, %scan3A_1109, %scan3A_1111 : i32
        %jit3A_1130 = arith.constant 1 : i32
        %select_n3A_1131 = arith.select %and3A_1127, %jit3A_1130, %scan3A_1112 : i32
        scf.yield %add3A_1123, %select_n3A_1128, %select_n3A_1129, %select_n3A_1131 : i32, i32, i32, i32
      }
      %scan3A_490 = arith.constant 128 : i32
      %mul3A_491 = arith.constant 16 : i32
      %mul3A_492 = arith.muli %scan3A_489#1, %mul3A_491 : i32
      %get3A_493 = arith.index_cast %mul3A_492 : i32 to index
      %get3A_494 = tpu.vector_load %arg6[%get3A_493] {strides = array<i32>} : memref<2048xi32, #tpu.memory_space<vmem>>, vector<16xi32>,
      %rev3A_495 = arith.constant 15 : i32
      %rev3A_496 = vector.broadcast %rev3A_495 : i32 to vector<16xi32>
      %rev3A_497 = tpu.iota {dimensions = array<i32: 0>} : vector<16xi32>
      %rev3A_498 = arith.subi %rev3A_496, %rev3A_497 : vector<16xi32>
      %rev3A_499 = tpu.dynamic_gather %get3A_494[%rev3A_498] in [0] : vector<16xi32>, vector<16xi32> -> vector<16xi32>
      %broadcast_in_dim3A_500 = arith.constant true
      %broadcast_in_dim3A_501 = vector.broadcast %broadcast_in_dim3A_500 : i1 to vector<16xi1>
      %masked_cumsum3A_502 = tpu.scan <sum>, %rev3A_499 masked %broadcast_in_dim3A_501 : vector<16xi32>, vector<16xi1> -> vector<16xi32>
      %add3A_503 = vector.broadcast %scan3A_489#2 : i32 to vector<16xi32>
      %add3A_504 = arith.addi %add3A_503, %masked_cumsum3A_502 : vector<16xi32>
      %ge3A_505 = arith.constant 10000 : i32
      %ge3A_506 = vector.broadcast %ge3A_505 : i32 to vector<16xi32>
      %ge3A_507 = arith.cmpi sge, %add3A_504, %ge3A_506 : vector<16xi32>
      %all_reduce_ffs3A_508 = tpu.all_reduce %ge3A_507 {dim = 0 : i64, kind = #tpu.reduction_kind<find_first_set>} : vector<16xi1> -> vector<16xi32>
      %eq3A_509 = arith.cmpi eq, %iota3A_479, %all_reduce_ffs3A_508 : vector<16xi32>
      %jit3A_510 = arith.constant 0 : i32
      %broadcast_in_dim3A_511 = vector.broadcast %jit3A_510 : i32 to vector<16xi32>
      %select_n3A_512 = arith.select %eq3A_509, %masked_cumsum3A_502, %broadcast_in_dim3A_511 : vector<16xi1>, vector<16xi32>
      %reduce_sum3A_513 = arith.constant true
      %reduce_sum3A_514 = vector.broadcast %reduce_sum3A_513 : i1 to vector<16xi1>
      %reduce_sum3A_515 = tpu.scan <sum>, %select_n3A_512 masked %reduce_sum3A_514 : vector<16xi32>, vector<16xi1> -> vector<16xi32>
      %reduce_sum3A_516 = vector.extract %reduce_sum3A_515[15] : i32 from vector<16xi32>
      %jit3A_517 = arith.constant 0 : i32
      %broadcast_in_dim3A_518 = vector.broadcast %jit3A_517 : i32 to vector<16xi32>
      %select_n3A_519 = arith.select %eq3A_509, %rev3A_499, %broadcast_in_dim3A_518 : vector<16xi1>, vector<16xi32>
      %reduce_sum3A_520 = arith.constant true
      %reduce_sum3A_521 = vector.broadcast %reduce_sum3A_520 : i1 to vector<16xi1>
      %reduce_sum3A_522 = tpu.scan <sum>, %select_n3A_519 masked %reduce_sum3A_521 : vector<16xi32>, vector<16xi1> -> vector<16xi32>
      %reduce_sum3A_523 = vector.extract %reduce_sum3A_522[15] : i32 from vector<16xi32>
      %mul3A_524 = arith.constant 16 : i32
      %mul3A_525 = arith.muli %scan3A_489#1, %mul3A_524 : i32
      %add3A_526 = arith.constant 15 : i32
      %add3A_527 = arith.addi %mul3A_525, %add3A_526 : i32
      %iota3A_528 = tpu.iota {dimensions = array<i32: 0>} : vector<16xi32>
      %eq3A_529 = arith.constant 0 : i32
      %eq3A_530 = vector.broadcast %eq3A_529 : i32 to vector<16xi32>
      %eq3A_531 = arith.cmpi eq, %iota3A_528, %eq3A_530 : vector<16xi32>
      %jit3A_532 = arith.constant 0 : i32
      %broadcast_in_dim3A_533 = vector.broadcast %jit3A_532 : i32 to vector<16xi32>
      %select_n3A_534 = arith.select %eq3A_531, %all_reduce_ffs3A_508, %broadcast_in_dim3A_533 : vector<16xi1>, vector<16xi32>
      %reduce_sum3A_535 = arith.constant true
      %reduce_sum3A_536 = vector.broadcast %reduce_sum3A_535 : i1 to vector<16xi1>
      %reduce_sum3A_537 = tpu.scan <sum>, %select_n3A_534 masked %reduce_sum3A_536 : vector<16xi32>, vector<16xi1> -> vector<16xi32>
      %reduce_sum3A_538 = vector.extract %reduce_sum3A_537[15] : i32 from vector<16xi32>
      %sub3A_539 = arith.subi %add3A_527, %reduce_sum3A_538 : i32
      %add3A_540 = arith.addi %scan3A_489#2, %reduce_sum3A_516 : i32
      %sub3A_541 = arith.subi %add3A_540, %reduce_sum3A_523 : i32
      %shift_left3A_542 = arith.constant 21 : i32
      %shift_left3A_543 = arith.shli %sub3A_539, %shift_left3A_542 : i32
      %xor3A_544 = arith.constant -2147483648 : i32
      %xor3A_545 = arith.xori %shift_left3A_543, %xor3A_544 : i32
      %shift_right_arithmetic3A_546 = arith.constant 31 : i32
      %shift_right_arithmetic3A_547 = arith.shrsi %xor3A_545, %shift_right_arithmetic3A_546 : i32
      %and3A_548 = arith.constant 2147483647 : i32
      %and3A_549 = arith.andi %shift_right_arithmetic3A_547, %and3A_548 : i32
      %xor3A_550 = arith.xori %xor3A_545, %and3A_549 : i32
      %bitcast_convert_type3A_551 = arith.bitcast %xor3A_550 : i32 to f32
      %broadcast_in_dim3A_552 = arith.constant 0 : i32
      %broadcast_in_dim3A_553 = vector.broadcast %broadcast_in_dim3A_552 : i32 to vector<16xi32>
      %parallel_loop3A_554 = arith.constant 0 : i32
      %parallel_loop3A_555 = arith.constant 128 : i32
      %parallel_loop3A_556 = arith.constant 1 : i32
      scf.for %parallel_loop3A_1108 = %parallel_loop3A_554 to %parallel_loop3A_555 step %parallel_loop3A_556  : i32 {
        %parallel_loop3A_1109 = arith.constant 16 : i32
        %parallel_loop3A_1110 = arith.muli %parallel_loop3A_1108, %parallel_loop3A_1109 : i32
        %parallel_loop3A_1111 = arith.index_cast %parallel_loop3A_1110 : i32 to index
        %parallel_loop3A_1112 = tpu.vector_load %arg7[%parallel_loop3A_1111] {strides = array<i32>} : memref<2048xi32, #tpu.memory_space<vmem>>, vector<16xi32>,
        tpu.vector_store %arg7[%parallel_loop3A_1111], %broadcast_in_dim3A_553 {strides = array<i32>} : memref<2048xi32, #tpu.memory_space<vmem>>, vector<16xi32>,
      } {sc.loop_unroll_factor = 8 : i64, sc.parallel_access}
      %broadcast_in_dim3A_557 = arith.constant 0.000000e+00 : f32
      %broadcast_in_dim3A_558 = vector.broadcast %broadcast_in_dim3A_557 : f32 to vector<16xf32>
      %parallel_loop3A_559 = arith.constant 0 : i32
      %parallel_loop3A_560 = arith.constant 6250 : i32
      %parallel_loop3A_561 = arith.constant 1 : i32
      %parallel_loop3A_562 = scf.for %parallel_loop3A_1108 = %parallel_loop3A_559 to %parallel_loop3A_560 step %parallel_loop3A_561 iter_args(%parallel_loop3A_1109 = %broadcast_in_dim3A_558) -> (vector<16xf32>)  : i32 {
        %parallel_loop3A_1110 = arith.constant 16 : i32
        %parallel_loop3A_1111 = arith.muli %parallel_loop3A_1108, %parallel_loop3A_1110 : i32
        %parallel_loop3A_1112 = arith.index_cast %parallel_loop3A_1111 : i32 to index
        %parallel_loop3A_1113 = tpu.vector_load %arg5[%parallel_loop3A_1112] {strides = array<i32>} : memref<100000xf32, #tpu.memory_space<vmem>>, vector<16xf32>,
        %parallel_loop3A_1114 = tpu.bitcast %parallel_loop3A_1113 : vector<16xf32> -> vector<16xi32>
        %parallel_loop3A_1115 = arith.constant 31 : i32
        %parallel_loop3A_1116 = vector.broadcast %parallel_loop3A_1115 : i32 to vector<16xi32>
        %parallel_loop3A_1117 = arith.shrsi %parallel_loop3A_1114, %parallel_loop3A_1116 : vector<16xi32>
        %parallel_loop3A_1118 = arith.constant 2147483647 : i32
        %parallel_loop3A_1119 = vector.broadcast %parallel_loop3A_1118 : i32 to vector<16xi32>
        %parallel_loop3A_1120 = arith.andi %parallel_loop3A_1117, %parallel_loop3A_1119 : vector<16xi32>
        %parallel_loop3A_1121 = arith.xori %parallel_loop3A_1114, %parallel_loop3A_1120 : vector<16xi32>
        %parallel_loop3A_1122 = arith.constant -2147483648 : i32
        %parallel_loop3A_1123 = vector.broadcast %parallel_loop3A_1122 : i32 to vector<16xi32>
        %parallel_loop3A_1124 = arith.xori %parallel_loop3A_1121, %parallel_loop3A_1123 : vector<16xi32>
        %parallel_loop3A_1125 = arith.constant 21 : i32
        %parallel_loop3A_1126 = vector.broadcast %parallel_loop3A_1125 : i32 to vector<16xi32>
        %parallel_loop3A_1127 = arith.shrui %parallel_loop3A_1124, %parallel_loop3A_1126 : vector<16xi32>
        %parallel_loop3A_1128 = vector.broadcast %bitcast_convert_type3A_551 : f32 to vector<16xf32>
        %parallel_loop3A_1129 = arith.subf %parallel_loop3A_1113, %parallel_loop3A_1128 : vector<16xf32>
        %parallel_loop3A_1130 = math.exp %parallel_loop3A_1129 : vector<16xf32>
        %parallel_loop3A_1131 = vector.broadcast %sub3A_539 : i32 to vector<16xi32>
        %parallel_loop3A_1132 = arith.cmpi sgt, %parallel_loop3A_1127, %parallel_loop3A_1131 : vector<16xi32>
        %parallel_loop3A_1133 = arith.constant 0.000000e+00 : f32
        %parallel_loop3A_1134 = vector.broadcast %parallel_loop3A_1133 : f32 to vector<16xf32>
        %parallel_loop3A_1135 = arith.select %parallel_loop3A_1132, %parallel_loop3A_1130, %parallel_loop3A_1134 : vector<16xi1>, vector<16xf32>
        %parallel_loop3A_1136 = arith.addf %parallel_loop3A_1109, %parallel_loop3A_1135 : vector<16xf32>
        %parallel_loop3A_1137 = arith.constant -2147483648 : i32
        %parallel_loop3A_1138 = vector.broadcast %parallel_loop3A_1137 : i32 to vector<16xi32>
        %parallel_loop3A_1139 = arith.xori %parallel_loop3A_1121, %parallel_loop3A_1138 : vector<16xi32>
        %parallel_loop3A_1140 = arith.constant 10 : i32
        %parallel_loop3A_1141 = vector.broadcast %parallel_loop3A_1140 : i32 to vector<16xi32>
        %parallel_loop3A_1142 = arith.shrui %parallel_loop3A_1139, %parallel_loop3A_1141 : vector<16xi32>
        %parallel_loop3A_1143 = arith.constant 2047 : i32
        %parallel_loop3A_1144 = vector.broadcast %parallel_loop3A_1143 : i32 to vector<16xi32>
        %parallel_loop3A_1145 = arith.andi %parallel_loop3A_1142, %parallel_loop3A_1144 : vector<16xi32>
        %parallel_loop3A_1146 = vector.broadcast %sub3A_539 : i32 to vector<16xi32>
        %parallel_loop3A_1147 = arith.cmpi eq, %parallel_loop3A_1127, %parallel_loop3A_1146 : vector<16xi32>
        tpu.vector_store_idx %arg7[%parallel_loop3A_1145], %broadcast_in_dim3A_470 masked %parallel_loop3A_1147 {add = true} : memref<2048xi32, #tpu.memory_space<vmem>>[vector<16xi32>], vector<16xi32>, vector<16xi1>
        scf.yield %parallel_loop3A_1136 : vector<16xf32>
      } {sc.loop_unroll_factor = 5 : i64, sc.parallel_access}
      %reduce_sum3A_563 = arith.constant true
      %reduce_sum3A_564 = vector.broadcast %reduce_sum3A_563 : i1 to vector<16xi1>
      %reduce_sum3A_565 = tpu.scan <sum>, %parallel_loop3A_562 masked %reduce_sum3A_564 : vector<16xf32>, vector<16xi1> -> vector<16xf32>
      %reduce_sum3A_566 = vector.extract %reduce_sum3A_565[15] : f32 from vector<16xf32>
      %sub3A_567 = arith.constant 10000 : i32
      %sub3A_568 = arith.subi %sub3A_567, %sub3A_541 : i32
      %iota3A_569 = tpu.iota {dimensions = array<i32: 0>} : vector<16xi32>
      %scan3A_570 = arith.constant 0 : i32
      %scan3A_571 = arith.constant 0 : i32
      %scan3A_572 = arith.constant 0 : i32
      %scan3A_573 = arith.constant 0 : i32
      %scan3A_574 = arith.constant 0 : i32
      %scan3A_575 = arith.constant 128 : i32
      %scan3A_576 = arith.addi %scan3A_574, %scan3A_575 : i32
      %scan3A_577 = arith.constant 1 : i32
      %scan3A_578:4 = scf.for %scan3A_1108 = %scan3A_574 to %scan3A_576 step %scan3A_577 iter_args(%scan3A_1109 = %scan3A_570, %scan3A_1110 = %scan3A_571, %scan3A_1111 = %scan3A_572, %scan3A_1112 = %scan3A_573) -> (i32, i32, i32, i32)  : i32 {
        %sub3A_1113 = arith.constant 127 : i32
        %sub3A_1114 = arith.subi %sub3A_1113, %scan3A_1108 : i32
        %mul3A_1115 = arith.constant 16 : i32
        %mul3A_1116 = arith.muli %sub3A_1114, %mul3A_1115 : i32
        %get3A_1117 = arith.index_cast %mul3A_1116 : i32 to index
        %get3A_1118 = tpu.vector_load %arg7[%get3A_1117] {strides = array<i32>} : memref<2048xi32, #tpu.memory_space<vmem>>, vector<16xi32>,
        %reduce_sum3A_1119 = arith.constant true
        %reduce_sum3A_1120 = vector.broadcast %reduce_sum3A_1119 : i1 to vector<16xi1>
        %reduce_sum3A_1121 = tpu.scan <sum>, %get3A_1118 masked %reduce_sum3A_1120 : vector<16xi32>, vector<16xi1> -> vector<16xi32>
        %reduce_sum3A_1122 = vector.extract %reduce_sum3A_1121[15] : i32 from vector<16xi32>
        %add3A_1123 = arith.addi %scan3A_1109, %reduce_sum3A_1122 : i32
        %ge3A_1124 = arith.cmpi sge, %add3A_1123, %sub3A_568 : i32
        %eq3A_1125 = arith.constant 0 : i32
        %eq3A_1126 = arith.cmpi eq, %scan3A_1112, %eq3A_1125 : i32
        %and3A_1127 = arith.andi %ge3A_1124, %eq3A_1126 : i1
        %select_n3A_1128 = arith.select %and3A_1127, %sub3A_1114, %scan3A_1110 : i32
        %select_n3A_1129 = arith.select %and3A_1127, %scan3A_1109, %scan3A_1111 : i32
        %jit3A_1130 = arith.constant 1 : i32
        %select_n3A_1131 = arith.select %and3A_1127, %jit3A_1130, %scan3A_1112 : i32
        scf.yield %add3A_1123, %select_n3A_1128, %select_n3A_1129, %select_n3A_1131 : i32, i32, i32, i32
      }
      %scan3A_579 = arith.constant 128 : i32
      %mul3A_580 = arith.constant 16 : i32
      %mul3A_581 = arith.muli %scan3A_578#1, %mul3A_580 : i32
      %get3A_582 = arith.index_cast %mul3A_581 : i32 to index
      %get3A_583 = tpu.vector_load %arg7[%get3A_582] {strides = array<i32>} : memref<2048xi32, #tpu.memory_space<vmem>>, vector<16xi32>,
      %rev3A_584 = arith.constant 15 : i32
      %rev3A_585 = vector.broadcast %rev3A_584 : i32 to vector<16xi32>
      %rev3A_586 = tpu.iota {dimensions = array<i32: 0>} : vector<16xi32>
      %rev3A_587 = arith.subi %rev3A_585, %rev3A_586 : vector<16xi32>
      %rev3A_588 = tpu.dynamic_gather %get3A_583[%rev3A_587] in [0] : vector<16xi32>, vector<16xi32> -> vector<16xi32>
      %broadcast_in_dim3A_589 = arith.constant true
      %broadcast_in_dim3A_590 = vector.broadcast %broadcast_in_dim3A_589 : i1 to vector<16xi1>
      %masked_cumsum3A_591 = tpu.scan <sum>, %rev3A_588 masked %broadcast_in_dim3A_590 : vector<16xi32>, vector<16xi1> -> vector<16xi32>
      %add3A_592 = vector.broadcast %scan3A_578#2 : i32 to vector<16xi32>
      %add3A_593 = arith.addi %add3A_592, %masked_cumsum3A_591 : vector<16xi32>
      %ge3A_594 = vector.broadcast %sub3A_568 : i32 to vector<16xi32>
      %ge3A_595 = arith.cmpi sge, %add3A_593, %ge3A_594 : vector<16xi32>
      %all_reduce_ffs3A_596 = tpu.all_reduce %ge3A_595 {dim = 0 : i64, kind = #tpu.reduction_kind<find_first_set>} : vector<16xi1> -> vector<16xi32>
      %eq3A_597 = arith.cmpi eq, %iota3A_569, %all_reduce_ffs3A_596 : vector<16xi32>
      %jit3A_598 = arith.constant 0 : i32
      %broadcast_in_dim3A_599 = vector.broadcast %jit3A_598 : i32 to vector<16xi32>
      %select_n3A_600 = arith.select %eq3A_597, %masked_cumsum3A_591, %broadcast_in_dim3A_599 : vector<16xi1>, vector<16xi32>
      %reduce_sum3A_601 = arith.constant true
      %reduce_sum3A_602 = vector.broadcast %reduce_sum3A_601 : i1 to vector<16xi1>
      %reduce_sum3A_603 = tpu.scan <sum>, %select_n3A_600 masked %reduce_sum3A_602 : vector<16xi32>, vector<16xi1> -> vector<16xi32>
      %reduce_sum3A_604 = vector.extract %reduce_sum3A_603[15] : i32 from vector<16xi32>
      %jit3A_605 = arith.constant 0 : i32
      %broadcast_in_dim3A_606 = vector.broadcast %jit3A_605 : i32 to vector<16xi32>
      %select_n3A_607 = arith.select %eq3A_597, %rev3A_588, %broadcast_in_dim3A_606 : vector<16xi1>, vector<16xi32>
      %reduce_sum3A_608 = arith.constant true
      %reduce_sum3A_609 = vector.broadcast %reduce_sum3A_608 : i1 to vector<16xi1>
      %reduce_sum3A_610 = tpu.scan <sum>, %select_n3A_607 masked %reduce_sum3A_609 : vector<16xi32>, vector<16xi1> -> vector<16xi32>
      %reduce_sum3A_611 = vector.extract %reduce_sum3A_610[15] : i32 from vector<16xi32>
      %mul3A_612 = arith.constant 16 : i32
      %mul3A_613 = arith.muli %scan3A_578#1, %mul3A_612 : i32
      %add3A_614 = arith.constant 15 : i32
      %add3A_615 = arith.addi %mul3A_613, %add3A_614 : i32
      %iota3A_616 = tpu.iota {dimensions = array<i32: 0>} : vector<16xi32>
      %eq3A_617 = arith.constant 0 : i32
      %eq3A_618 = vector.broadcast %eq3A_617 : i32 to vector<16xi32>
      %eq3A_619 = arith.cmpi eq, %iota3A_616, %eq3A_618 : vector<16xi32>
      %jit3A_620 = arith.constant 0 : i32
      %broadcast_in_dim3A_621 = vector.broadcast %jit3A_620 : i32 to vector<16xi32>
      %select_n3A_622 = arith.select %eq3A_619, %all_reduce_ffs3A_596, %broadcast_in_dim3A_621 : vector<16xi1>, vector<16xi32>
      %reduce_sum3A_623 = arith.constant true
      %reduce_sum3A_624 = vector.broadcast %reduce_sum3A_623 : i1 to vector<16xi1>
      %reduce_sum3A_625 = tpu.scan <sum>, %select_n3A_622 masked %reduce_sum3A_624 : vector<16xi32>, vector<16xi1> -> vector<16xi32>
      %reduce_sum3A_626 = vector.extract %reduce_sum3A_625[15] : i32 from vector<16xi32>
      %sub3A_627 = arith.subi %add3A_615, %reduce_sum3A_626 : i32
      %add3A_628 = arith.addi %scan3A_578#2, %reduce_sum3A_604 : i32
      %sub3A_629 = arith.subi %add3A_628, %reduce_sum3A_611 : i32
      %broadcast_in_dim3A_630 = arith.constant 0 : i32
      %broadcast_in_dim3A_631 = vector.broadcast %broadcast_in_dim3A_630 : i32 to vector<16xi32>
      %parallel_loop3A_632 = arith.constant 0 : i32
      %parallel_loop3A_633 = arith.constant 64 : i32
      %parallel_loop3A_634 = arith.constant 1 : i32
      scf.for %parallel_loop3A_1108 = %parallel_loop3A_632 to %parallel_loop3A_633 step %parallel_loop3A_634  : i32 {
        %parallel_loop3A_1109 = arith.constant 16 : i32
        %parallel_loop3A_1110 = arith.muli %parallel_loop3A_1108, %parallel_loop3A_1109 : i32
        %parallel_loop3A_1111 = arith.index_cast %parallel_loop3A_1110 : i32 to index
        %parallel_loop3A_1112 = tpu.vector_load %arg8[%parallel_loop3A_1111] {strides = array<i32>} : memref<1024xi32, #tpu.memory_space<vmem>>, vector<16xi32>,
        tpu.vector_store %arg8[%parallel_loop3A_1111], %broadcast_in_dim3A_631 {strides = array<i32>} : memref<1024xi32, #tpu.memory_space<vmem>>, vector<16xi32>,
      } {sc.loop_unroll_factor = 8 : i64, sc.parallel_access}
      %broadcast_in_dim3A_635 = arith.constant 0.000000e+00 : f32
      %broadcast_in_dim3A_636 = vector.broadcast %broadcast_in_dim3A_635 : f32 to vector<16xf32>
      %parallel_loop3A_637 = arith.constant 0 : i32
      %parallel_loop3A_638 = arith.constant 64 : i32
      %parallel_loop3A_639 = arith.constant 1 : i32
      scf.for %parallel_loop3A_1108 = %parallel_loop3A_637 to %parallel_loop3A_638 step %parallel_loop3A_639  : i32 {
        %parallel_loop3A_1109 = arith.constant 16 : i32
        %parallel_loop3A_1110 = arith.muli %parallel_loop3A_1108, %parallel_loop3A_1109 : i32
        %parallel_loop3A_1111 = arith.index_cast %parallel_loop3A_1110 : i32 to index
        %parallel_loop3A_1112 = tpu.vector_load %arg9[%parallel_loop3A_1111] {strides = array<i32>} : memref<1024xf32, #tpu.memory_space<vmem>>, vector<16xf32>,
        tpu.vector_store %arg9[%parallel_loop3A_1111], %broadcast_in_dim3A_636 {strides = array<i32>} : memref<1024xf32, #tpu.memory_space<vmem>>, vector<16xf32>,
      } {sc.loop_unroll_factor = 8 : i64, sc.parallel_access}
      %broadcast_in_dim3A_640 = arith.constant 0.000000e+00 : f32
      %broadcast_in_dim3A_641 = vector.broadcast %broadcast_in_dim3A_640 : f32 to vector<16xf32>
      %parallel_loop3A_642 = arith.constant 0 : i32
      %parallel_loop3A_643 = arith.constant 6250 : i32
      %parallel_loop3A_644 = arith.constant 1 : i32
      %parallel_loop3A_645 = scf.for %parallel_loop3A_1108 = %parallel_loop3A_642 to %parallel_loop3A_643 step %parallel_loop3A_644 iter_args(%parallel_loop3A_1109 = %broadcast_in_dim3A_641) -> (vector<16xf32>)  : i32 {
        %parallel_loop3A_1110 = arith.constant 16 : i32
        %parallel_loop3A_1111 = arith.muli %parallel_loop3A_1108, %parallel_loop3A_1110 : i32
        %parallel_loop3A_1112 = arith.index_cast %parallel_loop3A_1111 : i32 to index
        %parallel_loop3A_1113 = tpu.vector_load %arg5[%parallel_loop3A_1112] {strides = array<i32>} : memref<100000xf32, #tpu.memory_space<vmem>>, vector<16xf32>,
        %parallel_loop3A_1114 = tpu.bitcast %parallel_loop3A_1113 : vector<16xf32> -> vector<16xi32>
        %parallel_loop3A_1115 = arith.constant 31 : i32
        %parallel_loop3A_1116 = vector.broadcast %parallel_loop3A_1115 : i32 to vector<16xi32>
        %parallel_loop3A_1117 = arith.shrsi %parallel_loop3A_1114, %parallel_loop3A_1116 : vector<16xi32>
        %parallel_loop3A_1118 = arith.constant 2147483647 : i32
        %parallel_loop3A_1119 = vector.broadcast %parallel_loop3A_1118 : i32 to vector<16xi32>
        %parallel_loop3A_1120 = arith.andi %parallel_loop3A_1117, %parallel_loop3A_1119 : vector<16xi32>
        %parallel_loop3A_1121 = arith.xori %parallel_loop3A_1114, %parallel_loop3A_1120 : vector<16xi32>
        %parallel_loop3A_1122 = arith.constant -2147483648 : i32
        %parallel_loop3A_1123 = vector.broadcast %parallel_loop3A_1122 : i32 to vector<16xi32>
        %parallel_loop3A_1124 = arith.xori %parallel_loop3A_1121, %parallel_loop3A_1123 : vector<16xi32>
        %parallel_loop3A_1125 = arith.constant 21 : i32
        %parallel_loop3A_1126 = vector.broadcast %parallel_loop3A_1125 : i32 to vector<16xi32>
        %parallel_loop3A_1127 = arith.shrui %parallel_loop3A_1124, %parallel_loop3A_1126 : vector<16xi32>
        %parallel_loop3A_1128 = arith.constant -2147483648 : i32
        %parallel_loop3A_1129 = vector.broadcast %parallel_loop3A_1128 : i32 to vector<16xi32>
        %parallel_loop3A_1130 = arith.xori %parallel_loop3A_1121, %parallel_loop3A_1129 : vector<16xi32>
        %parallel_loop3A_1131 = arith.constant 10 : i32
        %parallel_loop3A_1132 = vector.broadcast %parallel_loop3A_1131 : i32 to vector<16xi32>
        %parallel_loop3A_1133 = arith.shrui %parallel_loop3A_1130, %parallel_loop3A_1132 : vector<16xi32>
        %parallel_loop3A_1134 = arith.constant 2047 : i32
        %parallel_loop3A_1135 = vector.broadcast %parallel_loop3A_1134 : i32 to vector<16xi32>
        %parallel_loop3A_1136 = arith.andi %parallel_loop3A_1133, %parallel_loop3A_1135 : vector<16xi32>
        %parallel_loop3A_1137 = vector.broadcast %sub3A_539 : i32 to vector<16xi32>
        %parallel_loop3A_1138 = arith.cmpi eq, %parallel_loop3A_1127, %parallel_loop3A_1137 : vector<16xi32>
        %parallel_loop3A_1139 = vector.broadcast %bitcast_convert_type3A_551 : f32 to vector<16xf32>
        %parallel_loop3A_1140 = arith.subf %parallel_loop3A_1113, %parallel_loop3A_1139 : vector<16xf32>
        %parallel_loop3A_1141 = math.exp %parallel_loop3A_1140 : vector<16xf32>
        %parallel_loop3A_1142 = vector.broadcast %sub3A_627 : i32 to vector<16xi32>
        %parallel_loop3A_1143 = arith.cmpi sgt, %parallel_loop3A_1136, %parallel_loop3A_1142 : vector<16xi32>
        %parallel_loop3A_1144 = arith.andi %parallel_loop3A_1138, %parallel_loop3A_1143 : vector<16xi1>
        %parallel_loop3A_1145 = arith.constant 0.000000e+00 : f32
        %parallel_loop3A_1146 = vector.broadcast %parallel_loop3A_1145 : f32 to vector<16xf32>
        %parallel_loop3A_1147 = arith.select %parallel_loop3A_1144, %parallel_loop3A_1141, %parallel_loop3A_1146 : vector<16xi1>, vector<16xf32>
        %parallel_loop3A_1148 = arith.addf %parallel_loop3A_1109, %parallel_loop3A_1147 : vector<16xf32>
        %parallel_loop3A_1149 = vector.broadcast %sub3A_627 : i32 to vector<16xi32>
        %parallel_loop3A_1150 = arith.cmpi eq, %parallel_loop3A_1136, %parallel_loop3A_1149 : vector<16xi32>
        %parallel_loop3A_1151 = arith.andi %parallel_loop3A_1138, %parallel_loop3A_1150 : vector<16xi1>
        %parallel_loop3A_1152 = arith.constant -2147483648 : i32
        %parallel_loop3A_1153 = vector.broadcast %parallel_loop3A_1152 : i32 to vector<16xi32>
        %parallel_loop3A_1154 = arith.xori %parallel_loop3A_1121, %parallel_loop3A_1153 : vector<16xi32>
        %parallel_loop3A_1155 = arith.constant 1023 : i32
        %parallel_loop3A_1156 = vector.broadcast %parallel_loop3A_1155 : i32 to vector<16xi32>
        %parallel_loop3A_1157 = arith.andi %parallel_loop3A_1154, %parallel_loop3A_1156 : vector<16xi32>
        tpu.vector_store_idx %arg8[%parallel_loop3A_1157], %broadcast_in_dim3A_470 masked %parallel_loop3A_1151 {add = true} : memref<1024xi32, #tpu.memory_space<vmem>>[vector<16xi32>], vector<16xi32>, vector<16xi1>
        tpu.vector_store_idx %arg9[%parallel_loop3A_1157], %parallel_loop3A_1141 masked %parallel_loop3A_1151 {add = true} : memref<1024xf32, #tpu.memory_space<vmem>>[vector<16xi32>], vector<16xf32>, vector<16xi1>
        scf.yield %parallel_loop3A_1148 : vector<16xf32>
      } {sc.loop_unroll_factor = 5 : i64, sc.parallel_access}
      %sub3A_646 = arith.subi %sub3A_568, %sub3A_629 : i32
      %iota3A_647 = tpu.iota {dimensions = array<i32: 0>} : vector<16xi32>
      %scan3A_648 = arith.constant 0 : i32
      %scan3A_649 = arith.constant 0 : i32
      %scan3A_650 = arith.constant 0 : i32
      %scan3A_651 = arith.constant 0 : i32
      %scan3A_652 = arith.constant 0 : i32
      %scan3A_653 = arith.constant 64 : i32
      %scan3A_654 = arith.addi %scan3A_652, %scan3A_653 : i32
      %scan3A_655 = arith.constant 1 : i32
      %scan3A_656:4 = scf.for %scan3A_1108 = %scan3A_652 to %scan3A_654 step %scan3A_655 iter_args(%scan3A_1109 = %scan3A_648, %scan3A_1110 = %scan3A_649, %scan3A_1111 = %scan3A_650, %scan3A_1112 = %scan3A_651) -> (i32, i32, i32, i32)  : i32 {
        %sub3A_1113 = arith.constant 63 : i32
        %sub3A_1114 = arith.subi %sub3A_1113, %scan3A_1108 : i32
        %mul3A_1115 = arith.constant 16 : i32
        %mul3A_1116 = arith.muli %sub3A_1114, %mul3A_1115 : i32
        %get3A_1117 = arith.index_cast %mul3A_1116 : i32 to index
        %get3A_1118 = tpu.vector_load %arg8[%get3A_1117] {strides = array<i32>} : memref<1024xi32, #tpu.memory_space<vmem>>, vector<16xi32>,
        %reduce_sum3A_1119 = arith.constant true
        %reduce_sum3A_1120 = vector.broadcast %reduce_sum3A_1119 : i1 to vector<16xi1>
        %reduce_sum3A_1121 = tpu.scan <sum>, %get3A_1118 masked %reduce_sum3A_1120 : vector<16xi32>, vector<16xi1> -> vector<16xi32>
        %reduce_sum3A_1122 = vector.extract %reduce_sum3A_1121[15] : i32 from vector<16xi32>
        %add3A_1123 = arith.addi %scan3A_1109, %reduce_sum3A_1122 : i32
        %ge3A_1124 = arith.cmpi sge, %add3A_1123, %sub3A_646 : i32
        %eq3A_1125 = arith.constant 0 : i32
        %eq3A_1126 = arith.cmpi eq, %scan3A_1112, %eq3A_1125 : i32
        %and3A_1127 = arith.andi %ge3A_1124, %eq3A_1126 : i1
        %select_n3A_1128 = arith.select %and3A_1127, %sub3A_1114, %scan3A_1110 : i32
        %select_n3A_1129 = arith.select %and3A_1127, %scan3A_1109, %scan3A_1111 : i32
        %jit3A_1130 = arith.constant 1 : i32
        %select_n3A_1131 = arith.select %and3A_1127, %jit3A_1130, %scan3A_1112 : i32
        scf.yield %add3A_1123, %select_n3A_1128, %select_n3A_1129, %select_n3A_1131 : i32, i32, i32, i32
      }
      %scan3A_657 = arith.constant 64 : i32
      %mul3A_658 = arith.constant 16 : i32
      %mul3A_659 = arith.muli %scan3A_656#1, %mul3A_658 : i32
      %get3A_660 = arith.index_cast %mul3A_659 : i32 to index
      %get3A_661 = tpu.vector_load %arg8[%get3A_660] {strides = array<i32>} : memref<1024xi32, #tpu.memory_space<vmem>>, vector<16xi32>,
      %rev3A_662 = arith.constant 15 : i32
      %rev3A_663 = vector.broadcast %rev3A_662 : i32 to vector<16xi32>
      %rev3A_664 = tpu.iota {dimensions = array<i32: 0>} : vector<16xi32>
      %rev3A_665 = arith.subi %rev3A_663, %rev3A_664 : vector<16xi32>
      %rev3A_666 = tpu.dynamic_gather %get3A_661[%rev3A_665] in [0] : vector<16xi32>, vector<16xi32> -> vector<16xi32>
      %broadcast_in_dim3A_667 = arith.constant true
      %broadcast_in_dim3A_668 = vector.broadcast %broadcast_in_dim3A_667 : i1 to vector<16xi1>
      %masked_cumsum3A_669 = tpu.scan <sum>, %rev3A_666 masked %broadcast_in_dim3A_668 : vector<16xi32>, vector<16xi1> -> vector<16xi32>
      %add3A_670 = vector.broadcast %scan3A_656#2 : i32 to vector<16xi32>
      %add3A_671 = arith.addi %add3A_670, %masked_cumsum3A_669 : vector<16xi32>
      %ge3A_672 = vector.broadcast %sub3A_646 : i32 to vector<16xi32>
      %ge3A_673 = arith.cmpi sge, %add3A_671, %ge3A_672 : vector<16xi32>
      %all_reduce_ffs3A_674 = tpu.all_reduce %ge3A_673 {dim = 0 : i64, kind = #tpu.reduction_kind<find_first_set>} : vector<16xi1> -> vector<16xi32>
      %eq3A_675 = arith.cmpi eq, %iota3A_647, %all_reduce_ffs3A_674 : vector<16xi32>
      %jit3A_676 = arith.constant 0 : i32
      %broadcast_in_dim3A_677 = vector.broadcast %jit3A_676 : i32 to vector<16xi32>
      %select_n3A_678 = arith.select %eq3A_675, %masked_cumsum3A_669, %broadcast_in_dim3A_677 : vector<16xi1>, vector<16xi32>
      %reduce_sum3A_679 = arith.constant true
      %reduce_sum3A_680 = vector.broadcast %reduce_sum3A_679 : i1 to vector<16xi1>
      %reduce_sum3A_681 = tpu.scan <sum>, %select_n3A_678 masked %reduce_sum3A_680 : vector<16xi32>, vector<16xi1> -> vector<16xi32>
      %reduce_sum3A_682 = vector.extract %reduce_sum3A_681[15] : i32 from vector<16xi32>
      %jit3A_683 = arith.constant 0 : i32
      %broadcast_in_dim3A_684 = vector.broadcast %jit3A_683 : i32 to vector<16xi32>
      %select_n3A_685 = arith.select %eq3A_675, %rev3A_666, %broadcast_in_dim3A_684 : vector<16xi1>, vector<16xi32>
      %reduce_sum3A_686 = arith.constant true
      %reduce_sum3A_687 = vector.broadcast %reduce_sum3A_686 : i1 to vector<16xi1>
      %reduce_sum3A_688 = tpu.scan <sum>, %select_n3A_685 masked %reduce_sum3A_687 : vector<16xi32>, vector<16xi1> -> vector<16xi32>
      %reduce_sum3A_689 = vector.extract %reduce_sum3A_688[15] : i32 from vector<16xi32>
      %mul3A_690 = arith.constant 16 : i32
      %mul3A_691 = arith.muli %scan3A_656#1, %mul3A_690 : i32
      %add3A_692 = arith.constant 15 : i32
      %add3A_693 = arith.addi %mul3A_691, %add3A_692 : i32
      %iota3A_694 = tpu.iota {dimensions = array<i32: 0>} : vector<16xi32>
      %eq3A_695 = arith.constant 0 : i32
      %eq3A_696 = vector.broadcast %eq3A_695 : i32 to vector<16xi32>
      %eq3A_697 = arith.cmpi eq, %iota3A_694, %eq3A_696 : vector<16xi32>
      %jit3A_698 = arith.constant 0 : i32
      %broadcast_in_dim3A_699 = vector.broadcast %jit3A_698 : i32 to vector<16xi32>
      %select_n3A_700 = arith.select %eq3A_697, %all_reduce_ffs3A_674, %broadcast_in_dim3A_699 : vector<16xi1>, vector<16xi32>
      %reduce_sum3A_701 = arith.constant true
      %reduce_sum3A_702 = vector.broadcast %reduce_sum3A_701 : i1 to vector<16xi1>
      %reduce_sum3A_703 = tpu.scan <sum>, %select_n3A_700 masked %reduce_sum3A_702 : vector<16xi32>, vector<16xi1> -> vector<16xi32>
      %reduce_sum3A_704 = vector.extract %reduce_sum3A_703[15] : i32 from vector<16xi32>
      %sub3A_705 = arith.subi %add3A_693, %reduce_sum3A_704 : i32
      %add3A_706 = arith.addi %scan3A_656#2, %reduce_sum3A_682 : i32
      %sub3A_707 = arith.subi %add3A_706, %reduce_sum3A_689 : i32
      %broadcast_in_dim3A_708 = arith.constant 0 : i32
      %broadcast_in_dim3A_709 = vector.broadcast %broadcast_in_dim3A_708 : i32 to vector<16xi32>
      %broadcast_in_dim3A_710 = arith.constant 0.000000e+00 : f32
      %broadcast_in_dim3A_711 = vector.broadcast %broadcast_in_dim3A_710 : f32 to vector<16xf32>
      %scan3A_712 = arith.constant 0 : i32
      %scan3A_713 = arith.constant 64 : i32
      %scan3A_714 = arith.addi %scan3A_712, %scan3A_713 : i32
      %scan3A_715 = arith.constant 1 : i32
      %scan3A_716:2 = scf.for %scan3A_1108 = %scan3A_712 to %scan3A_714 step %scan3A_715 iter_args(%scan3A_1109 = %broadcast_in_dim3A_709, %scan3A_1110 = %broadcast_in_dim3A_711) -> (vector<16xi32>, vector<16xf32>)  : i32 {
        %mul3A_1111 = arith.constant 16 : i32
        %mul3A_1112 = arith.muli %scan3A_1108, %mul3A_1111 : i32
        %get3A_1113 = arith.index_cast %mul3A_1112 : i32 to index
        %get3A_1114 = tpu.vector_load %arg8[%get3A_1113] {strides = array<i32>} : memref<1024xi32, #tpu.memory_space<vmem>>, vector<16xi32>,
        %mul3A_1115 = arith.constant 16 : i32
        %mul3A_1116 = arith.muli %scan3A_1108, %mul3A_1115 : i32
        %get3A_1117 = arith.index_cast %mul3A_1116 : i32 to index
        %get3A_1118 = tpu.vector_load %arg9[%get3A_1117] {strides = array<i32>} : memref<1024xf32, #tpu.memory_space<vmem>>, vector<16xf32>,
        %mul3A_1119 = arith.constant 16 : i32
        %mul3A_1120 = arith.muli %scan3A_1108, %mul3A_1119 : i32
        %add3A_1121 = vector.broadcast %mul3A_1120 : i32 to vector<16xi32>
        %add3A_1122 = arith.addi %add3A_1121, %iota3A_468 : vector<16xi32>
        %ge3A_1123 = vector.broadcast %sub3A_705 : i32 to vector<16xi32>
        %ge3A_1124 = arith.cmpi sge, %add3A_1122, %ge3A_1123 : vector<16xi32>
        %jit3A_1125 = arith.constant 0 : i32
        %broadcast_in_dim3A_1126 = vector.broadcast %jit3A_1125 : i32 to vector<16xi32>
        %select_n3A_1127 = arith.select %ge3A_1124, %get3A_1114, %broadcast_in_dim3A_1126 : vector<16xi1>, vector<16xi32>
        %add3A_1128 = arith.addi %scan3A_1109, %select_n3A_1127 : vector<16xi32>
        %jit3A_1129 = arith.constant 0.000000e+00 : f32
        %broadcast_in_dim3A_1130 = vector.broadcast %jit3A_1129 : f32 to vector<16xf32>
        %select_n3A_1131 = arith.select %ge3A_1124, %get3A_1118, %broadcast_in_dim3A_1130 : vector<16xi1>, vector<16xf32>
        %add3A_1132 = arith.addf %scan3A_1110, %select_n3A_1131 : vector<16xf32>
        scf.yield %add3A_1128, %add3A_1132 : vector<16xi32>, vector<16xf32>
      }
      %scan3A_717 = arith.constant 64 : i32
      %shift_left3A_718 = arith.constant 21 : i32
      %shift_left3A_719 = arith.shli %sub3A_539, %shift_left3A_718 : i32
      %shift_left3A_720 = arith.constant 10 : i32
      %shift_left3A_721 = arith.shli %sub3A_627, %shift_left3A_720 : i32
      %or3A_722 = arith.ori %shift_left3A_719, %shift_left3A_721 : i32
      %or3A_723 = arith.ori %or3A_722, %sub3A_705 : i32
      %xor3A_724 = arith.constant -2147483648 : i32
      %xor3A_725 = arith.xori %or3A_723, %xor3A_724 : i32
      %shift_right_arithmetic3A_726 = arith.constant 31 : i32
      %shift_right_arithmetic3A_727 = arith.shrsi %xor3A_725, %shift_right_arithmetic3A_726 : i32
      %and3A_728 = arith.constant 2147483647 : i32
      %and3A_729 = arith.andi %shift_right_arithmetic3A_727, %and3A_728 : i32
      %xor3A_730 = arith.xori %xor3A_725, %and3A_729 : i32
      %bitcast_convert_type3A_731 = arith.bitcast %xor3A_730 : i32 to f32
      %add3A_732 = arith.addi %sub3A_541, %sub3A_629 : i32
      %reduce_sum3A_733 = arith.constant true
      %reduce_sum3A_734 = vector.broadcast %reduce_sum3A_733 : i1 to vector<16xi1>
      %reduce_sum3A_735 = tpu.scan <sum>, %scan3A_716#0 masked %reduce_sum3A_734 : vector<16xi32>, vector<16xi1> -> vector<16xi32>
      %reduce_sum3A_736 = vector.extract %reduce_sum3A_735[15] : i32 from vector<16xi32>
      %add3A_737 = arith.addi %add3A_732, %reduce_sum3A_736 : i32
      %reduce_sum3A_738 = arith.constant true
      %reduce_sum3A_739 = vector.broadcast %reduce_sum3A_738 : i1 to vector<16xi1>
      %reduce_sum3A_740 = tpu.scan <sum>, %parallel_loop3A_645 masked %reduce_sum3A_739 : vector<16xf32>, vector<16xi1> -> vector<16xf32>
      %reduce_sum3A_741 = vector.extract %reduce_sum3A_740[15] : f32 from vector<16xf32>
      %add3A_742 = arith.addf %reduce_sum3A_566, %reduce_sum3A_741 : f32
      %reduce_sum3A_743 = arith.constant true
      %reduce_sum3A_744 = vector.broadcast %reduce_sum3A_743 : i1 to vector<16xi1>
      %reduce_sum3A_745 = tpu.scan <sum>, %scan3A_716#1 masked %reduce_sum3A_744 : vector<16xf32>, vector<16xi1> -> vector<16xf32>
      %reduce_sum3A_746 = vector.extract %reduce_sum3A_745[15] : f32 from vector<16xf32>
      %add3A_747 = arith.addf %add3A_742, %reduce_sum3A_746 : f32
      %sub3A_748 = arith.constant 10000 : i32
      %sub3A_749 = arith.subi %add3A_737, %sub3A_748 : i32
      %iota3A_750 = tpu.iota {dimensions = array<i32: 0>} : vector<16xi32>
      %eq3A_751 = arith.constant 0 : i32
      %eq3A_752 = vector.broadcast %eq3A_751 : i32 to vector<16xi32>
      %eq3A_753 = arith.cmpi eq, %iota3A_750, %eq3A_752 : vector<16xi32>
      %sub3A_754 = arith.subf %bitcast_convert_type3A_731, %bitcast_convert_type3A_551 : f32
      %broadcast_in_dim3A_755 = vector.broadcast %sub3A_754 : f32 to vector<16xf32>
      %exp3A_756 = math.exp %broadcast_in_dim3A_755 : vector<16xf32>
      %jit3A_757 = arith.constant 0.000000e+00 : f32
      %broadcast_in_dim3A_758 = vector.broadcast %jit3A_757 : f32 to vector<16xf32>
      %select_n3A_759 = arith.select %eq3A_753, %exp3A_756, %broadcast_in_dim3A_758 : vector<16xi1>, vector<16xf32>
      %reduce_sum3A_760 = arith.constant true
      %reduce_sum3A_761 = vector.broadcast %reduce_sum3A_760 : i1 to vector<16xi1>
      %reduce_sum3A_762 = tpu.scan <sum>, %select_n3A_759 masked %reduce_sum3A_761 : vector<16xf32>, vector<16xi1> -> vector<16xf32>
      %reduce_sum3A_763 = vector.extract %reduce_sum3A_762[15] : f32 from vector<16xf32>
      %convert_element_type3A_764 = arith.sitofp %sub3A_749 : i32 to f32
      %mul3A_765 = arith.mulf %convert_element_type3A_764, %reduce_sum3A_763 : f32
      %sub3A_766 = arith.subf %add3A_747, %mul3A_765 : f32
      %get3A_767 = arith.constant 0 : index
      %get3A_768 = tpu.vector_load %arg13[%get3A_767] {strides = array<i32>} : memref<48xi32, #tpu.memory_space<vmem>>, vector<16xi32>,
      %get3A_769 = arith.constant 0 : index
      %get3A_770 = tpu.vector_load %arg14[%get3A_769] {strides = array<i32>} : memref<48xi32, #tpu.memory_space<vmem>>, vector<16xi32>,
      %shift_right_arithmetic3A_771 = arith.constant 31 : i32
      %shift_right_arithmetic3A_772 = vector.broadcast %shift_right_arithmetic3A_771 : i32 to vector<16xi32>
      %shift_right_arithmetic3A_773 = arith.shrsi %get3A_768, %shift_right_arithmetic3A_772 : vector<16xi32>
      %and3A_774 = arith.constant 2147483647 : i32
      %and3A_775 = vector.broadcast %and3A_774 : i32 to vector<16xi32>
      %and3A_776 = arith.andi %shift_right_arithmetic3A_773, %and3A_775 : vector<16xi32>
      %xor3A_777 = arith.xori %get3A_768, %and3A_776 : vector<16xi32>
      %bitcast_convert_type3A_778 = tpu.bitcast %xor3A_777 : vector<16xi32> -> vector<16xf32>
      %sub3A_779 = vector.broadcast %bitcast_convert_type3A : f32 to vector<16xf32>
      %sub3A_780 = arith.subf %bitcast_convert_type3A_778, %sub3A_779 : vector<16xf32>
      %exp3A_781 = math.exp %sub3A_780 : vector<16xf32>
      %div3A_782 = vector.broadcast %sub3A_273 : f32 to vector<16xf32>
      %div3A_783 = arith.divf %exp3A_781, %div3A_782 : vector<16xf32>
      %gather3A = tpu.vector_load_idx %arg5[%get3A_770] : memref<100000xf32, #tpu.memory_space<vmem>>[vector<16xi32>], vector<16xf32>,
      %bitcast_convert_type3A_784 = tpu.bitcast %gather3A : vector<16xf32> -> vector<16xi32>
      %shift_right_arithmetic3A_785 = arith.constant 31 : i32
      %shift_right_arithmetic3A_786 = vector.broadcast %shift_right_arithmetic3A_785 : i32 to vector<16xi32>
      %shift_right_arithmetic3A_787 = arith.shrsi %bitcast_convert_type3A_784, %shift_right_arithmetic3A_786 : vector<16xi32>
      %and3A_788 = arith.constant 2147483647 : i32
      %and3A_789 = vector.broadcast %and3A_788 : i32 to vector<16xi32>
      %and3A_790 = arith.andi %shift_right_arithmetic3A_787, %and3A_789 : vector<16xi32>
      %xor3A_791 = arith.xori %bitcast_convert_type3A_784, %and3A_790 : vector<16xi32>
      %ge3A_792 = vector.broadcast %xor3A_725 : i32 to vector<16xi32>
      %ge3A_793 = arith.cmpi sge, %xor3A_791, %ge3A_792 : vector<16xi32>
      %sub3A_794 = vector.broadcast %bitcast_convert_type3A_551 : f32 to vector<16xf32>
      %sub3A_795 = arith.subf %gather3A, %sub3A_794 : vector<16xf32>
      %exp3A_796 = math.exp %sub3A_795 : vector<16xf32>
      %jit3A_797 = arith.constant 0.000000e+00 : f32
      %broadcast_in_dim3A_798 = vector.broadcast %jit3A_797 : f32 to vector<16xf32>
      %select_n3A_799 = arith.select %ge3A_793, %exp3A_796, %broadcast_in_dim3A_798 : vector<16xi1>, vector<16xf32>
      %div3A_800 = vector.broadcast %sub3A_766 : f32 to vector<16xf32>
      %div3A_801 = arith.divf %select_n3A_799, %div3A_800 : vector<16xf32>
      %add3A_802 = arith.constant 9.99999993E-9 : f32
      %add3A_803 = vector.broadcast %add3A_802 : f32 to vector<16xf32>
      %add3A_804 = arith.addf %div3A_801, %add3A_803 : vector<16xf32>
      %div3A_805 = arith.divf %div3A_783, %add3A_804 : vector<16xf32>
      %bitcast_convert_type3A_806 = tpu.bitcast %div3A_805 : vector<16xf32> -> vector<16xi32>
      %shift_right_arithmetic3A_807 = arith.constant 23 : i32
      %shift_right_arithmetic3A_808 = vector.broadcast %shift_right_arithmetic3A_807 : i32 to vector<16xi32>
      %shift_right_arithmetic3A_809 = arith.shrsi %bitcast_convert_type3A_806, %shift_right_arithmetic3A_808 : vector<16xi32>
      %and3A_810 = arith.constant 255 : i32
      %and3A_811 = vector.broadcast %and3A_810 : i32 to vector<16xi32>
      %and3A_812 = arith.andi %shift_right_arithmetic3A_809, %and3A_811 : vector<16xi32>
      %sub3A_813 = arith.constant 127 : i32
      %sub3A_814 = vector.broadcast %sub3A_813 : i32 to vector<16xi32>
      %sub3A_815 = arith.subi %and3A_812, %sub3A_814 : vector<16xi32>
      %and3A_816 = arith.constant 8388607 : i32
      %and3A_817 = vector.broadcast %and3A_816 : i32 to vector<16xi32>
      %and3A_818 = arith.andi %bitcast_convert_type3A_806, %and3A_817 : vector<16xi32>
      %or3A_819 = arith.constant 1065353216 : i32
      %or3A_820 = vector.broadcast %or3A_819 : i32 to vector<16xi32>
      %or3A_821 = arith.ori %and3A_818, %or3A_820 : vector<16xi32>
      %bitcast_convert_type3A_822 = tpu.bitcast %or3A_821 : vector<16xi32> -> vector<16xf32>
      %gt3A = arith.constant 1.41421354 : f32
      %gt3A_823 = vector.broadcast %gt3A : f32 to vector<16xf32>
      %gt3A_824 = arith.cmpf ogt, %bitcast_convert_type3A_822, %gt3A_823 : vector<16xf32>
      %mul3A_825 = arith.constant 5.000000e-01 : f32
      %mul3A_826 = vector.broadcast %mul3A_825 : f32 to vector<16xf32>
      %mul3A_827 = arith.mulf %bitcast_convert_type3A_822, %mul3A_826 : vector<16xf32>
      %select_n3A_828 = arith.select %gt3A_824, %mul3A_827, %bitcast_convert_type3A_822 : vector<16xi1>, vector<16xf32>
      %convert_element_type3A_829 = arith.extui %gt3A_824 : vector<16xi1> to vector<16xi32>
      %add3A_830 = arith.addi %sub3A_815, %convert_element_type3A_829 : vector<16xi32>
      %sub3A_831 = arith.constant 1.000000e+00 : f32
      %sub3A_832 = vector.broadcast %sub3A_831 : f32 to vector<16xf32>
      %sub3A_833 = arith.subf %select_n3A_828, %sub3A_832 : vector<16xf32>
      %add3A_834 = arith.constant 1.000000e+00 : f32
      %add3A_835 = vector.broadcast %add3A_834 : f32 to vector<16xf32>
      %add3A_836 = arith.addf %select_n3A_828, %add3A_835 : vector<16xf32>
      %div3A_837 = arith.divf %sub3A_833, %add3A_836 : vector<16xf32>
      %mul3A_838 = arith.mulf %div3A_837, %div3A_837 : vector<16xf32>
      %mul3A_839 = arith.constant 0.111111112 : f32
      %mul3A_840 = vector.broadcast %mul3A_839 : f32 to vector<16xf32>
      %mul3A_841 = arith.mulf %mul3A_838, %mul3A_840 : vector<16xf32>
      %add3A_842 = arith.constant 0.142857149 : f32
      %add3A_843 = vector.broadcast %add3A_842 : f32 to vector<16xf32>
      %add3A_844 = arith.addf %add3A_843, %mul3A_841 : vector<16xf32>
      %mul3A_845 = arith.mulf %mul3A_838, %add3A_844 : vector<16xf32>
      %add3A_846 = arith.constant 2.000000e-01 : f32
      %add3A_847 = vector.broadcast %add3A_846 : f32 to vector<16xf32>
      %add3A_848 = arith.addf %add3A_847, %mul3A_845 : vector<16xf32>
      %mul3A_849 = arith.mulf %mul3A_838, %add3A_848 : vector<16xf32>
      %add3A_850 = arith.constant 0.333333343 : f32
      %add3A_851 = vector.broadcast %add3A_850 : f32 to vector<16xf32>
      %add3A_852 = arith.addf %add3A_851, %mul3A_849 : vector<16xf32>
      %mul3A_853 = arith.mulf %mul3A_838, %add3A_852 : vector<16xf32>
      %add3A_854 = arith.constant 1.000000e+00 : f32
      %add3A_855 = vector.broadcast %add3A_854 : f32 to vector<16xf32>
      %add3A_856 = arith.addf %add3A_855, %mul3A_853 : vector<16xf32>
      %mul3A_857 = arith.constant 2.000000e+00 : f32
      %mul3A_858 = vector.broadcast %mul3A_857 : f32 to vector<16xf32>
      %mul3A_859 = arith.mulf %mul3A_858, %div3A_837 : vector<16xf32>
      %mul3A_860 = arith.mulf %mul3A_859, %add3A_856 : vector<16xf32>
      %convert_element_type3A_861 = arith.sitofp %add3A_830 : vector<16xi32> to vector<16xf32>
      %mul3A_862 = arith.constant 0.693147182 : f32
      %mul3A_863 = vector.broadcast %mul3A_862 : f32 to vector<16xf32>
      %mul3A_864 = arith.mulf %convert_element_type3A_861, %mul3A_863 : vector<16xf32>
      %add3A_865 = arith.addf %mul3A_864, %mul3A_860 : vector<16xf32>
      %swap3A_866 = arith.constant 0 : index
      %swap3A_867 = tpu.vector_load %arg15[%swap3A_866] {strides = array<i32>} : memref<48xf32, #tpu.memory_space<vmem>>, vector<16xf32>,
      tpu.vector_store %arg15[%swap3A_866], %add3A_865 {strides = array<i32>} : memref<48xf32, #tpu.memory_space<vmem>>, vector<16xf32>,
      %get3A_868 = arith.constant 16 : index
      %get3A_869 = tpu.vector_load %arg13[%get3A_868] {strides = array<i32>} : memref<48xi32, #tpu.memory_space<vmem>>, vector<16xi32>,
      %get3A_870 = arith.constant 16 : index
      %get3A_871 = tpu.vector_load %arg14[%get3A_870] {strides = array<i32>} : memref<48xi32, #tpu.memory_space<vmem>>, vector<16xi32>,
      %shift_right_arithmetic3A_872 = arith.constant 31 : i32
      %shift_right_arithmetic3A_873 = vector.broadcast %shift_right_arithmetic3A_872 : i32 to vector<16xi32>
      %shift_right_arithmetic3A_874 = arith.shrsi %get3A_869, %shift_right_arithmetic3A_873 : vector<16xi32>
      %and3A_875 = arith.constant 2147483647 : i32
      %and3A_876 = vector.broadcast %and3A_875 : i32 to vector<16xi32>
      %and3A_877 = arith.andi %shift_right_arithmetic3A_874, %and3A_876 : vector<16xi32>
      %xor3A_878 = arith.xori %get3A_869, %and3A_877 : vector<16xi32>
      %bitcast_convert_type3A_879 = tpu.bitcast %xor3A_878 : vector<16xi32> -> vector<16xf32>
      %sub3A_880 = vector.broadcast %bitcast_convert_type3A : f32 to vector<16xf32>
      %sub3A_881 = arith.subf %bitcast_convert_type3A_879, %sub3A_880 : vector<16xf32>
      %exp3A_882 = math.exp %sub3A_881 : vector<16xf32>
      %div3A_883 = vector.broadcast %sub3A_273 : f32 to vector<16xf32>
      %div3A_884 = arith.divf %exp3A_882, %div3A_883 : vector<16xf32>
      %gather3A_885 = tpu.vector_load_idx %arg5[%get3A_871] : memref<100000xf32, #tpu.memory_space<vmem>>[vector<16xi32>], vector<16xf32>,
      %bitcast_convert_type3A_886 = tpu.bitcast %gather3A_885 : vector<16xf32> -> vector<16xi32>
      %shift_right_arithmetic3A_887 = arith.constant 31 : i32
      %shift_right_arithmetic3A_888 = vector.broadcast %shift_right_arithmetic3A_887 : i32 to vector<16xi32>
      %shift_right_arithmetic3A_889 = arith.shrsi %bitcast_convert_type3A_886, %shift_right_arithmetic3A_888 : vector<16xi32>
      %and3A_890 = arith.constant 2147483647 : i32
      %and3A_891 = vector.broadcast %and3A_890 : i32 to vector<16xi32>
      %and3A_892 = arith.andi %shift_right_arithmetic3A_889, %and3A_891 : vector<16xi32>
      %xor3A_893 = arith.xori %bitcast_convert_type3A_886, %and3A_892 : vector<16xi32>
      %ge3A_894 = vector.broadcast %xor3A_725 : i32 to vector<16xi32>
      %ge3A_895 = arith.cmpi sge, %xor3A_893, %ge3A_894 : vector<16xi32>
      %sub3A_896 = vector.broadcast %bitcast_convert_type3A_551 : f32 to vector<16xf32>
      %sub3A_897 = arith.subf %gather3A_885, %sub3A_896 : vector<16xf32>
      %exp3A_898 = math.exp %sub3A_897 : vector<16xf32>
      %jit3A_899 = arith.constant 0.000000e+00 : f32
      %broadcast_in_dim3A_900 = vector.broadcast %jit3A_899 : f32 to vector<16xf32>
      %select_n3A_901 = arith.select %ge3A_895, %exp3A_898, %broadcast_in_dim3A_900 : vector<16xi1>, vector<16xf32>
      %div3A_902 = vector.broadcast %sub3A_766 : f32 to vector<16xf32>
      %div3A_903 = arith.divf %select_n3A_901, %div3A_902 : vector<16xf32>
      %add3A_904 = arith.constant 9.99999993E-9 : f32
      %add3A_905 = vector.broadcast %add3A_904 : f32 to vector<16xf32>
      %add3A_906 = arith.addf %div3A_903, %add3A_905 : vector<16xf32>
      %div3A_907 = arith.divf %div3A_884, %add3A_906 : vector<16xf32>
      %bitcast_convert_type3A_908 = tpu.bitcast %div3A_907 : vector<16xf32> -> vector<16xi32>
      %shift_right_arithmetic3A_909 = arith.constant 23 : i32
      %shift_right_arithmetic3A_910 = vector.broadcast %shift_right_arithmetic3A_909 : i32 to vector<16xi32>
      %shift_right_arithmetic3A_911 = arith.shrsi %bitcast_convert_type3A_908, %shift_right_arithmetic3A_910 : vector<16xi32>
      %and3A_912 = arith.constant 255 : i32
      %and3A_913 = vector.broadcast %and3A_912 : i32 to vector<16xi32>
      %and3A_914 = arith.andi %shift_right_arithmetic3A_911, %and3A_913 : vector<16xi32>
      %sub3A_915 = arith.constant 127 : i32
      %sub3A_916 = vector.broadcast %sub3A_915 : i32 to vector<16xi32>
      %sub3A_917 = arith.subi %and3A_914, %sub3A_916 : vector<16xi32>
      %and3A_918 = arith.constant 8388607 : i32
      %and3A_919 = vector.broadcast %and3A_918 : i32 to vector<16xi32>
      %and3A_920 = arith.andi %bitcast_convert_type3A_908, %and3A_919 : vector<16xi32>
      %or3A_921 = arith.constant 1065353216 : i32
      %or3A_922 = vector.broadcast %or3A_921 : i32 to vector<16xi32>
      %or3A_923 = arith.ori %and3A_920, %or3A_922 : vector<16xi32>
      %bitcast_convert_type3A_924 = tpu.bitcast %or3A_923 : vector<16xi32> -> vector<16xf32>
      %gt3A_925 = arith.constant 1.41421354 : f32
      %gt3A_926 = vector.broadcast %gt3A_925 : f32 to vector<16xf32>
      %gt3A_927 = arith.cmpf ogt, %bitcast_convert_type3A_924, %gt3A_926 : vector<16xf32>
      %mul3A_928 = arith.constant 5.000000e-01 : f32
      %mul3A_929 = vector.broadcast %mul3A_928 : f32 to vector<16xf32>
      %mul3A_930 = arith.mulf %bitcast_convert_type3A_924, %mul3A_929 : vector<16xf32>
      %select_n3A_931 = arith.select %gt3A_927, %mul3A_930, %bitcast_convert_type3A_924 : vector<16xi1>, vector<16xf32>
      %convert_element_type3A_932 = arith.extui %gt3A_927 : vector<16xi1> to vector<16xi32>
      %add3A_933 = arith.addi %sub3A_917, %convert_element_type3A_932 : vector<16xi32>
      %sub3A_934 = arith.constant 1.000000e+00 : f32
      %sub3A_935 = vector.broadcast %sub3A_934 : f32 to vector<16xf32>
      %sub3A_936 = arith.subf %select_n3A_931, %sub3A_935 : vector<16xf32>
      %add3A_937 = arith.constant 1.000000e+00 : f32
      %add3A_938 = vector.broadcast %add3A_937 : f32 to vector<16xf32>
      %add3A_939 = arith.addf %select_n3A_931, %add3A_938 : vector<16xf32>
      %div3A_940 = arith.divf %sub3A_936, %add3A_939 : vector<16xf32>
      %mul3A_941 = arith.mulf %div3A_940, %div3A_940 : vector<16xf32>
      %mul3A_942 = arith.constant 0.111111112 : f32
      %mul3A_943 = vector.broadcast %mul3A_942 : f32 to vector<16xf32>
      %mul3A_944 = arith.mulf %mul3A_941, %mul3A_943 : vector<16xf32>
      %add3A_945 = arith.constant 0.142857149 : f32
      %add3A_946 = vector.broadcast %add3A_945 : f32 to vector<16xf32>
      %add3A_947 = arith.addf %add3A_946, %mul3A_944 : vector<16xf32>
      %mul3A_948 = arith.mulf %mul3A_941, %add3A_947 : vector<16xf32>
      %add3A_949 = arith.constant 2.000000e-01 : f32
      %add3A_950 = vector.broadcast %add3A_949 : f32 to vector<16xf32>
      %add3A_951 = arith.addf %add3A_950, %mul3A_948 : vector<16xf32>
      %mul3A_952 = arith.mulf %mul3A_941, %add3A_951 : vector<16xf32>
      %add3A_953 = arith.constant 0.333333343 : f32
      %add3A_954 = vector.broadcast %add3A_953 : f32 to vector<16xf32>
      %add3A_955 = arith.addf %add3A_954, %mul3A_952 : vector<16xf32>
      %mul3A_956 = arith.mulf %mul3A_941, %add3A_955 : vector<16xf32>
      %add3A_957 = arith.constant 1.000000e+00 : f32
      %add3A_958 = vector.broadcast %add3A_957 : f32 to vector<16xf32>
      %add3A_959 = arith.addf %add3A_958, %mul3A_956 : vector<16xf32>
      %mul3A_960 = arith.constant 2.000000e+00 : f32
      %mul3A_961 = vector.broadcast %mul3A_960 : f32 to vector<16xf32>
      %mul3A_962 = arith.mulf %mul3A_961, %div3A_940 : vector<16xf32>
      %mul3A_963 = arith.mulf %mul3A_962, %add3A_959 : vector<16xf32>
      %convert_element_type3A_964 = arith.sitofp %add3A_933 : vector<16xi32> to vector<16xf32>
      %mul3A_965 = arith.constant 0.693147182 : f32
      %mul3A_966 = vector.broadcast %mul3A_965 : f32 to vector<16xf32>
      %mul3A_967 = arith.mulf %convert_element_type3A_964, %mul3A_966 : vector<16xf32>
      %add3A_968 = arith.addf %mul3A_967, %mul3A_963 : vector<16xf32>
      %swap3A_969 = arith.constant 16 : index
      %swap3A_970 = tpu.vector_load %arg15[%swap3A_969] {strides = array<i32>} : memref<48xf32, #tpu.memory_space<vmem>>, vector<16xf32>,
      tpu.vector_store %arg15[%swap3A_969], %add3A_968 {strides = array<i32>} : memref<48xf32, #tpu.memory_space<vmem>>, vector<16xf32>,
      %get3A_971 = arith.constant 32 : index
      %get3A_972 = tpu.vector_load %arg13[%get3A_971] {strides = array<i32>} : memref<48xi32, #tpu.memory_space<vmem>>, vector<16xi32>,
      %get3A_973 = arith.constant 32 : index
      %get3A_974 = tpu.vector_load %arg14[%get3A_973] {strides = array<i32>} : memref<48xi32, #tpu.memory_space<vmem>>, vector<16xi32>,
      %shift_right_arithmetic3A_975 = arith.constant 31 : i32
      %shift_right_arithmetic3A_976 = vector.broadcast %shift_right_arithmetic3A_975 : i32 to vector<16xi32>
      %shift_right_arithmetic3A_977 = arith.shrsi %get3A_972, %shift_right_arithmetic3A_976 : vector<16xi32>
      %and3A_978 = arith.constant 2147483647 : i32
      %and3A_979 = vector.broadcast %and3A_978 : i32 to vector<16xi32>
      %and3A_980 = arith.andi %shift_right_arithmetic3A_977, %and3A_979 : vector<16xi32>
      %xor3A_981 = arith.xori %get3A_972, %and3A_980 : vector<16xi32>
      %bitcast_convert_type3A_982 = tpu.bitcast %xor3A_981 : vector<16xi32> -> vector<16xf32>
      %sub3A_983 = vector.broadcast %bitcast_convert_type3A : f32 to vector<16xf32>
      %sub3A_984 = arith.subf %bitcast_convert_type3A_982, %sub3A_983 : vector<16xf32>
      %exp3A_985 = math.exp %sub3A_984 : vector<16xf32>
      %div3A_986 = vector.broadcast %sub3A_273 : f32 to vector<16xf32>
      %div3A_987 = arith.divf %exp3A_985, %div3A_986 : vector<16xf32>
      %gather3A_988 = tpu.vector_load_idx %arg5[%get3A_974] : memref<100000xf32, #tpu.memory_space<vmem>>[vector<16xi32>], vector<16xf32>,
      %bitcast_convert_type3A_989 = tpu.bitcast %gather3A_988 : vector<16xf32> -> vector<16xi32>
      %shift_right_arithmetic3A_990 = arith.constant 31 : i32
      %shift_right_arithmetic3A_991 = vector.broadcast %shift_right_arithmetic3A_990 : i32 to vector<16xi32>
      %shift_right_arithmetic3A_992 = arith.shrsi %bitcast_convert_type3A_989, %shift_right_arithmetic3A_991 : vector<16xi32>
      %and3A_993 = arith.constant 2147483647 : i32
      %and3A_994 = vector.broadcast %and3A_993 : i32 to vector<16xi32>
      %and3A_995 = arith.andi %shift_right_arithmetic3A_992, %and3A_994 : vector<16xi32>
      %xor3A_996 = arith.xori %bitcast_convert_type3A_989, %and3A_995 : vector<16xi32>
      %ge3A_997 = vector.broadcast %xor3A_725 : i32 to vector<16xi32>
      %ge3A_998 = arith.cmpi sge, %xor3A_996, %ge3A_997 : vector<16xi32>
      %sub3A_999 = vector.broadcast %bitcast_convert_type3A_551 : f32 to vector<16xf32>
      %sub3A_1000 = arith.subf %gather3A_988, %sub3A_999 : vector<16xf32>
      %exp3A_1001 = math.exp %sub3A_1000 : vector<16xf32>
      %jit3A_1002 = arith.constant 0.000000e+00 : f32
      %broadcast_in_dim3A_1003 = vector.broadcast %jit3A_1002 : f32 to vector<16xf32>
      %select_n3A_1004 = arith.select %ge3A_998, %exp3A_1001, %broadcast_in_dim3A_1003 : vector<16xi1>, vector<16xf32>
      %div3A_1005 = vector.broadcast %sub3A_766 : f32 to vector<16xf32>
      %div3A_1006 = arith.divf %select_n3A_1004, %div3A_1005 : vector<16xf32>
      %add3A_1007 = arith.constant 9.99999993E-9 : f32
      %add3A_1008 = vector.broadcast %add3A_1007 : f32 to vector<16xf32>
      %add3A_1009 = arith.addf %div3A_1006, %add3A_1008 : vector<16xf32>
      %div3A_1010 = arith.divf %div3A_987, %add3A_1009 : vector<16xf32>
      %bitcast_convert_type3A_1011 = tpu.bitcast %div3A_1010 : vector<16xf32> -> vector<16xi32>
      %shift_right_arithmetic3A_1012 = arith.constant 23 : i32
      %shift_right_arithmetic3A_1013 = vector.broadcast %shift_right_arithmetic3A_1012 : i32 to vector<16xi32>
      %shift_right_arithmetic3A_1014 = arith.shrsi %bitcast_convert_type3A_1011, %shift_right_arithmetic3A_1013 : vector<16xi32>
      %and3A_1015 = arith.constant 255 : i32
      %and3A_1016 = vector.broadcast %and3A_1015 : i32 to vector<16xi32>
      %and3A_1017 = arith.andi %shift_right_arithmetic3A_1014, %and3A_1016 : vector<16xi32>
      %sub3A_1018 = arith.constant 127 : i32
      %sub3A_1019 = vector.broadcast %sub3A_1018 : i32 to vector<16xi32>
      %sub3A_1020 = arith.subi %and3A_1017, %sub3A_1019 : vector<16xi32>
      %and3A_1021 = arith.constant 8388607 : i32
      %and3A_1022 = vector.broadcast %and3A_1021 : i32 to vector<16xi32>
      %and3A_1023 = arith.andi %bitcast_convert_type3A_1011, %and3A_1022 : vector<16xi32>
      %or3A_1024 = arith.constant 1065353216 : i32
      %or3A_1025 = vector.broadcast %or3A_1024 : i32 to vector<16xi32>
      %or3A_1026 = arith.ori %and3A_1023, %or3A_1025 : vector<16xi32>
      %bitcast_convert_type3A_1027 = tpu.bitcast %or3A_1026 : vector<16xi32> -> vector<16xf32>
      %gt3A_1028 = arith.constant 1.41421354 : f32
      %gt3A_1029 = vector.broadcast %gt3A_1028 : f32 to vector<16xf32>
      %gt3A_1030 = arith.cmpf ogt, %bitcast_convert_type3A_1027, %gt3A_1029 : vector<16xf32>
      %mul3A_1031 = arith.constant 5.000000e-01 : f32
      %mul3A_1032 = vector.broadcast %mul3A_1031 : f32 to vector<16xf32>
      %mul3A_1033 = arith.mulf %bitcast_convert_type3A_1027, %mul3A_1032 : vector<16xf32>
      %select_n3A_1034 = arith.select %gt3A_1030, %mul3A_1033, %bitcast_convert_type3A_1027 : vector<16xi1>, vector<16xf32>
      %convert_element_type3A_1035 = arith.extui %gt3A_1030 : vector<16xi1> to vector<16xi32>
      %add3A_1036 = arith.addi %sub3A_1020, %convert_element_type3A_1035 : vector<16xi32>
      %sub3A_1037 = arith.constant 1.000000e+00 : f32
      %sub3A_1038 = vector.broadcast %sub3A_1037 : f32 to vector<16xf32>
      %sub3A_1039 = arith.subf %select_n3A_1034, %sub3A_1038 : vector<16xf32>
      %add3A_1040 = arith.constant 1.000000e+00 : f32
      %add3A_1041 = vector.broadcast %add3A_1040 : f32 to vector<16xf32>
      %add3A_1042 = arith.addf %select_n3A_1034, %add3A_1041 : vector<16xf32>
      %div3A_1043 = arith.divf %sub3A_1039, %add3A_1042 : vector<16xf32>
      %mul3A_1044 = arith.mulf %div3A_1043, %div3A_1043 : vector<16xf32>
      %mul3A_1045 = arith.constant 0.111111112 : f32
      %mul3A_1046 = vector.broadcast %mul3A_1045 : f32 to vector<16xf32>
      %mul3A_1047 = arith.mulf %mul3A_1044, %mul3A_1046 : vector<16xf32>
      %add3A_1048 = arith.constant 0.142857149 : f32
      %add3A_1049 = vector.broadcast %add3A_1048 : f32 to vector<16xf32>
      %add3A_1050 = arith.addf %add3A_1049, %mul3A_1047 : vector<16xf32>
      %mul3A_1051 = arith.mulf %mul3A_1044, %add3A_1050 : vector<16xf32>
      %add3A_1052 = arith.constant 2.000000e-01 : f32
      %add3A_1053 = vector.broadcast %add3A_1052 : f32 to vector<16xf32>
      %add3A_1054 = arith.addf %add3A_1053, %mul3A_1051 : vector<16xf32>
      %mul3A_1055 = arith.mulf %mul3A_1044, %add3A_1054 : vector<16xf32>
      %add3A_1056 = arith.constant 0.333333343 : f32
      %add3A_1057 = vector.broadcast %add3A_1056 : f32 to vector<16xf32>
      %add3A_1058 = arith.addf %add3A_1057, %mul3A_1055 : vector<16xf32>
      %mul3A_1059 = arith.mulf %mul3A_1044, %add3A_1058 : vector<16xf32>
      %add3A_1060 = arith.constant 1.000000e+00 : f32
      %add3A_1061 = vector.broadcast %add3A_1060 : f32 to vector<16xf32>
      %add3A_1062 = arith.addf %add3A_1061, %mul3A_1059 : vector<16xf32>
      %mul3A_1063 = arith.constant 2.000000e+00 : f32
      %mul3A_1064 = vector.broadcast %mul3A_1063 : f32 to vector<16xf32>
      %mul3A_1065 = arith.mulf %mul3A_1064, %div3A_1043 : vector<16xf32>
      %mul3A_1066 = arith.mulf %mul3A_1065, %add3A_1062 : vector<16xf32>
      %convert_element_type3A_1067 = arith.sitofp %add3A_1036 : vector<16xi32> to vector<16xf32>
      %mul3A_1068 = arith.constant 0.693147182 : f32
      %mul3A_1069 = vector.broadcast %mul3A_1068 : f32 to vector<16xf32>
      %mul3A_1070 = arith.mulf %convert_element_type3A_1067, %mul3A_1069 : vector<16xf32>
      %add3A_1071 = arith.addf %mul3A_1070, %mul3A_1066 : vector<16xf32>
      %swap3A_1072 = arith.constant 32 : index
      %swap3A_1073 = tpu.vector_load %arg15[%swap3A_1072] {strides = array<i32>} : memref<48xf32, #tpu.memory_space<vmem>>, vector<16xf32>,
      tpu.vector_store %arg15[%swap3A_1072], %add3A_1071 {strides = array<i32>} : memref<48xf32, #tpu.memory_space<vmem>>, vector<16xf32>,
      %broadcast_in_dim3A_1074 = arith.constant 0xFF800000 : f32
      %broadcast_in_dim3A_1075 = vector.broadcast %broadcast_in_dim3A_1074 : f32 to vector<16xf32>
      %parallel_loop3A_1076 = arith.constant 0 : i32
      %parallel_loop3A_1077 = arith.constant 6250 : i32
      %parallel_loop3A_1078 = arith.constant 1 : i32
      scf.for %parallel_loop3A_1108 = %parallel_loop3A_1076 to %parallel_loop3A_1077 step %parallel_loop3A_1078  : i32 {
        %parallel_loop3A_1109 = arith.constant 16 : i32
        %parallel_loop3A_1110 = arith.muli %parallel_loop3A_1108, %parallel_loop3A_1109 : i32
        %parallel_loop3A_1111 = arith.index_cast %parallel_loop3A_1110 : i32 to index
        %parallel_loop3A_1112 = tpu.vector_load %arg5[%parallel_loop3A_1111] {strides = array<i32>} : memref<100000xf32, #tpu.memory_space<vmem>>, vector<16xf32>,
        tpu.vector_store %arg5[%parallel_loop3A_1111], %broadcast_in_dim3A_1075 {strides = array<i32>} : memref<100000xf32, #tpu.memory_space<vmem>>, vector<16xf32>,
      } {sc.loop_unroll_factor = 10 : i64, sc.parallel_access}
      %get3A_1079 = arith.constant 0 : index
      %get3A_1080 = tpu.vector_load %arg14[%get3A_1079] {strides = array<i32>} : memref<48xi32, #tpu.memory_space<vmem>>, vector<16xi32>,
      %get3A_1081 = arith.constant 0 : index
      %get3A_1082 = tpu.vector_load %arg15[%get3A_1081] {strides = array<i32>} : memref<48xf32, #tpu.memory_space<vmem>>, vector<16xf32>,
      %add3A_1083 = arith.constant 0 : i32
      %add3A_1084 = vector.broadcast %add3A_1083 : i32 to vector<16xi32>
      %add3A_1085 = arith.addi %add3A_1084, %iota3A : vector<16xi32>
      %lt3A = arith.constant 40 : i32
      %lt3A_1086 = vector.broadcast %lt3A : i32 to vector<16xi32>
      %lt3A_1087 = arith.cmpi slt, %add3A_1085, %lt3A_1086 : vector<16xi32>
      tpu.vector_store_idx %arg5[%get3A_1080], %get3A_1082 masked %lt3A_1087 : memref<100000xf32, #tpu.memory_space<vmem>>[vector<16xi32>], vector<16xf32>, vector<16xi1>
      %get3A_1088 = arith.constant 16 : index
      %get3A_1089 = tpu.vector_load %arg14[%get3A_1088] {strides = array<i32>} : memref<48xi32, #tpu.memory_space<vmem>>, vector<16xi32>,
      %get3A_1090 = arith.constant 16 : index
      %get3A_1091 = tpu.vector_load %arg15[%get3A_1090] {strides = array<i32>} : memref<48xf32, #tpu.memory_space<vmem>>, vector<16xf32>,
      %add3A_1092 = arith.constant 16 : i32
      %add3A_1093 = vector.broadcast %add3A_1092 : i32 to vector<16xi32>
      %add3A_1094 = arith.addi %add3A_1093, %iota3A : vector<16xi32>
      %lt3A_1095 = arith.constant 40 : i32
      %lt3A_1096 = vector.broadcast %lt3A_1095 : i32 to vector<16xi32>
      %lt3A_1097 = arith.cmpi slt, %add3A_1094, %lt3A_1096 : vector<16xi32>
      tpu.vector_store_idx %arg5[%get3A_1089], %get3A_1091 masked %lt3A_1097 : memref<100000xf32, #tpu.memory_space<vmem>>[vector<16xi32>], vector<16xf32>, vector<16xi1>
      %get3A_1098 = arith.constant 32 : index
      %get3A_1099 = tpu.vector_load %arg14[%get3A_1098] {strides = array<i32>} : memref<48xi32, #tpu.memory_space<vmem>>, vector<16xi32>,
      %get3A_1100 = arith.constant 32 : index
      %get3A_1101 = tpu.vector_load %arg15[%get3A_1100] {strides = array<i32>} : memref<48xf32, #tpu.memory_space<vmem>>, vector<16xf32>,
      %add3A_1102 = arith.constant 32 : i32
      %add3A_1103 = vector.broadcast %add3A_1102 : i32 to vector<16xi32>
      %add3A_1104 = arith.addi %add3A_1103, %iota3A : vector<16xi32>
      %lt3A_1105 = arith.constant 40 : i32
      %lt3A_1106 = vector.broadcast %lt3A_1105 : i32 to vector<16xi32>
      %lt3A_1107 = arith.cmpi slt, %add3A_1104, %lt3A_1106 : vector<16xi32>
      tpu.vector_store_idx %arg5[%get3A_1099], %get3A_1101 masked %lt3A_1107 : memref<100000xf32, #tpu.memory_space<vmem>>[vector<16xi32>], vector<16xf32>, vector<16xi1>
      "tpu.region"() ({
        %run_scoped3A = tpu.sem_alloc : memref<!tpu.dma_semaphore, #tpu.memory_space<semaphore_mem>>
        %dma_start3A = arith.constant 0 : i32
        %dma_start3A_1108 = tpu.memref_slice %arg4[%add3A_9, %dma_start3A] : memref<128x100000xf32, #tpu.memory_space<hbm>> -> memref<1x100000xf32, #tpu.memory_space<hbm>>
        %dma_start3A_1109 = tpu.memref_squeeze %dma_start3A_1108 : memref<1x100000xf32, #tpu.memory_space<hbm>> -> memref<100000xf32, #tpu.memory_space<hbm>>
        %dma_start3A_1110 = arith.constant 0 : i32
        %dma_start3A_1111 = tpu.memref_slice %arg4[%add3A_9, %dma_start3A_1110] : memref<128x100000xf32, #tpu.memory_space<hbm>> -> memref<1x100000xf32, #tpu.memory_space<hbm>>
        %dma_start3A_1112 = tpu.memref_squeeze %dma_start3A_1111 : memref<1x100000xf32, #tpu.memory_space<hbm>> -> memref<100000xf32, #tpu.memory_space<hbm>>
        tpu.enqueue_dma source(%arg5 : memref<100000xf32, #tpu.memory_space<vmem>>) target(%dma_start3A_1112 : memref<100000xf32, #tpu.memory_space<hbm>>) target_semaphore(%run_scoped3A : memref<!tpu.dma_semaphore, #tpu.memory_space<semaphore_mem>>)
        %dma_wait3A = arith.constant 0 : i32
        %dma_wait3A_1113 = tpu.memref_slice %arg4[%add3A_9, %dma_wait3A] : memref<128x100000xf32, #tpu.memory_space<hbm>> -> memref<1x100000xf32, #tpu.memory_space<hbm>>
        %dma_wait3A_1114 = tpu.memref_squeeze %dma_wait3A_1113 : memref<1x100000xf32, #tpu.memory_space<hbm>> -> memref<100000xf32, #tpu.memory_space<hbm>>
        %dma_wait3A_1115 = arith.constant 0 : i32
        %dma_wait3A_1116 = tpu.memref_slice %arg4[%add3A_9, %dma_wait3A_1115] : memref<128x100000xf32, #tpu.memory_space<hbm>> -> memref<1x100000xf32, #tpu.memory_space<hbm>>
        %dma_wait3A_1117 = tpu.memref_squeeze %dma_wait3A_1116 : memref<1x100000xf32, #tpu.memory_space<hbm>> -> memref<100000xf32, #tpu.memory_space<hbm>>
        tpu.wait_dma2 semaphore(%run_scoped3A : memref<!tpu.dma_semaphore, #tpu.memory_space<semaphore_mem>>) src(%arg5 : memref<100000xf32, #tpu.memory_space<vmem>>) dst(%dma_wait3A_1117 : memref<100000xf32, #tpu.memory_space<hbm>>)
        tpu.yield
      }) : () -> ()
    }
    %scan3A_4 = arith.constant 4 : i32
    return
  }
}

</mosaic_0001>

<sc_bundles>
// kernel: kernel.3.cloned.1.call-start
scs
__scs_entry_jumppad:
0x0: {  	(pc) =	sbr.rel $0x88, $3  }
0x1: {  	(tag) =	ssettag $0x0;
	lr =	simm.s32 $0x1  }
0x2: {  	[smem:$0x3F9F] =	sst lr;
	_ =	strace $0xD0000000  }
0x3: {  	_ = 	snop  }
0x4: {  	_ = 	snop  }
0x5: {  	_ = 	snop  }
0x6: {  	_ = 	snop  }
0x7: {  	_ = 	snop  }
__scs_overlays_trampoline_lowered:
0x8: {  	[smem:$0x3FAE] =	sst s0  }
0x9: {  	[smem:$0x3FAF] =	sst s1  }
0xa: {  	[smem:$0x3FB0] =	sst s2  }
0xb: {  	[smem:$0x3FB1] =	sst s3  }
0xc: {  	[smem:$0x3FB2] =	sst s4  }
0xd: {  	[smem:$0x3FB3] =	sst s5  }
0xe: {  	[smem:$0x3FB4] =	sst s6  }
0xf: {  	[smem:$0x3FB5] =	sst s7  }
0x10: {  	[smem:$0x3FB6] =	sst s8  }
0x11: {  	[smem:$0x3FB7] =	sst s9;
	s0 =	simm.s32 @!p0 $0x0  }
0x12: {  	s1 =	sld [smem:$0x3F9D];
	s0 =	simm.s32 @p0 $0x1  }
0x13: {  	[smem:$0x3FB8] =	sst s0;
	s0 =	simm.s32 @!p1 $0x0  }
0x14: {  	s2 =	sld [smem:$0x3F9C];
	s0 =	simm.s32 @p1 $0x1  }
0x15: {  	[smem:$0x3FB9] =	sst s0;
	s0 =	simm.s32 @!p2 $0x0  }
0x16: {  	s3 =	sld [smem:$0x3FDB];
	s0 =	simm.s32 @p2 $0x1  }
0x17: {  	s4 =	simm.s32 $0x1BF5;
	[smem:$0x3FBB] =	sst s0  }
0x18: {  	s0 =	sld [smem:$0x3F9E];
	_ =	swait.ge [sflag:s4], $0x0  }
0x19: {  	s7 =	sld [smem:$0x3F9F]  }
0x1a: {  	s8 =	sadd.s32 $0xFFFFE003, lr  }
0x1b: {  	s9 =	sadd.s32 $0xFFFFFEF7, lr;
	s5 =	simm.s32 $0xFFFFFFFF;
	p2 =	slt.u32 s8, $0xFFFFF086  }
0x1c: {  	p1 =	slt.u32 s9, $0xF7A;
	s5 =	simm.s32 @!p2 $0x0  }
0x1d: {  	s5 =	simm.s32 @p1 $0x1;
	p0 =	seq.s32 s7, s2  }
0x1e: {  	s7 =	smul.u32 @!p0 $0xF7A, s2;
	p2 =	seq.s32 @!p0 s5, $0x0  }
0x1f: {  	s9 =	smul.u32 $0xF7A, s1;
	s8 =	simm.s32 @!p0 $0x1BF5;
	p2 =	por !p2, p0  }
0x20: {  	[sflag:s8] =	ssyncset.s32 @!p0 $0xFFFFF086;
	s6 =	sadd.s32 @!p0 s3, s7;
	s7 =	simm.s32 @!p0 $0x108  }
0x21: {  	s3 =	sadd.s32 s3, s9;
	s6 =	sadd.s32 @!p0 $0x88, s6;
	s7 =	simm.s32 @p2 $0x1082  }
0x22: {  	[simem:s7], [sflag:s8] =	dma.local @!p0 [hbm:s6], $0xF7A  }
0x23: {  	s9 =	sor.u32 $0xD0000000, s2;
	s6 =	simm.s32 $0x108;
	_ =	swait.ge @!p0 [sflag:s8], $0x0  }
0x24: {  	s3 =	sadd.s32 $0x88, s3;
	s6 =	simm.s32 @!p1 $0x1082;
	[sflag:s4] =	ssyncset.s32 $0xFFFFF086  }
0x25: {  	[simem:s6], [sflag:s4] =	dma.local [hbm:s3], $0xF7A  }
0x26: {  	[smem:$0x3F9F] =	sst s1;
	(tag) =	ssettag s2;
	_ =	strace s9  }
0x27: {  	s1 =	sld [smem:$0x3FAF]  }
0x28: {  	s2 =	sld [smem:$0x3FB0]  }
0x29: {  	s4 =	sld [smem:$0x3FB2]  }
0x2a: {  	p0 =	seq.s32 s5, $0x0;
	s5 =	sld [smem:$0x3FB3]  }
0x2b: {  	s6 =	sld [smem:$0x3FB4]  }
0x2c: {  	s7 =	sld [smem:$0x3FB5]  }
0x2d: {  	s3 =	simm.s32 $0x108;
	s8 =	sld [smem:$0x3FB6]  }
0x2e: {  	s3 =	simm.s32 @!p0 $0x1082;
	s9 =	sld [smem:$0x3FB7]  }
0x2f: {  	lr =	sadd.s32 s0, s3;
	s0 =	sld [smem:$0x3FAE]  }
0x30: {  	s3 =	sld [smem:$0x3FB1]  }
0x31: {  	[smem:$0x3FBA] =	sst s10  }
0x32: {  	s10 =	sld [smem:$0x3FB8];
	_ =	sdelay $0x3  }
0x33: {  	p0 =	seq.s32 s10, $0x1;
	s10 =	sld [smem:$0x3FBA];
	_ =	sdelay $0x3  }
0x34: {  	[smem:$0x3FBA] =	sst s10  }
0x35: {  	s10 =	sld [smem:$0x3FB9];
	_ =	sdelay $0x3  }
0x36: {  	p1 =	seq.s32 s10, $0x1;
	s10 =	sld [smem:$0x3FBA];
	_ =	sdelay $0x3  }
0x37: {  	[smem:$0x3FBA] =	sst s10  }
0x38: {  	s10 =	sld [smem:$0x3FBB]  }
0x39: {  	_ = 	snop;
	(pc) =	sbr.ind lr, $3  }
0x3a: {  	_ = 	snop  }
0x3b: {  	_ = 	snop  }
0x3c: {  	p2 =	seq.s32 s10, $0x1;
	s10 =	sld [smem:$0x3FBA]  }
0x3d: {  	_ =	shalt  }
0x3e: {  	_ =	shalt  }
0x3f: {  	_ =	shalt  }
0x40: {  	_ =	shalt  }
0x41: {  	_ =	shalt  }
0x42: {  	_ =	shalt  }
0x43: {  	_ =	shalt  }
0x44: {  	_ =	shalt  }
0x45: {  	_ =	shalt  }
0x46: {  	_ =	shalt  }
0x47: {  	_ =	shalt  }
0x48: {  	_ =	shalt  }
0x49: {  	_ =	shalt  }
0x4a: {  	_ =	shalt  }
0x4b: {  	_ =	shalt  }
0x4c: {  	_ =	shalt  }
0x4d: {  	_ =	shalt  }
0x4e: {  	_ =	shalt  }
0x4f: {  	_ =	shalt  }
0x50: {  	_ =	shalt  }
0x51: {  	_ =	shalt  }
0x52: {  	_ =	shalt  }
0x53: {  	_ =	shalt  }
0x54: {  	_ =	shalt  }
0x55: {  	_ =	shalt  }
0x56: {  	_ =	shalt  }
0x57: {  	_ =	shalt  }
0x58: {  	_ =	shalt  }
0x59: {  	_ =	shalt  }
0x5a: {  	_ =	shalt  }
0x5b: {  	_ =	shalt  }
0x5c: {  	_ =	shalt  }
0x5d: {  	_ =	shalt  }
0x5e: {  	_ =	shalt  }
0x5f: {  	_ =	shalt  }
0x60: {  	_ =	shalt  }
0x61: {  	_ =	shalt  }
0x62: {  	_ =	shalt  }
0x63: {  	_ =	shalt  }
0x64: {  	_ =	shalt  }
0x65: {  	_ =	shalt  }
0x66: {  	_ =	shalt  }
0x67: {  	_ =	shalt  }
0x68: {  	_ =	shalt  }
0x69: {  	_ =	shalt  }
0x6a: {  	_ =	shalt  }
0x6b: {  	_ =	shalt  }
0x6c: {  	_ =	shalt  }
0x6d: {  	_ =	shalt  }
0x6e: {  	_ =	shalt  }
0x6f: {  	_ =	shalt  }
0x70: {  	_ =	shalt  }
0x71: {  	_ =	shalt  }
0x72: {  	_ =	shalt  }
0x73: {  	_ =	shalt  }
0x74: {  	_ =	shalt  }
0x75: {  	_ =	shalt  }
0x76: {  	_ =	shalt  }
0x77: {  	_ =	shalt  }
0x78: {  	_ =	shalt  }
0x79: {  	_ =	shalt  }
0x7a: {  	_ =	shalt  }
0x7b: {  	_ =	shalt  }
0x7c: {  	_ =	shalt  }
0x7d: {  	_ =	shalt  }
0x7e: {  	_ =	shalt  }
0x7f: {  	_ =	shalt  }
0x80: {  	_ =	shalt  }
0x81: {  	_ =	shalt  }
0x82: {  	_ =	shalt  }
0x83: {  	_ =	shalt  }
0x84: {  	_ =	shalt  }
0x85: {  	_ =	shalt  }
0x86: {  	_ =	shalt  }
0x87: {  	_ =	shalt  }
.Lfunc_end0:
.L_simem_size_0:
called_computation_lowered:
.L_overlay_start_0:
0x88: {  	s2 =	sld [smem:$0x3FD9]  }
0x89: {  	s3 =	sld [smem:$0x3FFE];
	_ =	sdelay $0x1  }
0x8a: {  	s1 =	srdreg.scid  }
0x8b: {  	s0 =	sand.u32 $0x1, s1  }
0x8c: {  	s16 =	sshll.u32 s0, $0xA;
	s2 =	sadd.s32 s3, s2  }
0x8d: {  	s2 =	sadd.s32 s2, s16  }
0x8e: {  	[smem:$0x3FC6] =	sst s2  }
0x8f: {  	_ = 	snop  }
0x90: {  	(tm) =	ssettm $0x1  }
0x91: {  	s17 =	sld [smem:$0x3FFB];
	_ =	sdelay $0x3  }
0x92: {  	_ =	strace s17  }
0x93: {  	s2 =	sld [smem:$0x3FFC];
	_ =	sdelay $0x3  }
0x94: {  	_ =	strace s2  }
0x95: {  	s2 =	sld [smem:$0x3FFD];
	_ =	sdelay $0x3  }
0x96: {  	_ =	strace s2  }
0x97: {  	_ =	strace $0x8FFFFFFF  }
0x98: {  	s18 =	sld [smem:$0x3FDB];
	_ =	sdelay $0x1  }
0x99: {  	s19 =	simm.s32 $_scs_section_size  }
0x9a: {  	s4 =	simm.s32 $_size__tile_overlayer_lowered;
	s5 =	simm.s32 $_tile_overlayer_lowered  }
0x9b: {  	s22 =	simm.s32 $0x1BFF;
	s21 =	sshll.u32 s5, $0x1;
	s2 =	sadd.s32 s19, s18  }
0x9c: {  	s6 =	simm.s32 $0x0;
	s20 =	sshll.u32 s4, $0x1;
	s4 =	sadd.s32 s21, s2  }
0x9d: {  	[timem:s6], [sflag:s22] =	dma.local [hbm:s4], s20  }
0x9e: {  	_ =	swait.ge [sflag:s22], s20  }
0x9f: {  	s3 =	ssub.s32 $0x0, s20;
	[sflag:s22] =	ssyncset.done $0x0  }
0xa0: {  	[sflag:s22] =	ssyncadd.s32 s3;
	_ =	sdelay $0x1  }
0xa1: {  	s23 =	simm.s32 $0x1B8B  }
0xa2: {  	_ =	swait.ge [sflag:s23], $0x1  }
0xa3: {  	[sflag:s23] =	ssyncset.done $0x0  }
0xa4: {  	s25 =	simm.s32 $0x1B8E;
	s24 =	sld [smem:$0x3FFE];
	[sflag:s23] =	ssyncadd.s32 $0xFFFFFFFF  }
0xa5: {  	s26 =	simm.s32 $execute0_lowered;
	[smem:$0x3FD2] =	sst s25  }
0xa6: {  	s4 =	sshll.u32 s26, $0x1;
	_ =	strace $0x80000046;
	[dreg:$0x1] =	wrdreg $0xFFFFFFFF  }
0xa7: {  	s28 =	simm.s32 $_size_execute0_lowered;
	s2 =	sadd.s32 s2, s4;
	[dreg:$0x0] =	wrdreg $0x0  }
0xa8: {  	s4 =	sshll.u32 s28, $0x1;
	[dreg:$0x2] =	wrdreg s2  }
0xa9: {  	[dreg:$0x3] =	wrdreg s4  }
0xaa: {  	[dreg:$0x4] =	wrdreg $0xC0  }
0xab: {  	_ =	task [dreg:s6], $0x5FFFF  }
0xac: {  	[dreg:$0x1] =	wrdreg $0xFFFFFFFF  }
0xad: {  	[dreg:$0x0] =	wrdreg $0x60  }
0xae: {  	[dreg:$0x2] =	wrdreg s24  }
0xaf: {  	[dreg:$0x3] =	wrdreg $0x9  }
0xb0: {  	_ =	task.clear_ibuf [dreg:s6], $0x4FFFF;
	_ =	strace $0x90000046  }
0xb1: {  	s29 =	simm.s32 $0x9;
	_ =	strace $0x80000048  }
0xb2: {  	_ =	swait.ge [sflag:s29], $0x1  }
0xb3: {  	[sflag:s29] =	ssyncadd.s32 $0xFFFFFFFF  }
0xb4: {  	_ =	strace $0x90000048  }
0xb5: {  	_ =	sfence  }
0xb6: {  	s30 =	sld [smem:$0x0];
	_ =	sdelay $0x2  }
0xb7: {  	s31 =	sshll.u32 s1, $0xD;
	s1 =	sshrl.u32 s1, $0x2  }
0xb8: {  	s3 =	sand.u32 $0x4000, s31;
	s1 =	sadd.s32 s1, s30  }
0xb9: {  	s0 =	sor.u32 s3, s0;
	s1 =	sshll.u32 s1, $0x11  }
0xba: {  	s0 =	sor.u32 s1, s0  }
0xbb: {  	s0 =	sadd.s32 $0x8F2B, s0  }
0xbc: {  	[sflag:s0] =	ssyncadd.remote.s32 $0x1  }
0xbd: {  	_ =	sfence.sel $0xFFFF  }
0xbe: {  	[dreg:$0x0] =	wrdreg $0xFFFFFFFF;
	(pc) =	sbr.abs _section_cstart, $3  }
0xbf: {  	[dreg:$0x1] =	wrdreg $0xFFFFFFFF  }
0xc0: {  	_ =	task.clear_ibuf [dreg:s6], $0x2FFFF;
	_ =	strace $0x9FFFFFFF  }
0xc1: {  	(tm) =	ssettm $0x7FFFFFFF  }
tec
execute0_lowered:
.L_overlay_start_1:
0x0: {  	(tag) =	ssettag $0x1  }
0x1: {  	s0 =	rddreg [dreg:$0x0]  }
0x2: {  	s10 =	simm.s32 $0x0;
	s1 =	srdreg.scid;
	s3 =	stileid.u32  }
0x3: {  	s22 =	simm.s32 $0x80;
	s11 =	simm.s32 $0x18700;
	s12 =	simm.s32 $0x18F00  }
0x4: {  	s13 =	simm.s32 $0x19F00;
	s14 =	simm.s32 $0x1A700;
	s15 =	simm.s32 $0x1A900  }
0x5: {  	s16 =	simm.s32 $0x40000000;
	s17 =	simm.s32 $0x1AB00;
	s18 =	simm.s32 $0x1AB80  }
0x6: {  	s19 =	simm.s32 $0x19700;
	s20 =	simm.s32 $0x19B00;
	[smem:$0x7FF] =	sst s10  }
0x7: {  	s2 =	sadd.s32 $0x400, s0;
	s3 =	smul.u32 $0xC3800, s3;
	s4 =	sadd.s32 $0x187400, s0  }
0x8: {  	s1 =	sand.u32 $0x1, s1;
	s0 =	sadd.s32 $0x30E400, s0;
	_ =	strace $0x80000047  }
.Ltmp0:
0x9: {  	[dreg:$0x2] =	wrdreg s2;
	s29 =	ssub.s32 $0x2, s1;
	(pc) =	sbr.rel .LBB2_1-.Ltmp0, $4  }
0xa: {  	v0 =	vlaneseq.u32;
	[dreg:$0x3] =	wrdreg s4;
	s1 =	sshll.u32 s1, $0x9;
	s30 =	sshrl.u32 s29, $0x1  }
0xb: {  	v3 =	vmul.u32 $0xFFFFFFFF, v0;
	[dreg:$0x4] =	wrdreg s0;
	s1 =	sor.u32 s3, s1;
	s31 =	ssub.s32 s29, s30  }
0xc: {  	v1 =	vimm.s32 $0x0;
	v2 =	vimm.s32 $0x1;
	v4 =	vimm.f32 $0.0e+00;
	s2 =	simm.s32 $0x400;
	[dreg:$0x5] =	wrdreg s1;
	s0 =	smax.u32 s31, $0x1  }
0xd: {  	vm0 =	vmmov $0x1;
	v5 =	vimm.f32 $-Inf;
	s3 =	simm.s32 $0x1;
	v3 =	vadd.s32 $0xF, v3;
	s1 =	simm.s32 $0x0;
	[dreg:$0x6] =	wrdreg s0  }
.LBB2_70:
0xe: {  	s1 =	rddreg [dreg:$0x7]  }
0xf: {  	s0 =	rddreg [dreg:$0x6];
	s1 =	sadd.s32 $0x1, s1  }
0x10: {  	p0 =	sne.s32 s1, s0  }
.Ltmp1:
0x11: {  	_ = 	snop;
	(pc) =	sbr.rel @!p0 .LBB2_71-.Ltmp1, $1  }
0x12: {  	_ =	sdelay $0x3  }
.LBB2_1:
0x13: {  	[dreg:$0x7] =	wrdreg s1;
	s0 =	simm.s32 $0x0  }
.LBB2_2:
0x14: {  	s30 =	sshll.u32 s0, $0x7;
	s1 =	rddreg [dreg:$0x5]  }
0x15: {  	[dreg:$0x8] =	wrdreg s0;
	s0 =	sadd.s32 s1, s30  }
0x16: {  	s31 =	rddreg [dreg:$0x2];
	s1 =	sshrl.u32 s0, $0x3  }
0x17: {  	[dreg:$0x9] =	wrdreg s1;
	s0 =	sadd.s32 s31, s1  }
0x18: {  	[tilespmem:s10], [sflag:$0x1] =	stream.strided.gather [hbm4b:s0+s22], $0x18700, s2, s22, $0x38;
	[tilespmem:$0x1AC80] =	vst v63  }
0x19: {  	_ =	swait.ge [sflag:s3], $0x18700  }
0x1a: {  	[sflag:s3] =	ssyncset.done $0x0  }
0x1b: {  	s1 =	simm.s32 $0x18740;
	[sflag:s3] =	ssyncadd.s32 $0xFFFE7900  }
0x1c: {  	[tilespmem:s1+$0xFFFFFFC0] =	vst v1  }
0x1d: {  	[tilespmem:s1+$0x30] =	vst v1  }
0x1e: {  	[tilespmem:s1+$0x20] =	vst v1  }
0x1f: {  	[tilespmem:s1+$0x10] =	vst v1  }
0x20: {  	[tilespmem:s1+$0x0] =	vst v1  }
0x21: {  	[tilespmem:s1+$0xFFFFFFF0] =	vst v1  }
0x22: {  	s2 =	simm.s32 $0x0;
	s0 =	simm.s32 $0x50;
	[tilespmem:s1+$0xFFFFFFE0] =	vst v1  }
.LBB2_3:
0x23: {  	s2 =	sadd.s32 $0x8, s2;
	[tilespmem:s1+$0xFFFFFFD0] =	vst v1;
	s1 =	sadd.s32 $0x80, s1  }
0x24: {  	[tilespmem:s1+$0xFFFFFFC0] =	vst v1;
	p0 =	slt.u32 s2, $0x78  }
0x25: {  	[tilespmem:s1+$0x30] =	vst v1  }
.Ltmp2:
0x26: {  	[tilespmem:s1+$0x20] =	vst v1;
	(pc) =	sbr.rel @p0 .LBB2_3-.Ltmp2, $4  }
0x27: {  	[tilespmem:s1+$0x10] =	vst v1  }
0x28: {  	[tilespmem:s1+$0x0] =	vst v1  }
0x29: {  	[tilespmem:s1+$0xFFFFFFF0] =	vst v1  }
0x2a: {  	s25 =	simm.s32 $0x0;
	[tilespmem:s1+$0xFFFFFFE0] =	vst v1  }
0x2b: {  	[tilespmem:s1+$0xFFFFFFD0] =	vst v1  }
0x2c: {  	v7 =	vld [tilespmem:s0+$0xFFFFFFB0]  }
0x2d: {  	v8 =	vld [tilespmem:s0+$0x40];
	_ =	sdelay $0x1  }
0x2e: {  	v9 =	vld [tilespmem:s0+$0xFFFFFFC0]  }
0x2f: {  	v6 =	vld [tilespmem:s0+$0x20]  }
0x30: {  	v11 =	vld [tilespmem:s0+$0xFFFFFFF0];
	v10 =	vshra.s32 v7, $0x1F  }
0x31: {  	v12 =	vshra.s32 v8, $0x1F;
	v10 =	vand.u32 $0x7FE00000, v10  }
0x32: {  	v12 =	vand.u32 $0x7FE00000, v12;
	v10 =	vxor.u32 v7, v10;
	v7 =	vld [tilespmem:s0+$0x10]  }
0x33: {  	v15 =	vshra.s32 v9, $0x1F;
	v12 =	vxor.u32 v8, v12;
	v10 =	vshrl.u32 v10, $0x15  }
0x34: {  	s31 =	sand.u32 $0x1FFE0, s25;
	v13 =	vxor.u32 $0x400, v10;
	v10 =	vand.u32 $0x7FE00000, v15;
	v15 =	vshrl.u32 v12, $0x15;
	v12 =	vld [tilespmem:s0+$0x0]  }
0x35: {  	v14 =	vshra.s32 v6, $0x1F;
	v8 =	vld [tilespmem:s31+$0x80];
	v9 =	vxor.u32 v9, v10;
	v10 =	vshra.s32 v11, $0x1F  }
0x36: {  	v14 =	vand.u32 $0x7FE00000, v14;
	v15 =	vxor.u32 $0x400, v15;
	v16 =	vand.u32 $0x7FE00000, v10  }
0x37: {  	s24 =	simm.s32 $0xA0;
	v9 =	vshrl.u32 v9, $0x15;
	v10 =	vld [tilespmem:s0+$0xFFFFFFE0];
	v16 =	vxor.u32 v11, v16;
	v18 =	vshra.s32 v7, $0x1F  }
0x38: {  	s1 =	simm.s32 $0x0;
	s28 =	simm.s32 $0xF0;
	v9 =	vxor.u32 $0x400, v9;
	v11 =	vld [tilespmem:s0+$0xFFFFFFD0];
	s0 =	simm.s32 $0x18EF0;
	v17 =	vshrl.u32 v16, $0x15;
	v16 =	vand.u32 $0x7FE00000, v18  }
.LBB2_5:
0x39: {  	s3 =	sand.u32 $0x1FFE0, s24;
	s1 =	sadd.s32 $0xA, s1;
	[tilespmem:v13+s11+$0x0] =	vst.idx.add.s32.msk $0xffff, v2;
	v13 =	vxor.u32 $0x400, v17;
	v17 =	vshra.s32 v12, $0x1F;
	v16 =	vxor.u32 v7, v16;
	s26 =	simm.s32 $0x7F  }
0x3a: {  	v6 =	vxor.u32 v6, v14;
	v14 =	vshra.s32 v8, $0x1F;
	v7 =	vld [tilespmem:s28+$0x10];
	p0 =	slt.u32 s1, $0x1860;
	v16 =	vshrl.u32 v16, $0x15  }
0x3b: {  	v17 =	vand.u32 $0x7FE00000, v17;
	v6 =	vshrl.u32 v6, $0x15;
	v16 =	vxor.u32 $0x400, v16;
	[tilespmem:v15+s11+$0x0] =	vst.idx.add.s32.msk $0xffff, v2  }
0x3c: {  	v14 =	vand.u32 $0x7FE00000, v14;
	v12 =	vxor.u32 v12, v17;
	v17 =	vxor.u32 $0x400, v6;
	v15 =	vld [tilespmem:s28+$0xFFFFFFB0]  }
0x3d: {  	v8 =	vxor.u32 v8, v14;
	v18 =	vshra.s32 v10, $0x1F;
	v12 =	vshrl.u32 v12, $0x15;
	v6 =	vld [tilespmem:s28+$0x20]  }
0x3e: {  	v8 =	vshrl.u32 v8, $0x15;
	v14 =	vshra.s32 v11, $0x1F;
	v18 =	vand.u32 $0x7FE00000, v18;
	v19 =	vld [tilespmem:s28+$0xFFFFFFF0]  }
0x3f: {  	v8 =	vxor.u32 $0x400, v8;
	v10 =	vxor.u32 v10, v18;
	[tilespmem:v9+s11+$0x0] =	vst.idx.add.s32.msk $0xffff, v2;
	v9 =	vand.u32 $0x7FE00000, v14  }
0x40: {  	v10 =	vshrl.u32 v10, $0x15;
	v14 =	vld [tilespmem:s28+$0x40];
	v9 =	vxor.u32 v11, v9;
	v11 =	vxor.u32 $0x400, v12  }
0x41: {  	v12 =	vshra.s32 v15, $0x1F;
	v18 =	vld [tilespmem:s28+$0xFFFFFFC0];
	v9 =	vshrl.u32 v9, $0x15  }
0x42: {  	v10 =	vxor.u32 $0x400, v10;
	v12 =	vand.u32 $0x7FE00000, v12;
	v9 =	vxor.u32 $0x400, v9;
	[tilespmem:v13+s11+$0x0] =	vst.idx.add.s32.msk $0xffff, v2  }
0x43: {  	v12 =	vxor.u32 v15, v12;
	[tilespmem:v16+s11+$0x0] =	vst.idx.add.s32.msk $0xffff, v2  }
0x44: {  	v12 =	vshrl.u32 v12, $0x15;
	[tilespmem:v8+s11+$0x0] =	vst.idx.add.s32.msk $0xffff, v2  }
0x45: {  	v13 =	vshra.s32 v14, $0x1F;
	[tilespmem:v11+s11+$0x0] =	vst.idx.add.s32.msk $0xffff, v2  }
0x46: {  	v11 =	vshra.s32 v6, $0x1F;
	v8 =	vld [tilespmem:s3+$0x80];
	v13 =	vand.u32 $0x7FE00000, v13  }
0x47: {  	v15 =	vshra.s32 v18, $0x1F;
	v16 =	vxor.u32 v14, v13;
	[tilespmem:v9+s11+$0x0] =	vst.idx.add.s32.msk $0xffff, v2  }
.Ltmp3:
0x48: {  	v13 =	vxor.u32 $0x400, v12;
	v9 =	vand.u32 $0x7FE00000, v15;
	v14 =	vand.u32 $0x7FE00000, v11;
	v12 =	vld [tilespmem:s28+$0x0];
	(pc) =	sbr.rel @p0 .LBB2_5-.Ltmp3, $4  }
0x49: {  	v11 =	vshra.s32 v19, $0x1F;
	v9 =	vxor.u32 v18, v9;
	v15 =	vshrl.u32 v16, $0x15;
	[tilespmem:v10+s11+$0x0] =	vst.idx.add.s32.msk $0xffff, v2  }
0x4a: {  	v11 =	vand.u32 $0x7FE00000, v11;
	v9 =	vshrl.u32 v9, $0x15;
	v15 =	vxor.u32 $0x400, v15;
	[tilespmem:v17+s11+$0x0] =	vst.idx.add.s32.msk $0xffff, v2  }
0x4b: {  	v18 =	vshra.s32 v7, $0x1F;
	v16 =	vxor.u32 v19, v11;
	v9 =	vxor.u32 $0x400, v9;
	v10 =	vld [tilespmem:s28+$0xFFFFFFE0]  }
0x4c: {  	s24 =	sadd.s32 $0xA0, s24;
	v17 =	vshrl.u32 v16, $0x15;
	v16 =	vand.u32 $0x7FE00000, v18;
	v11 =	vld [tilespmem:s28+$0xFFFFFFD0];
	s28 =	sadd.s32 $0xA0, s28  }
0x4d: {  	v17 =	vxor.u32 $0x400, v17;
	v18 =	vshra.s32 v12, $0x1F;
	v7 =	vxor.u32 v7, v16  }
0x4e: {  	v55 =	vshra.s32 v8, $0x1F;
	v6 =	vxor.u32 v6, v14;
	v7 =	vshrl.u32 v7, $0x15  }
0x4f: {  	v18 =	vand.u32 $0x7FE00000, v18;
	v16 =	vand.u32 $0x7FE00000, v55;
	v6 =	vshrl.u32 v6, $0x15  }
0x50: {  	v7 =	vxor.u32 $0x400, v7;
	v56 =	vxor.u32 v12, v18;
	v8 =	vxor.u32 v8, v16  }
0x51: {  	v6 =	vxor.u32 $0x400, v6;
	v57 =	vshra.s32 v10, $0x1F;
	v12 =	vshrl.u32 v56, $0x15  }
0x52: {  	[tilespmem:v13+s11+$0x0] =	vst.idx.add.s32.msk $0xffff, v2;
	v8 =	vshrl.u32 v8, $0x15;
	v58 =	vshra.s32 v11, $0x1F;
	v59 =	vand.u32 $0x7FE00000, v57  }
0x53: {  	[tilespmem:v15+s11+$0x0] =	vst.idx.add.s32.msk $0xffff, v2;
	v8 =	vxor.u32 $0x400, v8;
	v16 =	vand.u32 $0x7FE00000, v58;
	v61 =	vxor.u32 v10, v59  }
0x54: {  	[tilespmem:v9+s11+$0x0] =	vst.idx.add.s32.msk $0xffff, v2;
	v12 =	vxor.u32 $0x400, v12;
	v60 =	vxor.u32 v11, v16;
	v62 =	vshrl.u32 v61, $0x15  }
0x55: {  	[tilespmem:v17+s11+$0x0] =	vst.idx.add.s32.msk $0xffff, v2;
	v11 =	vshrl.u32 v60, $0x15;
	v9 =	vxor.u32 $0x400, v62  }
0x56: {  	[tilespmem:v7+s11+$0x0] =	vst.idx.add.s32.msk $0xffff, v2;
	v63 =	vxor.u32 $0x400, v11  }
0x57: {  	[tilespmem:v6+s11+$0x0] =	vst.idx.add.s32.msk $0xffff, v2  }
0x58: {  	[tilespmem:v8+s11+$0x0] =	vst.idx.add.s32.msk $0xffff, v2  }
0x59: {  	[tilespmem:v12+s11+$0x0] =	vst.idx.add.s32.msk $0xffff, v2  }
0x5a: {  	[tilespmem:v9+s11+$0x0] =	vst.idx.add.s32.msk $0xffff, v2  }
0x5b: {  	[tilespmem:v63+s11+$0x0] =	vst.idx.add.s32.msk $0xffff, v2  }
0x5c: {  	v6 =	vld [tilespmem:s0+$0x0];
	_ =	sdelay $0x4  }
0x5d: {  	(xrf0) =	vadd.scan.msk.s32 $0xffff, v6;
	_ =	sdelay $0x5  }
0x5e: {  	v6, _, _ =	vpop (xrf0)  }
0x5f: {  	s24 =	simm.s32 $0x18EE0;
	(v2sf) =	vpush v6, $0xF  }
0x60: {  	v6 =	vld [tilespmem:s24+$0x0]  }
0x61: {  	s28 =	simm.s32 $0x18ED0  }
0x62: {  	v7 =	vld [tilespmem:s28+$0x0];
	_ =	sdelay $0x2  }
0x63: {  	(xrf0) =	vadd.scan.msk.s32 $0xffff, v6;
	_ =	sdelay $0x1  }
0x64: {  	(xrf0) =	vadd.scan.msk.s32 $0xffff, v7;
	_ =	sdelay $0x2  }
0x65: {  	s29 =	simm.s32 $0x18EC0  }
0x66: {  	v8 =	vld [tilespmem:s29+$0x0];
	v7, _, _ =	vpop (xrf0)  }
0x67: {  	(v2sf) =	vpush v7, $0xF  }
0x68: {  	v7, _, _ =	vpop (xrf0)  }
0x69: {  	s31 =	spop (v2sf);
	(v2sf) =	vpush v7, $0xF;
	_ =	sdelay $0x1  }
0x6a: {  	s30 =	simm.s32 $0x18EB0;
	(xrf0) =	vadd.scan.msk.s32 $0xffff, v8  }
0x6b: {  	v6 =	vld [tilespmem:s30+$0x0];
	_ =	sdelay $0x1  }
0x6c: {  	s6 =	simm.s32 $0x7E;
	s5 =	simm.s32 $0x7D;
	s3 =	simm.s32 $0x7C  }
0x6d: {  	s4 =	simm.s32 $0x7B;
	s2 =	simm.s32 $0x7A;
	s8 =	simm.s32 $0x18EA0  }
0x6e: {  	p2 =	por $0x1, $0x1;
	s1 =	simm.s32 $0x0;
	s0 =	sadd.s32 $0x0, s31  }
0x6f: {  	s7 =	simm.s32 $0x0;
	s24 =	simm.s32 $0x0;
	(xrf0) =	vadd.scan.msk.s32 $0xffff, v6;
	v6, _, _ =	vpop (xrf0);
	p1 =	sgt.s32 s0, $0x270F  }
.LBB2_7:
0x70: {  	p0 =	sne.s32 s2, $0x0;
	p1 =	por !p2, !p1;
	s9 =	smov.u32 s4  }
0x71: {  	v7 =	vld [tilespmem:s8+$0x0];
	(v2sf) =	vpush v6, $0xF;
	s4 =	smov.u32 s2;
	s2 =	sadd.s32 $0xFFFFFFFF, s2;
	s21 =	smov.u32 s1  }
.Ltmp4:
0x72: {  	s1 =	smov.u32 s0;
	p1 =	por !p1, !p1;
	(pc) =	sbr.rel @p0 .LBB2_7-.Ltmp4, $4  }
0x73: {  	s25 =	smov.u32 @p1 s26;
	s7 =	simm.s32 @p1 $0x1;
	s26 =	smov.u32 s6  }
0x74: {  	s24 =	smov.u32 @p1 s21;
	s6 =	smov.u32 s5;
	s28 =	spop (v2sf)  }
0x75: {  	s5 =	smov.u32 s3;
	s3 =	smov.u32 s9;
	s0 =	sadd.s32 s0, s28  }
0x76: {  	s8 =	sadd.s32 $0xFFFFFFF0, s8;
	p2 =	seq.s32 s7, $0x0;
	(xrf0) =	vadd.scan.msk.s32 $0xffff, v7;
	v6, _, _ =	vpop (xrf0);
	p1 =	sgt.s32 s0, $0x270F  }
0x77: {  	_ =	sdelay $0x1  }
0x78: {  	(v2sf) =	vpush v6, $0xF;
	_ =	sdelay $0x2  }
0x79: {  	v6, _, _ =	vpop (xrf0)  }
0x7a: {  	(v2sf) =	vpush v6, $0xF;
	_ =	sdelay $0x1  }
0x7b: {  	p0 =	por !p2, !p1  }
0x7c: {  	s2 =	spop (v2sf);
	p0 =	por !p0, !p0  }
0x7d: {  	s2 =	sadd.s32 s0, s2;
	s7 =	simm.s32 @p0 $0x1  }
0x7e: {  	p2 =	sgt.s32 s2, $0x270F;
	p3 =	seq.s32 s7, $0x0  }
0x7f: {  	p1 =	por !p3, !p2  }
0x80: {  	p1 =	por !p1, !p1;
	s8 =	spop (v2sf)  }
0x81: {  	s7 =	simm.s32 @p1 $0x1;
	s8 =	sadd.s32 s2, s8  }
0x82: {  	p3 =	seq.s32 s7, $0x0;
	p4 =	sgt.s32 s8, $0x270F  }
0x83: {  	p2 =	por !p3, !p4  }
0x84: {  	p2 =	por !p2, !p2;
	s9 =	spop (v2sf)  }
0x85: {  	s7 =	simm.s32 @p2 $0x1;
	s9 =	sadd.s32 s8, s9  }
0x86: {  	p4 =	seq.s32 s7, $0x0;
	p5 =	sgt.s32 s9, $0x270F  }
0x87: {  	p3 =	por !p4, !p5  }
0x88: {  	p3 =	por !p3, !p3;
	s21 =	spop (v2sf)  }
0x89: {  	s25 =	smov.u32 @p0 s26;
	s7 =	simm.s32 @p3 $0x1;
	s21 =	sadd.s32 s9, s21  }
0x8a: {  	s25 =	smov.u32 @p1 s6;
	p5 =	seq.s32 s7, $0x0;
	p6 =	sgt.s32 s21, $0x270F  }
0x8b: {  	s25 =	smov.u32 @p2 s5;
	p4 =	por !p5, !p6  }
0x8c: {  	s25 =	smov.u32 @p3 s3;
	p4 =	por !p4, !p4  }
0x8d: {  	s25 =	smov.u32 @p4 s4  }
0x8e: {  	s25 =	sshll.u32 s25, $0x4  }
0x8f: {  	v6 =	vld [tilespmem:s25+$0x18700];
	_ =	sdelay $0x1  }
0x90: {  	s21 =	simm.s32 $0x18EF0  }
0x91: {  	v8 =	vld [tilespmem:s21+$0x0];
	_ =	sdelay $0x1  }
0x92: {  	v7 =	vperm.xlane v6, v3;
	_ =	sdelay $0x1  }
0x93: {  	(xrf0) =	vadd.scan.msk.s32 $0xffff, v7  }
0x94: {  	(xrf0) =	vadd.scan.msk.s32 $0xffff, v8;
	_ =	sdelay $0x4  }
0x95: {  	v8, _, _ =	vpop (xrf0)  }
0x96: {  	v6, _, _ =	vpop (xrf0)  }
0x97: {  	s23 =	simm.s32 $0x18EE0;
	(v2sf) =	vpush v6, $0xF  }
0x98: {  	v6 =	vld [tilespmem:s23+$0x0]  }
0x99: {  	s26 =	simm.s32 $0x18ED0  }
0x9a: {  	v9 =	vld [tilespmem:s26+$0x0];
	_ =	sdelay $0x1  }
0x9b: {  	s29 =	simm.s32 $0x18EC0  }
0x9c: {  	v10 =	vld [tilespmem:s29+$0x0];
	s24 =	smov.u32 @p0 s1;
	(xrf0) =	vadd.scan.msk.s32 $0xffff, v6  }
0x9d: {  	s24 =	smov.u32 @p1 s0  }
0x9e: {  	s24 =	smov.u32 @p2 s2;
	(xrf0) =	vadd.scan.msk.s32 $0xffff, v9  }
0x9f: {  	s24 =	smov.u32 @p3 s8  }
0xa0: {  	s24 =	smov.u32 @p4 s9  }
0xa1: {  	(xrf0) =	vadd.scan.msk.s32 $0xffff, v10;
	v10 =	vadd.s32 s24, v8  }
0xa2: {  	v9, _, _ =	vpop (xrf0)  }
0xa3: {  	(v2sf) =	vpush v9, $0xF  }
0xa4: {  	vm1 =	vgt.s32 v10, $0x270F;
	v10, _, _ =	vpop (xrf0)  }
0xa5: {  	s31 =	spop (v2sf);
	(v2sf) =	vpush v10, $0xF;
	_ =	sdelay $0x1  }
0xa6: {  	s30 =	simm.s32 $0x18EB0  }
0xa7: {  	v6 =	vld [tilespmem:s30+$0x0]  }
0xa8: {  	s28 =	simm.s32 $0x7D;
	s26 =	simm.s32 $0x0  }
0xa9: {  	s0 =	simm.s32 $0x0;
	s6 =	simm.s32 $0x0;
	s2 =	simm.s32 $0x18EA0  }
0xaa: {  	p2 =	por $0x1, $0x1;
	s5 =	simm.s32 $0x0;
	s3 =	simm.s32 $0x7F  }
0xab: {  	s8 =	simm.s32 $0x7A;
	s7 =	simm.s32 $0x7C;
	s1 =	sadd.s32 $0x0, s31  }
0xac: {  	s21 =	simm.s32 $0x7B;
	s4 =	simm.s32 $0x7E;
	(xrf0) =	vadd.scan.msk.s32 $0xffff, v6;
	v9 =	vmctz.xlane vm1;
	v6, _, _ =	vpop (xrf0);
	p1 =	sgt.s32 s1, $0x27  }
.LBB2_9:
0xad: {  	p0 =	sne.s32 s8, $0x0;
	p1 =	por !p2, !p1;
	s9 =	smov.u32 s21  }
0xae: {  	v10 =	vld [tilespmem:s2+$0x0];
	(v2sf) =	vpush v6, $0xF;
	s21 =	smov.u32 s8;
	s8 =	sadd.s32 $0xFFFFFFFF, s8;
	s29 =	smov.u32 s5  }
.Ltmp5:
0xaf: {  	s5 =	smov.u32 s1;
	p1 =	por !p1, !p1;
	(pc) =	sbr.rel @p0 .LBB2_9-.Ltmp5, $4  }
0xb0: {  	s0 =	smov.u32 @p1 s3;
	s6 =	simm.s32 @p1 $0x1;
	s3 =	smov.u32 s4  }
0xb1: {  	s26 =	smov.u32 @p1 s29;
	s4 =	smov.u32 s28;
	s30 =	spop (v2sf)  }
0xb2: {  	s28 =	smov.u32 s7;
	s7 =	smov.u32 s9;
	s1 =	sadd.s32 s1, s30  }
0xb3: {  	s2 =	sadd.s32 $0xFFFFFFF0, s2;
	p2 =	seq.s32 s6, $0x0;
	(xrf0) =	vadd.scan.msk.s32 $0xffff, v10;
	v6, _, _ =	vpop (xrf0);
	p1 =	sgt.s32 s1, $0x27  }
0xb4: {  	_ =	sdelay $0x1  }
0xb5: {  	(v2sf) =	vpush v6, $0xF;
	_ =	sdelay $0x2  }
0xb6: {  	v6, _, _ =	vpop (xrf0)  }
0xb7: {  	(v2sf) =	vpush v6, $0xF;
	_ =	sdelay $0x1  }
0xb8: {  	p0 =	por !p2, !p1  }
0xb9: {  	s2 =	spop (v2sf);
	p0 =	por !p0, !p0  }
0xba: {  	s8 =	sadd.s32 s1, s2;
	s6 =	simm.s32 @p0 $0x1  }
0xbb: {  	p2 =	sgt.s32 s8, $0x27;
	p3 =	seq.s32 s6, $0x0  }
0xbc: {  	p1 =	por !p3, !p2  }
0xbd: {  	p1 =	por !p1, !p1;
	s29 =	spop (v2sf)  }
0xbe: {  	s6 =	simm.s32 @p1 $0x1;
	s9 =	sadd.s32 s8, s29  }
0xbf: {  	p3 =	seq.s32 s6, $0x0;
	p4 =	sgt.s32 s9, $0x27  }
0xc0: {  	p2 =	por !p3, !p4  }
0xc1: {  	p2 =	por !p2, !p2;
	s30 =	spop (v2sf)  }
0xc2: {  	s6 =	simm.s32 @p2 $0x1;
	s29 =	sadd.s32 s9, s30  }
0xc3: {  	p4 =	seq.s32 s6, $0x0;
	p5 =	sgt.s32 s29, $0x27  }
0xc4: {  	p3 =	por !p4, !p5  }
0xc5: {  	p3 =	por !p3, !p3;
	s31 =	spop (v2sf)  }
0xc6: {  	s0 =	smov.u32 @p0 s3;
	s6 =	simm.s32 @p3 $0x1;
	s2 =	sadd.s32 s29, s31  }
0xc7: {  	s0 =	smov.u32 @p1 s4;
	p5 =	seq.s32 s6, $0x0;
	p6 =	sgt.s32 s2, $0x27  }
0xc8: {  	s0 =	smov.u32 @p2 s28;
	p4 =	por !p5, !p6  }
0xc9: {  	s0 =	smov.u32 @p3 s7;
	p4 =	por !p4, !p4  }
0xca: {  	s0 =	smov.u32 @p4 s21  }
0xcb: {  	s0 =	sshll.u32 s0, $0x4  }
0xcc: {  	v6 =	vld [tilespmem:s0+$0x18700];
	_ =	sdelay $0x4  }
0xcd: {  	v6 =	vperm.xlane v6, v3;
	_ =	sdelay $0x1  }
0xce: {  	(xrf0) =	vadd.scan.msk.s32 $0xffff, v6;
	_ =	sdelay $0x1  }
0xcf: {  	s26 =	smov.u32 @p0 s5;
	s2 =	simm.s32 $0x18F40  }
0xd0: {  	s26 =	smov.u32 @p1 s1;
	[tilespmem:s2+$0xFFFFFFC0] =	vst v1  }
0xd1: {  	s26 =	smov.u32 @p2 s8;
	[tilespmem:s2+$0x30] =	vst v1  }
0xd2: {  	s26 =	smov.u32 @p3 s9;
	[tilespmem:s2+$0x20] =	vst v1  }
0xd3: {  	s26 =	smov.u32 @p4 s29;
	[tilespmem:s2+$0x10] =	vst v1;
	v6, _, _ =	vpop (xrf0)  }
0xd4: {  	[tilespmem:s2+$0x0] =	vst v1;
	v6 =	vadd.s32 s26, v6  }
0xd5: {  	[tilespmem:s2+$0xFFFFFFF0] =	vst v1;
	vm1 =	vgt.s32 v6, $0x27  }
0xd6: {  	s3 =	simm.s32 $0x0;
	[tilespmem:s2+$0xFFFFFFE0] =	vst v1;
	v6 =	vmctz.xlane vm1  }
.LBB2_11:
0xd7: {  	s3 =	sadd.s32 $0x8, s3;
	[tilespmem:s2+$0xFFFFFFD0] =	vst v1;
	s2 =	sadd.s32 $0x80, s2;
	s1 =	simm.s32 $0x19F40  }
0xd8: {  	[tilespmem:s2+$0xFFFFFFC0] =	vst v1;
	p0 =	slt.u32 s3, $0x78  }
0xd9: {  	[tilespmem:s2+$0x30] =	vst v1  }
.Ltmp6:
0xda: {  	[tilespmem:s2+$0x20] =	vst v1;
	(pc) =	sbr.rel @p0 .LBB2_11-.Ltmp6, $4  }
0xdb: {  	[tilespmem:s2+$0x10] =	vst v1  }
0xdc: {  	[tilespmem:s2+$0x0] =	vst v1  }
0xdd: {  	[tilespmem:s2+$0xFFFFFFF0] =	vst v1  }
0xde: {  	[tilespmem:s2+$0xFFFFFFE0] =	vst v1  }
0xdf: {  	[tilespmem:s2+$0xFFFFFFD0] =	vst v1  }
0xe0: {  	[tilespmem:s1+$0xFFFFFFC0] =	vst v4  }
0xe1: {  	[tilespmem:s1+$0x30] =	vst v4  }
0xe2: {  	[tilespmem:s1+$0x20] =	vst v4  }
0xe3: {  	[tilespmem:s1+$0x10] =	vst v4  }
0xe4: {  	[tilespmem:s1+$0x0] =	vst v4  }
0xe5: {  	[tilespmem:s1+$0xFFFFFFF0] =	vst v4  }
0xe6: {  	s2 =	simm.s32 $0x0;
	[tilespmem:s1+$0xFFFFFFE0] =	vst v4  }
.LBB2_13:
0xe7: {  	s2 =	sadd.s32 $0x8, s2;
	[tilespmem:s1+$0xFFFFFFD0] =	vst v4;
	s1 =	sadd.s32 $0x80, s1  }
0xe8: {  	[tilespmem:s1+$0xFFFFFFC0] =	vst v4;
	p0 =	slt.u32 s2, $0x78  }
0xe9: {  	[tilespmem:s1+$0x30] =	vst v4  }
.Ltmp7:
0xea: {  	[tilespmem:s1+$0x20] =	vst v4;
	(pc) =	sbr.rel @p0 .LBB2_13-.Ltmp7, $4  }
0xeb: {  	[tilespmem:s1+$0x10] =	vst v4  }
0xec: {  	[tilespmem:s1+$0x0] =	vst v4  }
0xed: {  	[tilespmem:s1+$0xFFFFFFF0] =	vst v4  }
0xee: {  	[tilespmem:s1+$0xFFFFFFE0] =	vst v4  }
0xef: {  	v10 =	vnsel vm0, $0x0, v9  }
0xf0: {  	(xrf0) =	vadd.scan.msk.s32 $0xffff, v10;
	_ =	sdelay $0x4  }
0xf1: {  	v6 =	vnsel vm0, $0x0, v6  }
0xf2: {  	v10, _, _ =	vpop (xrf0);
	(xrf0) =	vadd.scan.msk.s32 $0xffff, v6;
	_ =	sdelay $0x1  }
0xf3: {  	(v2sf) =	vpush v10, $0xF;
	_ =	sdelay $0x3  }
0xf4: {  	v6, _, _ =	vpop (xrf0)  }
0xf5: {  	(v2sf) =	vpush v6, $0xF;
	_ =	sdelay $0x9  }
0xf6: {  	s2 =	sor.u32 $0xF, s25;
	s31 =	spop (v2sf)  }
0xf7: {  	[tilespmem:s1+$0xFFFFFFD0] =	vst v4;
	s1 =	ssub.s32 s2, s31  }
0xf8: {  	s25 =	sshll.u32 s1, $0x15  }
.Ltmp8:
0xf9: {  	s2 =	simm.s32 $0x0;
	p0 =	slt.s32 s25, $0x0;
	(pc) =	sbr.rel .LBB2_15-.Ltmp8, $4  }
0xfa: {  	s2 =	simm.s32 @!p0 $0x7FFFFFFF  }
0xfb: {  	s0 =	sor.u32 $0xF, s0;
	s2 =	sxor.u32 s2, s25;
	s3 =	spop (v2sf)  }
0xfc: {  	v11 =	vimm.s32 $0x0;
	v10 =	vimm.f32 $0.0e+00;
	s26 =	sxor.u32 $0x80000000, s2;
	s0 =	ssub.s32 s0, s3  }
0xfd: {  	s28 =	simm.s32 $0xFFFFFFFE;
	s29 =	simm.s32 $0x50;
	s30 =	simm.s32 $0x50;
	v12 =	vmov s1;
	v6 =	vmov s26;
	v13 =	vmov s0  }
.LBB2_19:
0xfe: {  	vm1 =	vgt.s32 v14, v12  }
0xff: {  	v14 =	vnsel vm1, $0x0, v15  }
0x100: {  	vm1 =	vgt.s32 v16, v12;
	v10 =	vadd.f32 v14, v10  }
0x101: {  	v14 =	vnsel vm1, $0x0, v17  }
0x102: {  	vm1 =	vgt.s32 v18, v12;
	v10 =	vadd.f32 v14, v10  }
0x103: {  	v14 =	vnsel vm1, $0x0, v19  }
0x104: {  	vm1 =	vgt.s32 v20, v12;
	v10 =	vadd.f32 v14, v10  }
0x105: {  	v14 =	vnsel vm1, $0x0, v21  }
0x106: {  	vm1 =	vgt.s32 v22, v12;
	v10 =	vadd.f32 v14, v10  }
0x107: {  	v14 =	vnsel vm1, $0x0, v23  }
0x108: {  	vm1 =	vgt.s32 v24, v12;
	v10 =	vadd.f32 v14, v10  }
0x109: {  	v14 =	vnsel vm1, $0x0, v25  }
0x10a: {  	vm1 =	vgt.s32 v26, v12;
	v10 =	vadd.f32 v14, v10  }
0x10b: {  	v14 =	vnsel vm1, $0x0, v27  }
0x10c: {  	s28 =	sadd.s32 $0x2, s28;
	vm1 =	vgt.s32 v28, v12;
	v10 =	vadd.f32 v14, v10  }
0x10d: {  	p0 =	slt.u32 s28, $0x4E0;
	v14 =	vnsel vm1, $0x0, v29  }
.Ltmp9:
0x10e: {  	vm1 =	vgt.s32 v30, v12;
	v10 =	vadd.f32 v14, v10;
	(pc) =	sbr.rel @!p0 .LBB2_20-.Ltmp9, $4  }
0x10f: {  	v14 =	vnsel vm1, $0x0, v31  }
0x110: {  	vm1 =	vgt.s32 v34, v12;
	v10 =	vadd.f32 v14, v10  }
0x111: {  	v14 =	vnsel vm1, $0x0, v36  }
0x112: {  	s30 =	sadd.s32 $0xA0, s30;
	s29 =	sadd.s32 $0xA0, s29;
	v10 =	vadd.f32 v14, v10  }
.LBB2_15:
0x113: {  	v14 =	vld [tilespmem:s29+$0xFFFFFFB0];
	_ =	sdelay $0x4  }
0x114: {  	v15 =	vsub.f32 v14, v6;
	_ =	sdelay $0x1  }
0x115: {  	v16 =	vshra.s32 v14, $0x1F;
	v15 =	vmul.f32 $1.442695020e+00, v15  }
0x116: {  	v16 =	vand.u32 $0x7FFFFFFF, v16  }
0x117: {  	v24 =	vxor.u32 v14, v16;
	(erf) = vpow2.f32 v15  }
0x118: {  	v14 =	vshrl.u32 v24, $0x15  }
0x119: {  	v14 =	vxor.u32 $0x400, v14  }
0x11a: {  	v15 =	vshrl.u32 v24, $0xA;
	vm1 =	veq.s32 v14, v12  }
0x11b: {  	v16 =	vand.u32 $0x7FF, v15;
	_ =	sdelay $0x4  }
0x11c: {  	[tilespmem:v16+s12+$0x0] =	vst.idx.add.s32.msk vm1, v2;
	v15 =	vpop (erf)  }
0x11d: {  	[tilespmem:v16+s13+$0x0] =	vst.idx.add.f32.msk vm1, v15  }
0x11e: {  	v16 =	vld [tilespmem:s29+$0xFFFFFFC0];
	_ =	sdelay $0x4  }
0x11f: {  	v17 =	vsub.f32 v16, v6;
	_ =	sdelay $0x1  }
0x120: {  	v18 =	vshra.s32 v16, $0x1F;
	v17 =	vmul.f32 $1.442695020e+00, v17  }
0x121: {  	v18 =	vand.u32 $0x7FFFFFFF, v18  }
0x122: {  	v25 =	vxor.u32 v16, v18;
	(erf) = vpow2.f32 v17  }
0x123: {  	v16 =	vshrl.u32 v25, $0x15  }
0x124: {  	v16 =	vxor.u32 $0x400, v16  }
0x125: {  	v17 =	vshrl.u32 v25, $0xA;
	vm1 =	veq.s32 v16, v12  }
0x126: {  	v18 =	vand.u32 $0x7FF, v17;
	_ =	sdelay $0x4  }
0x127: {  	[tilespmem:v18+s12+$0x0] =	vst.idx.add.s32.msk vm1, v2;
	v17 =	vpop (erf)  }
0x128: {  	[tilespmem:v18+s13+$0x0] =	vst.idx.add.f32.msk vm1, v17  }
0x129: {  	v18 =	vld [tilespmem:s29+$0xFFFFFFD0];
	_ =	sdelay $0x4  }
0x12a: {  	v19 =	vsub.f32 v18, v6;
	_ =	sdelay $0x1  }
0x12b: {  	v20 =	vshra.s32 v18, $0x1F;
	v19 =	vmul.f32 $1.442695020e+00, v19  }
0x12c: {  	v20 =	vand.u32 $0x7FFFFFFF, v20  }
0x12d: {  	v26 =	vxor.u32 v18, v20;
	(erf) = vpow2.f32 v19  }
0x12e: {  	v18 =	vshrl.u32 v26, $0x15  }
0x12f: {  	v18 =	vxor.u32 $0x400, v18  }
0x130: {  	v19 =	vshrl.u32 v26, $0xA;
	vm1 =	veq.s32 v18, v12  }
0x131: {  	v20 =	vand.u32 $0x7FF, v19;
	_ =	sdelay $0x4  }
0x132: {  	[tilespmem:v20+s12+$0x0] =	vst.idx.add.s32.msk vm1, v2;
	v19 =	vpop (erf)  }
0x133: {  	[tilespmem:v20+s13+$0x0] =	vst.idx.add.f32.msk vm1, v19  }
0x134: {  	v20 =	vld [tilespmem:s29+$0xFFFFFFE0];
	_ =	sdelay $0x4  }
0x135: {  	v21 =	vsub.f32 v20, v6;
	_ =	sdelay $0x1  }
0x136: {  	v22 =	vshra.s32 v20, $0x1F;
	v21 =	vmul.f32 $1.442695020e+00, v21  }
0x137: {  	v22 =	vand.u32 $0x7FFFFFFF, v22  }
0x138: {  	v27 =	vxor.u32 v20, v22;
	(erf) = vpow2.f32 v21  }
0x139: {  	v20 =	vshrl.u32 v27, $0x15  }
0x13a: {  	v20 =	vxor.u32 $0x400, v20  }
0x13b: {  	v21 =	vshrl.u32 v27, $0xA;
	vm1 =	veq.s32 v20, v12  }
0x13c: {  	v22 =	vand.u32 $0x7FF, v21;
	_ =	sdelay $0x4  }
0x13d: {  	[tilespmem:v22+s12+$0x0] =	vst.idx.add.s32.msk vm1, v2;
	v21 =	vpop (erf)  }
0x13e: {  	[tilespmem:v22+s13+$0x0] =	vst.idx.add.f32.msk vm1, v21  }
0x13f: {  	v23 =	vld [tilespmem:s29+$0xFFFFFFF0];
	_ =	sdelay $0x4  }
0x140: {  	v22 =	vshra.s32 v23, $0x1F  }
0x141: {  	v22 =	vand.u32 $0x7FFFFFFF, v22  }
0x142: {  	vm5 =	vge.s32 v14, v13;
	vm4 =	vge.s32 v16, v13;
	v28 =	vxor.u32 v23, v22  }
0x143: {  	vm3 =	vge.s32 v18, v13;
	vm1 =	vmor vm5, vm4;
	v22 =	vshrl.u32 v28, $0x15  }
0x144: {  	vm2 =	vge.s32 v20, v13;
	vm6 =	vmor vm1, vm3;
	v22 =	vxor.u32 $0x400, v22  }
0x145: {  	vm6 =	vmor vm6, vm2;
	vm1 =	vge.s32 v22, v13  }
0x146: {  	vm6 =	vmor vm6, vm1  }
0x147: {  	v29 =	vmpcnt.ones.xlane vm6;
	_ =	sdelay $0x1  }
0x148: {  	v29 =	vnsel vm0, $0x0, v29  }
0x149: {  	(xrf0) =	vadd.scan.msk.s32 $0xffff, v29;
	_ =	sdelay $0x5  }
0x14a: {  	v29, _, _ =	vpop (xrf0)  }
0x14b: {  	(v2sf) =	vpush v29, $0xF;
	_ =	sdelay $0x6  }
0x14c: {  	v23 =	vsub.f32 v23, v6;
	_ =	sdelay $0x1  }
0x14d: {  	v23 =	vmul.f32 $1.442695020e+00, v23;
	_ =	sdelay $0x1  }
0x14e: {  	(erf) = vpow2.f32 v23;
	_ =	sdelay $0x2  }
0x14f: {  	v23 =	vshrl.u32 v28, $0xA;
	vm6 =	veq.s32 v22, v12  }
0x150: {  	v29 =	vand.u32 $0x7FF, v23;
	s0 =	spop (v2sf)  }
0x151: {  	p0 =	slt.s32 s0, $0x1  }
.Ltmp10:
0x152: {  	_ = 	snop;
	(pc) =	sbr.rel @p0 .LBB2_17-.Ltmp10, $3  }
0x153: {  	_ =	sdelay $0x1  }
0x154: {  	v23 =	vpop (erf);
	[tilespmem:v29+s12+$0x0] =	vst.idx.add.s32.msk vm6, v2  }
0x155: {  	[tilespmem:v29+s13+$0x0] =	vst.idx.add.f32.msk vm6, v23  }
0x156: {  	v29 =	vsel vm5, $0x1, v1  }
0x157: {  	(xrf0) =	vadd.scan.msk.s32 $0xffff, v29  }
0x158: {  	v49 =	vsel vm4, $0x1, v1  }
0x159: {  	(xrf0) =	vadd.scan.msk.s32 $0xffff, v49  }
0x15a: {  	v50 =	vsel vm3, $0x1, v1  }
0x15b: {  	(xrf0) =	vadd.scan.msk.s32 $0xffff, v50  }
0x15c: {  	v31 =	vsel vm2, $0x1, v1  }
0x15d: {  	v30 =	vmpcnt.ones.xlane vm5;
	v51, _, _ =	vpop (xrf0);
	(xrf0) =	vadd.scan.msk.s32 $0xffff, v31  }
0x15e: {  	v53 =	vsel vm1, $0x1, v1;
	v29 =	vadd.s32 v51, v11  }
0x15f: {  	v32 =	vmpcnt.ones.xlane vm4;
	v11 =	vadd.s32 v11, v30;
	v52, _, _ =	vpop (xrf0);
	(xrf0) =	vadd.scan.msk.s32 $0xffff, v53;
	v29 =	vadd.s32 $0xFFFFFFFF, v29  }
0x160: {  	v55 =	vmpcnt.ones.xlane vm3;
	v30 =	vadd.s32 v11, v52;
	vm6 =	vlt.s32 v29, $0x200  }
0x161: {  	v54, _, _ =	vpop (xrf0);
	v11 =	vadd.s32 v11, v32;
	v30 =	vadd.s32 $0xFFFFFFFF, v30;
	vm10 =	vmand vm5, vm6  }
0x162: {  	v56 =	vmpcnt.ones.xlane vm2;
	v31 =	vadd.s32 v11, v54;
	vm11 =	vlt.s32 v30, $0x200  }
0x163: {  	v11 =	vadd.s32 v11, v55;
	v31 =	vadd.s32 $0xFFFFFFFF, v31;
	vm12 =	vmand vm4, vm11;
	v33, _, _ =	vpop (xrf0)  }
0x164: {  	vm13 =	vlt.s32 v31, $0x200;
	v33 =	vadd.s32 v11, v33  }
0x165: {  	vm3 =	vmand vm3, vm13;
	v11 =	vadd.s32 v11, v56;
	v57, _, _ =	vpop (xrf0);
	v33 =	vadd.s32 $0xFFFFFFFF, v33  }
0x166: {  	s0 =	sadd.s32 $0xFFFFFFB0, s30;
	v32 =	vadd.s32 v11, v57;
	vm14 =	vlt.s32 v33, $0x200  }
0x167: {  	v58 =	vor.u32 s0, v0;
	v32 =	vadd.s32 $0xFFFFFFFF, v32;
	[tilespmem:v29+s14+$0x0] =	vst.idx.msk vm10, v24;
	vm2 =	vmand vm2, vm14  }
0x168: {  	s9 =	sadd.s32 $0xFFFFFFC0, s30;
	vm15 =	vlt.s32 v32, $0x200;
	[tilespmem:v29+s15+$0x0] =	vst.idx.msk vm10, v58  }
0x169: {  	v59 =	vor.u32 s9, v0;
	vm5 =	vmand vm1, vm15;
	[tilespmem:v30+s14+$0x0] =	vst.idx.msk vm12, v25  }
0x16a: {  	s21 =	sadd.s32 $0xFFFFFFD0, s30;
	[tilespmem:v30+s15+$0x0] =	vst.idx.msk vm12, v59  }
0x16b: {  	v60 =	vor.u32 s21, v0;
	[tilespmem:v31+s14+$0x0] =	vst.idx.msk vm3, v26  }
0x16c: {  	s23 =	sadd.s32 $0xFFFFFFE0, s30;
	[tilespmem:v31+s15+$0x0] =	vst.idx.msk vm3, v60  }
0x16d: {  	v61 =	vor.u32 s23, v0;
	[tilespmem:v33+s14+$0x0] =	vst.idx.msk vm2, v27  }
0x16e: {  	s31 =	sadd.s32 $0xFFFFFFF0, s30;
	v62 =	vmpcnt.ones.xlane vm1;
	[tilespmem:v33+s15+$0x0] =	vst.idx.msk vm2, v61  }
0x16f: {  	v63 =	vor.u32 s31, v0;
	[tilespmem:v32+s14+$0x0] =	vst.idx.msk vm5, v28  }
0x170: {  	v11 =	vadd.s32 v11, v62;
	[tilespmem:v32+s15+$0x0] =	vst.idx.msk vm5, v63  }
.LBB2_17:
0x171: {  	v24 =	vld [tilespmem:s29+$0x0];
	_ =	sdelay $0x4  }
0x172: {  	v25 =	vsub.f32 v24, v6;
	_ =	sdelay $0x1  }
0x173: {  	v26 =	vshra.s32 v24, $0x1F;
	v25 =	vmul.f32 $1.442695020e+00, v25  }
0x174: {  	v26 =	vand.u32 $0x7FFFFFFF, v26  }
0x175: {  	v32 =	vxor.u32 v24, v26;
	(erf) = vpow2.f32 v25  }
0x176: {  	v24 =	vshrl.u32 v32, $0x15  }
0x177: {  	v24 =	vxor.u32 $0x400, v24  }
0x178: {  	v25 =	vshrl.u32 v32, $0xA;
	vm1 =	veq.s32 v24, v12  }
0x179: {  	v26 =	vand.u32 $0x7FF, v25;
	_ =	sdelay $0x4  }
0x17a: {  	[tilespmem:v26+s12+$0x0] =	vst.idx.add.s32.msk vm1, v2;
	v25 =	vpop (erf)  }
0x17b: {  	[tilespmem:v26+s13+$0x0] =	vst.idx.add.f32.msk vm1, v25  }
0x17c: {  	v26 =	vld [tilespmem:s29+$0x10];
	_ =	sdelay $0x4  }
0x17d: {  	v27 =	vsub.f32 v26, v6;
	_ =	sdelay $0x1  }
0x17e: {  	v28 =	vshra.s32 v26, $0x1F;
	v27 =	vmul.f32 $1.442695020e+00, v27  }
0x17f: {  	v28 =	vand.u32 $0x7FFFFFFF, v28  }
0x180: {  	v33 =	vxor.u32 v26, v28;
	(erf) = vpow2.f32 v27  }
0x181: {  	v26 =	vshrl.u32 v33, $0x15  }
0x182: {  	v26 =	vxor.u32 $0x400, v26  }
0x183: {  	v27 =	vshrl.u32 v33, $0xA;
	vm1 =	veq.s32 v26, v12  }
0x184: {  	v28 =	vand.u32 $0x7FF, v27;
	_ =	sdelay $0x4  }
0x185: {  	[tilespmem:v28+s12+$0x0] =	vst.idx.add.s32.msk vm1, v2;
	v27 =	vpop (erf)  }
0x186: {  	[tilespmem:v28+s13+$0x0] =	vst.idx.add.f32.msk vm1, v27  }
0x187: {  	v28 =	vld [tilespmem:s29+$0x20];
	_ =	sdelay $0x4  }
0x188: {  	v29 =	vsub.f32 v28, v6;
	_ =	sdelay $0x1  }
0x189: {  	v30 =	vshra.s32 v28, $0x1F;
	v29 =	vmul.f32 $1.442695020e+00, v29  }
0x18a: {  	v30 =	vand.u32 $0x7FFFFFFF, v30  }
0x18b: {  	v35 =	vxor.u32 v28, v30;
	(erf) = vpow2.f32 v29  }
0x18c: {  	v28 =	vshrl.u32 v35, $0x15  }
0x18d: {  	v28 =	vxor.u32 $0x400, v28  }
0x18e: {  	v29 =	vshrl.u32 v35, $0xA;
	vm1 =	veq.s32 v28, v12  }
0x18f: {  	v30 =	vand.u32 $0x7FF, v29;
	_ =	sdelay $0x4  }
0x190: {  	[tilespmem:v30+s12+$0x0] =	vst.idx.add.s32.msk vm1, v2;
	v29 =	vpop (erf)  }
0x191: {  	[tilespmem:v30+s13+$0x0] =	vst.idx.add.f32.msk vm1, v29  }
0x192: {  	v30 =	vld [tilespmem:s29+$0x30];
	_ =	sdelay $0x4  }
0x193: {  	v31 =	vsub.f32 v30, v6;
	_ =	sdelay $0x1  }
0x194: {  	v34 =	vshra.s32 v30, $0x1F;
	v31 =	vmul.f32 $1.442695020e+00, v31  }
0x195: {  	v34 =	vand.u32 $0x7FFFFFFF, v34  }
0x196: {  	v37 =	vxor.u32 v30, v34;
	(erf) = vpow2.f32 v31  }
0x197: {  	v30 =	vshrl.u32 v37, $0x15  }
0x198: {  	v30 =	vxor.u32 $0x400, v30  }
0x199: {  	v31 =	vshrl.u32 v37, $0xA;
	vm1 =	veq.s32 v30, v12  }
0x19a: {  	v60 =	vand.u32 $0x7FF, v31;
	_ =	sdelay $0x4  }
0x19b: {  	[tilespmem:v60+s12+$0x0] =	vst.idx.add.s32.msk vm1, v2;
	v31 =	vpop (erf)  }
0x19c: {  	[tilespmem:v60+s13+$0x0] =	vst.idx.add.f32.msk vm1, v31  }
0x19d: {  	v36 =	vld [tilespmem:s29+$0x40];
	_ =	sdelay $0x4  }
0x19e: {  	v61 =	vshra.s32 v36, $0x1F  }
0x19f: {  	v34 =	vand.u32 $0x7FFFFFFF, v61  }
0x1a0: {  	vm5 =	vge.s32 v24, v13;
	vm4 =	vge.s32 v26, v13;
	v38 =	vxor.u32 v36, v34  }
0x1a1: {  	vm3 =	vge.s32 v28, v13;
	vm1 =	vmor vm5, vm4;
	v34 =	vshrl.u32 v38, $0x15  }
0x1a2: {  	vm2 =	vge.s32 v30, v13;
	vm6 =	vmor vm1, vm3;
	v34 =	vxor.u32 $0x400, v34  }
0x1a3: {  	vm6 =	vmor vm6, vm2;
	vm1 =	vge.s32 v34, v13  }
0x1a4: {  	vm6 =	vmor vm6, vm1  }
0x1a5: {  	v39 =	vmpcnt.ones.xlane vm6;
	_ =	sdelay $0x1  }
0x1a6: {  	v39 =	vnsel vm0, $0x0, v39  }
0x1a7: {  	(xrf0) =	vadd.scan.msk.s32 $0xffff, v39;
	_ =	sdelay $0x5  }
0x1a8: {  	v39, _, _ =	vpop (xrf0)  }
0x1a9: {  	(v2sf) =	vpush v39, $0xF;
	_ =	sdelay $0x6  }
0x1aa: {  	v36 =	vsub.f32 v36, v6;
	_ =	sdelay $0x1  }
0x1ab: {  	v36 =	vmul.f32 $1.442695020e+00, v36;
	_ =	sdelay $0x1  }
0x1ac: {  	(erf) = vpow2.f32 v36;
	_ =	sdelay $0x2  }
0x1ad: {  	v62 =	vshrl.u32 v38, $0xA;
	vm6 =	veq.s32 v34, v12  }
0x1ae: {  	v63 =	vand.u32 $0x7FF, v62;
	s0 =	spop (v2sf)  }
0x1af: {  	p0 =	slt.s32 s0, $0x1  }
.Ltmp11:
0x1b0: {  	_ = 	snop;
	(pc) =	sbr.rel @p0 .LBB2_19-.Ltmp11, $3  }
0x1b1: {  	_ =	sdelay $0x1  }
0x1b2: {  	[tilespmem:v63+s12+$0x0] =	vst.idx.add.s32.msk vm6, v2;
	v36 =	vpop (erf)  }
0x1b3: {  	[tilespmem:v63+s13+$0x0] =	vst.idx.add.f32.msk vm6, v36  }
0x1b4: {  	v39 =	vsel vm5, $0x1, v1  }
0x1b5: {  	(xrf0) =	vadd.scan.msk.s32 $0xffff, v39  }
0x1b6: {  	v49 =	vsel vm4, $0x1, v1  }
0x1b7: {  	(xrf0) =	vadd.scan.msk.s32 $0xffff, v49  }
0x1b8: {  	v50 =	vsel vm3, $0x1, v1  }
0x1b9: {  	(xrf0) =	vadd.scan.msk.s32 $0xffff, v50  }
0x1ba: {  	v41 =	vsel vm2, $0x1, v1  }
0x1bb: {  	v40 =	vmpcnt.ones.xlane vm5;
	v51, _, _ =	vpop (xrf0);
	(xrf0) =	vadd.scan.msk.s32 $0xffff, v41  }
0x1bc: {  	v53 =	vsel vm1, $0x1, v1;
	v39 =	vadd.s32 v51, v11  }
0x1bd: {  	v42 =	vmpcnt.ones.xlane vm4;
	v11 =	vadd.s32 v11, v40;
	v52, _, _ =	vpop (xrf0);
	(xrf0) =	vadd.scan.msk.s32 $0xffff, v53;
	v39 =	vadd.s32 $0xFFFFFFFF, v39  }
0x1be: {  	v55 =	vmpcnt.ones.xlane vm3;
	v40 =	vadd.s32 v11, v52;
	vm6 =	vlt.s32 v39, $0x200  }
0x1bf: {  	v54, _, _ =	vpop (xrf0);
	v11 =	vadd.s32 v11, v42;
	v40 =	vadd.s32 $0xFFFFFFFF, v40;
	vm10 =	vmand vm5, vm6  }
0x1c0: {  	v56 =	vmpcnt.ones.xlane vm2;
	v41 =	vadd.s32 v11, v54;
	vm11 =	vlt.s32 v40, $0x200  }
0x1c1: {  	v11 =	vadd.s32 v11, v55;
	v41 =	vadd.s32 $0xFFFFFFFF, v41;
	vm12 =	vmand vm4, vm11;
	v43, _, _ =	vpop (xrf0)  }
0x1c2: {  	vm13 =	vlt.s32 v41, $0x200;
	v43 =	vadd.s32 v11, v43  }
0x1c3: {  	vm3 =	vmand vm3, vm13;
	v11 =	vadd.s32 v11, v56;
	v57, _, _ =	vpop (xrf0);
	v43 =	vadd.s32 $0xFFFFFFFF, v43  }
0x1c4: {  	v42 =	vadd.s32 v11, v57;
	vm14 =	vlt.s32 v43, $0x200  }
0x1c5: {  	v58 =	vor.u32 s30, v0;
	v42 =	vadd.s32 $0xFFFFFFFF, v42;
	[tilespmem:v39+s14+$0x0] =	vst.idx.msk vm10, v32;
	vm2 =	vmand vm2, vm14  }
0x1c6: {  	s0 =	sadd.s32 $0x10, s30;
	vm15 =	vlt.s32 v42, $0x200;
	[tilespmem:v39+s15+$0x0] =	vst.idx.msk vm10, v58  }
0x1c7: {  	v59 =	vor.u32 s0, v0;
	vm5 =	vmand vm1, vm15;
	[tilespmem:v40+s14+$0x0] =	vst.idx.msk vm12, v33  }
0x1c8: {  	s21 =	sadd.s32 $0x20, s30;
	[tilespmem:v40+s15+$0x0] =	vst.idx.msk vm12, v59  }
0x1c9: {  	v60 =	vor.u32 s21, v0;
	[tilespmem:v41+s14+$0x0] =	vst.idx.msk vm3, v35  }
.Ltmp12:
0x1ca: {  	s23 =	sadd.s32 $0x30, s30;
	[tilespmem:v41+s15+$0x0] =	vst.idx.msk vm3, v60;
	(pc) =	sbr.rel .LBB2_19-.Ltmp12, $4  }
0x1cb: {  	v61 =	vor.u32 s23, v0;
	[tilespmem:v43+s14+$0x0] =	vst.idx.msk vm2, v37  }
0x1cc: {  	s31 =	sadd.s32 $0x40, s30;
	v62 =	vmpcnt.ones.xlane vm1;
	[tilespmem:v43+s15+$0x0] =	vst.idx.msk vm2, v61  }
0x1cd: {  	v63 =	vor.u32 s31, v0;
	[tilespmem:v42+s14+$0x0] =	vst.idx.msk vm5, v38  }
0x1ce: {  	v11 =	vadd.s32 v11, v62;
	[tilespmem:v42+s15+$0x0] =	vst.idx.msk vm5, v63  }
.LBB2_20:
0x1cf: {  	vm1 =	veq.s32 v9, v0  }
0x1d0: {  	s0 =	simm.s32 $0x196F0;
	v8 =	vnsel vm1, $0x0, v8  }
0x1d1: {  	(xrf0) =	vadd.scan.msk.s32 $0xffff, v8;
	v8 =	vld [tilespmem:s0+$0x0]  }
0x1d2: {  	v7 =	vnsel vm1, $0x0, v7  }
0x1d3: {  	(xrf0) =	vadd.scan.msk.s32 $0xffff, v7;
	_ =	sdelay $0x2  }
0x1d4: {  	(xrf0) =	vadd.scan.msk.s32 $0xffff, v8;
	_ =	sdelay $0x1  }
0x1d5: {  	v7, _, _ =	vpop (xrf0)  }
0x1d6: {  	(v2sf) =	vpush v7, $0xF;
	v7, _, _ =	vpop (xrf0)  }
0x1d7: {  	(v2sf) =	vpush v7, $0xF;
	_ =	sdelay $0x1  }
0x1d8: {  	s9 =	simm.s32 $0x196E0;
	v7, _, _ =	vpop (xrf0)  }
0x1d9: {  	(v2sf) =	vpush v7, $0xF;
	v7 =	vld [tilespmem:s9+$0x0]  }
0x1da: {  	s21 =	simm.s32 $0x196D0  }
0x1db: {  	v8 =	vld [tilespmem:s21+$0x0];
	_ =	sdelay $0x2  }
0x1dc: {  	(xrf0) =	vadd.scan.msk.s32 $0xffff, v7;
	_ =	sdelay $0x1  }
0x1dd: {  	(xrf0) =	vadd.scan.msk.s32 $0xffff, v8;
	_ =	sdelay $0x2  }
0x1de: {  	s23 =	simm.s32 $0x196C0  }
0x1df: {  	v9 =	vld [tilespmem:s23+$0x0];
	s30 =	spop (v2sf);
	v8, _, _ =	vpop (xrf0)  }
0x1e0: {  	s1 =	spop (v2sf);
	(v2sf) =	vpush v8, $0xF  }
0x1e1: {  	v8, _, _ =	vpop (xrf0)  }
0x1e2: {  	(v2sf) =	vpush v8, $0xF;
	_ =	sdelay $0x1  }
0x1e3: {  	s31 =	simm.s32 $0x196B0;
	(xrf0) =	vadd.scan.msk.s32 $0xffff, v9  }
0x1e4: {  	s6 =	simm.s32 $0x7F;
	s28 =	simm.s32 $0x7E;
	s5 =	simm.s32 $0x7D;
	v7 =	vld [tilespmem:s31+$0x0]  }
0x1e5: {  	s3 =	simm.s32 $0x7C;
	s4 =	simm.s32 $0x7B;
	s2 =	simm.s32 $0x7A  }
0x1e6: {  	p2 =	por $0x1, $0x1;
	s29 =	simm.s32 $0x0;
	s0 =	sadd.s32 s24, s30  }
0x1e7: {  	s8 =	simm.s32 $0x0;
	s24 =	ssub.s32 s0, s1;
	s7 =	spop (v2sf)  }
0x1e8: {  	s21 =	simm.s32 $0x0;
	s1 =	ssub.s32 $0x2710, s24;
	s7 =	sadd.s32 $0x0, s7  }
0x1e9: {  	s9 =	simm.s32 $0x196A0;
	(xrf0) =	vadd.scan.msk.s32 $0xffff, v7;
	s0 =	simm.s32 $0x0;
	v7, _, _ =	vpop (xrf0);
	p1 =	sge.s32 s7, s1  }
.LBB2_21:
0x1ea: {  	p0 =	sne.s32 s2, $0x0;
	p1 =	por !p2, !p1;
	s30 =	smov.u32 s4  }
0x1eb: {  	v8 =	vld [tilespmem:s9+$0x0];
	(v2sf) =	vpush v7, $0xF;
	s4 =	smov.u32 s2;
	s2 =	sadd.s32 $0xFFFFFFFF, s2;
	s31 =	smov.u32 s29  }
.Ltmp13:
0x1ec: {  	s29 =	smov.u32 s7;
	p1 =	por !p1, !p1;
	(pc) =	sbr.rel @p0 .LBB2_21-.Ltmp13, $4  }
0x1ed: {  	s0 =	smov.u32 @p1 s6;
	s8 =	simm.s32 @p1 $0x1;
	s6 =	smov.u32 s28  }
0x1ee: {  	s21 =	smov.u32 @p1 s31;
	s28 =	smov.u32 s5;
	s23 =	spop (v2sf)  }
0x1ef: {  	s5 =	smov.u32 s3;
	s3 =	smov.u32 s30;
	s7 =	sadd.s32 s7, s23  }
0x1f0: {  	s9 =	sadd.s32 $0xFFFFFFF0, s9;
	p2 =	seq.s32 s8, $0x0;
	(xrf0) =	vadd.scan.msk.s32 $0xffff, v8;
	v7, _, _ =	vpop (xrf0);
	p1 =	sge.s32 s7, s1  }
0x1f1: {  	_ =	sdelay $0x1  }
0x1f2: {  	(v2sf) =	vpush v7, $0xF;
	_ =	sdelay $0x2  }
0x1f3: {  	v7, _, _ =	vpop (xrf0)  }
0x1f4: {  	(v2sf) =	vpush v7, $0xF;
	_ =	sdelay $0x1  }
0x1f5: {  	p0 =	por !p2, !p1  }
0x1f6: {  	s2 =	spop (v2sf);
	p0 =	por !p0, !p0  }
0x1f7: {  	s2 =	sadd.s32 s7, s2;
	s8 =	simm.s32 @p0 $0x1  }
0x1f8: {  	p2 =	sge.s32 s2, s1;
	p3 =	seq.s32 s8, $0x0  }
0x1f9: {  	p1 =	por !p3, !p2  }
0x1fa: {  	p1 =	por !p1, !p1;
	s9 =	spop (v2sf)  }
0x1fb: {  	s8 =	simm.s32 @p1 $0x1;
	s9 =	sadd.s32 s2, s9  }
0x1fc: {  	p3 =	seq.s32 s8, $0x0;
	p4 =	sge.s32 s9, s1  }
0x1fd: {  	p2 =	por !p3, !p4  }
0x1fe: {  	p2 =	por !p2, !p2;
	s23 =	spop (v2sf)  }
0x1ff: {  	s8 =	simm.s32 @p2 $0x1;
	s23 =	sadd.s32 s9, s23  }
0x200: {  	p4 =	seq.s32 s8, $0x0;
	p5 =	sge.s32 s23, s1  }
0x201: {  	p3 =	por !p4, !p5  }
0x202: {  	p3 =	por !p3, !p3;
	s30 =	spop (v2sf)  }
0x203: {  	s0 =	smov.u32 @p0 s6;
	s8 =	simm.s32 @p3 $0x1;
	s31 =	sadd.s32 s23, s30  }
0x204: {  	s0 =	smov.u32 @p1 s28;
	p5 =	seq.s32 s8, $0x0;
	p6 =	sge.s32 s31, s1  }
0x205: {  	s0 =	smov.u32 @p2 s5;
	p4 =	por !p5, !p6  }
0x206: {  	s0 =	smov.u32 @p3 s3;
	p4 =	por !p4, !p4  }
0x207: {  	s0 =	smov.u32 @p4 s4  }
0x208: {  	s28 =	sshll.u32 s0, $0x4  }
0x209: {  	v7 =	vld [tilespmem:s28+$0x18F00];
	_ =	sdelay $0x4  }
0x20a: {  	v7 =	vperm.xlane v7, v3;
	_ =	sdelay $0x1  }
0x20b: {  	(xrf0) =	vadd.scan.msk.s32 $0xffff, v7;
	_ =	sdelay $0x1  }
0x20c: {  	s21 =	smov.u32 @p0 s29  }
0x20d: {  	s21 =	smov.u32 @p1 s7  }
0x20e: {  	s21 =	smov.u32 @p2 s2  }
0x20f: {  	s21 =	smov.u32 @p3 s9  }
0x210: {  	s21 =	smov.u32 @p4 s23;
	v7, _, _ =	vpop (xrf0)  }
0x211: {  	v7 =	vadd.s32 s21, v7  }
0x212: {  	vm1 =	vge.s32 v7, s1  }
0x213: {  	v7 =	vmctz.xlane vm1;
	_ =	sdelay $0x1  }
0x214: {  	v7 =	vnsel vm0, $0x0, v7  }
0x215: {  	(xrf0) =	vadd.scan.msk.s32 $0xffff, v7;
	_ =	sdelay $0x5  }
0x216: {  	v7, _, _ =	vpop (xrf0)  }
0x217: {  	(v2sf) =	vpush v7, $0xF;
	_ =	sdelay $0xb  }
0x218: {  	s31 =	simm.s32 $0x18F00  }
0x219: {  	v8 =	vld [tilespmem:s31+$0x0];
	s1 =	simm.s32 $0x19F00  }
0x21a: {  	v12 =	vld [tilespmem:s1+$0x0]  }
0x21b: {  	s0 =	sshllo.u32 s0, $0x4;
	s29 =	spop (v2sf)  }
0x21c: {  	s30 =	simm.s32 $0x0;
	s0 =	ssub.s32 s0, s29  }
0x21d: {  	v14 =	vor.u32 s30, v0;
	v13 =	vmov s0  }
0x21e: {  	v9 =	vimm.f32 $0.0e+00;
	s2 =	simm.s32 $0x10;
	s3 =	simm.s32 $0x18F10;
	v7 =	vimm.s32 $0x0;
	vm1 =	vlt.s32 v14, v13  }
.LBB2_23:
0x21f: {  	v14 =	vsel vm1, $0x0, v8;
	v8 =	vld [tilespmem:s3+$0x0];
	v15 =	vsel vm1, $0x0, v12;
	s1 =	sadd.s32 $0x10, s1;
	s4 =	smov.u32 s2;
	p0 =	sne.s32 s2, $0x7F0  }
.Ltmp14:
0x220: {  	s2 =	sadd.s32 $0x10, s2;
	v12 =	vld [tilespmem:s1+$0x0];
	v7 =	vadd.s32 v7, v14;
	v9 =	vadd.f32 v15, v9;
	(pc) =	sbr.rel @p0 .LBB2_23-.Ltmp14, $3  }
0x221: {  	_ =	sdelay $0x1  }
0x222: {  	v14 =	vor.u32 s4, v0  }
0x223: {  	s3 =	sadd.s32 $0x10, s3;
	vm1 =	vlt.s32 v14, v13  }
0x224: {  	s0 =	sshll.u32 s0, $0xA  }
0x225: {  	s0 =	sor.u32 s25, s0  }
0x226: {  	s1 =	simm.s32 $0x0;
	p0 =	slt.s32 s0, $0x0  }
0x227: {  	s1 =	simm.s32 @!p0 $0x7FFFFFFF  }
0x228: {  	s0 =	sxor.u32 s1, s0  }
0x229: {  	s0 =	sxor.u32 $0x80000000, s0  }
0x22a: {  	s0 =	ssub.f32 s0, s26;
	_ =	sdelay $0x1  }
0x22b: {  	v13 =	vmov s0  }
0x22c: {  	v13 =	vmul.f32 $1.442695020e+00, v13;
	_ =	sdelay $0x1  }
0x22d: {  	v13 =	vbroadcast v13, $0x0;
	_ =	sdelay $0x1  }
0x22e: {  	(erf) = vpow2.f32 v13;
	_ =	sdelay $0x6  }
0x22f: {  	v12 =	vsel vm1, $0x0, v12  }
0x230: {  	(xrf2) =	vadd.scan.msk.f32 $0xffff, v10;
	v9 =	vadd.f32 v12, v9  }
0x231: {  	v10 =	vpop (erf)  }
0x232: {  	(xrf2) =	vadd.scan.msk.f32 $0xffff, v9;
	v9 =	vnsel vm0, $0x0, v10  }
0x233: {  	v8 =	vsel vm1, $0x0, v8;
	(xrf2) =	vadd.scan.msk.f32 $0xffff, v9  }
0x234: {  	v7 =	vadd.s32 v7, v8  }
0x235: {  	(xrf0) =	vadd.scan.msk.s32 $0xffff, v7;
	_ =	sdelay $0x1  }
0x236: {  	v7 =	vnsel vm0, $0x0, v11  }
0x237: {  	(xrf0) =	vadd.scan.msk.s32 $0xffff, v7;
	_ =	sdelay $0x1  }
0x238: {  	v7, _, _ =	vpop (xrf2)  }
0x239: {  	v8, _, _ =	vpop (xrf0);
	(v2sf) =	vpush v7, $0xF  }
0x23a: {  	(v2sf) =	vpush v8, $0xF;
	v7, _, _ =	vpop (xrf2)  }
0x23b: {  	(v2sf) =	vpush v7, $0xF;
	v7, _, _ =	vpop (xrf2)  }
0x23c: {  	(v2sf) =	vpush v7, $0xF;
	v7, _, _ =	vpop (xrf0)  }
0x23d: {  	(v2sf) =	vpush v7, $0xF;
	_ =	sdelay $0xa  }
0x23e: {  	s0 =	spop (v2sf)  }
0x23f: {  	s4 =	spop (v2sf)  }
0x240: {  	s1 =	spop (v2sf)  }
0x241: {  	s3 =	spop (v2sf)  }
0x242: {  	s5 =	spop (v2sf)  }
0x243: {  	p0 =	slt.s32 s5, $0x200  }
0x244: {  	p1 =	slt.s32 s5, $0xFFFFFFF2;
	s5 =	simm.s32 @!p0 $0x200  }
0x245: {  	s2 =	sadd.s32 $0xF, s5  }
0x246: {  	s6 =	sand.u32 $0xF, s2  }
0x247: {  	s7 =	sshra.s32 s2, $0x1F;
	p6 =	sne.s32 s6, $0x0  }
0x248: {  	s31 =	sshrl.u32 s7, $0x1C;
	p0 =	por !p1, !p6  }
0x249: {  	s6 =	simm.s32 $0x1;
	s2 =	sadd.s32 s31, s2;
	p0 =	por !p0, !p0  }
0x24a: {  	s2 =	sshra.s32 s2, $0x4;
	s6 =	simm.s32 @!p0 $0x0  }
0x24b: {  	s25 =	ssub.s32 s2, s6  }
0x24c: {  	p0 =	slt.s32 s25, $0x1  }
.Ltmp15:
0x24d: {  	_ = 	snop;
	(pc) =	sbr.rel @p0 .LBB2_28-.Ltmp15, $2  }
0x24e: {  	_ =	sdelay $0x2  }
0x24f: {  	v8 =	vimm.s32 $0x0;
	v7 =	vmov s5;
	s2 =	simm.s32 $0x0;
	s6 =	simm.s32 $0x1A700  }
0x250: {  	v9 =	vld [tilespmem:s6+$0x0];
	p1 =	sne.s32 s25, $0x1  }
.Ltmp16:
0x251: {  	_ = 	snop;
	(pc) =	sbr.rel @!p1 .LBB2_27-.Ltmp16, $3  }
0x252: {  	_ =	sdelay $0x1  }
0x253: {  	v10 =	vor.u32 s2, v0  }
0x254: {  	s5 =	sadd.s32 $0xFFFFFFFF, s25;
	s6 =	sadd.s32 $0x10, s6;
	vm1 =	vlt.s32 v10, v7;
	vm2 =	vgt.s32 v9, $0xFFFFFFFF  }
.LBB2_26:
0x255: {  	v9 =	vld [tilespmem:s6+$0x0];
	p1 =	sne.s32 s5, $0x1;
	s5 =	sadd.s32 $0xFFFFFFFF, s5;
	vm1 =	vmand vm1, vm2  }
.Ltmp17:
0x256: {  	v10 =	vmpcnt.ones.xlane vm1;
	(pc) =	sbr.rel @p1 .LBB2_26-.Ltmp17, $4  }
0x257: {  	_ = 	snop  }
0x258: {  	s2 =	sadd.s32 $0x10, s2;
	v8 =	vadd.s32 v8, v10  }
0x259: {  	v10 =	vor.u32 s2, v0  }
0x25a: {  	s6 =	sadd.s32 $0x10, s6;
	vm1 =	vlt.s32 v10, v7;
	vm2 =	vgt.s32 v9, $0xFFFFFFFF  }
.LBB2_27:
0x25b: {  	vm1 =	vmand vm1, vm2  }
0x25c: {  	v9 =	vmpcnt.ones.xlane vm1;
	_ =	sdelay $0x1  }
0x25d: {  	v8 =	vadd.s32 v8, v9  }
0x25e: {  	v8 =	vnsel vm0, $0x0, v8  }
.LBB2_28:
0x25f: {  	(xrf0) =	vadd.scan.msk.s32 $0xffff, v8;
	_ =	sdelay $0x5  }
0x260: {  	v8, _, _ =	vpop (xrf0)  }
0x261: {  	(v2sf) =	vpush v8, $0xF;
	_ =	sdelay $0xa  }
0x262: {  	s2 =	sadd.s32 s4, s24  }
0x263: {  	s2 =	sadd.s32 $0xFFFFD8F0, s2  }
.Ltmp18:
0x264: {  	s2 =	scvt.s32.f32 s2;
	(pc) =	sbr.rel .LBB2_29-.Ltmp18, $4  }
0x265: {  	s1 =	sadd.f32 s1, s0  }
0x266: {  	s2 =	smul.f32 s2, s3;
	s31 =	spop (v2sf)  }
0x267: {  	s0 =	simm.s32 $0x0;
	p1 =	sgt.s32 s31, $0x27  }
0x268: {  	s6 =	ssub.f32 s1, s2;
	s1 =	simm.s32 $0x0;
	s0 =	simm.s32 @!p1 $0x80000000  }
.LBB2_30:
0x269: {  	v8 =	vimm.s32 $0x0  }
.LBB2_34:
0x26a: {  	(xrf0) =	vadd.scan.msk.s32 $0xffff, v8;
	_ =	sdelay $0x5  }
0x26b: {  	v8, _, _ =	vpop (xrf0)  }
0x26c: {  	(v2sf) =	vpush v8, $0xF;
	_ =	sdelay $0xa  }
0x26d: {  	s1 =	sadd.s32 $0x1, s1  }
0x26e: {  	p2 =	sne.s32 s1, $0x1F  }
.Ltmp19:
0x26f: {  	_ = 	snop;
	(pc) =	sbr.rel @!p2 .LBB2_35-.Ltmp19, $4  }
0x270: {  	_ = 	snop  }
0x271: {  	s2 =	spop (v2sf)  }
0x272: {  	p1 =	sgt.s32 s2, $0x27  }
0x273: {  	s0 =	smov.u32 @p1 s3  }
.LBB2_29:
.Ltmp20:
0x274: {  	(pc) =	sbr.rel @p0 .LBB2_30-.Ltmp20, $3  }
0x275: {  	_ =	sdelay $0x1  }
0x276: {  	s2 =	sshrl.u32 s16, s1  }
0x277: {  	s3 =	sor.u32 s2, s0  }
0x278: {  	s2 =	simm.s32 $0x1A700  }
0x279: {  	p1 =	sne.s32 s25, $0x1;
	v10 =	vld [tilespmem:s2+$0x0]  }
.Ltmp21:
0x27a: {  	_ = 	snop;
	(pc) =	sbr.rel @!p1 .LBB2_33-.Ltmp21, $4  }
0x27b: {  	_ = 	snop  }
0x27c: {  	s2 =	simm.s32 $0x0  }
0x27d: {  	v9 =	vmov s3;
	v11 =	vor.u32 s2, v0  }
0x27e: {  	v8 =	vimm.s32 $0x0;
	s4 =	sadd.s32 $0xFFFFFFFF, s25;
	s5 =	simm.s32 $0x1A710;
	vm1 =	vlt.s32 v11, v7;
	vm2 =	vge.s32 v10, v9  }
.LBB2_32:
0x27f: {  	v10 =	vld [tilespmem:s5+$0x0];
	p1 =	sne.s32 s4, $0x1;
	s4 =	sadd.s32 $0xFFFFFFFF, s4;
	vm1 =	vmand vm1, vm2  }
.Ltmp22:
0x280: {  	v11 =	vmpcnt.ones.xlane vm1;
	(pc) =	sbr.rel @p1 .LBB2_32-.Ltmp22, $4  }
0x281: {  	_ = 	snop  }
0x282: {  	s2 =	sadd.s32 $0x10, s2;
	v8 =	vadd.s32 v8, v11  }
0x283: {  	v11 =	vor.u32 s2, v0  }
0x284: {  	s5 =	sadd.s32 $0x10, s5;
	vm1 =	vlt.s32 v11, v7;
	vm2 =	vge.s32 v10, v9  }
.LBB2_33:
.Ltmp23:
0x285: {  	vm1 =	vmand vm1, vm2;
	(pc) =	sbr.rel .LBB2_34-.Ltmp23, $3  }
0x286: {  	v9 =	vmpcnt.ones.xlane vm1;
	_ =	sdelay $0x1  }
0x287: {  	v8 =	vadd.s32 v8, v9  }
0x288: {  	v8 =	vnsel vm0, $0x0, v8  }
.LBB2_35:
.Ltmp24:
0x289: {  	(pc) =	sbr.rel @p0 .LBB2_72-.Ltmp24, $2  }
0x28a: {  	_ =	sdelay $0x2  }
0x28b: {  	[dreg:$0xa] =	wrdreg s6  }
0x28c: {  	s1 =	simm.s32 $0x1A700  }
0x28d: {  	p0 =	seq.s32 s25, $0x1;
	v10 =	vld [tilespmem:s1+$0x0]  }
.Ltmp25:
0x28e: {  	_ = 	snop;
	(pc) =	sbr.rel @p0 .LBB2_38-.Ltmp25, $4  }
0x28f: {  	_ = 	snop  }
0x290: {  	s2 =	sadd.s32 $0x1, s0;
	s1 =	simm.s32 $0x0  }
0x291: {  	v9 =	vmov s2;
	v11 =	vor.u32 s1, v0  }
0x292: {  	v8 =	vimm.s32 $0x0;
	s3 =	simm.s32 $0x1A710;
	s2 =	sadd.s32 $0xFFFFFFFF, s25;
	vm1 =	vlt.s32 v11, v7;
	vm2 =	vge.s32 v10, v9  }
.LBB2_37:
0x293: {  	v10 =	vld [tilespmem:s3+$0x0];
	p0 =	seq.s32 s2, $0x1;
	s2 =	sadd.s32 $0xFFFFFFFF, s2;
	vm1 =	vmand vm1, vm2  }
.Ltmp26:
0x294: {  	v11 =	vmpcnt.ones.xlane vm1;
	(pc) =	sbr.rel @!p0 .LBB2_37-.Ltmp26, $4  }
0x295: {  	_ = 	snop  }
0x296: {  	s1 =	sadd.s32 $0x10, s1;
	v8 =	vadd.s32 v8, v11  }
0x297: {  	v11 =	vor.u32 s1, v0  }
0x298: {  	s3 =	sadd.s32 $0x10, s3;
	vm1 =	vlt.s32 v11, v7;
	vm2 =	vge.s32 v10, v9  }
.LBB2_38:
0x299: {  	vm1 =	vmand vm1, vm2  }
0x29a: {  	v9 =	vmpcnt.ones.xlane vm1;
	_ =	sdelay $0x1  }
0x29b: {  	v8 =	vadd.s32 v8, v9  }
0x29c: {  	v8 =	vnsel vm0, $0x0, v8  }
0x29d: {  	(xrf0) =	vadd.scan.msk.s32 $0xffff, v8;
	_ =	sdelay $0x5  }
0x29e: {  	v8, _, _ =	vpop (xrf0)  }
0x29f: {  	(v2sf) =	vpush v8, $0xF;
	_ =	sdelay $0x9  }
0x2a0: {  	v13 =	vimm.s32 $0x0  }
0x2a1: {  	[tilespmem:$0x1AB00] =	vst v13  }
0x2a2: {  	p1 =	sne.s32 s25, $0x1;
	[tilespmem:$0x1AB80] =	vst v13  }
.Ltmp27:
0x2a3: {  	[tilespmem:$0x1AB10] =	vst v13;
	(pc) =	sbr.rel @!p1 .LBB2_39-.Ltmp27, $4  }
0x2a4: {  	[tilespmem:$0x1AB90] =	vst v13  }
0x2a5: {  	[tilespmem:$0x1AB20] =	vst v13;
	s1 =	spop (v2sf)  }
0x2a6: {  	s2 =	simm.s32 $0x1A700;
	s26 =	simm.s32 $0x1A900;
	[tilespmem:$0x1ABA0] =	vst v13;
	s1 =	ssub.s32 $0x28, s1  }
0x2a7: {  	p0 =	por $0x0, $0x0;
	v10 =	vld [tilespmem:s2+$0x0];
	v8 =	vmov s0;
	s0 =	simm.s32 $0x0;
	v9 =	vmov s1;
	s1 =	sadd.s32 $0xFFFFFFFF, s25  }
0x2a8: {  	_ =	sdelay $0x2  }
0x2a9: {  	v11 =	vor.u32 s0, v0  }
0x2aa: {  	vm1 =	vlt.s32 v11, v7;
	vm2 =	veq.s32 v10, v8  }
0x2ab: {  	vm2 =	vmand vm1, vm2  }
0x2ac: {  	v11 =	vsel vm2, $0x1, v1  }
0x2ad: {  	(xrf0) =	vadd.scan.msk.s32 $0xffff, v11;
	_ =	sdelay $0x5  }
0x2ae: {  	v11, _, _ =	vpop (xrf0)  }
0x2af: {  	v11 =	vadd.s32 v11, v13  }
0x2b0: {  	v11 =	vadd.s32 $0xFFFFFFFF, v11  }
0x2b1: {  	vm3 =	vgt.s32 v10, v8;
	vm4 =	vlt.s32 v11, v9  }
0x2b2: {  	vm1 =	vmand vm1, vm3;
	vm3 =	vmand vm2, vm4  }
0x2b3: {  	vm1 =	vmor vm1, vm3  }
0x2b4: {  	v11 =	vsel vm1, $0x1, v1  }
0x2b5: {  	(xrf0) =	vadd.scan.msk.s32 $0xffff, v11;
	_ =	sdelay $0x5  }
0x2b6: {  	v11, _, _ =	vpop (xrf0)  }
0x2b7: {  	v11 =	vadd.s32 v11, v13  }
0x2b8: {  	v14 =	vadd.s32 $0xFFFFFFFF, v11  }
0x2b9: {  	vm3 =	vlt.s32 v14, $0x30  }
0x2ba: {  	vm3 =	vmand vm1, vm3;
	_ =	sdelay $0x1  }
0x2bb: {  	v15 =	vld [tilespmem:s26+$0x0];
	_ =	sdelay $0x1  }
0x2bc: {  	p1 =	sne.s32 s1, $0x1  }
.Ltmp28:
0x2bd: {  	_ = 	snop;
	(pc) =	sbr.rel @!p1 .LBB2_41-.Ltmp28, $4  }
0x2be: {  	v16 =	vmpcnt.ones.xlane vm1;
	v11 =	vmpcnt.ones.xlane vm2;
	[tilespmem:v14+s17+$0x0] =	vst.idx.msk vm3, v10  }
0x2bf: {  	s3 =	simm.s32 $0x1A710;
	[tilespmem:v14+s18+$0x0] =	vst.idx.msk vm3, v15  }
0x2c0: {  	s4 =	sadd.s32 $0xFFFFFFFF, s1;
	v12 =	vadd.s32 v13, v11;
	v11 =	vadd.s32 v13, v16;
	v10 =	vld [tilespmem:s3+$0x0]  }
0x2c1: {  	p0 =	por $0x1, $0x1;
	s25 =	simm.s32 $0x0;
	s1 =	simm.s32 $0x1A900;
	v13 =	vmov v12;
	v14 =	vmov v11  }
.LBB2_42:
0x2c2: {  	p1 =	sne.s32 s4, $0x1  }
0x2c3: {  	s25 =	sadd.s32 $0x10, s25  }
0x2c4: {  	v15 =	vor.u32 s25, v0  }
0x2c5: {  	vm1 =	vlt.s32 v15, v7;
	vm2 =	veq.s32 v10, v8  }
0x2c6: {  	vm2 =	vmand vm1, vm2  }
0x2c7: {  	v15 =	vsel vm2, $0x1, v1;
	v16 =	vmpcnt.ones.xlane vm2  }
0x2c8: {  	(xrf0) =	vadd.scan.msk.s32 $0xffff, v15  }
0x2c9: {  	v13 =	vadd.s32 v13, v16;
	_ =	sdelay $0x4  }
0x2ca: {  	v15, _, _ =	vpop (xrf0)  }
0x2cb: {  	v15 =	vadd.s32 v15, v12;
	v12 =	vmov v13  }
0x2cc: {  	v15 =	vadd.s32 $0xFFFFFFFF, v15  }
0x2cd: {  	vm3 =	vgt.s32 v10, v8;
	vm4 =	vlt.s32 v15, v9  }
0x2ce: {  	vm1 =	vmand vm1, vm3;
	vm2 =	vmand vm2, vm4  }
0x2cf: {  	vm1 =	vmor vm1, vm2  }
0x2d0: {  	v15 =	vsel vm1, $0x1, v1;
	v16 =	vmpcnt.ones.xlane vm1  }
0x2d1: {  	(xrf0) =	vadd.scan.msk.s32 $0xffff, v15  }
0x2d2: {  	v14 =	vadd.s32 v14, v16;
	_ =	sdelay $0x4  }
0x2d3: {  	v15, _, _ =	vpop (xrf0)  }
0x2d4: {  	v15 =	vadd.s32 v15, v11;
	v11 =	vmov v14  }
0x2d5: {  	v15 =	vadd.s32 $0xFFFFFFFF, v15  }
0x2d6: {  	vm2 =	vlt.s32 v15, $0x30  }
0x2d7: {  	vm1 =	vmand vm1, vm2  }
0x2d8: {  	s1 =	sadd.s32 $0x10, s1  }
0x2d9: {  	v16 =	vld [tilespmem:s1+$0x0];
	_ =	sdelay $0x2  }
.Ltmp29:
0x2da: {  	(pc) =	sbr.rel @p1 .LBB2_42-.Ltmp29, $4  }
0x2db: {  	[tilespmem:v15+s17+$0x0] =	vst.idx.msk vm1, v10  }
0x2dc: {  	s3 =	sadd.s32 $0x10, s3;
	[tilespmem:v15+s18+$0x0] =	vst.idx.msk vm1, v16  }
0x2dd: {  	v10 =	vld [tilespmem:s3+$0x0]  }
0x2de: {  	s4 =	sadd.s32 $0xFFFFFFFF, s4  }
0x2df: {  	v13 =	vmov v12  }
.LBB2_44:
0x2e0: {  	s2 =	sadd.s32 @p0 $0x10, s25  }
0x2e1: {  	s0 =	smov.u32 @p0 s2  }
0x2e2: {  	v12 =	vor.u32 s0, v0  }
0x2e3: {  	vm2 =	veq.s32 v10, v8;
	vm1 =	vlt.s32 v12, v7  }
0x2e4: {  	vm2 =	vmand vm1, vm2  }
0x2e5: {  	v7 =	vsel vm2, $0x1, v1  }
0x2e6: {  	(xrf0) =	vadd.scan.msk.s32 $0xffff, v7;
	_ =	sdelay $0x5  }
0x2e7: {  	v7, _, _ =	vpop (xrf0)  }
0x2e8: {  	v7 =	vadd.s32 v7, v13  }
0x2e9: {  	v7 =	vadd.s32 $0xFFFFFFFF, v7  }
0x2ea: {  	vm3 =	vgt.s32 v10, v8;
	vm4 =	vlt.s32 v7, v9  }
0x2eb: {  	vm1 =	vmand vm1, vm3;
	vm2 =	vmand vm2, vm4  }
0x2ec: {  	vm1 =	vmor vm1, vm2  }
0x2ed: {  	v7 =	vsel vm1, $0x1, v1  }
0x2ee: {  	(xrf0) =	vadd.scan.msk.s32 $0xffff, v7;
	_ =	sdelay $0x5  }
0x2ef: {  	v7, _, _ =	vpop (xrf0)  }
0x2f0: {  	v7 =	vadd.s32 v7, v11  }
0x2f1: {  	v7 =	vadd.s32 $0xFFFFFFFF, v7  }
0x2f2: {  	vm2 =	vlt.s32 v7, $0x30  }
0x2f3: {  	s0 =	sadd.s32 @p0 $0x10, s1;
	vm1 =	vmand vm1, vm2  }
0x2f4: {  	s26 =	smov.u32 @p0 s0  }
0x2f5: {  	v8 =	vld [tilespmem:s26+$0x0]  }
.Ltmp30:
0x2f6: {  	_ = 	snop;
	(pc) =	sbr.rel .LBB2_45-.Ltmp30, $3  }
0x2f7: {  	_ =	sdelay $0x1  }
0x2f8: {  	[tilespmem:v7+s17+$0x0] =	vst.idx.msk vm1, v10  }
0x2f9: {  	s2 =	simm.s32 $0x1;
	s1 =	simm.s32 $0x400;
	[tilespmem:v7+s18+$0x0] =	vst.idx.msk vm1, v8  }
.LBB2_72:
0x2fa: {  	[tilespmem:$0x1AB00] =	vst v1  }
0x2fb: {  	[tilespmem:$0x1AB80] =	vst v1  }
0x2fc: {  	[tilespmem:$0x1AB10] =	vst v1  }
0x2fd: {  	[tilespmem:$0x1AB90] =	vst v1  }
0x2fe: {  	[tilespmem:$0x1AB20] =	vst v1  }
0x2ff: {  	[tilespmem:$0x1ABA0] =	vst v1;
	s1 =	simm.s32 $0x400;
	s2 =	simm.s32 $0x1  }
.LBB2_45:
0x300: {  	s0 =	rddreg [dreg:$0x3]  }
0x301: {  	s3 =	rddreg [dreg:$0x9]  }
0x302: {  	s0 =	sadd.s32 s0, s3  }
0x303: {  	[tilespmem:s10], [sflag:$0x1] =	stream.strided.gather [hbm4b:s0+s22], $0x18700, s1, s22, $0x38;
	[tilespmem:$0x1AC80] =	vst v63  }
0x304: {  	_ =	swait.ge [sflag:s2], $0x18700  }
0x305: {  	[sflag:s2] =	ssyncset.done $0x0  }
0x306: {  	s0 =	simm.s32 $0x18740;
	[sflag:s2] =	ssyncadd.s32 $0xFFFE7900  }
0x307: {  	[tilespmem:s0+$0xFFFFFFC0] =	vst v1  }
0x308: {  	[tilespmem:s0+$0x30] =	vst v1  }
0x309: {  	[tilespmem:s0+$0x20] =	vst v1  }
0x30a: {  	[tilespmem:s0+$0x10] =	vst v1  }
0x30b: {  	[tilespmem:s0+$0x0] =	vst v1  }
0x30c: {  	[tilespmem:s0+$0xFFFFFFF0] =	vst v1  }
0x30d: {  	s2 =	simm.s32 $0x0;
	[tilespmem:s0+$0xFFFFFFE0] =	vst v1  }
.LBB2_46:
0x30e: {  	s2 =	sadd.s32 $0x8, s2;
	[tilespmem:s0+$0xFFFFFFD0] =	vst v1;
	s0 =	sadd.s32 $0x80, s0  }
0x30f: {  	[tilespmem:s0+$0xFFFFFFC0] =	vst v1;
	p0 =	slt.u32 s2, $0x78  }
0x310: {  	[tilespmem:s0+$0x30] =	vst v1  }
.Ltmp31:
0x311: {  	[tilespmem:s0+$0x20] =	vst v1;
	(pc) =	sbr.rel @p0 .LBB2_46-.Ltmp31, $4  }
0x312: {  	[tilespmem:s0+$0x10] =	vst v1  }
0x313: {  	[tilespmem:s0+$0x0] =	vst v1  }
0x314: {  	[tilespmem:s0+$0xFFFFFFF0] =	vst v1  }
0x315: {  	s25 =	simm.s32 $0x0;
	s1 =	simm.s32 $0x50;
	[tilespmem:s0+$0xFFFFFFE0] =	vst v1  }
0x316: {  	[tilespmem:s0+$0xFFFFFFD0] =	vst v1  }
0x317: {  	v8 =	vld [tilespmem:s1+$0xFFFFFFB0]  }
0x318: {  	v7 =	vld [tilespmem:s1+$0x20]  }
0x319: {  	v9 =	vld [tilespmem:s1+$0x40]  }
0x31a: {  	v10 =	vld [tilespmem:s1+$0xFFFFFFC0];
	_ =	sdelay $0x2  }
0x31b: {  	v12 =	vld [tilespmem:s1+$0xFFFFFFF0];
	v11 =	vshra.s32 v8, $0x1F  }
0x31c: {  	v13 =	vshra.s32 v9, $0x1F;
	v11 =	vand.u32 $0x7FE00000, v11  }
0x31d: {  	v14 =	vshra.s32 v7, $0x1F;
	v16 =	vshra.s32 v10, $0x1F;
	v11 =	vxor.u32 v8, v11;
	v8 =	vld [tilespmem:s1+$0x10]  }
0x31e: {  	v13 =	vand.u32 $0x7FE00000, v13;
	v16 =	vand.u32 $0x7FE00000, v16;
	v11 =	vshrl.u32 v11, $0x15  }
0x31f: {  	s31 =	sand.u32 $0x1FFE0, s25;
	v13 =	vxor.u32 v9, v13;
	v15 =	vxor.u32 $0x400, v11;
	v11 =	vand.u32 $0x7FE00000, v14;
	v14 =	vld [tilespmem:s1+$0x0]  }
0x320: {  	v9 =	vld [tilespmem:s31+$0x80];
	v10 =	vxor.u32 v10, v16;
	v16 =	vshra.s32 v12, $0x1F;
	v13 =	vshrl.u32 v13, $0x15  }
0x321: {  	v18 =	vand.u32 $0x7FE00000, v16;
	v16 =	vxor.u32 $0x400, v13  }
0x322: {  	v17 =	vshrl.u32 v10, $0x15;
	v10 =	vld [tilespmem:s1+$0xFFFFFFE0];
	v18 =	vxor.u32 v12, v18;
	v19 =	vshra.s32 v8, $0x1F  }
0x323: {  	s0 =	simm.s32 $0x0;
	s26 =	simm.s32 $0xF0;
	v12 =	vxor.u32 $0x400, v17;
	v13 =	vld [tilespmem:s1+$0xFFFFFFD0];
	s1 =	simm.s32 $0xA0;
	v18 =	vshrl.u32 v18, $0x15;
	v17 =	vand.u32 $0x7FE00000, v19  }
.LBB2_48:
0x324: {  	s2 =	sand.u32 $0x1FFE0, s1;
	s0 =	sadd.s32 $0xA, s0;
	[tilespmem:v15+s11+$0x0] =	vst.idx.add.s32.msk $0xffff, v2;
	v15 =	vxor.u32 $0x400, v18;
	v18 =	vshra.s32 v14, $0x1F;
	v17 =	vxor.u32 v8, v17  }
0x325: {  	v7 =	vxor.u32 v7, v11;
	v11 =	vshra.s32 v9, $0x1F;
	v8 =	vld [tilespmem:s26+$0x10];
	p0 =	slt.u32 s0, $0x1860;
	v17 =	vshrl.u32 v17, $0x15  }
0x326: {  	v18 =	vand.u32 $0x7FE00000, v18;
	v7 =	vshrl.u32 v7, $0x15;
	v17 =	vxor.u32 $0x400, v17;
	[tilespmem:v16+s11+$0x0] =	vst.idx.add.s32.msk $0xffff, v2  }
0x327: {  	v11 =	vand.u32 $0x7FE00000, v11;
	v14 =	vxor.u32 v14, v18;
	v18 =	vxor.u32 $0x400, v7;
	v16 =	vld [tilespmem:s26+$0xFFFFFFB0]  }
0x328: {  	v9 =	vxor.u32 v9, v11;
	v19 =	vshra.s32 v10, $0x1F;
	v14 =	vshrl.u32 v14, $0x15;
	v7 =	vld [tilespmem:s26+$0x20]  }
0x329: {  	v9 =	vshrl.u32 v9, $0x15;
	v11 =	vshra.s32 v13, $0x1F;
	v19 =	vand.u32 $0x7FE00000, v19;
	v20 =	vld [tilespmem:s26+$0xFFFFFFF0]  }
0x32a: {  	v9 =	vxor.u32 $0x400, v9;
	v11 =	vand.u32 $0x7FE00000, v11;
	v10 =	vxor.u32 v10, v19;
	[tilespmem:v12+s11+$0x0] =	vst.idx.add.s32.msk $0xffff, v2  }
0x32b: {  	v11 =	vxor.u32 v13, v11;
	v10 =	vshrl.u32 v10, $0x15;
	v13 =	vxor.u32 $0x400, v14;
	v12 =	vld [tilespmem:s26+$0x40]  }
0x32c: {  	v11 =	vshrl.u32 v11, $0x15;
	v14 =	vshra.s32 v16, $0x1F;
	v19 =	vld [tilespmem:s26+$0xFFFFFFC0]  }
0x32d: {  	v10 =	vxor.u32 $0x400, v10;
	v11 =	vxor.u32 $0x400, v11;
	v14 =	vand.u32 $0x7FE00000, v14;
	[tilespmem:v15+s11+$0x0] =	vst.idx.add.s32.msk $0xffff, v2  }
0x32e: {  	v14 =	vxor.u32 v16, v14;
	[tilespmem:v17+s11+$0x0] =	vst.idx.add.s32.msk $0xffff, v2  }
0x32f: {  	v14 =	vshrl.u32 v14, $0x15;
	[tilespmem:v9+s11+$0x0] =	vst.idx.add.s32.msk $0xffff, v2  }
0x330: {  	v15 =	vshra.s32 v12, $0x1F;
	[tilespmem:v13+s11+$0x0] =	vst.idx.add.s32.msk $0xffff, v2  }
0x331: {  	v13 =	vshra.s32 v7, $0x1F;
	v9 =	vld [tilespmem:s2+$0x80];
	v15 =	vand.u32 $0x7FE00000, v15  }
0x332: {  	v16 =	vshra.s32 v19, $0x1F;
	v12 =	vxor.u32 v12, v15;
	[tilespmem:v11+s11+$0x0] =	vst.idx.add.s32.msk $0xffff, v2  }
.Ltmp32:
0x333: {  	v15 =	vxor.u32 $0x400, v14;
	v16 =	vand.u32 $0x7FE00000, v16;
	v11 =	vand.u32 $0x7FE00000, v13;
	v14 =	vld [tilespmem:s26+$0x0];
	(pc) =	sbr.rel @p0 .LBB2_48-.Ltmp32, $4  }
0x334: {  	v13 =	vxor.u32 v19, v16;
	v16 =	vshra.s32 v20, $0x1F;
	v12 =	vshrl.u32 v12, $0x15;
	[tilespmem:v10+s11+$0x0] =	vst.idx.add.s32.msk $0xffff, v2  }
0x335: {  	v10 =	vshrl.u32 v13, $0x15;
	v13 =	vand.u32 $0x7FE00000, v16;
	v16 =	vxor.u32 $0x400, v12;
	[tilespmem:v18+s11+$0x0] =	vst.idx.add.s32.msk $0xffff, v2  }
0x336: {  	v19 =	vshra.s32 v8, $0x1F;
	v12 =	vxor.u32 $0x400, v10;
	v17 =	vxor.u32 v20, v13;
	v10 =	vld [tilespmem:s26+$0xFFFFFFE0]  }
0x337: {  	s1 =	sadd.s32 $0xA0, s1;
	s2 =	simm.s32 $0x18EF0;
	v18 =	vshrl.u32 v17, $0x15;
	v17 =	vand.u32 $0x7FE00000, v19;
	v13 =	vld [tilespmem:s26+$0xFFFFFFD0];
	s26 =	sadd.s32 $0xA0, s26  }
0x338: {  	v18 =	vxor.u32 $0x400, v18;
	v19 =	vshra.s32 v14, $0x1F;
	v8 =	vxor.u32 v8, v17  }
0x339: {  	v55 =	vshra.s32 v9, $0x1F;
	v7 =	vxor.u32 v7, v11;
	v8 =	vshrl.u32 v8, $0x15  }
0x33a: {  	v19 =	vand.u32 $0x7FE00000, v19;
	v17 =	vand.u32 $0x7FE00000, v55;
	v7 =	vshrl.u32 v7, $0x15  }
0x33b: {  	v8 =	vxor.u32 $0x400, v8;
	v56 =	vxor.u32 v14, v19;
	v58 =	vxor.u32 v9, v17  }
0x33c: {  	v7 =	vxor.u32 $0x400, v7;
	v57 =	vshra.s32 v10, $0x1F;
	v14 =	vshrl.u32 v56, $0x15  }
0x33d: {  	[tilespmem:v15+s11+$0x0] =	vst.idx.add.s32.msk $0xffff, v2;
	v9 =	vshrl.u32 v58, $0x15;
	v59 =	vshra.s32 v13, $0x1F;
	v60 =	vand.u32 $0x7FE00000, v57  }
0x33e: {  	[tilespmem:v16+s11+$0x0] =	vst.idx.add.s32.msk $0xffff, v2;
	v9 =	vxor.u32 $0x400, v9;
	v17 =	vand.u32 $0x7FE00000, v59;
	v62 =	vxor.u32 v10, v60  }
0x33f: {  	[tilespmem:v12+s11+$0x0] =	vst.idx.add.s32.msk $0xffff, v2;
	v14 =	vxor.u32 $0x400, v14;
	v61 =	vxor.u32 v13, v17;
	v10 =	vshrl.u32 v62, $0x15  }
0x340: {  	[tilespmem:v18+s11+$0x0] =	vst.idx.add.s32.msk $0xffff, v2;
	v13 =	vshrl.u32 v61, $0x15;
	v10 =	vxor.u32 $0x400, v10  }
0x341: {  	[tilespmem:v8+s11+$0x0] =	vst.idx.add.s32.msk $0xffff, v2;
	v63 =	vxor.u32 $0x400, v13  }
0x342: {  	[tilespmem:v7+s11+$0x0] =	vst.idx.add.s32.msk $0xffff, v2  }
0x343: {  	[tilespmem:v9+s11+$0x0] =	vst.idx.add.s32.msk $0xffff, v2  }
0x344: {  	[tilespmem:v14+s11+$0x0] =	vst.idx.add.s32.msk $0xffff, v2  }
0x345: {  	[tilespmem:v10+s11+$0x0] =	vst.idx.add.s32.msk $0xffff, v2  }
0x346: {  	[tilespmem:v63+s11+$0x0] =	vst.idx.add.s32.msk $0xffff, v2  }
0x347: {  	v7 =	vld [tilespmem:s2+$0x0];
	_ =	sdelay $0x4  }
0x348: {  	(xrf0) =	vadd.scan.msk.s32 $0xffff, v7;
	_ =	sdelay $0x5  }
0x349: {  	v7, _, _ =	vpop (xrf0)  }
0x34a: {  	s0 =	simm.s32 $0x18EE0;
	(v2sf) =	vpush v7, $0xF  }
0x34b: {  	v7 =	vld [tilespmem:s0+$0x0]  }
0x34c: {  	s26 =	simm.s32 $0x18ED0  }
0x34d: {  	v8 =	vld [tilespmem:s26+$0x0];
	_ =	sdelay $0x2  }
0x34e: {  	(xrf0) =	vadd.scan.msk.s32 $0xffff, v7;
	_ =	sdelay $0x1  }
0x34f: {  	(xrf0) =	vadd.scan.msk.s32 $0xffff, v8;
	_ =	sdelay $0x2  }
0x350: {  	s29 =	simm.s32 $0x18EC0  }
0x351: {  	v9 =	vld [tilespmem:s29+$0x0];
	v8, _, _ =	vpop (xrf0)  }
0x352: {  	(v2sf) =	vpush v8, $0xF  }
0x353: {  	v8, _, _ =	vpop (xrf0)  }
0x354: {  	s31 =	spop (v2sf);
	(v2sf) =	vpush v8, $0xF;
	_ =	sdelay $0x1  }
0x355: {  	s30 =	simm.s32 $0x18EB0;
	(xrf0) =	vadd.scan.msk.s32 $0xffff, v9  }
0x356: {  	v7 =	vld [tilespmem:s30+$0x0]  }
0x357: {  	s5 =	simm.s32 $0x7F  }
0x358: {  	s6 =	simm.s32 $0x7E;
	s4 =	simm.s32 $0x7D;
	s1 =	simm.s32 $0x7C  }
0x359: {  	s3 =	simm.s32 $0x7B;
	s9 =	simm.s32 $0x18EA0;
	p2 =	por $0x1, $0x1  }
0x35a: {  	s7 =	simm.s32 $0x0;
	s8 =	simm.s32 $0x0;
	s0 =	sadd.s32 $0x0, s31  }
0x35b: {  	s28 =	simm.s32 $0x0;
	s2 =	simm.s32 $0x7A;
	(xrf0) =	vadd.scan.msk.s32 $0xffff, v7;
	v7, _, _ =	vpop (xrf0);
	p1 =	sgt.s32 s0, $0x270F  }
.LBB2_50:
0x35c: {  	p0 =	sne.s32 s2, $0x0;
	p1 =	por !p2, !p1;
	s21 =	smov.u32 s3  }
0x35d: {  	v8 =	vld [tilespmem:s9+$0x0];
	(v2sf) =	vpush v7, $0xF;
	s3 =	smov.u32 s2;
	s2 =	sadd.s32 $0xFFFFFFFF, s2;
	s23 =	smov.u32 s7  }
.Ltmp33:
0x35e: {  	s7 =	smov.u32 s0;
	p1 =	por !p1, !p1;
	(pc) =	sbr.rel @p0 .LBB2_50-.Ltmp33, $4  }
0x35f: {  	s25 =	smov.u32 @p1 s5;
	s8 =	simm.s32 @p1 $0x1;
	s5 =	smov.u32 s6  }
0x360: {  	s28 =	smov.u32 @p1 s23;
	s6 =	smov.u32 s4;
	s24 =	spop (v2sf)  }
0x361: {  	s4 =	smov.u32 s1;
	s1 =	smov.u32 s21;
	s0 =	sadd.s32 s0, s24  }
0x362: {  	s9 =	sadd.s32 $0xFFFFFFF0, s9;
	p2 =	seq.s32 s8, $0x0;
	(xrf0) =	vadd.scan.msk.s32 $0xffff, v8;
	v7, _, _ =	vpop (xrf0);
	p1 =	sgt.s32 s0, $0x270F  }
0x363: {  	_ =	sdelay $0x1  }
0x364: {  	(v2sf) =	vpush v7, $0xF;
	_ =	sdelay $0x2  }
0x365: {  	v7, _, _ =	vpop (xrf0)  }
0x366: {  	(v2sf) =	vpush v7, $0xF;
	_ =	sdelay $0x1  }
0x367: {  	p0 =	por !p2, !p1  }
0x368: {  	s2 =	spop (v2sf);
	p0 =	por !p0, !p0  }
0x369: {  	s2 =	sadd.s32 s0, s2;
	s8 =	simm.s32 @p0 $0x1  }
0x36a: {  	p2 =	sgt.s32 s2, $0x270F;
	p3 =	seq.s32 s8, $0x0  }
0x36b: {  	p1 =	por !p3, !p2  }
0x36c: {  	p1 =	por !p1, !p1;
	s9 =	spop (v2sf)  }
0x36d: {  	s8 =	simm.s32 @p1 $0x1;
	s9 =	sadd.s32 s2, s9  }
0x36e: {  	p3 =	seq.s32 s8, $0x0;
	p4 =	sgt.s32 s9, $0x270F  }
0x36f: {  	p2 =	por !p3, !p4  }
0x370: {  	p2 =	por !p2, !p2;
	s21 =	spop (v2sf)  }
0x371: {  	s8 =	simm.s32 @p2 $0x1;
	s21 =	sadd.s32 s9, s21  }
0x372: {  	p4 =	seq.s32 s8, $0x0;
	p5 =	sgt.s32 s21, $0x270F  }
0x373: {  	p3 =	por !p4, !p5  }
0x374: {  	p3 =	por !p3, !p3;
	s23 =	spop (v2sf)  }
0x375: {  	s25 =	smov.u32 @p0 s5;
	s8 =	simm.s32 @p3 $0x1;
	s31 =	sadd.s32 s21, s23  }
0x376: {  	s25 =	smov.u32 @p1 s6;
	p5 =	seq.s32 s8, $0x0;
	p6 =	sgt.s32 s31, $0x270F  }
0x377: {  	s25 =	smov.u32 @p2 s4;
	p4 =	por !p5, !p6  }
0x378: {  	s25 =	smov.u32 @p3 s1;
	p4 =	por !p4, !p4  }
0x379: {  	s25 =	smov.u32 @p4 s3  }
0x37a: {  	s1 =	sshll.u32 s25, $0x4  }
0x37b: {  	v7 =	vld [tilespmem:s1+$0x18700];
	_ =	sdelay $0x4  }
0x37c: {  	v9 =	vperm.xlane v7, v3;
	_ =	sdelay $0x1  }
0x37d: {  	(xrf0) =	vadd.scan.msk.s32 $0xffff, v9  }
0x37e: {  	s28 =	smov.u32 @p0 s7  }
0x37f: {  	s28 =	smov.u32 @p1 s0;
	s0 =	simm.s32 $0x18F40  }
0x380: {  	[tilespmem:s0+$0xFFFFFFC0] =	vst v1  }
0x381: {  	s28 =	smov.u32 @p2 s2;
	[tilespmem:s0+$0x30] =	vst v1  }
0x382: {  	s28 =	smov.u32 @p3 s9;
	[tilespmem:s0+$0x20] =	vst v1  }
0x383: {  	s28 =	smov.u32 @p4 s21;
	[tilespmem:s0+$0x10] =	vst v1;
	v10, _, _ =	vpop (xrf0)  }
0x384: {  	[tilespmem:s0+$0x0] =	vst v1;
	v7 =	vadd.s32 s28, v10  }
0x385: {  	[tilespmem:s0+$0xFFFFFFF0] =	vst v1;
	vm1 =	vgt.s32 v7, $0x270F  }
0x386: {  	s2 =	simm.s32 $0x0;
	[tilespmem:s0+$0xFFFFFFE0] =	vst v1;
	v11 =	vmctz.xlane vm1  }
.LBB2_52:
0x387: {  	s2 =	sadd.s32 $0x8, s2;
	[tilespmem:s0+$0xFFFFFFD0] =	vst v1;
	s0 =	sadd.s32 $0x80, s0  }
0x388: {  	[tilespmem:s0+$0xFFFFFFC0] =	vst v1;
	p0 =	slt.u32 s2, $0x78  }
0x389: {  	[tilespmem:s0+$0x30] =	vst v1  }
.Ltmp34:
0x38a: {  	[tilespmem:s0+$0x20] =	vst v1;
	(pc) =	sbr.rel @p0 .LBB2_52-.Ltmp34, $4  }
0x38b: {  	[tilespmem:s0+$0x10] =	vst v1  }
0x38c: {  	[tilespmem:s0+$0x0] =	vst v1  }
0x38d: {  	[tilespmem:s0+$0xFFFFFFF0] =	vst v1  }
0x38e: {  	[tilespmem:s0+$0xFFFFFFE0] =	vst v1  }
0x38f: {  	v7 =	vnsel vm0, $0x0, v11  }
0x390: {  	(xrf0) =	vadd.scan.msk.s32 $0xffff, v7;
	_ =	sdelay $0x5  }
0x391: {  	v7, _, _ =	vpop (xrf0)  }
0x392: {  	(v2sf) =	vpush v7, $0xF;
	_ =	sdelay $0xe  }
0x393: {  	s29 =	sor.u32 $0xF, s1;
	s30 =	spop (v2sf)  }
0x394: {  	[tilespmem:s0+$0xFFFFFFD0] =	vst v1;
	s0 =	ssub.s32 s29, s30  }
0x395: {  	s31 =	simm.s32 $0x20;
	s26 =	sshll.u32 s0, $0x15  }
0x396: {  	s1 =	simm.s32 $0x0;
	v13 =	vld [tilespmem:s31+$0xFFFFFFE0];
	p0 =	slt.s32 s26, $0x0  }
0x397: {  	s1 =	simm.s32 @!p0 $0x7FFFFFFF  }
0x398: {  	v15 =	vld [tilespmem:s31+$0xFFFFFFF0];
	s1 =	sxor.u32 s1, s26  }
0x399: {  	s25 =	sxor.u32 $0x80000000, s1  }
0x39a: {  	v7 =	vmov s25  }
0x39b: {  	v18 =	vld [tilespmem:s31+$0x0];
	v14 =	vsub.f32 v13, v7  }
0x39c: {  	v21 =	vld [tilespmem:s31+$0x10]  }
0x39d: {  	v22 =	vld [tilespmem:s31+$0x20];
	v16 =	vsub.f32 v15, v7;
	v14 =	vmul.f32 $1.442695020e+00, v14;
	_ =	sdelay $0x1  }
0x39e: {  	v16 =	vmul.f32 $1.442695020e+00, v16;
	(erf) = vpow2.f32 v14;
	_ =	sdelay $0x1  }
0x39f: {  	v20 =	vshra.s32 v21, $0x1F;
	v17 =	vsub.f32 v18, v7;
	(erf) = vpow2.f32 v16  }
0x3a0: {  	v8 =	vmov s0;
	v19 =	vsub.f32 v21, v7;
	v24 =	vsub.f32 v22, v7  }
0x3a1: {  	v17 =	vmul.f32 $1.442695020e+00, v17;
	v14 =	vshra.s32 v18, $0x1F;
	v16 =	vshra.s32 v13, $0x1F  }
0x3a2: {  	v19 =	vmul.f32 $1.442695020e+00, v19;
	v25 =	vand.u32 $0x7FFFFFFF, v14;
	v16 =	vand.u32 $0x7FFFFFFF, v16  }
0x3a3: {  	(erf) = vpow2.f32 v17;
	v17 =	vshra.s32 v15, $0x1F;
	v14 =	vxor.u32 v13, v16  }
0x3a4: {  	v24 =	vmul.f32 $1.442695020e+00, v24;
	v16 =	vand.u32 $0x7FFFFFFF, v17;
	v13 =	vshrl.u32 v14, $0x15  }
0x3a5: {  	(erf) = vpow2.f32 v19;
	v16 =	vxor.u32 v15, v16;
	v13 =	vxor.u32 $0x400, v13  }
0x3a6: {  	v26 =	vand.u32 $0x7FFFFFFF, v20;
	v15 =	vshrl.u32 v16, $0x15;
	vm1 =	vgt.s32 v13, v8;
	v17 =	vpop (erf)  }
0x3a7: {  	(erf) = vpow2.f32 v24;
	v20 =	vnsel vm1, $0x0, v17;
	v17 =	vxor.u32 $0x400, v15  }
0x3a8: {  	v19 =	vxor.u32 v18, v25;
	v18 =	vpop (erf);
	vm1 =	vgt.s32 v17, v8  }
0x3a9: {  	v12 =	vimm.f32 $0.0e+00;
	v18 =	vnsel vm1, $0x0, v18  }
0x3aa: {  	v23 =	vshra.s32 v22, $0x1F;
	v15 =	vshrl.u32 v19, $0x15;
	v12 =	vadd.f32 v20, v12  }
0x3ab: {  	v23 =	vand.u32 $0x7FFFFFFF, v23;
	v21 =	vxor.u32 v21, v26;
	v20 =	vxor.u32 $0x400, v15  }
0x3ac: {  	vm1 =	vgt.s32 v20, v8;
	v15 =	vadd.f32 v18, v12;
	v12 =	vshrl.u32 v21, $0x15;
	v18 =	vpop (erf)  }
0x3ad: {  	s0 =	simm.s32 $0x0;
	s1 =	simm.s32 $0x70;
	v22 =	vxor.u32 v22, v23;
	v12 =	vxor.u32 $0x400, v12;
	v18 =	vnsel vm1, $0x0, v18  }
.LBB2_54:
0x3ae: {  	v23 =	vld [tilespmem:s1+$0xFFFFFFE0];
	s0 =	sadd.s32 $0x5, s0;
	v15 =	vadd.f32 v18, v15;
	vm1 =	vgt.s32 v12, v8;
	v18 =	vshrl.u32 v22, $0x15;
	v24 =	vpop (erf)  }
0x3af: {  	v14 =	vshrl.u32 v14, $0xA;
	p0 =	slt.u32 s0, $0x1865;
	v26 =	vnsel vm1, $0x0, v24;
	v18 =	vxor.u32 $0x400, v18  }
0x3b0: {  	v16 =	vshrl.u32 v16, $0xA;
	v25 =	vld [tilespmem:s1+$0xFFFFFFF0];
	v15 =	vadd.f32 v26, v15;
	vm1 =	vgt.s32 v18, v8;
	v24 =	vpop (erf)  }
0x3b1: {  	v19 =	vshrl.u32 v19, $0xA;
	v21 =	vshrl.u32 v21, $0xA;
	v24 =	vnsel vm1, $0x0, v24  }
0x3b2: {  	vm4 =	veq.s32 v13, v8;
	v13 =	vshrl.u32 v22, $0xA;
	v26 =	vld [tilespmem:s1+$0x0];
	v15 =	vadd.f32 v24, v15  }
0x3b3: {  	vm5 =	veq.s32 v17, v8;
	vm3 =	veq.s32 v20, v8;
	v22 =	vsub.f32 v23, v7  }
0x3b4: {  	vm2 =	veq.s32 v12, v8;
	v14 =	vand.u32 $0x7FF, v14;
	vm1 =	veq.s32 v18, v8;
	v24 =	vld [tilespmem:s1+$0x10]  }
0x3b5: {  	v16 =	vand.u32 $0x7FF, v16;
	v12 =	vmul.f32 $1.442695020e+00, v22;
	v17 =	vsub.f32 v25, v7;
	v22 =	vld [tilespmem:s1+$0x20]  }
0x3b6: {  	v13 =	vand.u32 $0x7FF, v13;
	v18 =	vand.u32 $0x7FF, v19;
	v19 =	vand.u32 $0x7FF, v21  }
0x3b7: {  	v17 =	vmul.f32 $1.442695020e+00, v17;
	v20 =	vsub.f32 v26, v7;
	(erf) = vpow2.f32 v12  }
0x3b8: {  	v12 =	vshra.s32 v26, $0x1F  }
0x3b9: {  	v20 =	vmul.f32 $1.442695020e+00, v20;
	v21 =	vsub.f32 v24, v7;
	(erf) = vpow2.f32 v17;
	[tilespmem:v14+s12+$0x0] =	vst.idx.add.s32.msk vm4, v2  }
0x3ba: {  	v14 =	vshra.s32 v23, $0x1F;
	v17 =	vshra.s32 v24, $0x1F;
	v27 =	vshra.s32 v22, $0x1F;
	[tilespmem:v16+s12+$0x0] =	vst.idx.add.s32.msk vm5, v2  }
0x3bb: {  	v16 =	vmul.f32 $1.442695020e+00, v21;
	v21 =	vsub.f32 v22, v7;
	(erf) = vpow2.f32 v20;
	[tilespmem:v18+s12+$0x0] =	vst.idx.add.s32.msk vm3, v2  }
0x3bc: {  	v12 =	vand.u32 $0x7FFFFFFF, v12;
	v14 =	vand.u32 $0x7FFFFFFF, v14;
	v18 =	vshra.s32 v25, $0x1F;
	[tilespmem:v19+s12+$0x0] =	vst.idx.add.s32.msk vm2, v2  }
0x3bd: {  	v14 =	vxor.u32 v23, v14;
	v20 =	vmul.f32 $1.442695020e+00, v21;
	(erf) = vpow2.f32 v16;
	[tilespmem:v13+s12+$0x0] =	vst.idx.add.s32.msk vm1, v2  }
0x3be: {  	v13 =	vshrl.u32 v14, $0x15;
	v16 =	vand.u32 $0x7FFFFFFF, v18;
	v18 =	vand.u32 $0x7FFFFFFF, v17  }
0x3bf: {  	v13 =	vxor.u32 $0x400, v13;
	v16 =	vxor.u32 v25, v16;
	(erf) = vpow2.f32 v20  }
0x3c0: {  	v23 =	vand.u32 $0x7FFFFFFF, v27;
	vm1 =	vgt.s32 v13, v8;
	v17 =	vshrl.u32 v16, $0x15;
	v19 =	vpop (erf)  }
.Ltmp35:
0x3c1: {  	v17 =	vxor.u32 $0x400, v17;
	v21 =	vnsel vm1, $0x0, v19;
	v19 =	vxor.u32 v26, v12;
	(pc) =	sbr.rel @p0 .LBB2_54-.Ltmp35, $4  }
0x3c2: {  	vm1 =	vgt.s32 v17, v8;
	v12 =	vadd.f32 v21, v15;
	v15 =	vshrl.u32 v19, $0x15;
	v20 =	vpop (erf)  }
0x3c3: {  	v21 =	vxor.u32 v24, v18;
	v25 =	vnsel vm1, $0x0, v20;
	v20 =	vxor.u32 $0x400, v15  }
0x3c4: {  	v15 =	vadd.f32 v25, v12;
	vm1 =	vgt.s32 v20, v8;
	v12 =	vshrl.u32 v21, $0x15;
	v18 =	vpop (erf)  }
0x3c5: {  	s1 =	sadd.s32 $0x50, s1;
	v22 =	vxor.u32 v22, v23;
	v18 =	vnsel vm1, $0x0, v18;
	v12 =	vxor.u32 $0x400, v12  }
0x3c6: {  	v23 =	vshrl.u32 v22, $0x15  }
0x3c7: {  	v14 =	vshrl.u32 v14, $0xA;
	vm1 =	veq.s32 v13, v8;
	v58 =	vshrl.u32 v16, $0xA  }
0x3c8: {  	vm2 =	veq.s32 v17, v8;
	v59 =	vshrl.u32 v19, $0xA;
	v14 =	vand.u32 $0x7FF, v14  }
0x3c9: {  	vm3 =	veq.s32 v20, v8;
	v60 =	vshrl.u32 v21, $0xA;
	v13 =	vand.u32 $0x7FF, v58  }
0x3ca: {  	vm4 =	veq.s32 v12, v8;
	v23 =	vxor.u32 $0x400, v23;
	v16 =	vand.u32 $0x7FF, v59  }
0x3cb: {  	v61 =	vshrl.u32 v22, $0xA;
	v17 =	vand.u32 $0x7FF, v60;
	vm5 =	veq.s32 v23, v8  }
0x3cc: {  	v19 =	vand.u32 $0x7FF, v61  }
0x3cd: {  	[tilespmem:v14+s12+$0x0] =	vst.idx.add.s32.msk vm1, v2  }
0x3ce: {  	[tilespmem:v13+s12+$0x0] =	vst.idx.add.s32.msk vm2, v2  }
0x3cf: {  	[tilespmem:v16+s12+$0x0] =	vst.idx.add.s32.msk vm3, v2  }
0x3d0: {  	[tilespmem:v17+s12+$0x0] =	vst.idx.add.s32.msk vm4, v2;
	vm1 =	veq.s32 v11, v0  }
0x3d1: {  	s0 =	simm.s32 $0x196F0;
	v10 =	vnsel vm1, $0x0, v10;
	[tilespmem:v19+s12+$0x0] =	vst.idx.add.s32.msk vm5, v2  }
0x3d2: {  	(xrf0) =	vadd.scan.msk.s32 $0xffff, v10;
	v10 =	vld [tilespmem:s0+$0x0];
	_ =	sdelay $0x2  }
0x3d3: {  	v9 =	vnsel vm1, $0x0, v9  }
0x3d4: {  	(xrf0) =	vadd.scan.msk.s32 $0xffff, v9  }
0x3d5: {  	(xrf0) =	vadd.scan.msk.s32 $0xffff, v10;
	_ =	sdelay $0x2  }
0x3d6: {  	v9, _, _ =	vpop (xrf0)  }
0x3d7: {  	(v2sf) =	vpush v9, $0xF  }
0x3d8: {  	v9, _, _ =	vpop (xrf0)  }
0x3d9: {  	s9 =	simm.s32 $0x196E0;
	(v2sf) =	vpush v9, $0xF;
	v9, _, _ =	vpop (xrf0)  }
0x3da: {  	(v2sf) =	vpush v9, $0xF;
	v9 =	vld [tilespmem:s9+$0x0]  }
0x3db: {  	s10 =	simm.s32 $0x196D0  }
0x3dc: {  	v10 =	vld [tilespmem:s10+$0x0];
	_ =	sdelay $0x2  }
0x3dd: {  	(xrf0) =	vadd.scan.msk.s32 $0xffff, v9;
	_ =	sdelay $0x1  }
0x3de: {  	(xrf0) =	vadd.scan.msk.s32 $0xffff, v10;
	_ =	sdelay $0x2  }
0x3df: {  	s21 =	simm.s32 $0x196C0  }
0x3e0: {  	v11 =	vld [tilespmem:s21+$0x0];
	v62, _, _ =	vpop (xrf0)  }
0x3e1: {  	s22 =	spop (v2sf);
	(v2sf) =	vpush v62, $0xF  }
0x3e2: {  	v63, _, _ =	vpop (xrf0)  }
0x3e3: {  	s1 =	spop (v2sf);
	(v2sf) =	vpush v63, $0xF;
	_ =	sdelay $0x1  }
0x3e4: {  	s23 =	simm.s32 $0x196B0;
	vm1 =	vgt.s32 v12, v8;
	(xrf0) =	vadd.scan.msk.s32 $0xffff, v11;
	v11 =	vpop (erf)  }
0x3e5: {  	s3 =	simm.s32 $0x7F;
	s4 =	simm.s32 $0x7E;
	s7 =	simm.s32 $0x7D;
	v10 =	vld [tilespmem:s23+$0x0];
	v11 =	vnsel vm1, $0x0, v11  }
0x3e6: {  	s30 =	simm.s32 $0x7C;
	s8 =	simm.s32 $0x7A;
	s2 =	simm.s32 $0x196A0;
	v9 =	vadd.f32 v18, v15  }
0x3e7: {  	p2 =	por $0x1, $0x1;
	s5 =	simm.s32 $0x0;
	s0 =	sadd.s32 s28, s22  }
0x3e8: {  	s6 =	simm.s32 $0x0;
	vm1 =	vgt.s32 v23, v8;
	v9 =	vadd.f32 v11, v9;
	s28 =	ssub.s32 s0, s1;
	v11 =	vpop (erf);
	s24 =	spop (v2sf)  }
0x3e9: {  	s31 =	simm.s32 $0x0;
	s29 =	ssub.s32 $0x2710, s28;
	v11 =	vnsel vm1, $0x0, v11;
	s1 =	sadd.s32 $0x0, s24  }
0x3ea: {  	s21 =	simm.s32 $0x7B;
	s0 =	simm.s32 $0x0;
	(xrf0) =	vadd.scan.msk.s32 $0xffff, v10;
	v9 =	vadd.f32 v11, v9;
	v10, _, _ =	vpop (xrf0);
	p1 =	sge.s32 s1, s29  }
.LBB2_56:
0x3eb: {  	p0 =	sne.s32 s8, $0x0;
	p1 =	por !p2, !p1;
	s9 =	smov.u32 s21  }
0x3ec: {  	v11 =	vld [tilespmem:s2+$0x0];
	(v2sf) =	vpush v10, $0xF;
	s21 =	smov.u32 s8;
	s8 =	sadd.s32 $0xFFFFFFFF, s8;
	s23 =	smov.u32 s5  }
.Ltmp36:
0x3ed: {  	s5 =	smov.u32 s1;
	p1 =	por !p1, !p1;
	(pc) =	sbr.rel @p0 .LBB2_56-.Ltmp36, $4  }
0x3ee: {  	s0 =	smov.u32 @p1 s3;
	s6 =	simm.s32 @p1 $0x1;
	s3 =	smov.u32 s4  }
0x3ef: {  	s31 =	smov.u32 @p1 s23;
	s4 =	smov.u32 s7;
	s24 =	spop (v2sf)  }
0x3f0: {  	s7 =	smov.u32 s30;
	s30 =	smov.u32 s9;
	s1 =	sadd.s32 s1, s24  }
0x3f1: {  	s2 =	sadd.s32 $0xFFFFFFF0, s2;
	p2 =	seq.s32 s6, $0x0;
	(xrf0) =	vadd.scan.msk.s32 $0xffff, v11;
	v10, _, _ =	vpop (xrf0);
	p1 =	sge.s32 s1, s29  }
0x3f2: {  	_ =	sdelay $0x1  }
0x3f3: {  	(v2sf) =	vpush v10, $0xF;
	_ =	sdelay $0x2  }
0x3f4: {  	v10, _, _ =	vpop (xrf0)  }
0x3f5: {  	(v2sf) =	vpush v10, $0xF;
	_ =	sdelay $0x1  }
0x3f6: {  	p0 =	por !p2, !p1  }
0x3f7: {  	s2 =	spop (v2sf);
	p0 =	por !p0, !p0  }
0x3f8: {  	s8 =	sadd.s32 s1, s2;
	s6 =	simm.s32 @p0 $0x1  }
0x3f9: {  	p2 =	sge.s32 s8, s29;
	p3 =	seq.s32 s6, $0x0  }
0x3fa: {  	p1 =	por !p3, !p2  }
0x3fb: {  	p1 =	por !p1, !p1;
	s22 =	spop (v2sf)  }
0x3fc: {  	s6 =	simm.s32 @p1 $0x1;
	s9 =	sadd.s32 s8, s22  }
0x3fd: {  	p3 =	seq.s32 s6, $0x0;
	p4 =	sge.s32 s9, s29  }
0x3fe: {  	p2 =	por !p3, !p4  }
0x3ff: {  	p2 =	por !p2, !p2;
	s23 =	spop (v2sf)  }
0x400: {  	s6 =	simm.s32 @p2 $0x1;
	s23 =	sadd.s32 s9, s23  }
0x401: {  	p4 =	seq.s32 s6, $0x0;
	p5 =	sge.s32 s23, s29  }
0x402: {  	p3 =	por !p4, !p5  }
0x403: {  	p3 =	por !p3, !p3;
	s24 =	spop (v2sf)  }
0x404: {  	s0 =	smov.u32 @p0 s3;
	s6 =	simm.s32 @p3 $0x1;
	s2 =	sadd.s32 s23, s24  }
0x405: {  	s0 =	smov.u32 @p1 s4;
	p5 =	seq.s32 s6, $0x0;
	p6 =	sge.s32 s2, s29  }
0x406: {  	s0 =	smov.u32 @p2 s7;
	p4 =	por !p5, !p6  }
0x407: {  	s0 =	smov.u32 @p3 s30;
	p4 =	por !p4, !p4  }
0x408: {  	s0 =	smov.u32 @p4 s21  }
0x409: {  	s0 =	sshll.u32 s0, $0x4  }
0x40a: {  	v10 =	vld [tilespmem:s0+$0x18F00];
	_ =	sdelay $0x4  }
0x40b: {  	v10 =	vperm.xlane v10, v3;
	_ =	sdelay $0x1  }
0x40c: {  	(xrf0) =	vadd.scan.msk.s32 $0xffff, v10;
	_ =	sdelay $0x1  }
0x40d: {  	s31 =	smov.u32 @p0 s5;
	s2 =	simm.s32 $0x19740  }
0x40e: {  	s31 =	smov.u32 @p1 s1;
	[tilespmem:s2+$0xFFFFFFC0] =	vst v1  }
0x40f: {  	s31 =	smov.u32 @p2 s8;
	[tilespmem:s2+$0x30] =	vst v1  }
0x410: {  	s31 =	smov.u32 @p3 s9;
	[tilespmem:s2+$0x20] =	vst v1  }
0x411: {  	s31 =	smov.u32 @p4 s23;
	[tilespmem:s2+$0x10] =	vst v1;
	v11, _, _ =	vpop (xrf0)  }
0x412: {  	[tilespmem:s2+$0x0] =	vst v1;
	v12 =	vadd.s32 s31, v11  }
0x413: {  	[tilespmem:s2+$0xFFFFFFF0] =	vst v1;
	vm1 =	vge.s32 v12, s29  }
0x414: {  	s3 =	simm.s32 $0x0;
	[tilespmem:s2+$0xFFFFFFE0] =	vst v1;
	v12 =	vmctz.xlane vm1  }
.LBB2_58:
0x415: {  	s3 =	sadd.s32 $0x8, s3;
	[tilespmem:s2+$0xFFFFFFD0] =	vst v1;
	s2 =	sadd.s32 $0x80, s2;
	s1 =	simm.s32 $0x19B40  }
0x416: {  	[tilespmem:s2+$0xFFFFFFC0] =	vst v1;
	p0 =	slt.u32 s3, $0x38  }
0x417: {  	[tilespmem:s2+$0x30] =	vst v1  }
.Ltmp37:
0x418: {  	[tilespmem:s2+$0x20] =	vst v1;
	(pc) =	sbr.rel @p0 .LBB2_58-.Ltmp37, $4  }
0x419: {  	[tilespmem:s2+$0x10] =	vst v1  }
0x41a: {  	[tilespmem:s2+$0x0] =	vst v1  }
0x41b: {  	[tilespmem:s2+$0xFFFFFFF0] =	vst v1  }
0x41c: {  	[tilespmem:s2+$0xFFFFFFE0] =	vst v1  }
0x41d: {  	[tilespmem:s2+$0xFFFFFFD0] =	vst v1  }
0x41e: {  	[tilespmem:s1+$0xFFFFFFC0] =	vst v4  }
0x41f: {  	[tilespmem:s1+$0x30] =	vst v4  }
0x420: {  	[tilespmem:s1+$0x20] =	vst v4  }
0x421: {  	[tilespmem:s1+$0x10] =	vst v4  }
0x422: {  	[tilespmem:s1+$0x0] =	vst v4  }
0x423: {  	[tilespmem:s1+$0xFFFFFFF0] =	vst v4  }
0x424: {  	s2 =	simm.s32 $0x0;
	[tilespmem:s1+$0xFFFFFFE0] =	vst v4  }
.LBB2_60:
0x425: {  	s2 =	sadd.s32 $0x8, s2;
	[tilespmem:s1+$0xFFFFFFD0] =	vst v4;
	s1 =	sadd.s32 $0x80, s1  }
0x426: {  	[tilespmem:s1+$0xFFFFFFC0] =	vst v4;
	p0 =	slt.u32 s2, $0x38  }
0x427: {  	[tilespmem:s1+$0x30] =	vst v4  }
.Ltmp38:
0x428: {  	[tilespmem:s1+$0x20] =	vst v4;
	(pc) =	sbr.rel @p0 .LBB2_60-.Ltmp38, $4  }
0x429: {  	[tilespmem:s1+$0x10] =	vst v4  }
0x42a: {  	[tilespmem:s1+$0x0] =	vst v4  }
0x42b: {  	[tilespmem:s1+$0xFFFFFFF0] =	vst v4  }
0x42c: {  	[tilespmem:s1+$0xFFFFFFE0] =	vst v4  }
0x42d: {  	v13 =	vnsel vm0, $0x0, v12  }
0x42e: {  	(xrf0) =	vadd.scan.msk.s32 $0xffff, v13;
	_ =	sdelay $0x3  }
0x42f: {  	[tilespmem:s1+$0xFFFFFFD0] =	vst v4;
	s24 =	simm.s32 $0x20  }
0x430: {  	v16 =	vld [tilespmem:s24+$0x20]  }
0x431: {  	v17 =	vld [tilespmem:s24+$0xFFFFFFF0];
	v13, _, _ =	vpop (xrf0)  }
0x432: {  	v18 =	vld [tilespmem:s24+$0xFFFFFFE0];
	(v2sf) =	vpush v13, $0xF  }
0x433: {  	v19 =	vld [tilespmem:s24+$0x0]  }
0x434: {  	v20 =	vld [tilespmem:s24+$0x10];
	_ =	sdelay $0x2  }
0x435: {  	v15 =	vimm.f32 $0.0e+00;
	v14 =	vshra.s32 v16, $0x1F;
	v21 =	vshra.s32 v18, $0x1F  }
0x436: {  	v22 =	vsub.f32 v17, v7;
	v24 =	vsub.f32 v18, v7;
	v26 =	vshra.s32 v19, $0x1F  }
0x437: {  	v29 =	vsub.f32 v20, v7;
	v14 =	vand.u32 $0x7FFFFFFF, v14;
	v21 =	vand.u32 $0x7FFFFFFF, v21  }
0x438: {  	v30 =	vshra.s32 v17, $0x1F;
	v23 =	vxor.u32 v16, v14;
	v25 =	vxor.u32 v18, v21  }
0x439: {  	v16 =	vsub.f32 v16, v7;
	v18 =	vsub.f32 v19, v7;
	v29 =	vmul.f32 $1.442695020e+00, v29  }
0x43a: {  	v24 =	vmul.f32 $1.442695020e+00, v24;
	v14 =	vand.u32 $0x3FF, v23;
	v21 =	vshrl.u32 v25, $0xA  }
0x43b: {  	v27 =	vshrl.u32 v23, $0x15;
	v28 =	vmul.f32 $1.442695020e+00, v16;
	v16 =	vshra.s32 v20, $0x1F  }
0x43c: {  	v31 =	vmul.f32 $1.442695020e+00, v18;
	v18 =	vshrl.u32 v23, $0xA;
	v23 =	vmul.f32 $1.442695020e+00, v22  }
0x43d: {  	v62 =	vand.u32 $0x7FF, v21;
	v22 =	vand.u32 $0x7FFFFFFF, v16;
	v16 =	vand.u32 $0x7FF, v18  }
0x43e: {  	v18 =	vxor.u32 v20, v22;
	v20 =	vand.u32 $0x7FFFFFFF, v26;
	(erf) = vpow2.f32 v31  }
0x43f: {  	s0 =	sor.u32 $0xF, s0;
	v22 =	vand.u32 $0x7FFFFFFF, v30;
	v19 =	vxor.u32 v19, v20;
	v20 =	vshrl.u32 v18, $0x15;
	s23 =	spop (v2sf)  }
0x440: {  	(erf) = vpow2.f32 v24;
	v24 =	vshrl.u32 v19, $0x15;
	v26 =	vshrl.u32 v19, $0xA;
	s30 =	ssub.s32 s0, s23  }
0x441: {  	v21 =	vand.u32 $0x7FF, v26;
	v24 =	vxor.u32 v8, v24;
	v13 =	vmov s30  }
0x442: {  	v17 =	vxor.u32 v17, v22;
	vm1 =	veq.s32 v24, $0x400;
	vm2 =	veq.s32 v21, v13  }
0x443: {  	v22 =	vshrl.u32 v17, $0x15;
	v26 =	vshrl.u32 v25, $0x15;
	vm6 =	vmand vm1, vm2  }
0x444: {  	(erf) = vpow2.f32 v23;
	v24 =	vxor.u32 v8, v26;
	v26 =	vand.u32 $0x3FF, v19  }
0x445: {  	v20 =	vxor.u32 v8, v20;
	v23 =	vand.u32 $0x3FF, v25;
	(erf) = vpow2.f32 v28  }
0x446: {  	v25 =	vshrl.u32 v18, $0xA;
	v19 =	vand.u32 $0x3FF, v17;
	vm5 =	veq.s32 v24, $0x400  }
0x447: {  	v24 =	vxor.u32 v8, v27;
	vm3 =	vgt.s32 v21, v13;
	v21 =	vshrl.u32 v17, $0xA  }
0x448: {  	v63 =	vpop (erf);
	(erf) = vpow2.f32 v29;
	vm4 =	veq.s32 v62, v13;
	v21 =	vand.u32 $0x7FF, v21  }
0x449: {  	vm1 =	vmand vm1, vm3;
	vm2 =	vgt.s32 v62, v13;
	vm3 =	vgt.s32 v21, v13;
	[tilespmem:v26+s19+$0x0] =	vst.idx.add.s32.msk vm6, v2  }
0x44a: {  	s1 =	simm.s32 $0x70;
	s0 =	simm.s32 $0x0;
	v17 =	vnsel vm1, $0x0, v63;
	vm1 =	veq.s32 v20, $0x400;
	v20 =	vpop (erf);
	vm2 =	vmand vm5, vm2;
	[tilespmem:v26+s20+$0x0] =	vst.idx.add.f32.msk vm6, v63  }
.LBB2_62:
0x44b: {  	v26 =	vld [tilespmem:s1+$0x20];
	s0 =	sadd.s32 $0x5, s0;
	vm6 =	vmand vm5, vm4;
	v25 =	vand.u32 $0x7FF, v25;
	vm7 =	vgt.s32 v16, v13  }
0x44c: {  	vm8 =	veq.s32 v24, $0x400;
	vm9 =	veq.s32 v16, v13;
	v27 =	vld [tilespmem:s1+$0xFFFFFFF0];
	p0 =	slt.u32 s0, $0x1865;
	vm4 =	veq.s32 v25, v13  }
0x44d: {  	v22 =	vxor.u32 v8, v22;
	v16 =	vld [tilespmem:s1+$0xFFFFFFE0];
	vm5 =	vmand vm1, vm4;
	vm4 =	vmand vm8, vm9  }
0x44e: {  	vm10 =	veq.s32 v21, v13;
	v18 =	vand.u32 $0x3FF, v18;
	vm9 =	veq.s32 v22, $0x400;
	v24 =	vld [tilespmem:s1+$0x0];
	v21 =	vpop (erf)  }
0x44f: {  	vm7 =	vmand vm8, vm7;
	vm11 =	vmand vm9, vm3;
	vm3 =	vmand vm9, vm10;
	v22 =	vld [tilespmem:s1+$0x10];
	v28 =	vpop (erf)  }
0x450: {  	vm8 =	vgt.s32 v25, v13;
	v29 =	vshra.s32 v26, $0x1F;
	v25 =	vnsel vm7, $0x0, v28  }
0x451: {  	vm1 =	vmand vm1, vm8;
	v30 =	vnsel vm11, $0x0, v21;
	v29 =	vand.u32 $0x7FFFFFFF, v29;
	[tilespmem:v23+s19+$0x0] =	vst.idx.add.s32.msk vm6, v2  }
0x452: {  	v32 =	vsub.f32 v27, v7;
	v31 =	vshra.s32 v16, $0x1F;
	v29 =	vxor.u32 v26, v29;
	[tilespmem:v23+s20+$0x0] =	vst.idx.add.f32.msk vm6, v20;
	v23 =	vpop (erf)  }
0x453: {  	v33 =	vsub.f32 v16, v7;
	v31 =	vand.u32 $0x7FFFFFFF, v31;
	v34 =	vand.u32 $0x3FF, v29;
	[tilespmem:v18+s19+$0x0] =	vst.idx.add.s32.msk vm5, v2  }
0x454: {  	v20 =	vnsel vm2, $0x0, v20;
	v31 =	vxor.u32 v16, v31;
	v16 =	vsub.f32 v26, v7;
	[tilespmem:v14+s19+$0x0] =	vst.idx.add.s32.msk vm4, v2  }
0x455: {  	v35 =	vsub.f32 v24, v7;
	v15 =	vadd.f32 v20, v15;
	v26 =	vshrl.u32 v31, $0xA;
	[tilespmem:v19+s19+$0x0] =	vst.idx.add.s32.msk vm3, v2  }
0x456: {  	v20 =	vshra.s32 v24, $0x1F;
	v36 =	vshrl.u32 v29, $0x15;
	v37 =	vmul.f32 $1.442695020e+00, v16;
	[tilespmem:v18+s20+$0x0] =	vst.idx.add.f32.msk vm5, v23  }
0x457: {  	v15 =	vadd.f32 v30, v15;
	v16 =	vshra.s32 v22, $0x1F;
	v18 =	vsub.f32 v22, v7;
	[tilespmem:v19+s20+$0x0] =	vst.idx.add.f32.msk vm3, v21  }
0x458: {  	v29 =	vshrl.u32 v29, $0xA;
	v19 =	vshra.s32 v27, $0x1F;
	v21 =	vmul.f32 $1.442695020e+00, v35;
	[tilespmem:v14+s20+$0x0] =	vst.idx.add.f32.msk vm4, v28;
	v14 =	vmovc v34  }
0x459: {  	v30 =	vand.u32 $0x7FFFFFFF, v16;
	v15 =	vadd.f32 v17, v15;
	v28 =	vmul.f32 $1.442695020e+00, v32  }
0x45a: {  	v16 =	vand.u32 $0x7FF, v29;
	v17 =	vnsel vm1, $0x0, v23;
	v32 =	vmul.f32 $1.442695020e+00, v18  }
0x45b: {  	v23 =	vmul.f32 $1.442695020e+00, v33;
	v19 =	vand.u32 $0x7FFFFFFF, v19;
	v18 =	vxor.u32 v22, v30  }
0x45c: {  	v20 =	vand.u32 $0x7FFFFFFF, v20;
	v15 =	vadd.f32 v17, v15;
	(erf) = vpow2.f32 v21  }
0x45d: {  	v17 =	vxor.u32 v24, v20;
	v20 =	vshrl.u32 v18, $0x15;
	(erf) = vpow2.f32 v23  }
0x45e: {  	v22 =	vshrl.u32 v17, $0xA;
	v21 =	vshrl.u32 v17, $0x15;
	v23 =	vand.u32 $0x7FF, v26  }
0x45f: {  	v24 =	vshrl.u32 v31, $0x15;
	v22 =	vand.u32 $0x7FF, v22;
	v21 =	vxor.u32 v8, v21  }
0x460: {  	v19 =	vxor.u32 v27, v19;
	vm2 =	veq.s32 v22, v13;
	vm1 =	veq.s32 v21, $0x400  }
0x461: {  	v15 =	vadd.f32 v25, v15;
	vm3 =	vgt.s32 v22, v13;
	vm6 =	vmand vm1, vm2  }
0x462: {  	v24 =	vxor.u32 v8, v24;
	v25 =	vand.u32 $0x3FF, v17;
	v21 =	vshrl.u32 v19, $0xA  }
0x463: {  	v22 =	vshrl.u32 v19, $0x15;
	vm4 =	veq.s32 v23, v13;
	(erf) = vpow2.f32 v28  }
.Ltmp39:
0x464: {  	v21 =	vand.u32 $0x7FF, v21;
	vm1 =	vmand vm1, vm3;
	(erf) = vpow2.f32 v37;
	(pc) =	sbr.rel @p0 .LBB2_62-.Ltmp39, $4  }
0x465: {  	vm5 =	veq.s32 v24, $0x400;
	vm2 =	vgt.s32 v23, v13;
	v23 =	vxor.u32 v8, v20;
	v26 =	vpop (erf)  }
0x466: {  	v19 =	vand.u32 $0x3FF, v19;
	vm3 =	vgt.s32 v21, v13;
	v17 =	vnsel vm1, $0x0, v26;
	v20 =	vpop (erf)  }
0x467: {  	v24 =	vxor.u32 v8, v36;
	vm1 =	veq.s32 v23, $0x400;
	[tilespmem:v25+s19+$0x0] =	vst.idx.add.s32.msk vm6, v2;
	(erf) = vpow2.f32 v32  }
0x468: {  	s1 =	sadd.s32 $0x50, s1;
	vm2 =	vmand vm5, vm2;
	v23 =	vand.u32 $0x3FF, v31;
	[tilespmem:v25+s20+$0x0] =	vst.idx.add.f32.msk vm6, v26;
	v25 =	vshrl.u32 v18, $0xA  }
0x469: {  	vm6 =	vmand vm5, vm4  }
0x46a: {  	v25 =	vand.u32 $0x7FF, v25;
	vm13 =	veq.s32 v24, $0x400;
	vm7 =	veq.s32 v16, v13  }
0x46b: {  	v8 =	vxor.u32 v8, v22;
	vm12 =	veq.s32 v25, v13;
	vm7 =	vmand vm13, vm7  }
0x46c: {  	vm9 =	veq.s32 v21, v13;
	vm14 =	veq.s32 v8, $0x400;
	vm8 =	vmand vm1, vm12  }
0x46d: {  	v8 =	vand.u32 $0x3FF, v18;
	vm9 =	vmand vm14, vm9;
	_ =	sdelay $0x1  }
0x46e: {  	[tilespmem:v23+s19+$0x0] =	vst.idx.add.s32.msk vm6, v2  }
0x46f: {  	[tilespmem:v23+s20+$0x0] =	vst.idx.add.f32.msk vm6, v20  }
0x470: {  	[tilespmem:v14+s19+$0x0] =	vst.idx.add.s32.msk vm7, v2  }
0x471: {  	v58 =	vpop (erf);
	[tilespmem:v8+s19+$0x0] =	vst.idx.add.s32.msk vm8, v2  }
0x472: {  	v59 =	vpop (erf);
	[tilespmem:v19+s19+$0x0] =	vst.idx.add.s32.msk vm9, v2  }
0x473: {  	v60 =	vpop (erf);
	[tilespmem:v14+s20+$0x0] =	vst.idx.add.f32.msk vm7, v59  }
0x474: {  	vm15 =	veq.s32 v12, v0;
	[tilespmem:v8+s20+$0x0] =	vst.idx.add.f32.msk vm8, v60  }
0x475: {  	s0 =	simm.s32 $0x19AF0;
	[tilespmem:v19+s20+$0x0] =	vst.idx.add.f32.msk vm9, v58;
	v8 =	vnsel vm15, $0x0, v11  }
0x476: {  	(xrf0) =	vadd.scan.msk.s32 $0xffff, v8;
	v8 =	vnsel vm15, $0x0, v10;
	v10 =	vld [tilespmem:s0+$0x0];
	_ =	sdelay $0x3  }
0x477: {  	(xrf0) =	vadd.scan.msk.s32 $0xffff, v8  }
0x478: {  	(xrf0) =	vadd.scan.msk.s32 $0xffff, v10;
	_ =	sdelay $0x2  }
0x479: {  	v8, _, _ =	vpop (xrf0)  }
0x47a: {  	(v2sf) =	vpush v8, $0xF  }
0x47b: {  	v8, _, _ =	vpop (xrf0)  }
0x47c: {  	s10 =	simm.s32 $0x19AE0;
	(v2sf) =	vpush v8, $0xF;
	v8, _, _ =	vpop (xrf0)  }
0x47d: {  	(v2sf) =	vpush v8, $0xF;
	v8 =	vld [tilespmem:s10+$0x0]  }
0x47e: {  	s21 =	simm.s32 $0x19AD0  }
0x47f: {  	v10 =	vld [tilespmem:s21+$0x0];
	_ =	sdelay $0x2  }
0x480: {  	(xrf0) =	vadd.scan.msk.s32 $0xffff, v8;
	_ =	sdelay $0x1  }
0x481: {  	(xrf0) =	vadd.scan.msk.s32 $0xffff, v10;
	_ =	sdelay $0x2  }
0x482: {  	s22 =	simm.s32 $0x19AC0  }
0x483: {  	v11 =	vld [tilespmem:s22+$0x0];
	v62, _, _ =	vpop (xrf0)  }
0x484: {  	s23 =	spop (v2sf);
	(v2sf) =	vpush v62, $0xF  }
0x485: {  	v61 =	vnsel vm2, $0x0, v20;
	v63, _, _ =	vpop (xrf0)  }
0x486: {  	v12 =	vadd.f32 v61, v15;
	vm2 =	vmand vm14, vm3;
	s1 =	spop (v2sf);
	(v2sf) =	vpush v63, $0xF  }
0x487: {  	v8 =	vnsel vm2, $0x0, v58  }
0x488: {  	s24 =	simm.s32 $0x19AB0;
	v8 =	vadd.f32 v8, v12;
	(xrf0) =	vadd.scan.msk.s32 $0xffff, v11  }
0x489: {  	s4 =	simm.s32 $0x3F;
	s5 =	simm.s32 $0x3E;
	s7 =	simm.s32 $0x3C;
	vm2 =	vgt.s32 v25, v13;
	v10 =	vld [tilespmem:s24+$0x0]  }
0x48a: {  	s3 =	simm.s32 $0x3B;
	s2 =	simm.s32 $0x3A;
	p2 =	por $0x1, $0x1;
	vm1 =	vmand vm1, vm2;
	v8 =	vadd.f32 v17, v8  }
0x48b: {  	s8 =	simm.s32 $0x0;
	s9 =	simm.s32 $0x0;
	vm2 =	vgt.s32 v16, v13;
	v11 =	vnsel vm1, $0x0, v60;
	s0 =	sadd.s32 s31, s23  }
0x48c: {  	s21 =	simm.s32 $0x3D;
	vm1 =	vmand vm13, vm2;
	v8 =	vadd.f32 v11, v8;
	s31 =	ssub.s32 s0, s1;
	s6 =	spop (v2sf)  }
0x48d: {  	s24 =	simm.s32 $0x19AA0;
	v11 =	vnsel vm1, $0x0, v59;
	s1 =	ssub.s32 s29, s31;
	s29 =	sadd.s32 $0x0, s6  }
0x48e: {  	(xrf0) =	vadd.scan.msk.s32 $0xffff, v10;
	s0 =	simm.s32 $0x0;
	v8 =	vadd.f32 v11, v8;
	v10, _, _ =	vpop (xrf0);
	s6 =	simm.s32 $0x0;
	p1 =	sge.s32 s29, s1  }
.LBB2_64:
0x48f: {  	p0 =	sne.s32 s2, $0x0;
	p1 =	por !p2, !p1;
	s23 =	smov.u32 s3  }
0x490: {  	v11 =	vld [tilespmem:s24+$0x0];
	(v2sf) =	vpush v10, $0xF;
	s3 =	smov.u32 s2;
	s2 =	sadd.s32 $0xFFFFFFFF, s2;
	s10 =	smov.u32 s8  }
.Ltmp40:
0x491: {  	s8 =	smov.u32 s29;
	p1 =	por !p1, !p1;
	(pc) =	sbr.rel @p0 .LBB2_64-.Ltmp40, $4  }
0x492: {  	s0 =	smov.u32 @p1 s4;
	s9 =	simm.s32 @p1 $0x1;
	s4 =	smov.u32 s5  }
0x493: {  	s6 =	smov.u32 @p1 s10;
	s5 =	smov.u32 s21;
	s22 =	spop (v2sf)  }
0x494: {  	s21 =	smov.u32 s7;
	s7 =	smov.u32 s23;
	s29 =	sadd.s32 s29, s22  }
0x495: {  	s24 =	sadd.s32 $0xFFFFFFF0, s24;
	p2 =	seq.s32 s9, $0x0;
	(xrf0) =	vadd.scan.msk.s32 $0xffff, v11;
	v10, _, _ =	vpop (xrf0);
	p1 =	sge.s32 s29, s1  }
0x496: {  	_ =	sdelay $0x1  }
0x497: {  	(v2sf) =	vpush v10, $0xF;
	_ =	sdelay $0x2  }
0x498: {  	v10, _, _ =	vpop (xrf0)  }
0x499: {  	(v2sf) =	vpush v10, $0xF;
	_ =	sdelay $0x1  }
0x49a: {  	p0 =	por !p2, !p1  }
0x49b: {  	s2 =	spop (v2sf);
	p0 =	por !p0, !p0  }
0x49c: {  	s2 =	sadd.s32 s29, s2;
	s9 =	simm.s32 @p0 $0x1  }
0x49d: {  	p2 =	sge.s32 s2, s1;
	p3 =	seq.s32 s9, $0x0  }
0x49e: {  	p1 =	por !p3, !p2  }
0x49f: {  	p1 =	por !p1, !p1;
	s10 =	spop (v2sf)  }
0x4a0: {  	s9 =	simm.s32 @p1 $0x1;
	s10 =	sadd.s32 s2, s10  }
0x4a1: {  	p3 =	seq.s32 s9, $0x0;
	p4 =	sge.s32 s10, s1  }
0x4a2: {  	p2 =	por !p3, !p4  }
0x4a3: {  	p2 =	por !p2, !p2;
	s22 =	spop (v2sf)  }
0x4a4: {  	s9 =	simm.s32 @p2 $0x1;
	s22 =	sadd.s32 s10, s22  }
0x4a5: {  	p4 =	seq.s32 s9, $0x0;
	p5 =	sge.s32 s22, s1  }
0x4a6: {  	p3 =	por !p4, !p5  }
0x4a7: {  	p3 =	por !p3, !p3;
	s23 =	spop (v2sf)  }
0x4a8: {  	s0 =	smov.u32 @p0 s4;
	s9 =	simm.s32 @p3 $0x1;
	s24 =	sadd.s32 s22, s23  }
0x4a9: {  	s0 =	smov.u32 @p1 s5;
	p5 =	seq.s32 s9, $0x0;
	p6 =	sge.s32 s24, s1  }
0x4aa: {  	s0 =	smov.u32 @p2 s21;
	p4 =	por !p5, !p6  }
0x4ab: {  	s0 =	smov.u32 @p3 s7;
	p4 =	por !p4, !p4  }
0x4ac: {  	s0 =	smov.u32 @p4 s3  }
0x4ad: {  	s3 =	sshll.u32 s0, $0x4  }
0x4ae: {  	v10 =	vld [tilespmem:s3+$0x19700];
	_ =	sdelay $0x4  }
0x4af: {  	v10 =	vperm.xlane v10, v3;
	_ =	sdelay $0x1  }
0x4b0: {  	(xrf0) =	vadd.scan.msk.s32 $0xffff, v10;
	_ =	sdelay $0x1  }
0x4b1: {  	s6 =	smov.u32 @p0 s8  }
0x4b2: {  	s6 =	smov.u32 @p1 s29  }
0x4b3: {  	s6 =	smov.u32 @p2 s2  }
0x4b4: {  	s6 =	smov.u32 @p3 s10  }
0x4b5: {  	s6 =	smov.u32 @p4 s22;
	v10, _, _ =	vpop (xrf0)  }
0x4b6: {  	v10 =	vadd.s32 s6, v10  }
0x4b7: {  	vm1 =	vge.s32 v10, s1  }
0x4b8: {  	v10 =	vmctz.xlane vm1;
	_ =	sdelay $0x1  }
0x4b9: {  	v10 =	vnsel vm0, $0x0, v10  }
0x4ba: {  	(xrf0) =	vadd.scan.msk.s32 $0xffff, v10;
	_ =	sdelay $0x5  }
0x4bb: {  	v10, _, _ =	vpop (xrf0)  }
0x4bc: {  	(v2sf) =	vpush v10, $0xF;
	_ =	sdelay $0xb  }
0x4bd: {  	s29 =	simm.s32 $0x19700  }
0x4be: {  	v11 =	vld [tilespmem:s29+$0x0];
	s1 =	simm.s32 $0x19B00  }
0x4bf: {  	v13 =	vld [tilespmem:s1+$0x0]  }
0x4c0: {  	s0 =	sshllo.u32 s0, $0x4;
	s23 =	spop (v2sf)  }
0x4c1: {  	s24 =	simm.s32 $0x0;
	s0 =	ssub.s32 s0, s23  }
0x4c2: {  	v15 =	vor.u32 s24, v0;
	v14 =	vmov s0  }
0x4c3: {  	v12 =	vimm.f32 $0.0e+00;
	s2 =	simm.s32 $0x10;
	s3 =	simm.s32 $0x19710;
	v10 =	vimm.s32 $0x0;
	vm1 =	vlt.s32 v15, v14  }
.LBB2_66:
0x4c4: {  	v15 =	vsel vm1, $0x0, v11;
	v11 =	vld [tilespmem:s3+$0x0];
	v16 =	vsel vm1, $0x0, v13;
	s1 =	sadd.s32 $0x10, s1;
	s4 =	smov.u32 s2;
	p0 =	sne.s32 s2, $0x3F0  }
.Ltmp41:
0x4c5: {  	s2 =	sadd.s32 $0x10, s2;
	v13 =	vld [tilespmem:s1+$0x0];
	v10 =	vadd.s32 v10, v15;
	v12 =	vadd.f32 v16, v12;
	(pc) =	sbr.rel @p0 .LBB2_66-.Ltmp41, $3  }
0x4c6: {  	_ =	sdelay $0x1  }
0x4c7: {  	v15 =	vor.u32 s4, v0  }
0x4c8: {  	s3 =	sadd.s32 $0x10, s3;
	vm1 =	vlt.s32 v15, v14  }
0x4c9: {  	s1 =	sshll.u32 s30, $0xA  }
0x4ca: {  	s1 =	sor.u32 s26, s1  }
0x4cb: {  	s0 =	sor.u32 s0, s1  }
0x4cc: {  	s1 =	simm.s32 $0x0;
	p0 =	slt.s32 s0, $0x0  }
0x4cd: {  	s21 =	sxor.u32 $0x80000000, s0;
	s1 =	simm.s32 @!p0 $0x7FFFFFFF  }
0x4ce: {  	s0 =	sxor.u32 s21, s1  }
0x4cf: {  	s0 =	ssub.f32 s0, s25;
	_ =	sdelay $0x1  }
0x4d0: {  	v14 =	vmov s0  }
0x4d1: {  	v14 =	vmul.f32 $1.442695020e+00, v14;
	_ =	sdelay $0x1  }
0x4d2: {  	v14 =	vbroadcast v14, $0x0;
	_ =	sdelay $0x1  }
0x4d3: {  	(erf) = vpow2.f32 v14;
	_ =	sdelay $0x5  }
0x4d4: {  	v13 =	vsel vm1, $0x0, v13;
	(xrf2) =	vadd.scan.msk.f32 $0xffff, v9  }
0x4d5: {  	v21 =	vadd.f32 v13, v12  }
0x4d6: {  	v11 =	vsel vm1, $0x0, v11;
	(xrf2) =	vadd.scan.msk.f32 $0xffff, v8  }
0x4d7: {  	v22 =	vadd.s32 v10, v11;
	(xrf2) =	vadd.scan.msk.f32 $0xffff, v21;
	v23 =	vpop (erf)  }
0x4d8: {  	(xrf0) =	vadd.scan.msk.s32 $0xffff, v22;
	v24 =	vnsel vm0, $0x0, v23  }
0x4d9: {  	(xrf2) =	vadd.scan.msk.f32 $0xffff, v24;
	_ =	sdelay $0x4  }
0x4da: {  	v25, _, _ =	vpop (xrf2)  }
0x4db: {  	v26, _, _ =	vpop (xrf0);
	(v2sf) =	vpush v25, $0xF  }
0x4dc: {  	v27, _, _ =	vpop (xrf2);
	(v2sf) =	vpush v26, $0xF  }
0x4dd: {  	v28, _, _ =	vpop (xrf2);
	(v2sf) =	vpush v27, $0xF  }
0x4de: {  	(v2sf) =	vpush v28, $0xF  }
0x4df: {  	v29, _, _ =	vpop (xrf2)  }
0x4e0: {  	(v2sf) =	vpush v29, $0xF;
	_ =	sdelay $0x2  }
0x4e1: {  	v30 =	vld [tilespmem:$0x1AB80];
	_ =	sdelay $0x2  }
0x4e2: {  	v31 =	vld [tilespmem:$0x1AB00];
	_ =	sdelay $0x3  }
0x4e3: {  	s25 =	simm.s32 $0x0;
	s22 =	spop (v2sf)  }
0x4e4: {  	s2 =	sadd.s32 s31, s28;
	v32 =	vshra.s32 v31, $0x1F;
	v8 =	vld.idx.msk [tilespmem:v30+s25+$0x0], $0xffff;
	s23 =	spop (v2sf)  }
0x4e5: {  	v10 =	vand.u32 $0x7FFFFFFF, v32;
	s3 =	spop (v2sf);
	s1 =	sadd.s32 s23, s2  }
0x4e6: {  	v9 =	vxor.u32 v31, v10;
	s24 =	spop (v2sf);
	s1 =	sadd.s32 $0xFFFFD8F0, s1  }
0x4e7: {  	v9 =	vsub.f32 v9, v6;
	s0 =	sadd.f32 s3, s22;
	s1 =	scvt.s32.f32 s1  }
0x4e8: {  	s28 =	spop (v2sf)  }
0x4e9: {  	v9 =	vmul.f32 $1.442695020e+00, v9;
	v33 =	vsub.f32 v8, v7;
	s0 =	sadd.f32 s24, s0;
	s1 =	smul.f32 s1, s28  }
0x4ea: {  	s29 =	rddreg [dreg:$0xa]  }
0x4eb: {  	v34 =	vmov s29;
	v10 =	vmul.f32 $1.442695020e+00, v33;
	(erf) = vpow2.f32 v9;
	s0 =	ssub.f32 s0, s1  }
0x4ec: {  	(erf) = vrcp.f32 v34  }
0x4ed: {  	(erf) = vpow2.f32 v10;
	v35 =	vmov s0  }
0x4ee: {  	(erf) = vrcp.f32 v35;
	_ =	sdelay $0x4  }
0x4ef: {  	v36 =	vshra.s32 v8, $0x1F  }
0x4f0: {  	v9 =	vand.u32 $0x7FFFFFFF, v36;
	v37 =	vpop (erf)  }
0x4f1: {  	v8 =	vxor.u32 v8, v9;
	v38 =	vpop (erf)  }
0x4f2: {  	vm1 =	vlt.s32 v8, s21;
	v39 =	vpop (erf)  }
0x4f3: {  	v8 =	vsel vm1, $0x0, v39;
	v40 =	vpop (erf)  }
0x4f4: {  	v8 =	vmul.f32 v8, v40;
	_ =	sdelay $0x1  }
0x4f5: {  	v8 =	vadd.f32 $9.999999930e-09, v8;
	_ =	sdelay $0x1  }
0x4f6: {  	(erf) = vrcp.f32 v8;
	_ =	sdelay $0x7  }
0x4f7: {  	v41 =	vmul.f32 v37, v38  }
0x4f8: {  	v42 =	vpop (erf)  }
0x4f9: {  	v8 =	vmul.f32 v42, v41;
	_ =	sdelay $0x1  }
0x4fa: {  	v10 =	vand.u32 $0x7FFFFF, v8  }
0x4fb: {  	v10 =	vor.u32 $0x3F800000, v10  }
0x4fc: {  	v43 =	vmul.f32 $5.000000000e-01, v10  }
0x4fd: {  	vm1 =	vgt.f32 v10, $1.414213540e+00  }
0x4fe: {  	v10 =	vsel vm1, v43, v10  }
0x4ff: {  	v12 =	vadd.f32 $1.000000000e+00, v10;
	_ =	sdelay $0x1  }
0x500: {  	(erf) = vrcp.f32 v12;
	_ =	sdelay $0x7  }
0x501: {  	v10 =	vadd.f32 $-1.000000000e+00, v10  }
0x502: {  	v12 =	vpop (erf)  }
0x503: {  	v10 =	vmul.f32 v12, v10;
	_ =	sdelay $0x1  }
0x504: {  	v12 =	vmul.f32 v10, v10;
	_ =	sdelay $0x1  }
0x505: {  	v44 =	vmul.f32 $1.111111120e-01, v12;
	_ =	sdelay $0x1  }
0x506: {  	v13 =	vadd.f32 $1.428571490e-01, v44;
	_ =	sdelay $0x1  }
0x507: {  	v13 =	vmul.f32 v13, v12;
	_ =	sdelay $0x1  }
0x508: {  	v13 =	vadd.f32 $2.000000030e-01, v13;
	_ =	sdelay $0x1  }
0x509: {  	v13 =	vmul.f32 v13, v12;
	_ =	sdelay $0x1  }
0x50a: {  	v8 =	vshrl.u32 v8, $0x17;
	v13 =	vadd.f32 $3.333333430e-01, v13  }
0x50b: {  	v8 =	vand.u32 $0xFF, v8;
	v45 =	vsel vm1, $0x1, v1  }
0x50c: {  	v8 =	vadd.s32 v45, v8;
	v12 =	vmul.f32 v13, v12  }
0x50d: {  	v46 =	vld [tilespmem:$0x1AB90];
	v8 =	vadd.s32 $0xFFFFFF81, v8  }
0x50e: {  	v8 =	vcvt.s32.f32 v8;
	v10 =	vadd.f32 v10, v10;
	v12 =	vadd.f32 $1.000000000e+00, v12;
	_ =	sdelay $0x1  }
0x50f: {  	v8 =	vmul.f32 $6.931471820e-01, v8;
	v10 =	vmul.f32 v12, v10  }
0x510: {  	v47 =	vld [tilespmem:$0x1AB10]  }
0x511: {  	v8 =	vadd.f32 v10, v8;
	_ =	sdelay $0x1  }
0x512: {  	[tilespmem:$0x1AC00] =	vst v8  }
0x513: {  	v8 =	vld.idx.msk [tilespmem:v46+s25+$0x0], $0xffff  }
0x514: {  	v48 =	vshra.s32 v47, $0x1F  }
0x515: {  	v10 =	vand.u32 $0x7FFFFFFF, v48  }
0x516: {  	v10 =	vxor.u32 v47, v10  }
0x517: {  	v10 =	vsub.f32 v10, v6  }
0x518: {  	v49 =	vsub.f32 v8, v7  }
0x519: {  	v10 =	vmul.f32 $1.442695020e+00, v10  }
0x51a: {  	v12 =	vmul.f32 $1.442695020e+00, v49  }
0x51b: {  	(erf) = vpow2.f32 v10  }
0x51c: {  	(erf) = vpow2.f32 v12;
	_ =	sdelay $0x5  }
0x51d: {  	v50 =	vshra.s32 v8, $0x1F  }
0x51e: {  	v10 =	vand.u32 $0x7FFFFFFF, v50  }
0x51f: {  	v8 =	vxor.u32 v8, v10;
	v51 =	vpop (erf)  }
0x520: {  	vm1 =	vlt.s32 v8, s21;
	v52 =	vpop (erf)  }
0x521: {  	v8 =	vsel vm1, $0x0, v52  }
0x522: {  	v8 =	vmul.f32 v8, v40;
	_ =	sdelay $0x1  }
0x523: {  	v8 =	vadd.f32 $9.999999930e-09, v8;
	_ =	sdelay $0x1  }
0x524: {  	(erf) = vrcp.f32 v8;
	_ =	sdelay $0x7  }
0x525: {  	v53 =	vmul.f32 v51, v38  }
0x526: {  	v54 =	vpop (erf)  }
0x527: {  	v8 =	vmul.f32 v54, v53;
	_ =	sdelay $0x1  }
0x528: {  	v10 =	vand.u32 $0x7FFFFF, v8  }
0x529: {  	v10 =	vor.u32 $0x3F800000, v10  }
0x52a: {  	v55 =	vmul.f32 $5.000000000e-01, v10  }
0x52b: {  	vm1 =	vgt.f32 v10, $1.414213540e+00  }
0x52c: {  	v10 =	vsel vm1, v55, v10  }
0x52d: {  	v12 =	vadd.f32 $1.000000000e+00, v10;
	_ =	sdelay $0x1  }
0x52e: {  	(erf) = vrcp.f32 v12;
	_ =	sdelay $0x7  }
0x52f: {  	v10 =	vadd.f32 $-1.000000000e+00, v10  }
0x530: {  	v12 =	vpop (erf)  }
0x531: {  	v10 =	vmul.f32 v12, v10;
	_ =	sdelay $0x1  }
0x532: {  	v12 =	vmul.f32 v10, v10;
	_ =	sdelay $0x1  }
0x533: {  	v56 =	vmul.f32 $1.111111120e-01, v12;
	_ =	sdelay $0x1  }
0x534: {  	v13 =	vadd.f32 $1.428571490e-01, v56;
	_ =	sdelay $0x1  }
0x535: {  	v13 =	vmul.f32 v13, v12;
	_ =	sdelay $0x1  }
0x536: {  	v13 =	vadd.f32 $2.000000030e-01, v13;
	_ =	sdelay $0x1  }
0x537: {  	v13 =	vmul.f32 v13, v12;
	_ =	sdelay $0x1  }
0x538: {  	v8 =	vshrl.u32 v8, $0x17;
	v13 =	vadd.f32 $3.333333430e-01, v13  }
0x539: {  	v8 =	vand.u32 $0xFF, v8;
	v57 =	vsel vm1, $0x1, v1  }
0x53a: {  	v8 =	vadd.s32 v57, v8;
	v12 =	vmul.f32 v13, v12  }
0x53b: {  	v58 =	vld [tilespmem:$0x1ABA0];
	v8 =	vadd.s32 $0xFFFFFF81, v8  }
0x53c: {  	v8 =	vcvt.s32.f32 v8;
	v10 =	vadd.f32 v10, v10;
	v12 =	vadd.f32 $1.000000000e+00, v12;
	_ =	sdelay $0x1  }
0x53d: {  	v8 =	vmul.f32 $6.931471820e-01, v8;
	v10 =	vmul.f32 v12, v10  }
0x53e: {  	v59 =	vld [tilespmem:$0x1AB20]  }
0x53f: {  	v8 =	vadd.f32 v10, v8;
	_ =	sdelay $0x1  }
0x540: {  	[tilespmem:$0x1AC10] =	vst v8  }
0x541: {  	v8 =	vld.idx.msk [tilespmem:v58+s25+$0x0], $0xffff  }
0x542: {  	v60 =	vshra.s32 v59, $0x1F  }
0x543: {  	v10 =	vand.u32 $0x7FFFFFFF, v60  }
0x544: {  	v10 =	vxor.u32 v59, v10  }
0x545: {  	v6 =	vsub.f32 v10, v6  }
0x546: {  	v7 =	vsub.f32 v8, v7  }
0x547: {  	v6 =	vmul.f32 $1.442695020e+00, v6  }
0x548: {  	v7 =	vmul.f32 $1.442695020e+00, v7  }
0x549: {  	(erf) = vpow2.f32 v6  }
0x54a: {  	(erf) = vpow2.f32 v7;
	_ =	sdelay $0x3  }
0x54b: {  	v6 =	vshra.s32 v8, $0x1F  }
0x54c: {  	v6 =	vand.u32 $0x7FFFFFFF, v6  }
0x54d: {  	v6 =	vxor.u32 v8, v6;
	_ =	sdelay $0x1  }
0x54e: {  	v7 =	vpop (erf)  }
0x54f: {  	vm1 =	vlt.s32 v6, s21;
	v6 =	vpop (erf)  }
0x550: {  	v6 =	vsel vm1, $0x0, v6  }
0x551: {  	v6 =	vmul.f32 v6, v40;
	_ =	sdelay $0x1  }
0x552: {  	v6 =	vadd.f32 $9.999999930e-09, v6;
	_ =	sdelay $0x1  }
0x553: {  	(erf) = vrcp.f32 v6;
	_ =	sdelay $0x7  }
0x554: {  	v6 =	vmul.f32 v7, v38  }
0x555: {  	v7 =	vpop (erf)  }
0x556: {  	v6 =	vmul.f32 v7, v6;
	_ =	sdelay $0x1  }
0x557: {  	v7 =	vand.u32 $0x7FFFFF, v6  }
0x558: {  	v7 =	vor.u32 $0x3F800000, v7  }
0x559: {  	v61 =	vmul.f32 $5.000000000e-01, v7  }
0x55a: {  	vm1 =	vgt.f32 v7, $1.414213540e+00  }
0x55b: {  	v7 =	vsel vm1, v61, v7  }
0x55c: {  	v8 =	vadd.f32 $1.000000000e+00, v7;
	_ =	sdelay $0x1  }
0x55d: {  	(erf) = vrcp.f32 v8;
	_ =	sdelay $0x7  }
0x55e: {  	v7 =	vadd.f32 $-1.000000000e+00, v7  }
0x55f: {  	v8 =	vpop (erf)  }
0x560: {  	v7 =	vmul.f32 v8, v7;
	_ =	sdelay $0x1  }
0x561: {  	v8 =	vmul.f32 v7, v7;
	_ =	sdelay $0x1  }
0x562: {  	v62 =	vmul.f32 $1.111111120e-01, v8;
	_ =	sdelay $0x1  }
0x563: {  	v9 =	vadd.f32 $1.428571490e-01, v62;
	_ =	sdelay $0x1  }
0x564: {  	v9 =	vmul.f32 v9, v8;
	_ =	sdelay $0x1  }
0x565: {  	v9 =	vadd.f32 $2.000000030e-01, v9;
	_ =	sdelay $0x1  }
0x566: {  	v9 =	vmul.f32 v9, v8;
	_ =	sdelay $0x1  }
0x567: {  	v6 =	vshrl.u32 v6, $0x17;
	v9 =	vadd.f32 $3.333333430e-01, v9  }
0x568: {  	v6 =	vand.u32 $0xFF, v6;
	v63 =	vsel vm1, $0x1, v1  }
0x569: {  	v6 =	vadd.s32 v63, v6;
	v8 =	vmul.f32 v9, v8  }
0x56a: {  	v6 =	vadd.s32 $0xFFFFFF81, v6  }
0x56b: {  	v6 =	vcvt.s32.f32 v6;
	v7 =	vadd.f32 v7, v7;
	v8 =	vadd.f32 $1.000000000e+00, v8;
	_ =	sdelay $0x1  }
0x56c: {  	v6 =	vmul.f32 $6.931471820e-01, v6;
	v7 =	vmul.f32 v8, v7;
	_ =	sdelay $0x1  }
0x56d: {  	v6 =	vadd.f32 v7, v6;
	_ =	sdelay $0x1  }
0x56e: {  	s30 =	simm.s32 $0x50;
	[tilespmem:$0x1AC20] =	vst v6  }
0x56f: {  	[tilespmem:s30+$0xFFFFFFC0] =	vst v5  }
0x570: {  	[tilespmem:s30+$0xFFFFFFD0] =	vst v5  }
0x571: {  	[tilespmem:s30+$0xFFFFFFE0] =	vst v5  }
0x572: {  	[tilespmem:s30+$0xFFFFFFF0] =	vst v5  }
0x573: {  	[tilespmem:s30+$0x0] =	vst v5  }
0x574: {  	[tilespmem:s30+$0x10] =	vst v5  }
0x575: {  	[tilespmem:s30+$0x20] =	vst v5  }
0x576: {  	[tilespmem:s30+$0x40] =	vst v5  }
0x577: {  	s10 =	simm.s32 $0x0;
	s31 =	sand.u32 $0x1FFE0, s25;
	[tilespmem:s30+$0xFFFFFFB0] =	vst v5  }
0x578: {  	s22 =	simm.s32 $0x80;
	s1 =	simm.s32 $0xF0;
	s0 =	simm.s32 $0x0;
	[tilespmem:s31+$0x80] =	vst v5  }
.LBB2_68:
0x579: {  	[tilespmem:s1+$0xFFFFFFC0] =	vst v5  }
0x57a: {  	[tilespmem:s1+$0xFFFFFFD0] =	vst v5  }
0x57b: {  	[tilespmem:s1+$0xFFFFFFE0] =	vst v5  }
0x57c: {  	s0 =	sadd.s32 $0xA, s0;
	[tilespmem:s1+$0xFFFFFFF0] =	vst v5  }
0x57d: {  	p0 =	slt.u32 s0, $0x1860;
	[tilespmem:s1+$0x0] =	vst v5  }
.Ltmp42:
0x57e: {  	[tilespmem:s1+$0x10] =	vst v5;
	(pc) =	sbr.rel @p0 .LBB2_68-.Ltmp42, $4  }
0x57f: {  	[tilespmem:s1+$0x20] =	vst v5  }
0x580: {  	s25 =	sadd.s32 $0xA0, s25;
	[tilespmem:s1+$0x40] =	vst v5  }
0x581: {  	s2 =	sand.u32 $0x1FFE0, s25;
	[tilespmem:s1+$0xFFFFFFB0] =	vst v5  }
0x582: {  	s1 =	sadd.s32 $0xA0, s1;
	[tilespmem:s2+$0x80] =	vst v5  }
0x583: {  	v6 =	vld [tilespmem:$0x1AB80];
	_ =	sdelay $0x2  }
0x584: {  	v7 =	vld [tilespmem:$0x1AC00];
	_ =	sdelay $0x4  }
0x585: {  	[tilespmem:v6+s10+$0x0] =	vst.idx.msk $0xffff, v7  }
0x586: {  	v6 =	vld [tilespmem:$0x1AB90];
	_ =	sdelay $0x2  }
0x587: {  	v7 =	vld [tilespmem:$0x1AC10];
	_ =	sdelay $0x4  }
0x588: {  	[tilespmem:v6+s10+$0x0] =	vst.idx.msk $0xffff, v7  }
0x589: {  	v6 =	vld [tilespmem:$0x1ABA0];
	_ =	sdelay $0x2  }
0x58a: {  	v7 =	vld [tilespmem:$0x1AC20];
	_ =	sdelay $0x2  }
0x58b: {  	s0 =	rddreg [dreg:$0x4]  }
0x58c: {  	s1 =	rddreg [dreg:$0x9]  }
0x58d: {  	s2 =	simm.s32 $0x400;
	s3 =	simm.s32 $0x1;
	s0 =	sadd.s32 s0, s1;
	[tilespmem:v6+s10+$0x0] =	vst.idx.msk $0xff, v7  }
0x58e: {  	[hbm4b:s0+s22] =	stream.strided.scatter [tilespmem:s10], [sflag:$0x1], $0x18700, s2, s22, $0x38;
	[tilespmem:$0x1AC80] =	vst v63  }
0x58f: {  	_ =	swait.ge [sflag:s3], $0x18700  }
0x590: {  	s31 =	rddreg [dreg:$0x8]  }
0x591: {  	s0 =	sadd.s32 $0x1, s31  }
0x592: {  	p0 =	sne.s32 s0, $0x4  }
.Ltmp43:
0x593: {  	_ = 	snop;
	(pc) =	sbr.rel @p0 .LBB2_2-.Ltmp43, $4  }
.Ltmp44:
0x594: {  	_ = 	snop;
	(pc) =	sbr.rel @!p0 .LBB2_70-.Ltmp44, $4  }
0x595: {  	_ = 	snop  }
0x596: {  	[sflag:s3] =	ssyncset.done $0x0  }
0x597: {  	[sflag:s3] =	ssyncadd.s32 $0xFFFE7900  }
0x598: {  	_ = 	snop  }
.LBB2_39:
.Ltmp45:
0x599: {  	(pc) =	sbr.rel .LBB2_44-.Ltmp45, $2  }
0x59a: {  	_ =	sdelay $0x2  }
0x59b: {  	s25 =	simm.s32 $0x0;
	v11 =	vimm.s32 $0x0;
	s1 =	simm.s32 $0x1A900  }
.LBB2_41:
.Ltmp46:
0x59c: {  	(pc) =	sbr.rel .LBB2_44-.Ltmp46, $2  }
0x59d: {  	_ =	sdelay $0x2  }
0x59e: {  	s25 =	simm.s32 $0x0;
	v13 =	vmov v12;
	s1 =	simm.s32 $0x1A900  }
.LBB2_71:
0x59f: {  	_ =	sfence.sel $0x180000  }
0x5a0: {  	[bflag:$0x0] =	sbarrier.arrive $0xFFFF  }
0x5a1: {  	_ =	strace $0x90000047  }
0x5a2: {  	s0 =	stileid.u32;
	[bflag:$0x2] =	sbarrier.arrive $0xFFFF  }
0x5a3: {  	p0 =	sne.s32 s0, $0x0;
	s0 =	rddreg [dreg:$0x1]  }
0x5a4: {  	s0 =	sadd.s32 @!p0 $0x100000, s0  }
0x5a5: {  	[sflag:s0] =	ssyncadd.tile.s32 @!p0 $0x1;
	_ =	shalt  }
.Lfunc_end2:
_tile_overlayer_lowered:
.L_overlay_start_2:
0x5a6: {  	(tag) =	ssettag $0x2  }
0x5a7: {  	s0 =	rddreg [dreg:$0x0];
	s2 =	stileid.u32  }
0x5a8: {  	s1 =	rddreg [dreg:$0x1];
	p0 =	sne.s32 s2, $0x0  }
0x5a9: {  	s3 =	rddreg [dreg:$0x2];
	[bflag:$0x3] =	sbarrier.arrive $0xFFFF;
	s2 =	simm.s32 @!p0 $0x1C01  }
0x5aa: {  	[timem:s3], [sflag:s2] =	dma.local @!p0 [hbm:s0], s1  }
0x5ab: {  	s0 =	simm.s32 @!p0 $0x1  }
0x5ac: {  	_ =	swait.ge @!p0 [sflag:s0], s1  }
0x5ad: {  	s1 =	ssub.s32 @!p0 $0x0, s1;
	[sflag:s0] =	ssyncset.done @!p0 $0x0  }
0x5ae: {  	[sflag:s0] =	ssyncadd.s32 @!p0 s1  }
0x5af: {  	[bflag:$0x3] =	sbarrier.arrive $0xFFFF  }
0x5b0: {  	_ =	shalt  }

</sc_bundles>
